<compile_context>
chip_gen: v7x
topology: tpu7x:2x2x1
jax: 0.10.2.dev20260603
libtpu: 0.0.44.dev20260713+nightly
codegen_flags: <defaults>
</compile_context>

<pallas_src>
import functools

import jax
import jax.numpy as jnp
from jax import lax
from jax.experimental import pallas as pl
from jax.experimental.pallas import tpu as pltpu
from jax.experimental.pallas import tpu_sc as plsc

VOCAB = 1000000
EMB = 32
BATCH = 16384
HIST = 50
B_TOTAL = BATCH * HIST

NUM_CORES = 2
NUM_SUBCORES = 16
NW = NUM_CORES * NUM_SUBCORES
B_PER_W = B_TOTAL // NW
CHUNK = 512
NCH = B_PER_W // CHUNK
NTB = CHUNK // 128
NE = EMB // 8
OUT_FLAT = HIST * EMB * BATCH

_mesh = plsc.VectorSubcoreMesh(core_axis_name="c", subcore_axis_name="s")

NTC = VOCAB // 128
TAIL_ROWS = VOCAB - NTC * 128
KMAX = 244


@functools.partial(
    pl.kernel,
    mesh=_mesh,
    out_type=jax.ShapeDtypeStruct((VOCAB * EMB,), jnp.float32),
    scratch_types=[
        pltpu.VMEM((EMB, 128), jnp.float32),
        pltpu.VMEM((EMB, 128), jnp.float32),
        pltpu.VMEM((128 * EMB,), jnp.float32),
        pltpu.VMEM((128 * EMB,), jnp.float32),
        pltpu.SemaphoreType.DMA,
        pltpu.SemaphoreType.DMA,
        pltpu.SemaphoreType.DMA,
        pltpu.SemaphoreType.DMA,
        pltpu.SemaphoreType.DMA,
    ],
    compiler_params=pltpu.CompilerParams(needs_layout_passes=False),
)
def _linearize_table(tab_t_hbm, tail_hbm, out_hbm, sb0, sb1, db0, db1,
                     lsem0, lsem1, ssem0, ssem1, tsem):
    sbufs = (sb0, sb1)
    dbufs = (db0, db1)
    lsems = (lsem0, lsem1)
    ssems = (ssem0, ssem1)
    wid = lax.axis_index("s") * NUM_CORES + lax.axis_index("c")
    iota16 = lax.iota(jnp.int32, 16)
    _ROTS = [(iota16 + l0) & 15 for l0 in range(16)]
    _ROTD = [(r << 5) + iota16 for r in _ROTS]

    @pl.when(wid == 0)
    def _():
        pltpu.async_copy(
            tail_hbm, out_hbm.at[pl.ds(NTC * 128 * EMB, TAIL_ROWS * EMB)],
            tsem,
        )

    def tc_of(k):
        return wid + 32 * k

    def start_load(k, b):
        @pl.when(tc_of(k) < NTC)
        def _():
            pltpu.async_copy(
                tab_t_hbm.at[:, pl.ds(tc_of(k) * 128, 128)], sbufs[b],
                lsems[b],
            )

    def wait_load(k, b):
        @pl.when(tc_of(k) < NTC)
        def _():
            pltpu.make_async_copy(
                tab_t_hbm.at[:, pl.ds(0, 128)], sbufs[b], lsems[b]
            ).wait()

    def wait_store(b):
        pltpu.make_async_copy(
            out_hbm.at[pl.ds(0, 128 * EMB)], dbufs[b], ssems[b]
        ).wait()

    def process(k, b):
        @pl.when(tc_of(k) < NTC)
        def _():
            sbuf = sbufs[b]
            dbuf = dbufs[b]
            @pl.loop(0, 8)
            def _lgrp(lg):
                lbase = lg * 16
                for l0 in range(16):
                    rot = _ROTS[l0]
                    lvec = lbase + rot
                    val_a = plsc.load_gather(sbuf, [iota16, lvec])
                    val_b = plsc.load_gather(sbuf, [iota16 + 16, lvec])
                    dst_a = _ROTD[l0] + (lbase << 5)
                    plsc.store_scatter(dbuf, [dst_a], val_a)
                    plsc.store_scatter(dbuf, [dst_a + 16], val_b)
            pltpu.async_copy(
                dbuf, out_hbm.at[pl.ds(tc_of(k) * 128 * EMB, 128 * EMB)],
                ssems[b],
            )

    start_load(0, 0)

    @pl.loop(0, KMAX, step=2)
    def _kpair(k0):
        for sub in (0, 1):
            k = k0 + sub
            b = sub
            start_load(k + 1, 1 - b)

            @pl.when(k >= 2)
            def _():
                wait_store(b)

            wait_load(k, b)
            process(k, b)

    wait_store(0)
    wait_load(KMAX, 0)
    process(KMAX, 0)
    wait_store(1)

    @pl.when(tc_of(KMAX) < NTC)
    def _():
        wait_store(0)

    @pl.when(wid == 0)
    def _():
        pltpu.make_async_copy(
            tail_hbm, out_hbm.at[pl.ds(0, TAIL_ROWS * EMB)], tsem
        ).wait()


@functools.partial(
    pl.kernel,
    mesh=_mesh,
    out_type=jax.ShapeDtypeStruct((OUT_FLAT,), jnp.float32),
    scratch_types=[
        pltpu.VMEM((B_PER_W,), jnp.int32),
        pltpu.VMEM((CHUNK, EMB), jnp.float32),
        pltpu.VMEM((CHUNK, EMB), jnp.float32),
        pltpu.VMEM((NE * NTB * 8 * 128,), jnp.float32),
        pltpu.VMEM((NE * NTB * 8 * 128,), jnp.float32),
        pltpu.SemaphoreType.DMA,
        pltpu.SemaphoreType.DMA,
        pltpu.SemaphoreType.DMA,
        pltpu.SemaphoreType.DMA,
    ],
    compiler_params=pltpu.CompilerParams(
        use_tc_tiling_on_sc=False, needs_layout_passes=False
    ),
)
def _embed_gather(idx_hbm, table_hbm, out_hbm, idx_v, rows0, rows1,
                  tb0_v, tb1_v, gsem0, gsem1, ssem0, ssem1):
    rows = (rows0, rows1)
    tbufs = (tb0_v, tb1_v)
    gsems = (gsem0, gsem1)
    ssems = (ssem0, ssem1)
    wid = lax.axis_index("s") * NUM_CORES + lax.axis_index("c")
    base_w = wid * B_PER_W
    pltpu.sync_copy(idx_hbm.at[pl.ds(base_w, B_PER_W)], idx_v)

    iota16 = lax.iota(jnp.int32, 16)
    vepat = ((iota16 >> 3) << 12) + ((iota16 & 7) << 7)
    rots = [(iota16 + l0) & 15 for l0 in range(16)]
    vepat_rots = [vepat + r for r in rots]

    def start_gather(c, b):
        pltpu.async_copy(
            table_hbm.at[idx_v.at[pl.ds(c * CHUNK, CHUNK)]], rows[b], gsems[b]
        )

    def wait_gather(b):
        pltpu.make_async_copy(
            table_hbm.at[pl.ds(0, CHUNK)], rows[b], gsems[b]
        ).wait()

    def wait_stores(b):
        pltpu.make_async_copy(
            out_hbm.at[pl.ds(0, NE * NTB * 8 * 128)], tbufs[b], ssems[b]
        ).wait()

    start_gather(0, 0)

    @pl.loop(0, NCH, step=2)
    def _chunk_pair(ci):
        for b in (0, 1):
            c = ci + b
            @pl.when(c + 1 < NCH)
            def _():
                start_gather(c + 1, 1 - b)

            @pl.when(c >= 2)
            def _():
                wait_stores(b)

            wait_gather(b)

            rbuf = rows[b]
            tbuf = tbufs[b]
            @pl.loop(0, CHUNK, step=16)
            def _rowblk(j0):
                dj = (j0 >> 7) * 1024 + (j0 & 127)
                for l0 in range(16):
                    rot = rots[l0]
                    bvec = j0 + rot
                    val_a = plsc.load_gather(rbuf, [bvec, iota16])
                    val_b = plsc.load_gather(rbuf, [bvec, iota16 + 16])
                    dst_a = vepat_rots[l0] + dj
                    plsc.store_scatter(tbuf, [dst_a], val_a)
                    plsc.store_scatter(tbuf, [dst_a + 8192], val_b)

            flat_base = base_w + c * CHUNK
            h = flat_base // BATCH
            tbg = (flat_base % BATCH) // 128
            for eblk in range(NE):
                dst = h * (EMB * BATCH) + eblk * (8 * BATCH) + tbg * 1024
                pltpu.async_copy(
                    tbuf.at[pl.ds(eblk * NTB * 1024, NTB * 1024)],
                    out_hbm.at[pl.ds(dst, NTB * 1024)],
                    ssems[b],
                )

    wait_stores(0)
    wait_stores(1)


def kernel(input, table):
    idx_h_major = input.T.reshape(-1)
    tail = table[NTC * 128:, :].reshape(-1)
    tlin = _linearize_table(table.T, tail)
    out_flat = _embed_gather(idx_h_major, tlin.reshape(VOCAB, EMB))
    out5 = out_flat.reshape(HIST, NE, BATCH // 128, 8, 128)
    return out5.transpose(2, 4, 0, 1, 3).reshape(BATCH, HIST, EMB)

# --- scband reference (transcript-rebuilt; emitter-appended) ---
"""Pipeline reference for scband-element-embedder-24592982737530 (READ-ONLY COPY).

The authoritative reference and input builder live on the scoring server;
editing this copy changes nothing except your own understanding.
"""

import jax, jax.numpy as jnp
import numpy as np

VOCAB = 1000000
EMB = 32
BATCH = 16384
HIST = 50

def setup_inputs(seed: int = 0) -> dict:
    key = jax.random.key(seed)
    k1, k2 = jax.random.split(key)
    input_ids = jax.random.randint(k1, (BATCH, HIST), 0, VOCAB, dtype=jnp.int32)
    table = jax.random.normal(k2, (VOCAB, EMB), dtype=jnp.float32)
    return {"input": input_ids, "table": table}

def reference(input, table):
    # Faithful translation of ElementEmbedder.forward: return self.embed(input)
    return jnp.take(table, input, axis=0)

if __name__ == "__main__":
    import jax
    _d = setup_inputs()
    print(jax.jit(kernel)(*tuple(_d.values())))

</pallas_src>

<mosaic_0001>
#map = affine_map<(d0, d1) -> (0, 0)>
#map1 = affine_map<(d0, d1) -> (0)>
module attributes {stable_mosaic.version = 14 : i64} {
  func.func @_linearize_table(%arg0: i32, %arg1: i32, %arg2: memref<32x1000000xf32, #tpu.memory_space<hbm>>, %arg3: memref<2048xf32, #tpu.memory_space<hbm>>, %arg4: memref<32000000xf32, #tpu.memory_space<hbm>>, %arg5: memref<32x128xf32, #tpu.memory_space<vmem>>, %arg6: memref<32x128xf32, #tpu.memory_space<vmem>>, %arg7: memref<4096xf32, #tpu.memory_space<vmem>>, %arg8: memref<4096xf32, #tpu.memory_space<vmem>>, %arg9: memref<!tpu.dma_semaphore, #tpu.memory_space<semaphore_mem>>, %arg10: memref<!tpu.dma_semaphore, #tpu.memory_space<semaphore_mem>>, %arg11: memref<!tpu.dma_semaphore, #tpu.memory_space<semaphore_mem>>, %arg12: memref<!tpu.dma_semaphore, #tpu.memory_space<semaphore_mem>>, %arg13: memref<!tpu.dma_semaphore, #tpu.memory_space<semaphore_mem>>) attributes {dimension_semantics = [#tpu.dimension_semantics<core_parallel>, #tpu.dimension_semantics<subcore_parallel>], iteration_bounds = array<i64: 2, 16>, scalar_prefetch = 0 : i64, scratch_operands = 9 : i64, tpu.core_type = #tpu.core_type<sc_vector_subcore>, window_params = [{transform_indices = #map}, {transform_indices = #map1}, {transform_indices = #map1}]} {
    %mul3A = arith.constant 2 : i32
    %mul3A_0 = arith.muli %arg1, %mul3A : i32
    %add3A = arith.addi %mul3A_0, %arg0 : i32
    %iota3A = tpu.iota {dimensions = array<i32: 0>} : vector<16xi32>
    %add3A_1 = arith.constant 0 : i32
    %add3A_2 = vector.broadcast %add3A_1 : i32 to vector<16xi32>
    %add3A_3 = arith.addi %iota3A, %add3A_2 : vector<16xi32>
    %and3A = arith.constant 15 : i32
    %and3A_4 = vector.broadcast %and3A : i32 to vector<16xi32>
    %and3A_5 = arith.andi %add3A_3, %and3A_4 : vector<16xi32>
    %add3A_6 = arith.constant 1 : i32
    %add3A_7 = vector.broadcast %add3A_6 : i32 to vector<16xi32>
    %add3A_8 = arith.addi %iota3A, %add3A_7 : vector<16xi32>
    %and3A_9 = arith.constant 15 : i32
    %and3A_10 = vector.broadcast %and3A_9 : i32 to vector<16xi32>
    %and3A_11 = arith.andi %add3A_8, %and3A_10 : vector<16xi32>
    %add3A_12 = arith.constant 2 : i32
    %add3A_13 = vector.broadcast %add3A_12 : i32 to vector<16xi32>
    %add3A_14 = arith.addi %iota3A, %add3A_13 : vector<16xi32>
    %and3A_15 = arith.constant 15 : i32
    %and3A_16 = vector.broadcast %and3A_15 : i32 to vector<16xi32>
    %and3A_17 = arith.andi %add3A_14, %and3A_16 : vector<16xi32>
    %add3A_18 = arith.constant 3 : i32
    %add3A_19 = vector.broadcast %add3A_18 : i32 to vector<16xi32>
    %add3A_20 = arith.addi %iota3A, %add3A_19 : vector<16xi32>
    %and3A_21 = arith.constant 15 : i32
    %and3A_22 = vector.broadcast %and3A_21 : i32 to vector<16xi32>
    %and3A_23 = arith.andi %add3A_20, %and3A_22 : vector<16xi32>
    %add3A_24 = arith.constant 4 : i32
    %add3A_25 = vector.broadcast %add3A_24 : i32 to vector<16xi32>
    %add3A_26 = arith.addi %iota3A, %add3A_25 : vector<16xi32>
    %and3A_27 = arith.constant 15 : i32
    %and3A_28 = vector.broadcast %and3A_27 : i32 to vector<16xi32>
    %and3A_29 = arith.andi %add3A_26, %and3A_28 : vector<16xi32>
    %add3A_30 = arith.constant 5 : i32
    %add3A_31 = vector.broadcast %add3A_30 : i32 to vector<16xi32>
    %add3A_32 = arith.addi %iota3A, %add3A_31 : vector<16xi32>
    %and3A_33 = arith.constant 15 : i32
    %and3A_34 = vector.broadcast %and3A_33 : i32 to vector<16xi32>
    %and3A_35 = arith.andi %add3A_32, %and3A_34 : vector<16xi32>
    %add3A_36 = arith.constant 6 : i32
    %add3A_37 = vector.broadcast %add3A_36 : i32 to vector<16xi32>
    %add3A_38 = arith.addi %iota3A, %add3A_37 : vector<16xi32>
    %and3A_39 = arith.constant 15 : i32
    %and3A_40 = vector.broadcast %and3A_39 : i32 to vector<16xi32>
    %and3A_41 = arith.andi %add3A_38, %and3A_40 : vector<16xi32>
    %add3A_42 = arith.constant 7 : i32
    %add3A_43 = vector.broadcast %add3A_42 : i32 to vector<16xi32>
    %add3A_44 = arith.addi %iota3A, %add3A_43 : vector<16xi32>
    %and3A_45 = arith.constant 15 : i32
    %and3A_46 = vector.broadcast %and3A_45 : i32 to vector<16xi32>
    %and3A_47 = arith.andi %add3A_44, %and3A_46 : vector<16xi32>
    %add3A_48 = arith.constant 8 : i32
    %add3A_49 = vector.broadcast %add3A_48 : i32 to vector<16xi32>
    %add3A_50 = arith.addi %iota3A, %add3A_49 : vector<16xi32>
    %and3A_51 = arith.constant 15 : i32
    %and3A_52 = vector.broadcast %and3A_51 : i32 to vector<16xi32>
    %and3A_53 = arith.andi %add3A_50, %and3A_52 : vector<16xi32>
    %add3A_54 = arith.constant 9 : i32
    %add3A_55 = vector.broadcast %add3A_54 : i32 to vector<16xi32>
    %add3A_56 = arith.addi %iota3A, %add3A_55 : vector<16xi32>
    %and3A_57 = arith.constant 15 : i32
    %and3A_58 = vector.broadcast %and3A_57 : i32 to vector<16xi32>
    %and3A_59 = arith.andi %add3A_56, %and3A_58 : vector<16xi32>
    %add3A_60 = arith.constant 10 : i32
    %add3A_61 = vector.broadcast %add3A_60 : i32 to vector<16xi32>
    %add3A_62 = arith.addi %iota3A, %add3A_61 : vector<16xi32>
    %and3A_63 = arith.constant 15 : i32
    %and3A_64 = vector.broadcast %and3A_63 : i32 to vector<16xi32>
    %and3A_65 = arith.andi %add3A_62, %and3A_64 : vector<16xi32>
    %add3A_66 = arith.constant 11 : i32
    %add3A_67 = vector.broadcast %add3A_66 : i32 to vector<16xi32>
    %add3A_68 = arith.addi %iota3A, %add3A_67 : vector<16xi32>
    %and3A_69 = arith.constant 15 : i32
    %and3A_70 = vector.broadcast %and3A_69 : i32 to vector<16xi32>
    %and3A_71 = arith.andi %add3A_68, %and3A_70 : vector<16xi32>
    %add3A_72 = arith.constant 12 : i32
    %add3A_73 = vector.broadcast %add3A_72 : i32 to vector<16xi32>
    %add3A_74 = arith.addi %iota3A, %add3A_73 : vector<16xi32>
    %and3A_75 = arith.constant 15 : i32
    %and3A_76 = vector.broadcast %and3A_75 : i32 to vector<16xi32>
    %and3A_77 = arith.andi %add3A_74, %and3A_76 : vector<16xi32>
    %add3A_78 = arith.constant 13 : i32
    %add3A_79 = vector.broadcast %add3A_78 : i32 to vector<16xi32>
    %add3A_80 = arith.addi %iota3A, %add3A_79 : vector<16xi32>
    %and3A_81 = arith.constant 15 : i32
    %and3A_82 = vector.broadcast %and3A_81 : i32 to vector<16xi32>
    %and3A_83 = arith.andi %add3A_80, %and3A_82 : vector<16xi32>
    %add3A_84 = arith.constant 14 : i32
    %add3A_85 = vector.broadcast %add3A_84 : i32 to vector<16xi32>
    %add3A_86 = arith.addi %iota3A, %add3A_85 : vector<16xi32>
    %and3A_87 = arith.constant 15 : i32
    %and3A_88 = vector.broadcast %and3A_87 : i32 to vector<16xi32>
    %and3A_89 = arith.andi %add3A_86, %and3A_88 : vector<16xi32>
    %add3A_90 = arith.constant 15 : i32
    %add3A_91 = vector.broadcast %add3A_90 : i32 to vector<16xi32>
    %add3A_92 = arith.addi %iota3A, %add3A_91 : vector<16xi32>
    %and3A_93 = arith.constant 15 : i32
    %and3A_94 = vector.broadcast %and3A_93 : i32 to vector<16xi32>
    %and3A_95 = arith.andi %add3A_92, %and3A_94 : vector<16xi32>
    %shift_left3A = arith.constant 5 : i32
    %shift_left3A_96 = vector.broadcast %shift_left3A : i32 to vector<16xi32>
    %shift_left3A_97 = arith.shli %and3A_5, %shift_left3A_96 : vector<16xi32>
    %add3A_98 = arith.addi %shift_left3A_97, %iota3A : vector<16xi32>
    %shift_left3A_99 = arith.constant 5 : i32
    %shift_left3A_100 = vector.broadcast %shift_left3A_99 : i32 to vector<16xi32>
    %shift_left3A_101 = arith.shli %and3A_11, %shift_left3A_100 : vector<16xi32>
    %add3A_102 = arith.addi %shift_left3A_101, %iota3A : vector<16xi32>
    %shift_left3A_103 = arith.constant 5 : i32
    %shift_left3A_104 = vector.broadcast %shift_left3A_103 : i32 to vector<16xi32>
    %shift_left3A_105 = arith.shli %and3A_17, %shift_left3A_104 : vector<16xi32>
    %add3A_106 = arith.addi %shift_left3A_105, %iota3A : vector<16xi32>
    %shift_left3A_107 = arith.constant 5 : i32
    %shift_left3A_108 = vector.broadcast %shift_left3A_107 : i32 to vector<16xi32>
    %shift_left3A_109 = arith.shli %and3A_23, %shift_left3A_108 : vector<16xi32>
    %add3A_110 = arith.addi %shift_left3A_109, %iota3A : vector<16xi32>
    %shift_left3A_111 = arith.constant 5 : i32
    %shift_left3A_112 = vector.broadcast %shift_left3A_111 : i32 to vector<16xi32>
    %shift_left3A_113 = arith.shli %and3A_29, %shift_left3A_112 : vector<16xi32>
    %add3A_114 = arith.addi %shift_left3A_113, %iota3A : vector<16xi32>
    %shift_left3A_115 = arith.constant 5 : i32
    %shift_left3A_116 = vector.broadcast %shift_left3A_115 : i32 to vector<16xi32>
    %shift_left3A_117 = arith.shli %and3A_35, %shift_left3A_116 : vector<16xi32>
    %add3A_118 = arith.addi %shift_left3A_117, %iota3A : vector<16xi32>
    %shift_left3A_119 = arith.constant 5 : i32
    %shift_left3A_120 = vector.broadcast %shift_left3A_119 : i32 to vector<16xi32>
    %shift_left3A_121 = arith.shli %and3A_41, %shift_left3A_120 : vector<16xi32>
    %add3A_122 = arith.addi %shift_left3A_121, %iota3A : vector<16xi32>
    %shift_left3A_123 = arith.constant 5 : i32
    %shift_left3A_124 = vector.broadcast %shift_left3A_123 : i32 to vector<16xi32>
    %shift_left3A_125 = arith.shli %and3A_47, %shift_left3A_124 : vector<16xi32>
    %add3A_126 = arith.addi %shift_left3A_125, %iota3A : vector<16xi32>
    %shift_left3A_127 = arith.constant 5 : i32
    %shift_left3A_128 = vector.broadcast %shift_left3A_127 : i32 to vector<16xi32>
    %shift_left3A_129 = arith.shli %and3A_53, %shift_left3A_128 : vector<16xi32>
    %add3A_130 = arith.addi %shift_left3A_129, %iota3A : vector<16xi32>
    %shift_left3A_131 = arith.constant 5 : i32
    %shift_left3A_132 = vector.broadcast %shift_left3A_131 : i32 to vector<16xi32>
    %shift_left3A_133 = arith.shli %and3A_59, %shift_left3A_132 : vector<16xi32>
    %add3A_134 = arith.addi %shift_left3A_133, %iota3A : vector<16xi32>
    %shift_left3A_135 = arith.constant 5 : i32
    %shift_left3A_136 = vector.broadcast %shift_left3A_135 : i32 to vector<16xi32>
    %shift_left3A_137 = arith.shli %and3A_65, %shift_left3A_136 : vector<16xi32>
    %add3A_138 = arith.addi %shift_left3A_137, %iota3A : vector<16xi32>
    %shift_left3A_139 = arith.constant 5 : i32
    %shift_left3A_140 = vector.broadcast %shift_left3A_139 : i32 to vector<16xi32>
    %shift_left3A_141 = arith.shli %and3A_71, %shift_left3A_140 : vector<16xi32>
    %add3A_142 = arith.addi %shift_left3A_141, %iota3A : vector<16xi32>
    %shift_left3A_143 = arith.constant 5 : i32
    %shift_left3A_144 = vector.broadcast %shift_left3A_143 : i32 to vector<16xi32>
    %shift_left3A_145 = arith.shli %and3A_77, %shift_left3A_144 : vector<16xi32>
    %add3A_146 = arith.addi %shift_left3A_145, %iota3A : vector<16xi32>
    %shift_left3A_147 = arith.constant 5 : i32
    %shift_left3A_148 = vector.broadcast %shift_left3A_147 : i32 to vector<16xi32>
    %shift_left3A_149 = arith.shli %and3A_83, %shift_left3A_148 : vector<16xi32>
    %add3A_150 = arith.addi %shift_left3A_149, %iota3A : vector<16xi32>
    %shift_left3A_151 = arith.constant 5 : i32
    %shift_left3A_152 = vector.broadcast %shift_left3A_151 : i32 to vector<16xi32>
    %shift_left3A_153 = arith.shli %and3A_89, %shift_left3A_152 : vector<16xi32>
    %add3A_154 = arith.addi %shift_left3A_153, %iota3A : vector<16xi32>
    %shift_left3A_155 = arith.constant 5 : i32
    %shift_left3A_156 = vector.broadcast %shift_left3A_155 : i32 to vector<16xi32>
    %shift_left3A_157 = arith.shli %and3A_95, %shift_left3A_156 : vector<16xi32>
    %add3A_158 = arith.addi %shift_left3A_157, %iota3A : vector<16xi32>
    %eq3A = arith.constant 0 : i32
    %eq3A_159 = arith.cmpi eq, %add3A, %eq3A : i32
    %convert_element_type3A = arith.extui %eq3A_159 : i1 to i32
    %cond3A = arith.constant 0 : i32
    %cond3A_160 = arith.cmpi ne, %convert_element_type3A, %cond3A : i32
    scf.if %cond3A_160 {
      %dma_start3A = arith.constant 31997952 : i32
      %dma_start3A_204 = tpu.memref_slice %arg4[%dma_start3A] : memref<32000000xf32, #tpu.memory_space<hbm>> -> memref<2048xf32, #tpu.memory_space<hbm>>
      tpu.enqueue_dma source(%arg3 : memref<2048xf32, #tpu.memory_space<hbm>>) target(%dma_start3A_204 : memref<2048xf32, #tpu.memory_space<hbm>>) target_semaphore(%arg13 : memref<!tpu.dma_semaphore, #tpu.memory_space<semaphore_mem>>)
    } else {
    }
    %add3A_161 = arith.constant 0 : i32
    %add3A_162 = arith.addi %add3A, %add3A_161 : i32
    %lt3A = arith.constant 7812 : i32
    %lt3A_163 = arith.cmpi slt, %add3A_162, %lt3A : i32
    %convert_element_type3A_164 = arith.extui %lt3A_163 : i1 to i32
    %cond3A_165 = arith.constant 0 : i32
    %cond3A_166 = arith.cmpi ne, %convert_element_type3A_164, %cond3A_165 : i32
    scf.if %cond3A_166 {
      %add3A_204 = arith.constant 0 : i32
      %add3A_205 = arith.addi %add3A, %add3A_204 : i32
      %mul3A_206 = arith.constant 128 : i32
      %mul3A_207 = arith.muli %add3A_205, %mul3A_206 : i32
      %dma_start3A = arith.constant 0 : i32
      %dma_start3A_208 = tpu.memref_slice %arg2[%dma_start3A, %mul3A_207] : memref<32x1000000xf32, #tpu.memory_space<hbm>> -> memref<32x128xf32, #tpu.memory_space<hbm>>
      %dma_start3A_209 = arith.constant 0 : i32
      %dma_start3A_210 = tpu.memref_slice %arg2[%dma_start3A_209, %mul3A_207] : memref<32x1000000xf32, #tpu.memory_space<hbm>> -> memref<32x128xf32, #tpu.memory_space<hbm>>
      tpu.enqueue_dma source(%dma_start3A_210 : memref<32x128xf32, #tpu.memory_space<hbm>>) target(%arg5 : memref<32x128xf32, #tpu.memory_space<vmem>>) target_semaphore(%arg9 : memref<!tpu.dma_semaphore, #tpu.memory_space<semaphore_mem>>)
    } else {
    }
    %scan3A = arith.constant 0 : i32
    %scan3A_167 = arith.constant 122 : i32
    %scan3A_168 = arith.addi %scan3A, %scan3A_167 : i32
    %scan3A_169 = arith.constant 1 : i32
    scf.for %scan3A_204 = %scan3A to %scan3A_168 step %scan3A_169  : i32 {
      %mul3A_205 = arith.constant 2 : i32
      %mul3A_206 = arith.muli %scan3A_204, %mul3A_205 : i32
      %add3A_207 = arith.constant 0 : i32
      %add3A_208 = arith.addi %add3A_207, %mul3A_206 : i32
      %add3A_209 = arith.constant 0 : i32
      %add3A_210 = arith.addi %add3A_208, %add3A_209 : i32
      %add3A_211 = arith.constant 1 : i32
      %add3A_212 = arith.addi %add3A_210, %add3A_211 : i32
      %mul3A_213 = arith.constant 32 : i32
      %mul3A_214 = arith.muli %mul3A_213, %add3A_212 : i32
      %add3A_215 = arith.addi %add3A, %mul3A_214 : i32
      %lt3A_216 = arith.constant 7812 : i32
      %lt3A_217 = arith.cmpi slt, %add3A_215, %lt3A_216 : i32
      %convert_element_type3A_218 = arith.extui %lt3A_217 : i1 to i32
      %cond3A_219 = arith.constant 0 : i32
      %cond3A_220 = arith.cmpi ne, %convert_element_type3A_218, %cond3A_219 : i32
      scf.if %cond3A_220 {
        %mul3A_274 = arith.constant 32 : i32
        %mul3A_275 = arith.muli %mul3A_274, %add3A_212 : i32
        %add3A_276 = arith.addi %add3A, %mul3A_275 : i32
        %mul3A_277 = arith.constant 128 : i32
        %mul3A_278 = arith.muli %add3A_276, %mul3A_277 : i32
        %dma_start3A = arith.constant 0 : i32
        %dma_start3A_279 = tpu.memref_slice %arg2[%dma_start3A, %mul3A_278] : memref<32x1000000xf32, #tpu.memory_space<hbm>> -> memref<32x128xf32, #tpu.memory_space<hbm>>
        %dma_start3A_280 = arith.constant 0 : i32
        %dma_start3A_281 = tpu.memref_slice %arg2[%dma_start3A_280, %mul3A_278] : memref<32x1000000xf32, #tpu.memory_space<hbm>> -> memref<32x128xf32, #tpu.memory_space<hbm>>
        tpu.enqueue_dma source(%dma_start3A_281 : memref<32x128xf32, #tpu.memory_space<hbm>>) target(%arg6 : memref<32x128xf32, #tpu.memory_space<vmem>>) target_semaphore(%arg10 : memref<!tpu.dma_semaphore, #tpu.memory_space<semaphore_mem>>)
      } else {
      }
      %ge3A = arith.constant 2 : i32
      %ge3A_221 = arith.cmpi sge, %add3A_210, %ge3A : i32
      %convert_element_type3A_222 = arith.extui %ge3A_221 : i1 to i32
      %cond3A_223 = arith.constant 0 : i32
      %cond3A_224 = arith.cmpi ne, %convert_element_type3A_222, %cond3A_223 : i32
      scf.if %cond3A_224 {
        %dma_wait3A_274 = arith.constant 0 : i32
        %dma_wait3A_275 = tpu.memref_slice %arg4[%dma_wait3A_274] : memref<32000000xf32, #tpu.memory_space<hbm>> -> memref<4096xf32, #tpu.memory_space<hbm>>
        %dma_wait3A_276 = arith.constant 0 : i32
        %dma_wait3A_277 = tpu.memref_slice %arg4[%dma_wait3A_276] : memref<32000000xf32, #tpu.memory_space<hbm>> -> memref<4096xf32, #tpu.memory_space<hbm>>
        tpu.wait_dma2 semaphore(%arg11 : memref<!tpu.dma_semaphore, #tpu.memory_space<semaphore_mem>>) src(%dma_wait3A_277 : memref<4096xf32, #tpu.memory_space<hbm>>) dst(%arg7 : memref<4096xf32, #tpu.memory_space<vmem>>)
      } else {
      }
      %mul3A_225 = arith.constant 32 : i32
      %mul3A_226 = arith.muli %mul3A_225, %add3A_210 : i32
      %add3A_227 = arith.addi %add3A, %mul3A_226 : i32
      %lt3A_228 = arith.constant 7812 : i32
      %lt3A_229 = arith.cmpi slt, %add3A_227, %lt3A_228 : i32
      %convert_element_type3A_230 = arith.extui %lt3A_229 : i1 to i32
      %cond3A_231 = arith.constant 0 : i32
      %cond3A_232 = arith.cmpi ne, %convert_element_type3A_230, %cond3A_231 : i32
      scf.if %cond3A_232 {
        %dma_wait3A_274 = arith.constant 0 : i32
        %dma_wait3A_275 = arith.constant 0 : i32
        %dma_wait3A_276 = tpu.memref_slice %arg2[%dma_wait3A_274, %dma_wait3A_275] : memref<32x1000000xf32, #tpu.memory_space<hbm>> -> memref<32x128xf32, #tpu.memory_space<hbm>>
        %dma_wait3A_277 = arith.constant 0 : i32
        %dma_wait3A_278 = arith.constant 0 : i32
        %dma_wait3A_279 = tpu.memref_slice %arg2[%dma_wait3A_277, %dma_wait3A_278] : memref<32x1000000xf32, #tpu.memory_space<hbm>> -> memref<32x128xf32, #tpu.memory_space<hbm>>
        tpu.wait_dma2 semaphore(%arg9 : memref<!tpu.dma_semaphore, #tpu.memory_space<semaphore_mem>>) src(%dma_wait3A_279 : memref<32x128xf32, #tpu.memory_space<hbm>>) dst(%arg5 : memref<32x128xf32, #tpu.memory_space<vmem>>)
      } else {
      }
      %mul3A_233 = arith.constant 32 : i32
      %mul3A_234 = arith.muli %mul3A_233, %add3A_210 : i32
      %add3A_235 = arith.addi %add3A, %mul3A_234 : i32
      %lt3A_236 = arith.constant 7812 : i32
      %lt3A_237 = arith.cmpi slt, %add3A_235, %lt3A_236 : i32
      %convert_element_type3A_238 = arith.extui %lt3A_237 : i1 to i32
      %cond3A_239 = arith.constant 0 : i32
      %cond3A_240 = arith.cmpi ne, %convert_element_type3A_238, %cond3A_239 : i32
      scf.if %cond3A_240 {
        %scan3A_274 = arith.constant 0 : i32
        %scan3A_275 = arith.constant 8 : i32
        %scan3A_276 = arith.addi %scan3A_274, %scan3A_275 : i32
        %scan3A_277 = arith.constant 1 : i32
        scf.for %scan3A_287 = %scan3A_274 to %scan3A_276 step %scan3A_277  : i32 {
          %mul3A_288 = arith.constant 1 : i32
          %mul3A_289 = arith.muli %scan3A_287, %mul3A_288 : i32
          %add3A_290 = arith.constant 0 : i32
          %add3A_291 = arith.addi %add3A_290, %mul3A_289 : i32
          %mul3A_292 = arith.constant 16 : i32
          %mul3A_293 = arith.muli %add3A_291, %mul3A_292 : i32
          %add3A_294 = vector.broadcast %mul3A_293 : i32 to vector<16xi32>
          %add3A_295 = arith.addi %add3A_294, %and3A_5 : vector<16xi32>
          %gather3A = tpu.vector_load_idx %arg5[%iota3A, %add3A_295] : memref<32x128xf32, #tpu.memory_space<vmem>>[vector<16xi32>, vector<16xi32>], vector<16xf32>,
          %add3A_296 = arith.constant 16 : i32
          %add3A_297 = vector.broadcast %add3A_296 : i32 to vector<16xi32>
          %add3A_298 = arith.addi %iota3A, %add3A_297 : vector<16xi32>
          %gather3A_299 = tpu.vector_load_idx %arg5[%add3A_298, %add3A_295] : memref<32x128xf32, #tpu.memory_space<vmem>>[vector<16xi32>, vector<16xi32>], vector<16xf32>,
          %shift_left3A_300 = arith.constant 5 : i32
          %shift_left3A_301 = arith.shli %mul3A_293, %shift_left3A_300 : i32
          %add3A_302 = vector.broadcast %shift_left3A_301 : i32 to vector<16xi32>
          %add3A_303 = arith.addi %add3A_98, %add3A_302 : vector<16xi32>
          tpu.vector_store_idx %arg7[%add3A_303], %gather3A : memref<4096xf32, #tpu.memory_space<vmem>>[vector<16xi32>], vector<16xf32>,
          %add3A_304 = arith.constant 16 : i32
          %add3A_305 = vector.broadcast %add3A_304 : i32 to vector<16xi32>
          %add3A_306 = arith.addi %add3A_303, %add3A_305 : vector<16xi32>
          tpu.vector_store_idx %arg7[%add3A_306], %gather3A_299 : memref<4096xf32, #tpu.memory_space<vmem>>[vector<16xi32>], vector<16xf32>,
          %add3A_307 = vector.broadcast %mul3A_293 : i32 to vector<16xi32>
          %add3A_308 = arith.addi %add3A_307, %and3A_11 : vector<16xi32>
          %gather3A_309 = tpu.vector_load_idx %arg5[%iota3A, %add3A_308] : memref<32x128xf32, #tpu.memory_space<vmem>>[vector<16xi32>, vector<16xi32>], vector<16xf32>,
          %add3A_310 = arith.constant 16 : i32
          %add3A_311 = vector.broadcast %add3A_310 : i32 to vector<16xi32>
          %add3A_312 = arith.addi %iota3A, %add3A_311 : vector<16xi32>
          %gather3A_313 = tpu.vector_load_idx %arg5[%add3A_312, %add3A_308] : memref<32x128xf32, #tpu.memory_space<vmem>>[vector<16xi32>, vector<16xi32>], vector<16xf32>,
          %shift_left3A_314 = arith.constant 5 : i32
          %shift_left3A_315 = arith.shli %mul3A_293, %shift_left3A_314 : i32
          %add3A_316 = vector.broadcast %shift_left3A_315 : i32 to vector<16xi32>
          %add3A_317 = arith.addi %add3A_102, %add3A_316 : vector<16xi32>
          tpu.vector_store_idx %arg7[%add3A_317], %gather3A_309 : memref<4096xf32, #tpu.memory_space<vmem>>[vector<16xi32>], vector<16xf32>,
          %add3A_318 = arith.constant 16 : i32
          %add3A_319 = vector.broadcast %add3A_318 : i32 to vector<16xi32>
          %add3A_320 = arith.addi %add3A_317, %add3A_319 : vector<16xi32>
          tpu.vector_store_idx %arg7[%add3A_320], %gather3A_313 : memref<4096xf32, #tpu.memory_space<vmem>>[vector<16xi32>], vector<16xf32>,
          %add3A_321 = vector.broadcast %mul3A_293 : i32 to vector<16xi32>
          %add3A_322 = arith.addi %add3A_321, %and3A_17 : vector<16xi32>
          %gather3A_323 = tpu.vector_load_idx %arg5[%iota3A, %add3A_322] : memref<32x128xf32, #tpu.memory_space<vmem>>[vector<16xi32>, vector<16xi32>], vector<16xf32>,
          %add3A_324 = arith.constant 16 : i32
          %add3A_325 = vector.broadcast %add3A_324 : i32 to vector<16xi32>
          %add3A_326 = arith.addi %iota3A, %add3A_325 : vector<16xi32>
          %gather3A_327 = tpu.vector_load_idx %arg5[%add3A_326, %add3A_322] : memref<32x128xf32, #tpu.memory_space<vmem>>[vector<16xi32>, vector<16xi32>], vector<16xf32>,
          %shift_left3A_328 = arith.constant 5 : i32
          %shift_left3A_329 = arith.shli %mul3A_293, %shift_left3A_328 : i32
          %add3A_330 = vector.broadcast %shift_left3A_329 : i32 to vector<16xi32>
          %add3A_331 = arith.addi %add3A_106, %add3A_330 : vector<16xi32>
          tpu.vector_store_idx %arg7[%add3A_331], %gather3A_323 : memref<4096xf32, #tpu.memory_space<vmem>>[vector<16xi32>], vector<16xf32>,
          %add3A_332 = arith.constant 16 : i32
          %add3A_333 = vector.broadcast %add3A_332 : i32 to vector<16xi32>
          %add3A_334 = arith.addi %add3A_331, %add3A_333 : vector<16xi32>
          tpu.vector_store_idx %arg7[%add3A_334], %gather3A_327 : memref<4096xf32, #tpu.memory_space<vmem>>[vector<16xi32>], vector<16xf32>,
          %add3A_335 = vector.broadcast %mul3A_293 : i32 to vector<16xi32>
          %add3A_336 = arith.addi %add3A_335, %and3A_23 : vector<16xi32>
          %gather3A_337 = tpu.vector_load_idx %arg5[%iota3A, %add3A_336] : memref<32x128xf32, #tpu.memory_space<vmem>>[vector<16xi32>, vector<16xi32>], vector<16xf32>,
          %add3A_338 = arith.constant 16 : i32
          %add3A_339 = vector.broadcast %add3A_338 : i32 to vector<16xi32>
          %add3A_340 = arith.addi %iota3A, %add3A_339 : vector<16xi32>
          %gather3A_341 = tpu.vector_load_idx %arg5[%add3A_340, %add3A_336] : memref<32x128xf32, #tpu.memory_space<vmem>>[vector<16xi32>, vector<16xi32>], vector<16xf32>,
          %shift_left3A_342 = arith.constant 5 : i32
          %shift_left3A_343 = arith.shli %mul3A_293, %shift_left3A_342 : i32
          %add3A_344 = vector.broadcast %shift_left3A_343 : i32 to vector<16xi32>
          %add3A_345 = arith.addi %add3A_110, %add3A_344 : vector<16xi32>
          tpu.vector_store_idx %arg7[%add3A_345], %gather3A_337 : memref<4096xf32, #tpu.memory_space<vmem>>[vector<16xi32>], vector<16xf32>,
          %add3A_346 = arith.constant 16 : i32
          %add3A_347 = vector.broadcast %add3A_346 : i32 to vector<16xi32>
          %add3A_348 = arith.addi %add3A_345, %add3A_347 : vector<16xi32>
          tpu.vector_store_idx %arg7[%add3A_348], %gather3A_341 : memref<4096xf32, #tpu.memory_space<vmem>>[vector<16xi32>], vector<16xf32>,
          %add3A_349 = vector.broadcast %mul3A_293 : i32 to vector<16xi32>
          %add3A_350 = arith.addi %add3A_349, %and3A_29 : vector<16xi32>
          %gather3A_351 = tpu.vector_load_idx %arg5[%iota3A, %add3A_350] : memref<32x128xf32, #tpu.memory_space<vmem>>[vector<16xi32>, vector<16xi32>], vector<16xf32>,
          %add3A_352 = arith.constant 16 : i32
          %add3A_353 = vector.broadcast %add3A_352 : i32 to vector<16xi32>
          %add3A_354 = arith.addi %iota3A, %add3A_353 : vector<16xi32>
          %gather3A_355 = tpu.vector_load_idx %arg5[%add3A_354, %add3A_350] : memref<32x128xf32, #tpu.memory_space<vmem>>[vector<16xi32>, vector<16xi32>], vector<16xf32>,
          %shift_left3A_356 = arith.constant 5 : i32
          %shift_left3A_357 = arith.shli %mul3A_293, %shift_left3A_356 : i32
          %add3A_358 = vector.broadcast %shift_left3A_357 : i32 to vector<16xi32>
          %add3A_359 = arith.addi %add3A_114, %add3A_358 : vector<16xi32>
          tpu.vector_store_idx %arg7[%add3A_359], %gather3A_351 : memref<4096xf32, #tpu.memory_space<vmem>>[vector<16xi32>], vector<16xf32>,
          %add3A_360 = arith.constant 16 : i32
          %add3A_361 = vector.broadcast %add3A_360 : i32 to vector<16xi32>
          %add3A_362 = arith.addi %add3A_359, %add3A_361 : vector<16xi32>
          tpu.vector_store_idx %arg7[%add3A_362], %gather3A_355 : memref<4096xf32, #tpu.memory_space<vmem>>[vector<16xi32>], vector<16xf32>,
          %add3A_363 = vector.broadcast %mul3A_293 : i32 to vector<16xi32>
          %add3A_364 = arith.addi %add3A_363, %and3A_35 : vector<16xi32>
          %gather3A_365 = tpu.vector_load_idx %arg5[%iota3A, %add3A_364] : memref<32x128xf32, #tpu.memory_space<vmem>>[vector<16xi32>, vector<16xi32>], vector<16xf32>,
          %add3A_366 = arith.constant 16 : i32
          %add3A_367 = vector.broadcast %add3A_366 : i32 to vector<16xi32>
          %add3A_368 = arith.addi %iota3A, %add3A_367 : vector<16xi32>
          %gather3A_369 = tpu.vector_load_idx %arg5[%add3A_368, %add3A_364] : memref<32x128xf32, #tpu.memory_space<vmem>>[vector<16xi32>, vector<16xi32>], vector<16xf32>,
          %shift_left3A_370 = arith.constant 5 : i32
          %shift_left3A_371 = arith.shli %mul3A_293, %shift_left3A_370 : i32
          %add3A_372 = vector.broadcast %shift_left3A_371 : i32 to vector<16xi32>
          %add3A_373 = arith.addi %add3A_118, %add3A_372 : vector<16xi32>
          tpu.vector_store_idx %arg7[%add3A_373], %gather3A_365 : memref<4096xf32, #tpu.memory_space<vmem>>[vector<16xi32>], vector<16xf32>,
          %add3A_374 = arith.constant 16 : i32
          %add3A_375 = vector.broadcast %add3A_374 : i32 to vector<16xi32>
          %add3A_376 = arith.addi %add3A_373, %add3A_375 : vector<16xi32>
          tpu.vector_store_idx %arg7[%add3A_376], %gather3A_369 : memref<4096xf32, #tpu.memory_space<vmem>>[vector<16xi32>], vector<16xf32>,
          %add3A_377 = vector.broadcast %mul3A_293 : i32 to vector<16xi32>
          %add3A_378 = arith.addi %add3A_377, %and3A_41 : vector<16xi32>
          %gather3A_379 = tpu.vector_load_idx %arg5[%iota3A, %add3A_378] : memref<32x128xf32, #tpu.memory_space<vmem>>[vector<16xi32>, vector<16xi32>], vector<16xf32>,
          %add3A_380 = arith.constant 16 : i32
          %add3A_381 = vector.broadcast %add3A_380 : i32 to vector<16xi32>
          %add3A_382 = arith.addi %iota3A, %add3A_381 : vector<16xi32>
          %gather3A_383 = tpu.vector_load_idx %arg5[%add3A_382, %add3A_378] : memref<32x128xf32, #tpu.memory_space<vmem>>[vector<16xi32>, vector<16xi32>], vector<16xf32>,
          %shift_left3A_384 = arith.constant 5 : i32
          %shift_left3A_385 = arith.shli %mul3A_293, %shift_left3A_384 : i32
          %add3A_386 = vector.broadcast %shift_left3A_385 : i32 to vector<16xi32>
          %add3A_387 = arith.addi %add3A_122, %add3A_386 : vector<16xi32>
          tpu.vector_store_idx %arg7[%add3A_387], %gather3A_379 : memref<4096xf32, #tpu.memory_space<vmem>>[vector<16xi32>], vector<16xf32>,
          %add3A_388 = arith.constant 16 : i32
          %add3A_389 = vector.broadcast %add3A_388 : i32 to vector<16xi32>
          %add3A_390 = arith.addi %add3A_387, %add3A_389 : vector<16xi32>
          tpu.vector_store_idx %arg7[%add3A_390], %gather3A_383 : memref<4096xf32, #tpu.memory_space<vmem>>[vector<16xi32>], vector<16xf32>,
          %add3A_391 = vector.broadcast %mul3A_293 : i32 to vector<16xi32>
          %add3A_392 = arith.addi %add3A_391, %and3A_47 : vector<16xi32>
          %gather3A_393 = tpu.vector_load_idx %arg5[%iota3A, %add3A_392] : memref<32x128xf32, #tpu.memory_space<vmem>>[vector<16xi32>, vector<16xi32>], vector<16xf32>,
          %add3A_394 = arith.constant 16 : i32
          %add3A_395 = vector.broadcast %add3A_394 : i32 to vector<16xi32>
          %add3A_396 = arith.addi %iota3A, %add3A_395 : vector<16xi32>
          %gather3A_397 = tpu.vector_load_idx %arg5[%add3A_396, %add3A_392] : memref<32x128xf32, #tpu.memory_space<vmem>>[vector<16xi32>, vector<16xi32>], vector<16xf32>,
          %shift_left3A_398 = arith.constant 5 : i32
          %shift_left3A_399 = arith.shli %mul3A_293, %shift_left3A_398 : i32
          %add3A_400 = vector.broadcast %shift_left3A_399 : i32 to vector<16xi32>
          %add3A_401 = arith.addi %add3A_126, %add3A_400 : vector<16xi32>
          tpu.vector_store_idx %arg7[%add3A_401], %gather3A_393 : memref<4096xf32, #tpu.memory_space<vmem>>[vector<16xi32>], vector<16xf32>,
          %add3A_402 = arith.constant 16 : i32
          %add3A_403 = vector.broadcast %add3A_402 : i32 to vector<16xi32>
          %add3A_404 = arith.addi %add3A_401, %add3A_403 : vector<16xi32>
          tpu.vector_store_idx %arg7[%add3A_404], %gather3A_397 : memref<4096xf32, #tpu.memory_space<vmem>>[vector<16xi32>], vector<16xf32>,
          %add3A_405 = vector.broadcast %mul3A_293 : i32 to vector<16xi32>
          %add3A_406 = arith.addi %add3A_405, %and3A_53 : vector<16xi32>
          %gather3A_407 = tpu.vector_load_idx %arg5[%iota3A, %add3A_406] : memref<32x128xf32, #tpu.memory_space<vmem>>[vector<16xi32>, vector<16xi32>], vector<16xf32>,
          %add3A_408 = arith.constant 16 : i32
          %add3A_409 = vector.broadcast %add3A_408 : i32 to vector<16xi32>
          %add3A_410 = arith.addi %iota3A, %add3A_409 : vector<16xi32>
          %gather3A_411 = tpu.vector_load_idx %arg5[%add3A_410, %add3A_406] : memref<32x128xf32, #tpu.memory_space<vmem>>[vector<16xi32>, vector<16xi32>], vector<16xf32>,
          %shift_left3A_412 = arith.constant 5 : i32
          %shift_left3A_413 = arith.shli %mul3A_293, %shift_left3A_412 : i32
          %add3A_414 = vector.broadcast %shift_left3A_413 : i32 to vector<16xi32>
          %add3A_415 = arith.addi %add3A_130, %add3A_414 : vector<16xi32>
          tpu.vector_store_idx %arg7[%add3A_415], %gather3A_407 : memref<4096xf32, #tpu.memory_space<vmem>>[vector<16xi32>], vector<16xf32>,
          %add3A_416 = arith.constant 16 : i32
          %add3A_417 = vector.broadcast %add3A_416 : i32 to vector<16xi32>
          %add3A_418 = arith.addi %add3A_415, %add3A_417 : vector<16xi32>
          tpu.vector_store_idx %arg7[%add3A_418], %gather3A_411 : memref<4096xf32, #tpu.memory_space<vmem>>[vector<16xi32>], vector<16xf32>,
          %add3A_419 = vector.broadcast %mul3A_293 : i32 to vector<16xi32>
          %add3A_420 = arith.addi %add3A_419, %and3A_59 : vector<16xi32>
          %gather3A_421 = tpu.vector_load_idx %arg5[%iota3A, %add3A_420] : memref<32x128xf32, #tpu.memory_space<vmem>>[vector<16xi32>, vector<16xi32>], vector<16xf32>,
          %add3A_422 = arith.constant 16 : i32
          %add3A_423 = vector.broadcast %add3A_422 : i32 to vector<16xi32>
          %add3A_424 = arith.addi %iota3A, %add3A_423 : vector<16xi32>
          %gather3A_425 = tpu.vector_load_idx %arg5[%add3A_424, %add3A_420] : memref<32x128xf32, #tpu.memory_space<vmem>>[vector<16xi32>, vector<16xi32>], vector<16xf32>,
          %shift_left3A_426 = arith.constant 5 : i32
          %shift_left3A_427 = arith.shli %mul3A_293, %shift_left3A_426 : i32
          %add3A_428 = vector.broadcast %shift_left3A_427 : i32 to vector<16xi32>
          %add3A_429 = arith.addi %add3A_134, %add3A_428 : vector<16xi32>
          tpu.vector_store_idx %arg7[%add3A_429], %gather3A_421 : memref<4096xf32, #tpu.memory_space<vmem>>[vector<16xi32>], vector<16xf32>,
          %add3A_430 = arith.constant 16 : i32
          %add3A_431 = vector.broadcast %add3A_430 : i32 to vector<16xi32>
          %add3A_432 = arith.addi %add3A_429, %add3A_431 : vector<16xi32>
          tpu.vector_store_idx %arg7[%add3A_432], %gather3A_425 : memref<4096xf32, #tpu.memory_space<vmem>>[vector<16xi32>], vector<16xf32>,
          %add3A_433 = vector.broadcast %mul3A_293 : i32 to vector<16xi32>
          %add3A_434 = arith.addi %add3A_433, %and3A_65 : vector<16xi32>
          %gather3A_435 = tpu.vector_load_idx %arg5[%iota3A, %add3A_434] : memref<32x128xf32, #tpu.memory_space<vmem>>[vector<16xi32>, vector<16xi32>], vector<16xf32>,
          %add3A_436 = arith.constant 16 : i32
          %add3A_437 = vector.broadcast %add3A_436 : i32 to vector<16xi32>
          %add3A_438 = arith.addi %iota3A, %add3A_437 : vector<16xi32>
          %gather3A_439 = tpu.vector_load_idx %arg5[%add3A_438, %add3A_434] : memref<32x128xf32, #tpu.memory_space<vmem>>[vector<16xi32>, vector<16xi32>], vector<16xf32>,
          %shift_left3A_440 = arith.constant 5 : i32
          %shift_left3A_441 = arith.shli %mul3A_293, %shift_left3A_440 : i32
          %add3A_442 = vector.broadcast %shift_left3A_441 : i32 to vector<16xi32>
          %add3A_443 = arith.addi %add3A_138, %add3A_442 : vector<16xi32>
          tpu.vector_store_idx %arg7[%add3A_443], %gather3A_435 : memref<4096xf32, #tpu.memory_space<vmem>>[vector<16xi32>], vector<16xf32>,
          %add3A_444 = arith.constant 16 : i32
          %add3A_445 = vector.broadcast %add3A_444 : i32 to vector<16xi32>
          %add3A_446 = arith.addi %add3A_443, %add3A_445 : vector<16xi32>
          tpu.vector_store_idx %arg7[%add3A_446], %gather3A_439 : memref<4096xf32, #tpu.memory_space<vmem>>[vector<16xi32>], vector<16xf32>,
          %add3A_447 = vector.broadcast %mul3A_293 : i32 to vector<16xi32>
          %add3A_448 = arith.addi %add3A_447, %and3A_71 : vector<16xi32>
          %gather3A_449 = tpu.vector_load_idx %arg5[%iota3A, %add3A_448] : memref<32x128xf32, #tpu.memory_space<vmem>>[vector<16xi32>, vector<16xi32>], vector<16xf32>,
          %add3A_450 = arith.constant 16 : i32
          %add3A_451 = vector.broadcast %add3A_450 : i32 to vector<16xi32>
          %add3A_452 = arith.addi %iota3A, %add3A_451 : vector<16xi32>
          %gather3A_453 = tpu.vector_load_idx %arg5[%add3A_452, %add3A_448] : memref<32x128xf32, #tpu.memory_space<vmem>>[vector<16xi32>, vector<16xi32>], vector<16xf32>,
          %shift_left3A_454 = arith.constant 5 : i32
          %shift_left3A_455 = arith.shli %mul3A_293, %shift_left3A_454 : i32
          %add3A_456 = vector.broadcast %shift_left3A_455 : i32 to vector<16xi32>
          %add3A_457 = arith.addi %add3A_142, %add3A_456 : vector<16xi32>
          tpu.vector_store_idx %arg7[%add3A_457], %gather3A_449 : memref<4096xf32, #tpu.memory_space<vmem>>[vector<16xi32>], vector<16xf32>,
          %add3A_458 = arith.constant 16 : i32
          %add3A_459 = vector.broadcast %add3A_458 : i32 to vector<16xi32>
          %add3A_460 = arith.addi %add3A_457, %add3A_459 : vector<16xi32>
          tpu.vector_store_idx %arg7[%add3A_460], %gather3A_453 : memref<4096xf32, #tpu.memory_space<vmem>>[vector<16xi32>], vector<16xf32>,
          %add3A_461 = vector.broadcast %mul3A_293 : i32 to vector<16xi32>
          %add3A_462 = arith.addi %add3A_461, %and3A_77 : vector<16xi32>
          %gather3A_463 = tpu.vector_load_idx %arg5[%iota3A, %add3A_462] : memref<32x128xf32, #tpu.memory_space<vmem>>[vector<16xi32>, vector<16xi32>], vector<16xf32>,
          %add3A_464 = arith.constant 16 : i32
          %add3A_465 = vector.broadcast %add3A_464 : i32 to vector<16xi32>
          %add3A_466 = arith.addi %iota3A, %add3A_465 : vector<16xi32>
          %gather3A_467 = tpu.vector_load_idx %arg5[%add3A_466, %add3A_462] : memref<32x128xf32, #tpu.memory_space<vmem>>[vector<16xi32>, vector<16xi32>], vector<16xf32>,
          %shift_left3A_468 = arith.constant 5 : i32
          %shift_left3A_469 = arith.shli %mul3A_293, %shift_left3A_468 : i32
          %add3A_470 = vector.broadcast %shift_left3A_469 : i32 to vector<16xi32>
          %add3A_471 = arith.addi %add3A_146, %add3A_470 : vector<16xi32>
          tpu.vector_store_idx %arg7[%add3A_471], %gather3A_463 : memref<4096xf32, #tpu.memory_space<vmem>>[vector<16xi32>], vector<16xf32>,
          %add3A_472 = arith.constant 16 : i32
          %add3A_473 = vector.broadcast %add3A_472 : i32 to vector<16xi32>
          %add3A_474 = arith.addi %add3A_471, %add3A_473 : vector<16xi32>
          tpu.vector_store_idx %arg7[%add3A_474], %gather3A_467 : memref<4096xf32, #tpu.memory_space<vmem>>[vector<16xi32>], vector<16xf32>,
          %add3A_475 = vector.broadcast %mul3A_293 : i32 to vector<16xi32>
          %add3A_476 = arith.addi %add3A_475, %and3A_83 : vector<16xi32>
          %gather3A_477 = tpu.vector_load_idx %arg5[%iota3A, %add3A_476] : memref<32x128xf32, #tpu.memory_space<vmem>>[vector<16xi32>, vector<16xi32>], vector<16xf32>,
          %add3A_478 = arith.constant 16 : i32
          %add3A_479 = vector.broadcast %add3A_478 : i32 to vector<16xi32>
          %add3A_480 = arith.addi %iota3A, %add3A_479 : vector<16xi32>
          %gather3A_481 = tpu.vector_load_idx %arg5[%add3A_480, %add3A_476] : memref<32x128xf32, #tpu.memory_space<vmem>>[vector<16xi32>, vector<16xi32>], vector<16xf32>,
          %shift_left3A_482 = arith.constant 5 : i32
          %shift_left3A_483 = arith.shli %mul3A_293, %shift_left3A_482 : i32
          %add3A_484 = vector.broadcast %shift_left3A_483 : i32 to vector<16xi32>
          %add3A_485 = arith.addi %add3A_150, %add3A_484 : vector<16xi32>
          tpu.vector_store_idx %arg7[%add3A_485], %gather3A_477 : memref<4096xf32, #tpu.memory_space<vmem>>[vector<16xi32>], vector<16xf32>,
          %add3A_486 = arith.constant 16 : i32
          %add3A_487 = vector.broadcast %add3A_486 : i32 to vector<16xi32>
          %add3A_488 = arith.addi %add3A_485, %add3A_487 : vector<16xi32>
          tpu.vector_store_idx %arg7[%add3A_488], %gather3A_481 : memref<4096xf32, #tpu.memory_space<vmem>>[vector<16xi32>], vector<16xf32>,
          %add3A_489 = vector.broadcast %mul3A_293 : i32 to vector<16xi32>
          %add3A_490 = arith.addi %add3A_489, %and3A_89 : vector<16xi32>
          %gather3A_491 = tpu.vector_load_idx %arg5[%iota3A, %add3A_490] : memref<32x128xf32, #tpu.memory_space<vmem>>[vector<16xi32>, vector<16xi32>], vector<16xf32>,
          %add3A_492 = arith.constant 16 : i32
          %add3A_493 = vector.broadcast %add3A_492 : i32 to vector<16xi32>
          %add3A_494 = arith.addi %iota3A, %add3A_493 : vector<16xi32>
          %gather3A_495 = tpu.vector_load_idx %arg5[%add3A_494, %add3A_490] : memref<32x128xf32, #tpu.memory_space<vmem>>[vector<16xi32>, vector<16xi32>], vector<16xf32>,
          %shift_left3A_496 = arith.constant 5 : i32
          %shift_left3A_497 = arith.shli %mul3A_293, %shift_left3A_496 : i32
          %add3A_498 = vector.broadcast %shift_left3A_497 : i32 to vector<16xi32>
          %add3A_499 = arith.addi %add3A_154, %add3A_498 : vector<16xi32>
          tpu.vector_store_idx %arg7[%add3A_499], %gather3A_491 : memref<4096xf32, #tpu.memory_space<vmem>>[vector<16xi32>], vector<16xf32>,
          %add3A_500 = arith.constant 16 : i32
          %add3A_501 = vector.broadcast %add3A_500 : i32 to vector<16xi32>
          %add3A_502 = arith.addi %add3A_499, %add3A_501 : vector<16xi32>
          tpu.vector_store_idx %arg7[%add3A_502], %gather3A_495 : memref<4096xf32, #tpu.memory_space<vmem>>[vector<16xi32>], vector<16xf32>,
          %add3A_503 = vector.broadcast %mul3A_293 : i32 to vector<16xi32>
          %add3A_504 = arith.addi %add3A_503, %and3A_95 : vector<16xi32>
          %gather3A_505 = tpu.vector_load_idx %arg5[%iota3A, %add3A_504] : memref<32x128xf32, #tpu.memory_space<vmem>>[vector<16xi32>, vector<16xi32>], vector<16xf32>,
          %add3A_506 = arith.constant 16 : i32
          %add3A_507 = vector.broadcast %add3A_506 : i32 to vector<16xi32>
          %add3A_508 = arith.addi %iota3A, %add3A_507 : vector<16xi32>
          %gather3A_509 = tpu.vector_load_idx %arg5[%add3A_508, %add3A_504] : memref<32x128xf32, #tpu.memory_space<vmem>>[vector<16xi32>, vector<16xi32>], vector<16xf32>,
          %shift_left3A_510 = arith.constant 5 : i32
          %shift_left3A_511 = arith.shli %mul3A_293, %shift_left3A_510 : i32
          %add3A_512 = vector.broadcast %shift_left3A_511 : i32 to vector<16xi32>
          %add3A_513 = arith.addi %add3A_158, %add3A_512 : vector<16xi32>
          tpu.vector_store_idx %arg7[%add3A_513], %gather3A_505 : memref<4096xf32, #tpu.memory_space<vmem>>[vector<16xi32>], vector<16xf32>,
          %add3A_514 = arith.constant 16 : i32
          %add3A_515 = vector.broadcast %add3A_514 : i32 to vector<16xi32>
          %add3A_516 = arith.addi %add3A_513, %add3A_515 : vector<16xi32>
          tpu.vector_store_idx %arg7[%add3A_516], %gather3A_509 : memref<4096xf32, #tpu.memory_space<vmem>>[vector<16xi32>], vector<16xf32>,
        }
        %scan3A_278 = arith.constant 8 : i32
        %mul3A_279 = arith.constant 32 : i32
        %mul3A_280 = arith.muli %mul3A_279, %add3A_210 : i32
        %add3A_281 = arith.addi %add3A, %mul3A_280 : i32
        %mul3A_282 = arith.constant 128 : i32
        %mul3A_283 = arith.muli %add3A_281, %mul3A_282 : i32
        %mul3A_284 = arith.constant 32 : i32
        %mul3A_285 = arith.muli %mul3A_283, %mul3A_284 : i32
        %dma_start3A = tpu.memref_slice %arg4[%mul3A_285] : memref<32000000xf32, #tpu.memory_space<hbm>> -> memref<4096xf32, #tpu.memory_space<hbm>>
        %dma_start3A_286 = tpu.memref_slice %arg4[%mul3A_285] : memref<32000000xf32, #tpu.memory_space<hbm>> -> memref<4096xf32, #tpu.memory_space<hbm>>
        tpu.enqueue_dma source(%arg7 : memref<4096xf32, #tpu.memory_space<vmem>>) target(%dma_start3A_286 : memref<4096xf32, #tpu.memory_space<hbm>>) target_semaphore(%arg11 : memref<!tpu.dma_semaphore, #tpu.memory_space<semaphore_mem>>)
      } else {
      }
      %add3A_241 = arith.constant 1 : i32
      %add3A_242 = arith.addi %add3A_208, %add3A_241 : i32
      %add3A_243 = arith.constant 1 : i32
      %add3A_244 = arith.addi %add3A_242, %add3A_243 : i32
      %mul3A_245 = arith.constant 32 : i32
      %mul3A_246 = arith.muli %mul3A_245, %add3A_244 : i32
      %add3A_247 = arith.addi %add3A, %mul3A_246 : i32
      %lt3A_248 = arith.constant 7812 : i32
      %lt3A_249 = arith.cmpi slt, %add3A_247, %lt3A_248 : i32
      %convert_element_type3A_250 = arith.extui %lt3A_249 : i1 to i32
      %cond3A_251 = arith.constant 0 : i32
      %cond3A_252 = arith.cmpi ne, %convert_element_type3A_250, %cond3A_251 : i32
      scf.if %cond3A_252 {
        %mul3A_274 = arith.constant 32 : i32
        %mul3A_275 = arith.muli %mul3A_274, %add3A_244 : i32
        %add3A_276 = arith.addi %add3A, %mul3A_275 : i32
        %mul3A_277 = arith.constant 128 : i32
        %mul3A_278 = arith.muli %add3A_276, %mul3A_277 : i32
        %dma_start3A = arith.constant 0 : i32
        %dma_start3A_279 = tpu.memref_slice %arg2[%dma_start3A, %mul3A_278] : memref<32x1000000xf32, #tpu.memory_space<hbm>> -> memref<32x128xf32, #tpu.memory_space<hbm>>
        %dma_start3A_280 = arith.constant 0 : i32
        %dma_start3A_281 = tpu.memref_slice %arg2[%dma_start3A_280, %mul3A_278] : memref<32x1000000xf32, #tpu.memory_space<hbm>> -> memref<32x128xf32, #tpu.memory_space<hbm>>
        tpu.enqueue_dma source(%dma_start3A_281 : memref<32x128xf32, #tpu.memory_space<hbm>>) target(%arg5 : memref<32x128xf32, #tpu.memory_space<vmem>>) target_semaphore(%arg9 : memref<!tpu.dma_semaphore, #tpu.memory_space<semaphore_mem>>)
      } else {
      }
      %ge3A_253 = arith.constant 2 : i32
      %ge3A_254 = arith.cmpi sge, %add3A_242, %ge3A_253 : i32
      %convert_element_type3A_255 = arith.extui %ge3A_254 : i1 to i32
      %cond3A_256 = arith.constant 0 : i32
      %cond3A_257 = arith.cmpi ne, %convert_element_type3A_255, %cond3A_256 : i32
      scf.if %cond3A_257 {
        %dma_wait3A_274 = arith.constant 0 : i32
        %dma_wait3A_275 = tpu.memref_slice %arg4[%dma_wait3A_274] : memref<32000000xf32, #tpu.memory_space<hbm>> -> memref<4096xf32, #tpu.memory_space<hbm>>
        %dma_wait3A_276 = arith.constant 0 : i32
        %dma_wait3A_277 = tpu.memref_slice %arg4[%dma_wait3A_276] : memref<32000000xf32, #tpu.memory_space<hbm>> -> memref<4096xf32, #tpu.memory_space<hbm>>
        tpu.wait_dma2 semaphore(%arg12 : memref<!tpu.dma_semaphore, #tpu.memory_space<semaphore_mem>>) src(%dma_wait3A_277 : memref<4096xf32, #tpu.memory_space<hbm>>) dst(%arg8 : memref<4096xf32, #tpu.memory_space<vmem>>)
      } else {
      }
      %mul3A_258 = arith.constant 32 : i32
      %mul3A_259 = arith.muli %mul3A_258, %add3A_242 : i32
      %add3A_260 = arith.addi %add3A, %mul3A_259 : i32
      %lt3A_261 = arith.constant 7812 : i32
      %lt3A_262 = arith.cmpi slt, %add3A_260, %lt3A_261 : i32
      %convert_element_type3A_263 = arith.extui %lt3A_262 : i1 to i32
      %cond3A_264 = arith.constant 0 : i32
      %cond3A_265 = arith.cmpi ne, %convert_element_type3A_263, %cond3A_264 : i32
      scf.if %cond3A_265 {
        %dma_wait3A_274 = arith.constant 0 : i32
        %dma_wait3A_275 = arith.constant 0 : i32
        %dma_wait3A_276 = tpu.memref_slice %arg2[%dma_wait3A_274, %dma_wait3A_275] : memref<32x1000000xf32, #tpu.memory_space<hbm>> -> memref<32x128xf32, #tpu.memory_space<hbm>>
        %dma_wait3A_277 = arith.constant 0 : i32
        %dma_wait3A_278 = arith.constant 0 : i32
        %dma_wait3A_279 = tpu.memref_slice %arg2[%dma_wait3A_277, %dma_wait3A_278] : memref<32x1000000xf32, #tpu.memory_space<hbm>> -> memref<32x128xf32, #tpu.memory_space<hbm>>
        tpu.wait_dma2 semaphore(%arg10 : memref<!tpu.dma_semaphore, #tpu.memory_space<semaphore_mem>>) src(%dma_wait3A_279 : memref<32x128xf32, #tpu.memory_space<hbm>>) dst(%arg6 : memref<32x128xf32, #tpu.memory_space<vmem>>)
      } else {
      }
      %mul3A_266 = arith.constant 32 : i32
      %mul3A_267 = arith.muli %mul3A_266, %add3A_242 : i32
      %add3A_268 = arith.addi %add3A, %mul3A_267 : i32
      %lt3A_269 = arith.constant 7812 : i32
      %lt3A_270 = arith.cmpi slt, %add3A_268, %lt3A_269 : i32
      %convert_element_type3A_271 = arith.extui %lt3A_270 : i1 to i32
      %cond3A_272 = arith.constant 0 : i32
      %cond3A_273 = arith.cmpi ne, %convert_element_type3A_271, %cond3A_272 : i32
      scf.if %cond3A_273 {
        %scan3A_274 = arith.constant 0 : i32
        %scan3A_275 = arith.constant 8 : i32
        %scan3A_276 = arith.addi %scan3A_274, %scan3A_275 : i32
        %scan3A_277 = arith.constant 1 : i32
        scf.for %scan3A_287 = %scan3A_274 to %scan3A_276 step %scan3A_277  : i32 {
          %mul3A_288 = arith.constant 1 : i32
          %mul3A_289 = arith.muli %scan3A_287, %mul3A_288 : i32
          %add3A_290 = arith.constant 0 : i32
          %add3A_291 = arith.addi %add3A_290, %mul3A_289 : i32
          %mul3A_292 = arith.constant 16 : i32
          %mul3A_293 = arith.muli %add3A_291, %mul3A_292 : i32
          %add3A_294 = vector.broadcast %mul3A_293 : i32 to vector<16xi32>
          %add3A_295 = arith.addi %add3A_294, %and3A_5 : vector<16xi32>
          %gather3A = tpu.vector_load_idx %arg6[%iota3A, %add3A_295] : memref<32x128xf32, #tpu.memory_space<vmem>>[vector<16xi32>, vector<16xi32>], vector<16xf32>,
          %add3A_296 = arith.constant 16 : i32
          %add3A_297 = vector.broadcast %add3A_296 : i32 to vector<16xi32>
          %add3A_298 = arith.addi %iota3A, %add3A_297 : vector<16xi32>
          %gather3A_299 = tpu.vector_load_idx %arg6[%add3A_298, %add3A_295] : memref<32x128xf32, #tpu.memory_space<vmem>>[vector<16xi32>, vector<16xi32>], vector<16xf32>,
          %shift_left3A_300 = arith.constant 5 : i32
          %shift_left3A_301 = arith.shli %mul3A_293, %shift_left3A_300 : i32
          %add3A_302 = vector.broadcast %shift_left3A_301 : i32 to vector<16xi32>
          %add3A_303 = arith.addi %add3A_98, %add3A_302 : vector<16xi32>
          tpu.vector_store_idx %arg8[%add3A_303], %gather3A : memref<4096xf32, #tpu.memory_space<vmem>>[vector<16xi32>], vector<16xf32>,
          %add3A_304 = arith.constant 16 : i32
          %add3A_305 = vector.broadcast %add3A_304 : i32 to vector<16xi32>
          %add3A_306 = arith.addi %add3A_303, %add3A_305 : vector<16xi32>
          tpu.vector_store_idx %arg8[%add3A_306], %gather3A_299 : memref<4096xf32, #tpu.memory_space<vmem>>[vector<16xi32>], vector<16xf32>,
          %add3A_307 = vector.broadcast %mul3A_293 : i32 to vector<16xi32>
          %add3A_308 = arith.addi %add3A_307, %and3A_11 : vector<16xi32>
          %gather3A_309 = tpu.vector_load_idx %arg6[%iota3A, %add3A_308] : memref<32x128xf32, #tpu.memory_space<vmem>>[vector<16xi32>, vector<16xi32>], vector<16xf32>,
          %add3A_310 = arith.constant 16 : i32
          %add3A_311 = vector.broadcast %add3A_310 : i32 to vector<16xi32>
          %add3A_312 = arith.addi %iota3A, %add3A_311 : vector<16xi32>
          %gather3A_313 = tpu.vector_load_idx %arg6[%add3A_312, %add3A_308] : memref<32x128xf32, #tpu.memory_space<vmem>>[vector<16xi32>, vector<16xi32>], vector<16xf32>,
          %shift_left3A_314 = arith.constant 5 : i32
          %shift_left3A_315 = arith.shli %mul3A_293, %shift_left3A_314 : i32
          %add3A_316 = vector.broadcast %shift_left3A_315 : i32 to vector<16xi32>
          %add3A_317 = arith.addi %add3A_102, %add3A_316 : vector<16xi32>
          tpu.vector_store_idx %arg8[%add3A_317], %gather3A_309 : memref<4096xf32, #tpu.memory_space<vmem>>[vector<16xi32>], vector<16xf32>,
          %add3A_318 = arith.constant 16 : i32
          %add3A_319 = vector.broadcast %add3A_318 : i32 to vector<16xi32>
          %add3A_320 = arith.addi %add3A_317, %add3A_319 : vector<16xi32>
          tpu.vector_store_idx %arg8[%add3A_320], %gather3A_313 : memref<4096xf32, #tpu.memory_space<vmem>>[vector<16xi32>], vector<16xf32>,
          %add3A_321 = vector.broadcast %mul3A_293 : i32 to vector<16xi32>
          %add3A_322 = arith.addi %add3A_321, %and3A_17 : vector<16xi32>
          %gather3A_323 = tpu.vector_load_idx %arg6[%iota3A, %add3A_322] : memref<32x128xf32, #tpu.memory_space<vmem>>[vector<16xi32>, vector<16xi32>], vector<16xf32>,
          %add3A_324 = arith.constant 16 : i32
          %add3A_325 = vector.broadcast %add3A_324 : i32 to vector<16xi32>
          %add3A_326 = arith.addi %iota3A, %add3A_325 : vector<16xi32>
          %gather3A_327 = tpu.vector_load_idx %arg6[%add3A_326, %add3A_322] : memref<32x128xf32, #tpu.memory_space<vmem>>[vector<16xi32>, vector<16xi32>], vector<16xf32>,
          %shift_left3A_328 = arith.constant 5 : i32
          %shift_left3A_329 = arith.shli %mul3A_293, %shift_left3A_328 : i32
          %add3A_330 = vector.broadcast %shift_left3A_329 : i32 to vector<16xi32>
          %add3A_331 = arith.addi %add3A_106, %add3A_330 : vector<16xi32>
          tpu.vector_store_idx %arg8[%add3A_331], %gather3A_323 : memref<4096xf32, #tpu.memory_space<vmem>>[vector<16xi32>], vector<16xf32>,
          %add3A_332 = arith.constant 16 : i32
          %add3A_333 = vector.broadcast %add3A_332 : i32 to vector<16xi32>
          %add3A_334 = arith.addi %add3A_331, %add3A_333 : vector<16xi32>
          tpu.vector_store_idx %arg8[%add3A_334], %gather3A_327 : memref<4096xf32, #tpu.memory_space<vmem>>[vector<16xi32>], vector<16xf32>,
          %add3A_335 = vector.broadcast %mul3A_293 : i32 to vector<16xi32>
          %add3A_336 = arith.addi %add3A_335, %and3A_23 : vector<16xi32>
          %gather3A_337 = tpu.vector_load_idx %arg6[%iota3A, %add3A_336] : memref<32x128xf32, #tpu.memory_space<vmem>>[vector<16xi32>, vector<16xi32>], vector<16xf32>,
          %add3A_338 = arith.constant 16 : i32
          %add3A_339 = vector.broadcast %add3A_338 : i32 to vector<16xi32>
          %add3A_340 = arith.addi %iota3A, %add3A_339 : vector<16xi32>
          %gather3A_341 = tpu.vector_load_idx %arg6[%add3A_340, %add3A_336] : memref<32x128xf32, #tpu.memory_space<vmem>>[vector<16xi32>, vector<16xi32>], vector<16xf32>,
          %shift_left3A_342 = arith.constant 5 : i32
          %shift_left3A_343 = arith.shli %mul3A_293, %shift_left3A_342 : i32
          %add3A_344 = vector.broadcast %shift_left3A_343 : i32 to vector<16xi32>
          %add3A_345 = arith.addi %add3A_110, %add3A_344 : vector<16xi32>
          tpu.vector_store_idx %arg8[%add3A_345], %gather3A_337 : memref<4096xf32, #tpu.memory_space<vmem>>[vector<16xi32>], vector<16xf32>,
          %add3A_346 = arith.constant 16 : i32
          %add3A_347 = vector.broadcast %add3A_346 : i32 to vector<16xi32>
          %add3A_348 = arith.addi %add3A_345, %add3A_347 : vector<16xi32>
          tpu.vector_store_idx %arg8[%add3A_348], %gather3A_341 : memref<4096xf32, #tpu.memory_space<vmem>>[vector<16xi32>], vector<16xf32>,
          %add3A_349 = vector.broadcast %mul3A_293 : i32 to vector<16xi32>
          %add3A_350 = arith.addi %add3A_349, %and3A_29 : vector<16xi32>
          %gather3A_351 = tpu.vector_load_idx %arg6[%iota3A, %add3A_350] : memref<32x128xf32, #tpu.memory_space<vmem>>[vector<16xi32>, vector<16xi32>], vector<16xf32>,
          %add3A_352 = arith.constant 16 : i32
          %add3A_353 = vector.broadcast %add3A_352 : i32 to vector<16xi32>
          %add3A_354 = arith.addi %iota3A, %add3A_353 : vector<16xi32>
          %gather3A_355 = tpu.vector_load_idx %arg6[%add3A_354, %add3A_350] : memref<32x128xf32, #tpu.memory_space<vmem>>[vector<16xi32>, vector<16xi32>], vector<16xf32>,
          %shift_left3A_356 = arith.constant 5 : i32
          %shift_left3A_357 = arith.shli %mul3A_293, %shift_left3A_356 : i32
          %add3A_358 = vector.broadcast %shift_left3A_357 : i32 to vector<16xi32>
          %add3A_359 = arith.addi %add3A_114, %add3A_358 : vector<16xi32>
          tpu.vector_store_idx %arg8[%add3A_359], %gather3A_351 : memref<4096xf32, #tpu.memory_space<vmem>>[vector<16xi32>], vector<16xf32>,
          %add3A_360 = arith.constant 16 : i32
          %add3A_361 = vector.broadcast %add3A_360 : i32 to vector<16xi32>
          %add3A_362 = arith.addi %add3A_359, %add3A_361 : vector<16xi32>
          tpu.vector_store_idx %arg8[%add3A_362], %gather3A_355 : memref<4096xf32, #tpu.memory_space<vmem>>[vector<16xi32>], vector<16xf32>,
          %add3A_363 = vector.broadcast %mul3A_293 : i32 to vector<16xi32>
          %add3A_364 = arith.addi %add3A_363, %and3A_35 : vector<16xi32>
          %gather3A_365 = tpu.vector_load_idx %arg6[%iota3A, %add3A_364] : memref<32x128xf32, #tpu.memory_space<vmem>>[vector<16xi32>, vector<16xi32>], vector<16xf32>,
          %add3A_366 = arith.constant 16 : i32
          %add3A_367 = vector.broadcast %add3A_366 : i32 to vector<16xi32>
          %add3A_368 = arith.addi %iota3A, %add3A_367 : vector<16xi32>
          %gather3A_369 = tpu.vector_load_idx %arg6[%add3A_368, %add3A_364] : memref<32x128xf32, #tpu.memory_space<vmem>>[vector<16xi32>, vector<16xi32>], vector<16xf32>,
          %shift_left3A_370 = arith.constant 5 : i32
          %shift_left3A_371 = arith.shli %mul3A_293, %shift_left3A_370 : i32
          %add3A_372 = vector.broadcast %shift_left3A_371 : i32 to vector<16xi32>
          %add3A_373 = arith.addi %add3A_118, %add3A_372 : vector<16xi32>
          tpu.vector_store_idx %arg8[%add3A_373], %gather3A_365 : memref<4096xf32, #tpu.memory_space<vmem>>[vector<16xi32>], vector<16xf32>,
          %add3A_374 = arith.constant 16 : i32
          %add3A_375 = vector.broadcast %add3A_374 : i32 to vector<16xi32>
          %add3A_376 = arith.addi %add3A_373, %add3A_375 : vector<16xi32>
          tpu.vector_store_idx %arg8[%add3A_376], %gather3A_369 : memref<4096xf32, #tpu.memory_space<vmem>>[vector<16xi32>], vector<16xf32>,
          %add3A_377 = vector.broadcast %mul3A_293 : i32 to vector<16xi32>
          %add3A_378 = arith.addi %add3A_377, %and3A_41 : vector<16xi32>
          %gather3A_379 = tpu.vector_load_idx %arg6[%iota3A, %add3A_378] : memref<32x128xf32, #tpu.memory_space<vmem>>[vector<16xi32>, vector<16xi32>], vector<16xf32>,
          %add3A_380 = arith.constant 16 : i32
          %add3A_381 = vector.broadcast %add3A_380 : i32 to vector<16xi32>
          %add3A_382 = arith.addi %iota3A, %add3A_381 : vector<16xi32>
          %gather3A_383 = tpu.vector_load_idx %arg6[%add3A_382, %add3A_378] : memref<32x128xf32, #tpu.memory_space<vmem>>[vector<16xi32>, vector<16xi32>], vector<16xf32>,
          %shift_left3A_384 = arith.constant 5 : i32
          %shift_left3A_385 = arith.shli %mul3A_293, %shift_left3A_384 : i32
          %add3A_386 = vector.broadcast %shift_left3A_385 : i32 to vector<16xi32>
          %add3A_387 = arith.addi %add3A_122, %add3A_386 : vector<16xi32>
          tpu.vector_store_idx %arg8[%add3A_387], %gather3A_379 : memref<4096xf32, #tpu.memory_space<vmem>>[vector<16xi32>], vector<16xf32>,
          %add3A_388 = arith.constant 16 : i32
          %add3A_389 = vector.broadcast %add3A_388 : i32 to vector<16xi32>
          %add3A_390 = arith.addi %add3A_387, %add3A_389 : vector<16xi32>
          tpu.vector_store_idx %arg8[%add3A_390], %gather3A_383 : memref<4096xf32, #tpu.memory_space<vmem>>[vector<16xi32>], vector<16xf32>,
          %add3A_391 = vector.broadcast %mul3A_293 : i32 to vector<16xi32>
          %add3A_392 = arith.addi %add3A_391, %and3A_47 : vector<16xi32>
          %gather3A_393 = tpu.vector_load_idx %arg6[%iota3A, %add3A_392] : memref<32x128xf32, #tpu.memory_space<vmem>>[vector<16xi32>, vector<16xi32>], vector<16xf32>,
          %add3A_394 = arith.constant 16 : i32
          %add3A_395 = vector.broadcast %add3A_394 : i32 to vector<16xi32>
          %add3A_396 = arith.addi %iota3A, %add3A_395 : vector<16xi32>
          %gather3A_397 = tpu.vector_load_idx %arg6[%add3A_396, %add3A_392] : memref<32x128xf32, #tpu.memory_space<vmem>>[vector<16xi32>, vector<16xi32>], vector<16xf32>,
          %shift_left3A_398 = arith.constant 5 : i32
          %shift_left3A_399 = arith.shli %mul3A_293, %shift_left3A_398 : i32
          %add3A_400 = vector.broadcast %shift_left3A_399 : i32 to vector<16xi32>
          %add3A_401 = arith.addi %add3A_126, %add3A_400 : vector<16xi32>
          tpu.vector_store_idx %arg8[%add3A_401], %gather3A_393 : memref<4096xf32, #tpu.memory_space<vmem>>[vector<16xi32>], vector<16xf32>,
          %add3A_402 = arith.constant 16 : i32
          %add3A_403 = vector.broadcast %add3A_402 : i32 to vector<16xi32>
          %add3A_404 = arith.addi %add3A_401, %add3A_403 : vector<16xi32>
          tpu.vector_store_idx %arg8[%add3A_404], %gather3A_397 : memref<4096xf32, #tpu.memory_space<vmem>>[vector<16xi32>], vector<16xf32>,
          %add3A_405 = vector.broadcast %mul3A_293 : i32 to vector<16xi32>
          %add3A_406 = arith.addi %add3A_405, %and3A_53 : vector<16xi32>
          %gather3A_407 = tpu.vector_load_idx %arg6[%iota3A, %add3A_406] : memref<32x128xf32, #tpu.memory_space<vmem>>[vector<16xi32>, vector<16xi32>], vector<16xf32>,
          %add3A_408 = arith.constant 16 : i32
          %add3A_409 = vector.broadcast %add3A_408 : i32 to vector<16xi32>
          %add3A_410 = arith.addi %iota3A, %add3A_409 : vector<16xi32>
          %gather3A_411 = tpu.vector_load_idx %arg6[%add3A_410, %add3A_406] : memref<32x128xf32, #tpu.memory_space<vmem>>[vector<16xi32>, vector<16xi32>], vector<16xf32>,
          %shift_left3A_412 = arith.constant 5 : i32
          %shift_left3A_413 = arith.shli %mul3A_293, %shift_left3A_412 : i32
          %add3A_414 = vector.broadcast %shift_left3A_413 : i32 to vector<16xi32>
          %add3A_415 = arith.addi %add3A_130, %add3A_414 : vector<16xi32>
          tpu.vector_store_idx %arg8[%add3A_415], %gather3A_407 : memref<4096xf32, #tpu.memory_space<vmem>>[vector<16xi32>], vector<16xf32>,
          %add3A_416 = arith.constant 16 : i32
          %add3A_417 = vector.broadcast %add3A_416 : i32 to vector<16xi32>
          %add3A_418 = arith.addi %add3A_415, %add3A_417 : vector<16xi32>
          tpu.vector_store_idx %arg8[%add3A_418], %gather3A_411 : memref<4096xf32, #tpu.memory_space<vmem>>[vector<16xi32>], vector<16xf32>,
          %add3A_419 = vector.broadcast %mul3A_293 : i32 to vector<16xi32>
          %add3A_420 = arith.addi %add3A_419, %and3A_59 : vector<16xi32>
          %gather3A_421 = tpu.vector_load_idx %arg6[%iota3A, %add3A_420] : memref<32x128xf32, #tpu.memory_space<vmem>>[vector<16xi32>, vector<16xi32>], vector<16xf32>,
          %add3A_422 = arith.constant 16 : i32
          %add3A_423 = vector.broadcast %add3A_422 : i32 to vector<16xi32>
          %add3A_424 = arith.addi %iota3A, %add3A_423 : vector<16xi32>
          %gather3A_425 = tpu.vector_load_idx %arg6[%add3A_424, %add3A_420] : memref<32x128xf32, #tpu.memory_space<vmem>>[vector<16xi32>, vector<16xi32>], vector<16xf32>,
          %shift_left3A_426 = arith.constant 5 : i32
          %shift_left3A_427 = arith.shli %mul3A_293, %shift_left3A_426 : i32
          %add3A_428 = vector.broadcast %shift_left3A_427 : i32 to vector<16xi32>
          %add3A_429 = arith.addi %add3A_134, %add3A_428 : vector<16xi32>
          tpu.vector_store_idx %arg8[%add3A_429], %gather3A_421 : memref<4096xf32, #tpu.memory_space<vmem>>[vector<16xi32>], vector<16xf32>,
          %add3A_430 = arith.constant 16 : i32
          %add3A_431 = vector.broadcast %add3A_430 : i32 to vector<16xi32>
          %add3A_432 = arith.addi %add3A_429, %add3A_431 : vector<16xi32>
          tpu.vector_store_idx %arg8[%add3A_432], %gather3A_425 : memref<4096xf32, #tpu.memory_space<vmem>>[vector<16xi32>], vector<16xf32>,
          %add3A_433 = vector.broadcast %mul3A_293 : i32 to vector<16xi32>
          %add3A_434 = arith.addi %add3A_433, %and3A_65 : vector<16xi32>
          %gather3A_435 = tpu.vector_load_idx %arg6[%iota3A, %add3A_434] : memref<32x128xf32, #tpu.memory_space<vmem>>[vector<16xi32>, vector<16xi32>], vector<16xf32>,
          %add3A_436 = arith.constant 16 : i32
          %add3A_437 = vector.broadcast %add3A_436 : i32 to vector<16xi32>
          %add3A_438 = arith.addi %iota3A, %add3A_437 : vector<16xi32>
          %gather3A_439 = tpu.vector_load_idx %arg6[%add3A_438, %add3A_434] : memref<32x128xf32, #tpu.memory_space<vmem>>[vector<16xi32>, vector<16xi32>], vector<16xf32>,
          %shift_left3A_440 = arith.constant 5 : i32
          %shift_left3A_441 = arith.shli %mul3A_293, %shift_left3A_440 : i32
          %add3A_442 = vector.broadcast %shift_left3A_441 : i32 to vector<16xi32>
          %add3A_443 = arith.addi %add3A_138, %add3A_442 : vector<16xi32>
          tpu.vector_store_idx %arg8[%add3A_443], %gather3A_435 : memref<4096xf32, #tpu.memory_space<vmem>>[vector<16xi32>], vector<16xf32>,
          %add3A_444 = arith.constant 16 : i32
          %add3A_445 = vector.broadcast %add3A_444 : i32 to vector<16xi32>
          %add3A_446 = arith.addi %add3A_443, %add3A_445 : vector<16xi32>
          tpu.vector_store_idx %arg8[%add3A_446], %gather3A_439 : memref<4096xf32, #tpu.memory_space<vmem>>[vector<16xi32>], vector<16xf32>,
          %add3A_447 = vector.broadcast %mul3A_293 : i32 to vector<16xi32>
          %add3A_448 = arith.addi %add3A_447, %and3A_71 : vector<16xi32>
          %gather3A_449 = tpu.vector_load_idx %arg6[%iota3A, %add3A_448] : memref<32x128xf32, #tpu.memory_space<vmem>>[vector<16xi32>, vector<16xi32>], vector<16xf32>,
          %add3A_450 = arith.constant 16 : i32
          %add3A_451 = vector.broadcast %add3A_450 : i32 to vector<16xi32>
          %add3A_452 = arith.addi %iota3A, %add3A_451 : vector<16xi32>
          %gather3A_453 = tpu.vector_load_idx %arg6[%add3A_452, %add3A_448] : memref<32x128xf32, #tpu.memory_space<vmem>>[vector<16xi32>, vector<16xi32>], vector<16xf32>,
          %shift_left3A_454 = arith.constant 5 : i32
          %shift_left3A_455 = arith.shli %mul3A_293, %shift_left3A_454 : i32
          %add3A_456 = vector.broadcast %shift_left3A_455 : i32 to vector<16xi32>
          %add3A_457 = arith.addi %add3A_142, %add3A_456 : vector<16xi32>
          tpu.vector_store_idx %arg8[%add3A_457], %gather3A_449 : memref<4096xf32, #tpu.memory_space<vmem>>[vector<16xi32>], vector<16xf32>,
          %add3A_458 = arith.constant 16 : i32
          %add3A_459 = vector.broadcast %add3A_458 : i32 to vector<16xi32>
          %add3A_460 = arith.addi %add3A_457, %add3A_459 : vector<16xi32>
          tpu.vector_store_idx %arg8[%add3A_460], %gather3A_453 : memref<4096xf32, #tpu.memory_space<vmem>>[vector<16xi32>], vector<16xf32>,
          %add3A_461 = vector.broadcast %mul3A_293 : i32 to vector<16xi32>
          %add3A_462 = arith.addi %add3A_461, %and3A_77 : vector<16xi32>
          %gather3A_463 = tpu.vector_load_idx %arg6[%iota3A, %add3A_462] : memref<32x128xf32, #tpu.memory_space<vmem>>[vector<16xi32>, vector<16xi32>], vector<16xf32>,
          %add3A_464 = arith.constant 16 : i32
          %add3A_465 = vector.broadcast %add3A_464 : i32 to vector<16xi32>
          %add3A_466 = arith.addi %iota3A, %add3A_465 : vector<16xi32>
          %gather3A_467 = tpu.vector_load_idx %arg6[%add3A_466, %add3A_462] : memref<32x128xf32, #tpu.memory_space<vmem>>[vector<16xi32>, vector<16xi32>], vector<16xf32>,
          %shift_left3A_468 = arith.constant 5 : i32
          %shift_left3A_469 = arith.shli %mul3A_293, %shift_left3A_468 : i32
          %add3A_470 = vector.broadcast %shift_left3A_469 : i32 to vector<16xi32>
          %add3A_471 = arith.addi %add3A_146, %add3A_470 : vector<16xi32>
          tpu.vector_store_idx %arg8[%add3A_471], %gather3A_463 : memref<4096xf32, #tpu.memory_space<vmem>>[vector<16xi32>], vector<16xf32>,
          %add3A_472 = arith.constant 16 : i32
          %add3A_473 = vector.broadcast %add3A_472 : i32 to vector<16xi32>
          %add3A_474 = arith.addi %add3A_471, %add3A_473 : vector<16xi32>
          tpu.vector_store_idx %arg8[%add3A_474], %gather3A_467 : memref<4096xf32, #tpu.memory_space<vmem>>[vector<16xi32>], vector<16xf32>,
          %add3A_475 = vector.broadcast %mul3A_293 : i32 to vector<16xi32>
          %add3A_476 = arith.addi %add3A_475, %and3A_83 : vector<16xi32>
          %gather3A_477 = tpu.vector_load_idx %arg6[%iota3A, %add3A_476] : memref<32x128xf32, #tpu.memory_space<vmem>>[vector<16xi32>, vector<16xi32>], vector<16xf32>,
          %add3A_478 = arith.constant 16 : i32
          %add3A_479 = vector.broadcast %add3A_478 : i32 to vector<16xi32>
          %add3A_480 = arith.addi %iota3A, %add3A_479 : vector<16xi32>
          %gather3A_481 = tpu.vector_load_idx %arg6[%add3A_480, %add3A_476] : memref<32x128xf32, #tpu.memory_space<vmem>>[vector<16xi32>, vector<16xi32>], vector<16xf32>,
          %shift_left3A_482 = arith.constant 5 : i32
          %shift_left3A_483 = arith.shli %mul3A_293, %shift_left3A_482 : i32
          %add3A_484 = vector.broadcast %shift_left3A_483 : i32 to vector<16xi32>
          %add3A_485 = arith.addi %add3A_150, %add3A_484 : vector<16xi32>
          tpu.vector_store_idx %arg8[%add3A_485], %gather3A_477 : memref<4096xf32, #tpu.memory_space<vmem>>[vector<16xi32>], vector<16xf32>,
          %add3A_486 = arith.constant 16 : i32
          %add3A_487 = vector.broadcast %add3A_486 : i32 to vector<16xi32>
          %add3A_488 = arith.addi %add3A_485, %add3A_487 : vector<16xi32>
          tpu.vector_store_idx %arg8[%add3A_488], %gather3A_481 : memref<4096xf32, #tpu.memory_space<vmem>>[vector<16xi32>], vector<16xf32>,
          %add3A_489 = vector.broadcast %mul3A_293 : i32 to vector<16xi32>
          %add3A_490 = arith.addi %add3A_489, %and3A_89 : vector<16xi32>
          %gather3A_491 = tpu.vector_load_idx %arg6[%iota3A, %add3A_490] : memref<32x128xf32, #tpu.memory_space<vmem>>[vector<16xi32>, vector<16xi32>], vector<16xf32>,
          %add3A_492 = arith.constant 16 : i32
          %add3A_493 = vector.broadcast %add3A_492 : i32 to vector<16xi32>
          %add3A_494 = arith.addi %iota3A, %add3A_493 : vector<16xi32>
          %gather3A_495 = tpu.vector_load_idx %arg6[%add3A_494, %add3A_490] : memref<32x128xf32, #tpu.memory_space<vmem>>[vector<16xi32>, vector<16xi32>], vector<16xf32>,
          %shift_left3A_496 = arith.constant 5 : i32
          %shift_left3A_497 = arith.shli %mul3A_293, %shift_left3A_496 : i32
          %add3A_498 = vector.broadcast %shift_left3A_497 : i32 to vector<16xi32>
          %add3A_499 = arith.addi %add3A_154, %add3A_498 : vector<16xi32>
          tpu.vector_store_idx %arg8[%add3A_499], %gather3A_491 : memref<4096xf32, #tpu.memory_space<vmem>>[vector<16xi32>], vector<16xf32>,
          %add3A_500 = arith.constant 16 : i32
          %add3A_501 = vector.broadcast %add3A_500 : i32 to vector<16xi32>
          %add3A_502 = arith.addi %add3A_499, %add3A_501 : vector<16xi32>
          tpu.vector_store_idx %arg8[%add3A_502], %gather3A_495 : memref<4096xf32, #tpu.memory_space<vmem>>[vector<16xi32>], vector<16xf32>,
          %add3A_503 = vector.broadcast %mul3A_293 : i32 to vector<16xi32>
          %add3A_504 = arith.addi %add3A_503, %and3A_95 : vector<16xi32>
          %gather3A_505 = tpu.vector_load_idx %arg6[%iota3A, %add3A_504] : memref<32x128xf32, #tpu.memory_space<vmem>>[vector<16xi32>, vector<16xi32>], vector<16xf32>,
          %add3A_506 = arith.constant 16 : i32
          %add3A_507 = vector.broadcast %add3A_506 : i32 to vector<16xi32>
          %add3A_508 = arith.addi %iota3A, %add3A_507 : vector<16xi32>
          %gather3A_509 = tpu.vector_load_idx %arg6[%add3A_508, %add3A_504] : memref<32x128xf32, #tpu.memory_space<vmem>>[vector<16xi32>, vector<16xi32>], vector<16xf32>,
          %shift_left3A_510 = arith.constant 5 : i32
          %shift_left3A_511 = arith.shli %mul3A_293, %shift_left3A_510 : i32
          %add3A_512 = vector.broadcast %shift_left3A_511 : i32 to vector<16xi32>
          %add3A_513 = arith.addi %add3A_158, %add3A_512 : vector<16xi32>
          tpu.vector_store_idx %arg8[%add3A_513], %gather3A_505 : memref<4096xf32, #tpu.memory_space<vmem>>[vector<16xi32>], vector<16xf32>,
          %add3A_514 = arith.constant 16 : i32
          %add3A_515 = vector.broadcast %add3A_514 : i32 to vector<16xi32>
          %add3A_516 = arith.addi %add3A_513, %add3A_515 : vector<16xi32>
          tpu.vector_store_idx %arg8[%add3A_516], %gather3A_509 : memref<4096xf32, #tpu.memory_space<vmem>>[vector<16xi32>], vector<16xf32>,
        }
        %scan3A_278 = arith.constant 8 : i32
        %mul3A_279 = arith.constant 32 : i32
        %mul3A_280 = arith.muli %mul3A_279, %add3A_242 : i32
        %add3A_281 = arith.addi %add3A, %mul3A_280 : i32
        %mul3A_282 = arith.constant 128 : i32
        %mul3A_283 = arith.muli %add3A_281, %mul3A_282 : i32
        %mul3A_284 = arith.constant 32 : i32
        %mul3A_285 = arith.muli %mul3A_283, %mul3A_284 : i32
        %dma_start3A = tpu.memref_slice %arg4[%mul3A_285] : memref<32000000xf32, #tpu.memory_space<hbm>> -> memref<4096xf32, #tpu.memory_space<hbm>>
        %dma_start3A_286 = tpu.memref_slice %arg4[%mul3A_285] : memref<32000000xf32, #tpu.memory_space<hbm>> -> memref<4096xf32, #tpu.memory_space<hbm>>
        tpu.enqueue_dma source(%arg8 : memref<4096xf32, #tpu.memory_space<vmem>>) target(%dma_start3A_286 : memref<4096xf32, #tpu.memory_space<hbm>>) target_semaphore(%arg12 : memref<!tpu.dma_semaphore, #tpu.memory_space<semaphore_mem>>)
      } else {
      }
    }
    %scan3A_170 = arith.constant 122 : i32
    %dma_wait3A = arith.constant 0 : i32
    %dma_wait3A_171 = tpu.memref_slice %arg4[%dma_wait3A] : memref<32000000xf32, #tpu.memory_space<hbm>> -> memref<4096xf32, #tpu.memory_space<hbm>>
    %dma_wait3A_172 = arith.constant 0 : i32
    %dma_wait3A_173 = tpu.memref_slice %arg4[%dma_wait3A_172] : memref<32000000xf32, #tpu.memory_space<hbm>> -> memref<4096xf32, #tpu.memory_space<hbm>>
    tpu.wait_dma2 semaphore(%arg11 : memref<!tpu.dma_semaphore, #tpu.memory_space<semaphore_mem>>) src(%dma_wait3A_173 : memref<4096xf32, #tpu.memory_space<hbm>>) dst(%arg7 : memref<4096xf32, #tpu.memory_space<vmem>>)
    %add3A_174 = arith.constant 7808 : i32
    %add3A_175 = arith.addi %add3A, %add3A_174 : i32
    %lt3A_176 = arith.constant 7812 : i32
    %lt3A_177 = arith.cmpi slt, %add3A_175, %lt3A_176 : i32
    %convert_element_type3A_178 = arith.extui %lt3A_177 : i1 to i32
    %cond3A_179 = arith.constant 0 : i32
    %cond3A_180 = arith.cmpi ne, %convert_element_type3A_178, %cond3A_179 : i32
    scf.if %cond3A_180 {
      %dma_wait3A_204 = arith.constant 0 : i32
      %dma_wait3A_205 = arith.constant 0 : i32
      %dma_wait3A_206 = tpu.memref_slice %arg2[%dma_wait3A_204, %dma_wait3A_205] : memref<32x1000000xf32, #tpu.memory_space<hbm>> -> memref<32x128xf32, #tpu.memory_space<hbm>>
      %dma_wait3A_207 = arith.constant 0 : i32
      %dma_wait3A_208 = arith.constant 0 : i32
      %dma_wait3A_209 = tpu.memref_slice %arg2[%dma_wait3A_207, %dma_wait3A_208] : memref<32x1000000xf32, #tpu.memory_space<hbm>> -> memref<32x128xf32, #tpu.memory_space<hbm>>
      tpu.wait_dma2 semaphore(%arg9 : memref<!tpu.dma_semaphore, #tpu.memory_space<semaphore_mem>>) src(%dma_wait3A_209 : memref<32x128xf32, #tpu.memory_space<hbm>>) dst(%arg5 : memref<32x128xf32, #tpu.memory_space<vmem>>)
    } else {
    }
    %add3A_181 = arith.constant 7808 : i32
    %add3A_182 = arith.addi %add3A, %add3A_181 : i32
    %lt3A_183 = arith.constant 7812 : i32
    %lt3A_184 = arith.cmpi slt, %add3A_182, %lt3A_183 : i32
    %convert_element_type3A_185 = arith.extui %lt3A_184 : i1 to i32
    %cond3A_186 = arith.constant 0 : i32
    %cond3A_187 = arith.cmpi ne, %convert_element_type3A_185, %cond3A_186 : i32
    scf.if %cond3A_187 {
      %scan3A_204 = arith.constant 0 : i32
      %scan3A_205 = arith.constant 8 : i32
      %scan3A_206 = arith.addi %scan3A_204, %scan3A_205 : i32
      %scan3A_207 = arith.constant 1 : i32
      scf.for %scan3A_216 = %scan3A_204 to %scan3A_206 step %scan3A_207  : i32 {
        %mul3A_217 = arith.constant 1 : i32
        %mul3A_218 = arith.muli %scan3A_216, %mul3A_217 : i32
        %add3A_219 = arith.constant 0 : i32
        %add3A_220 = arith.addi %add3A_219, %mul3A_218 : i32
        %mul3A_221 = arith.constant 16 : i32
        %mul3A_222 = arith.muli %add3A_220, %mul3A_221 : i32
        %add3A_223 = vector.broadcast %mul3A_222 : i32 to vector<16xi32>
        %add3A_224 = arith.addi %add3A_223, %and3A_5 : vector<16xi32>
        %gather3A = tpu.vector_load_idx %arg5[%iota3A, %add3A_224] : memref<32x128xf32, #tpu.memory_space<vmem>>[vector<16xi32>, vector<16xi32>], vector<16xf32>,
        %add3A_225 = arith.constant 16 : i32
        %add3A_226 = vector.broadcast %add3A_225 : i32 to vector<16xi32>
        %add3A_227 = arith.addi %iota3A, %add3A_226 : vector<16xi32>
        %gather3A_228 = tpu.vector_load_idx %arg5[%add3A_227, %add3A_224] : memref<32x128xf32, #tpu.memory_space<vmem>>[vector<16xi32>, vector<16xi32>], vector<16xf32>,
        %shift_left3A_229 = arith.constant 5 : i32
        %shift_left3A_230 = arith.shli %mul3A_222, %shift_left3A_229 : i32
        %add3A_231 = vector.broadcast %shift_left3A_230 : i32 to vector<16xi32>
        %add3A_232 = arith.addi %add3A_98, %add3A_231 : vector<16xi32>
        tpu.vector_store_idx %arg7[%add3A_232], %gather3A : memref<4096xf32, #tpu.memory_space<vmem>>[vector<16xi32>], vector<16xf32>,
        %add3A_233 = arith.constant 16 : i32
        %add3A_234 = vector.broadcast %add3A_233 : i32 to vector<16xi32>
        %add3A_235 = arith.addi %add3A_232, %add3A_234 : vector<16xi32>
        tpu.vector_store_idx %arg7[%add3A_235], %gather3A_228 : memref<4096xf32, #tpu.memory_space<vmem>>[vector<16xi32>], vector<16xf32>,
        %add3A_236 = vector.broadcast %mul3A_222 : i32 to vector<16xi32>
        %add3A_237 = arith.addi %add3A_236, %and3A_11 : vector<16xi32>
        %gather3A_238 = tpu.vector_load_idx %arg5[%iota3A, %add3A_237] : memref<32x128xf32, #tpu.memory_space<vmem>>[vector<16xi32>, vector<16xi32>], vector<16xf32>,
        %add3A_239 = arith.constant 16 : i32
        %add3A_240 = vector.broadcast %add3A_239 : i32 to vector<16xi32>
        %add3A_241 = arith.addi %iota3A, %add3A_240 : vector<16xi32>
        %gather3A_242 = tpu.vector_load_idx %arg5[%add3A_241, %add3A_237] : memref<32x128xf32, #tpu.memory_space<vmem>>[vector<16xi32>, vector<16xi32>], vector<16xf32>,
        %shift_left3A_243 = arith.constant 5 : i32
        %shift_left3A_244 = arith.shli %mul3A_222, %shift_left3A_243 : i32
        %add3A_245 = vector.broadcast %shift_left3A_244 : i32 to vector<16xi32>
        %add3A_246 = arith.addi %add3A_102, %add3A_245 : vector<16xi32>
        tpu.vector_store_idx %arg7[%add3A_246], %gather3A_238 : memref<4096xf32, #tpu.memory_space<vmem>>[vector<16xi32>], vector<16xf32>,
        %add3A_247 = arith.constant 16 : i32
        %add3A_248 = vector.broadcast %add3A_247 : i32 to vector<16xi32>
        %add3A_249 = arith.addi %add3A_246, %add3A_248 : vector<16xi32>
        tpu.vector_store_idx %arg7[%add3A_249], %gather3A_242 : memref<4096xf32, #tpu.memory_space<vmem>>[vector<16xi32>], vector<16xf32>,
        %add3A_250 = vector.broadcast %mul3A_222 : i32 to vector<16xi32>
        %add3A_251 = arith.addi %add3A_250, %and3A_17 : vector<16xi32>
        %gather3A_252 = tpu.vector_load_idx %arg5[%iota3A, %add3A_251] : memref<32x128xf32, #tpu.memory_space<vmem>>[vector<16xi32>, vector<16xi32>], vector<16xf32>,
        %add3A_253 = arith.constant 16 : i32
        %add3A_254 = vector.broadcast %add3A_253 : i32 to vector<16xi32>
        %add3A_255 = arith.addi %iota3A, %add3A_254 : vector<16xi32>
        %gather3A_256 = tpu.vector_load_idx %arg5[%add3A_255, %add3A_251] : memref<32x128xf32, #tpu.memory_space<vmem>>[vector<16xi32>, vector<16xi32>], vector<16xf32>,
        %shift_left3A_257 = arith.constant 5 : i32
        %shift_left3A_258 = arith.shli %mul3A_222, %shift_left3A_257 : i32
        %add3A_259 = vector.broadcast %shift_left3A_258 : i32 to vector<16xi32>
        %add3A_260 = arith.addi %add3A_106, %add3A_259 : vector<16xi32>
        tpu.vector_store_idx %arg7[%add3A_260], %gather3A_252 : memref<4096xf32, #tpu.memory_space<vmem>>[vector<16xi32>], vector<16xf32>,
        %add3A_261 = arith.constant 16 : i32
        %add3A_262 = vector.broadcast %add3A_261 : i32 to vector<16xi32>
        %add3A_263 = arith.addi %add3A_260, %add3A_262 : vector<16xi32>
        tpu.vector_store_idx %arg7[%add3A_263], %gather3A_256 : memref<4096xf32, #tpu.memory_space<vmem>>[vector<16xi32>], vector<16xf32>,
        %add3A_264 = vector.broadcast %mul3A_222 : i32 to vector<16xi32>
        %add3A_265 = arith.addi %add3A_264, %and3A_23 : vector<16xi32>
        %gather3A_266 = tpu.vector_load_idx %arg5[%iota3A, %add3A_265] : memref<32x128xf32, #tpu.memory_space<vmem>>[vector<16xi32>, vector<16xi32>], vector<16xf32>,
        %add3A_267 = arith.constant 16 : i32
        %add3A_268 = vector.broadcast %add3A_267 : i32 to vector<16xi32>
        %add3A_269 = arith.addi %iota3A, %add3A_268 : vector<16xi32>
        %gather3A_270 = tpu.vector_load_idx %arg5[%add3A_269, %add3A_265] : memref<32x128xf32, #tpu.memory_space<vmem>>[vector<16xi32>, vector<16xi32>], vector<16xf32>,
        %shift_left3A_271 = arith.constant 5 : i32
        %shift_left3A_272 = arith.shli %mul3A_222, %shift_left3A_271 : i32
        %add3A_273 = vector.broadcast %shift_left3A_272 : i32 to vector<16xi32>
        %add3A_274 = arith.addi %add3A_110, %add3A_273 : vector<16xi32>
        tpu.vector_store_idx %arg7[%add3A_274], %gather3A_266 : memref<4096xf32, #tpu.memory_space<vmem>>[vector<16xi32>], vector<16xf32>,
        %add3A_275 = arith.constant 16 : i32
        %add3A_276 = vector.broadcast %add3A_275 : i32 to vector<16xi32>
        %add3A_277 = arith.addi %add3A_274, %add3A_276 : vector<16xi32>
        tpu.vector_store_idx %arg7[%add3A_277], %gather3A_270 : memref<4096xf32, #tpu.memory_space<vmem>>[vector<16xi32>], vector<16xf32>,
        %add3A_278 = vector.broadcast %mul3A_222 : i32 to vector<16xi32>
        %add3A_279 = arith.addi %add3A_278, %and3A_29 : vector<16xi32>
        %gather3A_280 = tpu.vector_load_idx %arg5[%iota3A, %add3A_279] : memref<32x128xf32, #tpu.memory_space<vmem>>[vector<16xi32>, vector<16xi32>], vector<16xf32>,
        %add3A_281 = arith.constant 16 : i32
        %add3A_282 = vector.broadcast %add3A_281 : i32 to vector<16xi32>
        %add3A_283 = arith.addi %iota3A, %add3A_282 : vector<16xi32>
        %gather3A_284 = tpu.vector_load_idx %arg5[%add3A_283, %add3A_279] : memref<32x128xf32, #tpu.memory_space<vmem>>[vector<16xi32>, vector<16xi32>], vector<16xf32>,
        %shift_left3A_285 = arith.constant 5 : i32
        %shift_left3A_286 = arith.shli %mul3A_222, %shift_left3A_285 : i32
        %add3A_287 = vector.broadcast %shift_left3A_286 : i32 to vector<16xi32>
        %add3A_288 = arith.addi %add3A_114, %add3A_287 : vector<16xi32>
        tpu.vector_store_idx %arg7[%add3A_288], %gather3A_280 : memref<4096xf32, #tpu.memory_space<vmem>>[vector<16xi32>], vector<16xf32>,
        %add3A_289 = arith.constant 16 : i32
        %add3A_290 = vector.broadcast %add3A_289 : i32 to vector<16xi32>
        %add3A_291 = arith.addi %add3A_288, %add3A_290 : vector<16xi32>
        tpu.vector_store_idx %arg7[%add3A_291], %gather3A_284 : memref<4096xf32, #tpu.memory_space<vmem>>[vector<16xi32>], vector<16xf32>,
        %add3A_292 = vector.broadcast %mul3A_222 : i32 to vector<16xi32>
        %add3A_293 = arith.addi %add3A_292, %and3A_35 : vector<16xi32>
        %gather3A_294 = tpu.vector_load_idx %arg5[%iota3A, %add3A_293] : memref<32x128xf32, #tpu.memory_space<vmem>>[vector<16xi32>, vector<16xi32>], vector<16xf32>,
        %add3A_295 = arith.constant 16 : i32
        %add3A_296 = vector.broadcast %add3A_295 : i32 to vector<16xi32>
        %add3A_297 = arith.addi %iota3A, %add3A_296 : vector<16xi32>
        %gather3A_298 = tpu.vector_load_idx %arg5[%add3A_297, %add3A_293] : memref<32x128xf32, #tpu.memory_space<vmem>>[vector<16xi32>, vector<16xi32>], vector<16xf32>,
        %shift_left3A_299 = arith.constant 5 : i32
        %shift_left3A_300 = arith.shli %mul3A_222, %shift_left3A_299 : i32
        %add3A_301 = vector.broadcast %shift_left3A_300 : i32 to vector<16xi32>
        %add3A_302 = arith.addi %add3A_118, %add3A_301 : vector<16xi32>
        tpu.vector_store_idx %arg7[%add3A_302], %gather3A_294 : memref<4096xf32, #tpu.memory_space<vmem>>[vector<16xi32>], vector<16xf32>,
        %add3A_303 = arith.constant 16 : i32
        %add3A_304 = vector.broadcast %add3A_303 : i32 to vector<16xi32>
        %add3A_305 = arith.addi %add3A_302, %add3A_304 : vector<16xi32>
        tpu.vector_store_idx %arg7[%add3A_305], %gather3A_298 : memref<4096xf32, #tpu.memory_space<vmem>>[vector<16xi32>], vector<16xf32>,
        %add3A_306 = vector.broadcast %mul3A_222 : i32 to vector<16xi32>
        %add3A_307 = arith.addi %add3A_306, %and3A_41 : vector<16xi32>
        %gather3A_308 = tpu.vector_load_idx %arg5[%iota3A, %add3A_307] : memref<32x128xf32, #tpu.memory_space<vmem>>[vector<16xi32>, vector<16xi32>], vector<16xf32>,
        %add3A_309 = arith.constant 16 : i32
        %add3A_310 = vector.broadcast %add3A_309 : i32 to vector<16xi32>
        %add3A_311 = arith.addi %iota3A, %add3A_310 : vector<16xi32>
        %gather3A_312 = tpu.vector_load_idx %arg5[%add3A_311, %add3A_307] : memref<32x128xf32, #tpu.memory_space<vmem>>[vector<16xi32>, vector<16xi32>], vector<16xf32>,
        %shift_left3A_313 = arith.constant 5 : i32
        %shift_left3A_314 = arith.shli %mul3A_222, %shift_left3A_313 : i32
        %add3A_315 = vector.broadcast %shift_left3A_314 : i32 to vector<16xi32>
        %add3A_316 = arith.addi %add3A_122, %add3A_315 : vector<16xi32>
        tpu.vector_store_idx %arg7[%add3A_316], %gather3A_308 : memref<4096xf32, #tpu.memory_space<vmem>>[vector<16xi32>], vector<16xf32>,
        %add3A_317 = arith.constant 16 : i32
        %add3A_318 = vector.broadcast %add3A_317 : i32 to vector<16xi32>
        %add3A_319 = arith.addi %add3A_316, %add3A_318 : vector<16xi32>
        tpu.vector_store_idx %arg7[%add3A_319], %gather3A_312 : memref<4096xf32, #tpu.memory_space<vmem>>[vector<16xi32>], vector<16xf32>,
        %add3A_320 = vector.broadcast %mul3A_222 : i32 to vector<16xi32>
        %add3A_321 = arith.addi %add3A_320, %and3A_47 : vector<16xi32>
        %gather3A_322 = tpu.vector_load_idx %arg5[%iota3A, %add3A_321] : memref<32x128xf32, #tpu.memory_space<vmem>>[vector<16xi32>, vector<16xi32>], vector<16xf32>,
        %add3A_323 = arith.constant 16 : i32
        %add3A_324 = vector.broadcast %add3A_323 : i32 to vector<16xi32>
        %add3A_325 = arith.addi %iota3A, %add3A_324 : vector<16xi32>
        %gather3A_326 = tpu.vector_load_idx %arg5[%add3A_325, %add3A_321] : memref<32x128xf32, #tpu.memory_space<vmem>>[vector<16xi32>, vector<16xi32>], vector<16xf32>,
        %shift_left3A_327 = arith.constant 5 : i32
        %shift_left3A_328 = arith.shli %mul3A_222, %shift_left3A_327 : i32
        %add3A_329 = vector.broadcast %shift_left3A_328 : i32 to vector<16xi32>
        %add3A_330 = arith.addi %add3A_126, %add3A_329 : vector<16xi32>
        tpu.vector_store_idx %arg7[%add3A_330], %gather3A_322 : memref<4096xf32, #tpu.memory_space<vmem>>[vector<16xi32>], vector<16xf32>,
        %add3A_331 = arith.constant 16 : i32
        %add3A_332 = vector.broadcast %add3A_331 : i32 to vector<16xi32>
        %add3A_333 = arith.addi %add3A_330, %add3A_332 : vector<16xi32>
        tpu.vector_store_idx %arg7[%add3A_333], %gather3A_326 : memref<4096xf32, #tpu.memory_space<vmem>>[vector<16xi32>], vector<16xf32>,
        %add3A_334 = vector.broadcast %mul3A_222 : i32 to vector<16xi32>
        %add3A_335 = arith.addi %add3A_334, %and3A_53 : vector<16xi32>
        %gather3A_336 = tpu.vector_load_idx %arg5[%iota3A, %add3A_335] : memref<32x128xf32, #tpu.memory_space<vmem>>[vector<16xi32>, vector<16xi32>], vector<16xf32>,
        %add3A_337 = arith.constant 16 : i32
        %add3A_338 = vector.broadcast %add3A_337 : i32 to vector<16xi32>
        %add3A_339 = arith.addi %iota3A, %add3A_338 : vector<16xi32>
        %gather3A_340 = tpu.vector_load_idx %arg5[%add3A_339, %add3A_335] : memref<32x128xf32, #tpu.memory_space<vmem>>[vector<16xi32>, vector<16xi32>], vector<16xf32>,
        %shift_left3A_341 = arith.constant 5 : i32
        %shift_left3A_342 = arith.shli %mul3A_222, %shift_left3A_341 : i32
        %add3A_343 = vector.broadcast %shift_left3A_342 : i32 to vector<16xi32>
        %add3A_344 = arith.addi %add3A_130, %add3A_343 : vector<16xi32>
        tpu.vector_store_idx %arg7[%add3A_344], %gather3A_336 : memref<4096xf32, #tpu.memory_space<vmem>>[vector<16xi32>], vector<16xf32>,
        %add3A_345 = arith.constant 16 : i32
        %add3A_346 = vector.broadcast %add3A_345 : i32 to vector<16xi32>
        %add3A_347 = arith.addi %add3A_344, %add3A_346 : vector<16xi32>
        tpu.vector_store_idx %arg7[%add3A_347], %gather3A_340 : memref<4096xf32, #tpu.memory_space<vmem>>[vector<16xi32>], vector<16xf32>,
        %add3A_348 = vector.broadcast %mul3A_222 : i32 to vector<16xi32>
        %add3A_349 = arith.addi %add3A_348, %and3A_59 : vector<16xi32>
        %gather3A_350 = tpu.vector_load_idx %arg5[%iota3A, %add3A_349] : memref<32x128xf32, #tpu.memory_space<vmem>>[vector<16xi32>, vector<16xi32>], vector<16xf32>,
        %add3A_351 = arith.constant 16 : i32
        %add3A_352 = vector.broadcast %add3A_351 : i32 to vector<16xi32>
        %add3A_353 = arith.addi %iota3A, %add3A_352 : vector<16xi32>
        %gather3A_354 = tpu.vector_load_idx %arg5[%add3A_353, %add3A_349] : memref<32x128xf32, #tpu.memory_space<vmem>>[vector<16xi32>, vector<16xi32>], vector<16xf32>,
        %shift_left3A_355 = arith.constant 5 : i32
        %shift_left3A_356 = arith.shli %mul3A_222, %shift_left3A_355 : i32
        %add3A_357 = vector.broadcast %shift_left3A_356 : i32 to vector<16xi32>
        %add3A_358 = arith.addi %add3A_134, %add3A_357 : vector<16xi32>
        tpu.vector_store_idx %arg7[%add3A_358], %gather3A_350 : memref<4096xf32, #tpu.memory_space<vmem>>[vector<16xi32>], vector<16xf32>,
        %add3A_359 = arith.constant 16 : i32
        %add3A_360 = vector.broadcast %add3A_359 : i32 to vector<16xi32>
        %add3A_361 = arith.addi %add3A_358, %add3A_360 : vector<16xi32>
        tpu.vector_store_idx %arg7[%add3A_361], %gather3A_354 : memref<4096xf32, #tpu.memory_space<vmem>>[vector<16xi32>], vector<16xf32>,
        %add3A_362 = vector.broadcast %mul3A_222 : i32 to vector<16xi32>
        %add3A_363 = arith.addi %add3A_362, %and3A_65 : vector<16xi32>
        %gather3A_364 = tpu.vector_load_idx %arg5[%iota3A, %add3A_363] : memref<32x128xf32, #tpu.memory_space<vmem>>[vector<16xi32>, vector<16xi32>], vector<16xf32>,
        %add3A_365 = arith.constant 16 : i32
        %add3A_366 = vector.broadcast %add3A_365 : i32 to vector<16xi32>
        %add3A_367 = arith.addi %iota3A, %add3A_366 : vector<16xi32>
        %gather3A_368 = tpu.vector_load_idx %arg5[%add3A_367, %add3A_363] : memref<32x128xf32, #tpu.memory_space<vmem>>[vector<16xi32>, vector<16xi32>], vector<16xf32>,
        %shift_left3A_369 = arith.constant 5 : i32
        %shift_left3A_370 = arith.shli %mul3A_222, %shift_left3A_369 : i32
        %add3A_371 = vector.broadcast %shift_left3A_370 : i32 to vector<16xi32>
        %add3A_372 = arith.addi %add3A_138, %add3A_371 : vector<16xi32>
        tpu.vector_store_idx %arg7[%add3A_372], %gather3A_364 : memref<4096xf32, #tpu.memory_space<vmem>>[vector<16xi32>], vector<16xf32>,
        %add3A_373 = arith.constant 16 : i32
        %add3A_374 = vector.broadcast %add3A_373 : i32 to vector<16xi32>
        %add3A_375 = arith.addi %add3A_372, %add3A_374 : vector<16xi32>
        tpu.vector_store_idx %arg7[%add3A_375], %gather3A_368 : memref<4096xf32, #tpu.memory_space<vmem>>[vector<16xi32>], vector<16xf32>,
        %add3A_376 = vector.broadcast %mul3A_222 : i32 to vector<16xi32>
        %add3A_377 = arith.addi %add3A_376, %and3A_71 : vector<16xi32>
        %gather3A_378 = tpu.vector_load_idx %arg5[%iota3A, %add3A_377] : memref<32x128xf32, #tpu.memory_space<vmem>>[vector<16xi32>, vector<16xi32>], vector<16xf32>,
        %add3A_379 = arith.constant 16 : i32
        %add3A_380 = vector.broadcast %add3A_379 : i32 to vector<16xi32>
        %add3A_381 = arith.addi %iota3A, %add3A_380 : vector<16xi32>
        %gather3A_382 = tpu.vector_load_idx %arg5[%add3A_381, %add3A_377] : memref<32x128xf32, #tpu.memory_space<vmem>>[vector<16xi32>, vector<16xi32>], vector<16xf32>,
        %shift_left3A_383 = arith.constant 5 : i32
        %shift_left3A_384 = arith.shli %mul3A_222, %shift_left3A_383 : i32
        %add3A_385 = vector.broadcast %shift_left3A_384 : i32 to vector<16xi32>
        %add3A_386 = arith.addi %add3A_142, %add3A_385 : vector<16xi32>
        tpu.vector_store_idx %arg7[%add3A_386], %gather3A_378 : memref<4096xf32, #tpu.memory_space<vmem>>[vector<16xi32>], vector<16xf32>,
        %add3A_387 = arith.constant 16 : i32
        %add3A_388 = vector.broadcast %add3A_387 : i32 to vector<16xi32>
        %add3A_389 = arith.addi %add3A_386, %add3A_388 : vector<16xi32>
        tpu.vector_store_idx %arg7[%add3A_389], %gather3A_382 : memref<4096xf32, #tpu.memory_space<vmem>>[vector<16xi32>], vector<16xf32>,
        %add3A_390 = vector.broadcast %mul3A_222 : i32 to vector<16xi32>
        %add3A_391 = arith.addi %add3A_390, %and3A_77 : vector<16xi32>
        %gather3A_392 = tpu.vector_load_idx %arg5[%iota3A, %add3A_391] : memref<32x128xf32, #tpu.memory_space<vmem>>[vector<16xi32>, vector<16xi32>], vector<16xf32>,
        %add3A_393 = arith.constant 16 : i32
        %add3A_394 = vector.broadcast %add3A_393 : i32 to vector<16xi32>
        %add3A_395 = arith.addi %iota3A, %add3A_394 : vector<16xi32>
        %gather3A_396 = tpu.vector_load_idx %arg5[%add3A_395, %add3A_391] : memref<32x128xf32, #tpu.memory_space<vmem>>[vector<16xi32>, vector<16xi32>], vector<16xf32>,
        %shift_left3A_397 = arith.constant 5 : i32
        %shift_left3A_398 = arith.shli %mul3A_222, %shift_left3A_397 : i32
        %add3A_399 = vector.broadcast %shift_left3A_398 : i32 to vector<16xi32>
        %add3A_400 = arith.addi %add3A_146, %add3A_399 : vector<16xi32>
        tpu.vector_store_idx %arg7[%add3A_400], %gather3A_392 : memref<4096xf32, #tpu.memory_space<vmem>>[vector<16xi32>], vector<16xf32>,
        %add3A_401 = arith.constant 16 : i32
        %add3A_402 = vector.broadcast %add3A_401 : i32 to vector<16xi32>
        %add3A_403 = arith.addi %add3A_400, %add3A_402 : vector<16xi32>
        tpu.vector_store_idx %arg7[%add3A_403], %gather3A_396 : memref<4096xf32, #tpu.memory_space<vmem>>[vector<16xi32>], vector<16xf32>,
        %add3A_404 = vector.broadcast %mul3A_222 : i32 to vector<16xi32>
        %add3A_405 = arith.addi %add3A_404, %and3A_83 : vector<16xi32>
        %gather3A_406 = tpu.vector_load_idx %arg5[%iota3A, %add3A_405] : memref<32x128xf32, #tpu.memory_space<vmem>>[vector<16xi32>, vector<16xi32>], vector<16xf32>,
        %add3A_407 = arith.constant 16 : i32
        %add3A_408 = vector.broadcast %add3A_407 : i32 to vector<16xi32>
        %add3A_409 = arith.addi %iota3A, %add3A_408 : vector<16xi32>
        %gather3A_410 = tpu.vector_load_idx %arg5[%add3A_409, %add3A_405] : memref<32x128xf32, #tpu.memory_space<vmem>>[vector<16xi32>, vector<16xi32>], vector<16xf32>,
        %shift_left3A_411 = arith.constant 5 : i32
        %shift_left3A_412 = arith.shli %mul3A_222, %shift_left3A_411 : i32
        %add3A_413 = vector.broadcast %shift_left3A_412 : i32 to vector<16xi32>
        %add3A_414 = arith.addi %add3A_150, %add3A_413 : vector<16xi32>
        tpu.vector_store_idx %arg7[%add3A_414], %gather3A_406 : memref<4096xf32, #tpu.memory_space<vmem>>[vector<16xi32>], vector<16xf32>,
        %add3A_415 = arith.constant 16 : i32
        %add3A_416 = vector.broadcast %add3A_415 : i32 to vector<16xi32>
        %add3A_417 = arith.addi %add3A_414, %add3A_416 : vector<16xi32>
        tpu.vector_store_idx %arg7[%add3A_417], %gather3A_410 : memref<4096xf32, #tpu.memory_space<vmem>>[vector<16xi32>], vector<16xf32>,
        %add3A_418 = vector.broadcast %mul3A_222 : i32 to vector<16xi32>
        %add3A_419 = arith.addi %add3A_418, %and3A_89 : vector<16xi32>
        %gather3A_420 = tpu.vector_load_idx %arg5[%iota3A, %add3A_419] : memref<32x128xf32, #tpu.memory_space<vmem>>[vector<16xi32>, vector<16xi32>], vector<16xf32>,
        %add3A_421 = arith.constant 16 : i32
        %add3A_422 = vector.broadcast %add3A_421 : i32 to vector<16xi32>
        %add3A_423 = arith.addi %iota3A, %add3A_422 : vector<16xi32>
        %gather3A_424 = tpu.vector_load_idx %arg5[%add3A_423, %add3A_419] : memref<32x128xf32, #tpu.memory_space<vmem>>[vector<16xi32>, vector<16xi32>], vector<16xf32>,
        %shift_left3A_425 = arith.constant 5 : i32
        %shift_left3A_426 = arith.shli %mul3A_222, %shift_left3A_425 : i32
        %add3A_427 = vector.broadcast %shift_left3A_426 : i32 to vector<16xi32>
        %add3A_428 = arith.addi %add3A_154, %add3A_427 : vector<16xi32>
        tpu.vector_store_idx %arg7[%add3A_428], %gather3A_420 : memref<4096xf32, #tpu.memory_space<vmem>>[vector<16xi32>], vector<16xf32>,
        %add3A_429 = arith.constant 16 : i32
        %add3A_430 = vector.broadcast %add3A_429 : i32 to vector<16xi32>
        %add3A_431 = arith.addi %add3A_428, %add3A_430 : vector<16xi32>
        tpu.vector_store_idx %arg7[%add3A_431], %gather3A_424 : memref<4096xf32, #tpu.memory_space<vmem>>[vector<16xi32>], vector<16xf32>,
        %add3A_432 = vector.broadcast %mul3A_222 : i32 to vector<16xi32>
        %add3A_433 = arith.addi %add3A_432, %and3A_95 : vector<16xi32>
        %gather3A_434 = tpu.vector_load_idx %arg5[%iota3A, %add3A_433] : memref<32x128xf32, #tpu.memory_space<vmem>>[vector<16xi32>, vector<16xi32>], vector<16xf32>,
        %add3A_435 = arith.constant 16 : i32
        %add3A_436 = vector.broadcast %add3A_435 : i32 to vector<16xi32>
        %add3A_437 = arith.addi %iota3A, %add3A_436 : vector<16xi32>
        %gather3A_438 = tpu.vector_load_idx %arg5[%add3A_437, %add3A_433] : memref<32x128xf32, #tpu.memory_space<vmem>>[vector<16xi32>, vector<16xi32>], vector<16xf32>,
        %shift_left3A_439 = arith.constant 5 : i32
        %shift_left3A_440 = arith.shli %mul3A_222, %shift_left3A_439 : i32
        %add3A_441 = vector.broadcast %shift_left3A_440 : i32 to vector<16xi32>
        %add3A_442 = arith.addi %add3A_158, %add3A_441 : vector<16xi32>
        tpu.vector_store_idx %arg7[%add3A_442], %gather3A_434 : memref<4096xf32, #tpu.memory_space<vmem>>[vector<16xi32>], vector<16xf32>,
        %add3A_443 = arith.constant 16 : i32
        %add3A_444 = vector.broadcast %add3A_443 : i32 to vector<16xi32>
        %add3A_445 = arith.addi %add3A_442, %add3A_444 : vector<16xi32>
        tpu.vector_store_idx %arg7[%add3A_445], %gather3A_438 : memref<4096xf32, #tpu.memory_space<vmem>>[vector<16xi32>], vector<16xf32>,
      }
      %scan3A_208 = arith.constant 8 : i32
      %add3A_209 = arith.constant 7808 : i32
      %add3A_210 = arith.addi %add3A, %add3A_209 : i32
      %mul3A_211 = arith.constant 128 : i32
      %mul3A_212 = arith.muli %add3A_210, %mul3A_211 : i32
      %mul3A_213 = arith.constant 32 : i32
      %mul3A_214 = arith.muli %mul3A_212, %mul3A_213 : i32
      %dma_start3A = tpu.memref_slice %arg4[%mul3A_214] : memref<32000000xf32, #tpu.memory_space<hbm>> -> memref<4096xf32, #tpu.memory_space<hbm>>
      %dma_start3A_215 = tpu.memref_slice %arg4[%mul3A_214] : memref<32000000xf32, #tpu.memory_space<hbm>> -> memref<4096xf32, #tpu.memory_space<hbm>>
      tpu.enqueue_dma source(%arg7 : memref<4096xf32, #tpu.memory_space<vmem>>) target(%dma_start3A_215 : memref<4096xf32, #tpu.memory_space<hbm>>) target_semaphore(%arg11 : memref<!tpu.dma_semaphore, #tpu.memory_space<semaphore_mem>>)
    } else {
    }
    %dma_wait3A_188 = arith.constant 0 : i32
    %dma_wait3A_189 = tpu.memref_slice %arg4[%dma_wait3A_188] : memref<32000000xf32, #tpu.memory_space<hbm>> -> memref<4096xf32, #tpu.memory_space<hbm>>
    %dma_wait3A_190 = arith.constant 0 : i32
    %dma_wait3A_191 = tpu.memref_slice %arg4[%dma_wait3A_190] : memref<32000000xf32, #tpu.memory_space<hbm>> -> memref<4096xf32, #tpu.memory_space<hbm>>
    tpu.wait_dma2 semaphore(%arg12 : memref<!tpu.dma_semaphore, #tpu.memory_space<semaphore_mem>>) src(%dma_wait3A_191 : memref<4096xf32, #tpu.memory_space<hbm>>) dst(%arg8 : memref<4096xf32, #tpu.memory_space<vmem>>)
    %add3A_192 = arith.constant 7808 : i32
    %add3A_193 = arith.addi %add3A, %add3A_192 : i32
    %lt3A_194 = arith.constant 7812 : i32
    %lt3A_195 = arith.cmpi slt, %add3A_193, %lt3A_194 : i32
    %convert_element_type3A_196 = arith.extui %lt3A_195 : i1 to i32
    %cond3A_197 = arith.constant 0 : i32
    %cond3A_198 = arith.cmpi ne, %convert_element_type3A_196, %cond3A_197 : i32
    scf.if %cond3A_198 {
      %dma_wait3A_204 = arith.constant 0 : i32
      %dma_wait3A_205 = tpu.memref_slice %arg4[%dma_wait3A_204] : memref<32000000xf32, #tpu.memory_space<hbm>> -> memref<4096xf32, #tpu.memory_space<hbm>>
      %dma_wait3A_206 = arith.constant 0 : i32
      %dma_wait3A_207 = tpu.memref_slice %arg4[%dma_wait3A_206] : memref<32000000xf32, #tpu.memory_space<hbm>> -> memref<4096xf32, #tpu.memory_space<hbm>>
      tpu.wait_dma2 semaphore(%arg11 : memref<!tpu.dma_semaphore, #tpu.memory_space<semaphore_mem>>) src(%dma_wait3A_207 : memref<4096xf32, #tpu.memory_space<hbm>>) dst(%arg7 : memref<4096xf32, #tpu.memory_space<vmem>>)
    } else {
    }
    %eq3A_199 = arith.constant 0 : i32
    %eq3A_200 = arith.cmpi eq, %add3A, %eq3A_199 : i32
    %convert_element_type3A_201 = arith.extui %eq3A_200 : i1 to i32
    %cond3A_202 = arith.constant 0 : i32
    %cond3A_203 = arith.cmpi ne, %convert_element_type3A_201, %cond3A_202 : i32
    scf.if %cond3A_203 {
      %dma_wait3A_204 = arith.constant 0 : i32
      %dma_wait3A_205 = tpu.memref_slice %arg4[%dma_wait3A_204] : memref<32000000xf32, #tpu.memory_space<hbm>> -> memref<2048xf32, #tpu.memory_space<hbm>>
      tpu.wait_dma2 semaphore(%arg13 : memref<!tpu.dma_semaphore, #tpu.memory_space<semaphore_mem>>) src(%arg3 : memref<2048xf32, #tpu.memory_space<hbm>>) dst(%dma_wait3A_205 : memref<2048xf32, #tpu.memory_space<hbm>>)
    } else {
    }
    return
  }
}

#map = affine_map<(d0, d1) -> (0)>
#map1 = affine_map<(d0, d1) -> (0, 0)>
module attributes {stable_mosaic.version = 14 : i64} {
  func.func @_embed_gather(%arg0: i32, %arg1: i32, %arg2: memref<819200xi32, #tpu.memory_space<hbm>>, %arg3: memref<1000000x32xf32, #tpu.memory_space<hbm>>, %arg4: memref<26214400xf32, #tpu.memory_space<hbm>>, %arg5: memref<25600xi32, #tpu.memory_space<vmem>>, %arg6: memref<512x32xf32, #tpu.memory_space<vmem>>, %arg7: memref<512x32xf32, #tpu.memory_space<vmem>>, %arg8: memref<16384xf32, #tpu.memory_space<vmem>>, %arg9: memref<16384xf32, #tpu.memory_space<vmem>>, %arg10: memref<!tpu.dma_semaphore, #tpu.memory_space<semaphore_mem>>, %arg11: memref<!tpu.dma_semaphore, #tpu.memory_space<semaphore_mem>>, %arg12: memref<!tpu.dma_semaphore, #tpu.memory_space<semaphore_mem>>, %arg13: memref<!tpu.dma_semaphore, #tpu.memory_space<semaphore_mem>>) attributes {dimension_semantics = [#tpu.dimension_semantics<core_parallel>, #tpu.dimension_semantics<subcore_parallel>], iteration_bounds = array<i64: 2, 16>, scalar_prefetch = 0 : i64, scratch_operands = 9 : i64, tpu.core_type = #tpu.core_type<sc_vector_subcore>, window_params = [{transform_indices = #map}, {transform_indices = #map1}, {transform_indices = #map}]} {
    %mul3A = arith.constant 2 : i32
    %mul3A_0 = arith.muli %arg1, %mul3A : i32
    %add3A = arith.addi %mul3A_0, %arg0 : i32
    %mul3A_1 = arith.constant 25600 : i32
    %mul3A_2 = arith.muli %add3A, %mul3A_1 : i32
    "tpu.region"() ({
      %run_scoped3A = tpu.sem_alloc : memref<!tpu.dma_semaphore, #tpu.memory_space<semaphore_mem>>
      %dma_start3A_140 = tpu.memref_slice %arg2[%mul3A_2] : memref<819200xi32, #tpu.memory_space<hbm>> -> memref<25600xi32, #tpu.memory_space<hbm>>
      %dma_start3A_141 = tpu.memref_slice %arg2[%mul3A_2] : memref<819200xi32, #tpu.memory_space<hbm>> -> memref<25600xi32, #tpu.memory_space<hbm>>
      tpu.enqueue_dma source(%dma_start3A_141 : memref<25600xi32, #tpu.memory_space<hbm>>) target(%arg5 : memref<25600xi32, #tpu.memory_space<vmem>>) target_semaphore(%run_scoped3A : memref<!tpu.dma_semaphore, #tpu.memory_space<semaphore_mem>>)
      %dma_wait3A_142 = tpu.memref_slice %arg2[%mul3A_2] : memref<819200xi32, #tpu.memory_space<hbm>> -> memref<25600xi32, #tpu.memory_space<hbm>>
      %dma_wait3A_143 = tpu.memref_slice %arg2[%mul3A_2] : memref<819200xi32, #tpu.memory_space<hbm>> -> memref<25600xi32, #tpu.memory_space<hbm>>
      tpu.wait_dma2 semaphore(%run_scoped3A : memref<!tpu.dma_semaphore, #tpu.memory_space<semaphore_mem>>) src(%dma_wait3A_143 : memref<25600xi32, #tpu.memory_space<hbm>>) dst(%arg5 : memref<25600xi32, #tpu.memory_space<vmem>>)
      tpu.yield
    }) : () -> ()
    %iota3A = tpu.iota {dimensions = array<i32: 0>} : vector<16xi32>
    %shift_right_arithmetic3A = arith.constant 3 : i32
    %shift_right_arithmetic3A_3 = vector.broadcast %shift_right_arithmetic3A : i32 to vector<16xi32>
    %shift_right_arithmetic3A_4 = arith.shrsi %iota3A, %shift_right_arithmetic3A_3 : vector<16xi32>
    %shift_left3A = arith.constant 12 : i32
    %shift_left3A_5 = vector.broadcast %shift_left3A : i32 to vector<16xi32>
    %shift_left3A_6 = arith.shli %shift_right_arithmetic3A_4, %shift_left3A_5 : vector<16xi32>
    %and3A = arith.constant 7 : i32
    %and3A_7 = vector.broadcast %and3A : i32 to vector<16xi32>
    %and3A_8 = arith.andi %iota3A, %and3A_7 : vector<16xi32>
    %shift_left3A_9 = arith.constant 7 : i32
    %shift_left3A_10 = vector.broadcast %shift_left3A_9 : i32 to vector<16xi32>
    %shift_left3A_11 = arith.shli %and3A_8, %shift_left3A_10 : vector<16xi32>
    %add3A_12 = arith.addi %shift_left3A_6, %shift_left3A_11 : vector<16xi32>
    %add3A_13 = arith.constant 0 : i32
    %add3A_14 = vector.broadcast %add3A_13 : i32 to vector<16xi32>
    %add3A_15 = arith.addi %iota3A, %add3A_14 : vector<16xi32>
    %and3A_16 = arith.constant 15 : i32
    %and3A_17 = vector.broadcast %and3A_16 : i32 to vector<16xi32>
    %and3A_18 = arith.andi %add3A_15, %and3A_17 : vector<16xi32>
    %add3A_19 = arith.constant 1 : i32
    %add3A_20 = vector.broadcast %add3A_19 : i32 to vector<16xi32>
    %add3A_21 = arith.addi %iota3A, %add3A_20 : vector<16xi32>
    %and3A_22 = arith.constant 15 : i32
    %and3A_23 = vector.broadcast %and3A_22 : i32 to vector<16xi32>
    %and3A_24 = arith.andi %add3A_21, %and3A_23 : vector<16xi32>
    %add3A_25 = arith.constant 2 : i32
    %add3A_26 = vector.broadcast %add3A_25 : i32 to vector<16xi32>
    %add3A_27 = arith.addi %iota3A, %add3A_26 : vector<16xi32>
    %and3A_28 = arith.constant 15 : i32
    %and3A_29 = vector.broadcast %and3A_28 : i32 to vector<16xi32>
    %and3A_30 = arith.andi %add3A_27, %and3A_29 : vector<16xi32>
    %add3A_31 = arith.constant 3 : i32
    %add3A_32 = vector.broadcast %add3A_31 : i32 to vector<16xi32>
    %add3A_33 = arith.addi %iota3A, %add3A_32 : vector<16xi32>
    %and3A_34 = arith.constant 15 : i32
    %and3A_35 = vector.broadcast %and3A_34 : i32 to vector<16xi32>
    %and3A_36 = arith.andi %add3A_33, %and3A_35 : vector<16xi32>
    %add3A_37 = arith.constant 4 : i32
    %add3A_38 = vector.broadcast %add3A_37 : i32 to vector<16xi32>
    %add3A_39 = arith.addi %iota3A, %add3A_38 : vector<16xi32>
    %and3A_40 = arith.constant 15 : i32
    %and3A_41 = vector.broadcast %and3A_40 : i32 to vector<16xi32>
    %and3A_42 = arith.andi %add3A_39, %and3A_41 : vector<16xi32>
    %add3A_43 = arith.constant 5 : i32
    %add3A_44 = vector.broadcast %add3A_43 : i32 to vector<16xi32>
    %add3A_45 = arith.addi %iota3A, %add3A_44 : vector<16xi32>
    %and3A_46 = arith.constant 15 : i32
    %and3A_47 = vector.broadcast %and3A_46 : i32 to vector<16xi32>
    %and3A_48 = arith.andi %add3A_45, %and3A_47 : vector<16xi32>
    %add3A_49 = arith.constant 6 : i32
    %add3A_50 = vector.broadcast %add3A_49 : i32 to vector<16xi32>
    %add3A_51 = arith.addi %iota3A, %add3A_50 : vector<16xi32>
    %and3A_52 = arith.constant 15 : i32
    %and3A_53 = vector.broadcast %and3A_52 : i32 to vector<16xi32>
    %and3A_54 = arith.andi %add3A_51, %and3A_53 : vector<16xi32>
    %add3A_55 = arith.constant 7 : i32
    %add3A_56 = vector.broadcast %add3A_55 : i32 to vector<16xi32>
    %add3A_57 = arith.addi %iota3A, %add3A_56 : vector<16xi32>
    %and3A_58 = arith.constant 15 : i32
    %and3A_59 = vector.broadcast %and3A_58 : i32 to vector<16xi32>
    %and3A_60 = arith.andi %add3A_57, %and3A_59 : vector<16xi32>
    %add3A_61 = arith.constant 8 : i32
    %add3A_62 = vector.broadcast %add3A_61 : i32 to vector<16xi32>
    %add3A_63 = arith.addi %iota3A, %add3A_62 : vector<16xi32>
    %and3A_64 = arith.constant 15 : i32
    %and3A_65 = vector.broadcast %and3A_64 : i32 to vector<16xi32>
    %and3A_66 = arith.andi %add3A_63, %and3A_65 : vector<16xi32>
    %add3A_67 = arith.constant 9 : i32
    %add3A_68 = vector.broadcast %add3A_67 : i32 to vector<16xi32>
    %add3A_69 = arith.addi %iota3A, %add3A_68 : vector<16xi32>
    %and3A_70 = arith.constant 15 : i32
    %and3A_71 = vector.broadcast %and3A_70 : i32 to vector<16xi32>
    %and3A_72 = arith.andi %add3A_69, %and3A_71 : vector<16xi32>
    %add3A_73 = arith.constant 10 : i32
    %add3A_74 = vector.broadcast %add3A_73 : i32 to vector<16xi32>
    %add3A_75 = arith.addi %iota3A, %add3A_74 : vector<16xi32>
    %and3A_76 = arith.constant 15 : i32
    %and3A_77 = vector.broadcast %and3A_76 : i32 to vector<16xi32>
    %and3A_78 = arith.andi %add3A_75, %and3A_77 : vector<16xi32>
    %add3A_79 = arith.constant 11 : i32
    %add3A_80 = vector.broadcast %add3A_79 : i32 to vector<16xi32>
    %add3A_81 = arith.addi %iota3A, %add3A_80 : vector<16xi32>
    %and3A_82 = arith.constant 15 : i32
    %and3A_83 = vector.broadcast %and3A_82 : i32 to vector<16xi32>
    %and3A_84 = arith.andi %add3A_81, %and3A_83 : vector<16xi32>
    %add3A_85 = arith.constant 12 : i32
    %add3A_86 = vector.broadcast %add3A_85 : i32 to vector<16xi32>
    %add3A_87 = arith.addi %iota3A, %add3A_86 : vector<16xi32>
    %and3A_88 = arith.constant 15 : i32
    %and3A_89 = vector.broadcast %and3A_88 : i32 to vector<16xi32>
    %and3A_90 = arith.andi %add3A_87, %and3A_89 : vector<16xi32>
    %add3A_91 = arith.constant 13 : i32
    %add3A_92 = vector.broadcast %add3A_91 : i32 to vector<16xi32>
    %add3A_93 = arith.addi %iota3A, %add3A_92 : vector<16xi32>
    %and3A_94 = arith.constant 15 : i32
    %and3A_95 = vector.broadcast %and3A_94 : i32 to vector<16xi32>
    %and3A_96 = arith.andi %add3A_93, %and3A_95 : vector<16xi32>
    %add3A_97 = arith.constant 14 : i32
    %add3A_98 = vector.broadcast %add3A_97 : i32 to vector<16xi32>
    %add3A_99 = arith.addi %iota3A, %add3A_98 : vector<16xi32>
    %and3A_100 = arith.constant 15 : i32
    %and3A_101 = vector.broadcast %and3A_100 : i32 to vector<16xi32>
    %and3A_102 = arith.andi %add3A_99, %and3A_101 : vector<16xi32>
    %add3A_103 = arith.constant 15 : i32
    %add3A_104 = vector.broadcast %add3A_103 : i32 to vector<16xi32>
    %add3A_105 = arith.addi %iota3A, %add3A_104 : vector<16xi32>
    %and3A_106 = arith.constant 15 : i32
    %and3A_107 = vector.broadcast %and3A_106 : i32 to vector<16xi32>
    %and3A_108 = arith.andi %add3A_105, %and3A_107 : vector<16xi32>
    %add3A_109 = arith.addi %add3A_12, %and3A_18 : vector<16xi32>
    %add3A_110 = arith.addi %add3A_12, %and3A_24 : vector<16xi32>
    %add3A_111 = arith.addi %add3A_12, %and3A_30 : vector<16xi32>
    %add3A_112 = arith.addi %add3A_12, %and3A_36 : vector<16xi32>
    %add3A_113 = arith.addi %add3A_12, %and3A_42 : vector<16xi32>
    %add3A_114 = arith.addi %add3A_12, %and3A_48 : vector<16xi32>
    %add3A_115 = arith.addi %add3A_12, %and3A_54 : vector<16xi32>
    %add3A_116 = arith.addi %add3A_12, %and3A_60 : vector<16xi32>
    %add3A_117 = arith.addi %add3A_12, %and3A_66 : vector<16xi32>
    %add3A_118 = arith.addi %add3A_12, %and3A_72 : vector<16xi32>
    %add3A_119 = arith.addi %add3A_12, %and3A_78 : vector<16xi32>
    %add3A_120 = arith.addi %add3A_12, %and3A_84 : vector<16xi32>
    %add3A_121 = arith.addi %add3A_12, %and3A_90 : vector<16xi32>
    %add3A_122 = arith.addi %add3A_12, %and3A_96 : vector<16xi32>
    %add3A_123 = arith.addi %add3A_12, %and3A_102 : vector<16xi32>
    %add3A_124 = arith.addi %add3A_12, %and3A_108 : vector<16xi32>
    %dma_start3A = arith.constant 0 : i32
    %dma_start3A_125 = tpu.memref_slice %arg5[%dma_start3A] : memref<25600xi32, #tpu.memory_space<vmem>> -> memref<512xi32, #tpu.memory_space<vmem>>
    %dma_start3A_126 = arith.constant 0 : i32
    %dma_start3A_127 = arith.constant 0 : i32
    %dma_start3A_128 = tpu.memref_slice %arg3[%dma_start3A_126, %dma_start3A_127] : memref<1000000x32xf32, #tpu.memory_space<hbm>> -> memref<1000000x32xf32, #tpu.memory_space<hbm>>
    tpu.enqueue_indirect_dma source(%dma_start3A_128 : memref<1000000x32xf32, #tpu.memory_space<hbm>>) target(%arg6 : memref<512x32xf32, #tpu.memory_space<vmem>>) offsets(%dma_start3A_125 : memref<512xi32, #tpu.memory_space<vmem>>) semaphore(%arg10 : memref<!tpu.dma_semaphore, #tpu.memory_space<semaphore_mem>>)
    %scan3A = arith.constant 0 : i32
    %scan3A_129 = arith.constant 25 : i32
    %scan3A_130 = arith.addi %scan3A, %scan3A_129 : i32
    %scan3A_131 = arith.constant 1 : i32
    scf.for %scan3A_140 = %scan3A to %scan3A_130 step %scan3A_131  : i32 {
      %mul3A_141 = arith.constant 2 : i32
      %mul3A_142 = arith.muli %scan3A_140, %mul3A_141 : i32
      %add3A_143 = arith.constant 0 : i32
      %add3A_144 = arith.addi %add3A_143, %mul3A_142 : i32
      %add3A_145 = arith.constant 0 : i32
      %add3A_146 = arith.addi %add3A_144, %add3A_145 : i32
      %add3A_147 = arith.constant 1 : i32
      %add3A_148 = arith.addi %add3A_146, %add3A_147 : i32
      %lt3A = arith.constant 50 : i32
      %lt3A_149 = arith.cmpi slt, %add3A_148, %lt3A : i32
      %convert_element_type3A = arith.extui %lt3A_149 : i1 to i32
      %cond3A = arith.constant 0 : i32
      %cond3A_150 = arith.cmpi ne, %convert_element_type3A, %cond3A : i32
      scf.if %cond3A_150 {
        %add3A_421 = arith.constant 1 : i32
        %add3A_422 = arith.addi %add3A_146, %add3A_421 : i32
        %mul3A_423 = arith.constant 512 : i32
        %mul3A_424 = arith.muli %add3A_422, %mul3A_423 : i32
        %dma_start3A_425 = tpu.memref_slice %arg5[%mul3A_424] : memref<25600xi32, #tpu.memory_space<vmem>> -> memref<512xi32, #tpu.memory_space<vmem>>
        %dma_start3A_426 = arith.constant 0 : i32
        %dma_start3A_427 = arith.constant 0 : i32
        %dma_start3A_428 = tpu.memref_slice %arg3[%dma_start3A_426, %dma_start3A_427] : memref<1000000x32xf32, #tpu.memory_space<hbm>> -> memref<1000000x32xf32, #tpu.memory_space<hbm>>
        tpu.enqueue_indirect_dma source(%dma_start3A_428 : memref<1000000x32xf32, #tpu.memory_space<hbm>>) target(%arg7 : memref<512x32xf32, #tpu.memory_space<vmem>>) offsets(%dma_start3A_425 : memref<512xi32, #tpu.memory_space<vmem>>) semaphore(%arg11 : memref<!tpu.dma_semaphore, #tpu.memory_space<semaphore_mem>>)
      } else {
      }
      %ge3A = arith.constant 2 : i32
      %ge3A_151 = arith.cmpi sge, %add3A_146, %ge3A : i32
      %convert_element_type3A_152 = arith.extui %ge3A_151 : i1 to i32
      %cond3A_153 = arith.constant 0 : i32
      %cond3A_154 = arith.cmpi ne, %convert_element_type3A_152, %cond3A_153 : i32
      scf.if %cond3A_154 {
        %dma_wait3A_421 = arith.constant 0 : i32
        %dma_wait3A_422 = tpu.memref_slice %arg4[%dma_wait3A_421] : memref<26214400xf32, #tpu.memory_space<hbm>> -> memref<16384xf32, #tpu.memory_space<hbm>>
        %dma_wait3A_423 = arith.constant 0 : i32
        %dma_wait3A_424 = tpu.memref_slice %arg4[%dma_wait3A_423] : memref<26214400xf32, #tpu.memory_space<hbm>> -> memref<16384xf32, #tpu.memory_space<hbm>>
        tpu.wait_dma2 semaphore(%arg12 : memref<!tpu.dma_semaphore, #tpu.memory_space<semaphore_mem>>) src(%dma_wait3A_424 : memref<16384xf32, #tpu.memory_space<hbm>>) dst(%arg8 : memref<16384xf32, #tpu.memory_space<vmem>>)
      } else {
      }
      %dma_wait3A_155 = arith.constant 0 : i32
      %dma_wait3A_156 = arith.constant 0 : i32
      %dma_wait3A_157 = tpu.memref_slice %arg3[%dma_wait3A_155, %dma_wait3A_156] : memref<1000000x32xf32, #tpu.memory_space<hbm>> -> memref<512x32xf32, #tpu.memory_space<hbm>>
      %dma_wait3A_158 = arith.constant 0 : i32
      %dma_wait3A_159 = arith.constant 0 : i32
      %dma_wait3A_160 = tpu.memref_slice %arg3[%dma_wait3A_158, %dma_wait3A_159] : memref<1000000x32xf32, #tpu.memory_space<hbm>> -> memref<512x32xf32, #tpu.memory_space<hbm>>
      tpu.wait_dma2 semaphore(%arg10 : memref<!tpu.dma_semaphore, #tpu.memory_space<semaphore_mem>>) src(%dma_wait3A_160 : memref<512x32xf32, #tpu.memory_space<hbm>>) dst(%arg6 : memref<512x32xf32, #tpu.memory_space<vmem>>)
      %scan3A_161 = arith.constant 0 : i32
      %scan3A_162 = arith.constant 32 : i32
      %scan3A_163 = arith.addi %scan3A_161, %scan3A_162 : i32
      %scan3A_164 = arith.constant 1 : i32
      scf.for %scan3A_421 = %scan3A_161 to %scan3A_163 step %scan3A_164  : i32 {
        %mul3A_422 = arith.constant 16 : i32
        %mul3A_423 = arith.muli %scan3A_421, %mul3A_422 : i32
        %add3A_424 = arith.constant 0 : i32
        %add3A_425 = arith.addi %add3A_424, %mul3A_423 : i32
        %shift_right_arithmetic3A_426 = arith.constant 7 : i32
        %shift_right_arithmetic3A_427 = arith.shrsi %add3A_425, %shift_right_arithmetic3A_426 : i32
        %mul3A_428 = arith.constant 1024 : i32
        %mul3A_429 = arith.muli %shift_right_arithmetic3A_427, %mul3A_428 : i32
        %and3A_430 = arith.constant 127 : i32
        %and3A_431 = arith.andi %add3A_425, %and3A_430 : i32
        %add3A_432 = arith.addi %mul3A_429, %and3A_431 : i32
        %add3A_433 = vector.broadcast %add3A_425 : i32 to vector<16xi32>
        %add3A_434 = arith.addi %add3A_433, %and3A_18 : vector<16xi32>
        %gather3A = tpu.vector_load_idx %arg6[%add3A_434, %iota3A] : memref<512x32xf32, #tpu.memory_space<vmem>>[vector<16xi32>, vector<16xi32>], vector<16xf32>,
        %add3A_435 = arith.constant 16 : i32
        %add3A_436 = vector.broadcast %add3A_435 : i32 to vector<16xi32>
        %add3A_437 = arith.addi %iota3A, %add3A_436 : vector<16xi32>
        %gather3A_438 = tpu.vector_load_idx %arg6[%add3A_434, %add3A_437] : memref<512x32xf32, #tpu.memory_space<vmem>>[vector<16xi32>, vector<16xi32>], vector<16xf32>,
        %add3A_439 = vector.broadcast %add3A_432 : i32 to vector<16xi32>
        %add3A_440 = arith.addi %add3A_109, %add3A_439 : vector<16xi32>
        tpu.vector_store_idx %arg8[%add3A_440], %gather3A : memref<16384xf32, #tpu.memory_space<vmem>>[vector<16xi32>], vector<16xf32>,
        %add3A_441 = arith.constant 8192 : i32
        %add3A_442 = vector.broadcast %add3A_441 : i32 to vector<16xi32>
        %add3A_443 = arith.addi %add3A_440, %add3A_442 : vector<16xi32>
        tpu.vector_store_idx %arg8[%add3A_443], %gather3A_438 : memref<16384xf32, #tpu.memory_space<vmem>>[vector<16xi32>], vector<16xf32>,
        %add3A_444 = vector.broadcast %add3A_425 : i32 to vector<16xi32>
        %add3A_445 = arith.addi %add3A_444, %and3A_24 : vector<16xi32>
        %gather3A_446 = tpu.vector_load_idx %arg6[%add3A_445, %iota3A] : memref<512x32xf32, #tpu.memory_space<vmem>>[vector<16xi32>, vector<16xi32>], vector<16xf32>,
        %add3A_447 = arith.constant 16 : i32
        %add3A_448 = vector.broadcast %add3A_447 : i32 to vector<16xi32>
        %add3A_449 = arith.addi %iota3A, %add3A_448 : vector<16xi32>
        %gather3A_450 = tpu.vector_load_idx %arg6[%add3A_445, %add3A_449] : memref<512x32xf32, #tpu.memory_space<vmem>>[vector<16xi32>, vector<16xi32>], vector<16xf32>,
        %add3A_451 = vector.broadcast %add3A_432 : i32 to vector<16xi32>
        %add3A_452 = arith.addi %add3A_110, %add3A_451 : vector<16xi32>
        tpu.vector_store_idx %arg8[%add3A_452], %gather3A_446 : memref<16384xf32, #tpu.memory_space<vmem>>[vector<16xi32>], vector<16xf32>,
        %add3A_453 = arith.constant 8192 : i32
        %add3A_454 = vector.broadcast %add3A_453 : i32 to vector<16xi32>
        %add3A_455 = arith.addi %add3A_452, %add3A_454 : vector<16xi32>
        tpu.vector_store_idx %arg8[%add3A_455], %gather3A_450 : memref<16384xf32, #tpu.memory_space<vmem>>[vector<16xi32>], vector<16xf32>,
        %add3A_456 = vector.broadcast %add3A_425 : i32 to vector<16xi32>
        %add3A_457 = arith.addi %add3A_456, %and3A_30 : vector<16xi32>
        %gather3A_458 = tpu.vector_load_idx %arg6[%add3A_457, %iota3A] : memref<512x32xf32, #tpu.memory_space<vmem>>[vector<16xi32>, vector<16xi32>], vector<16xf32>,
        %add3A_459 = arith.constant 16 : i32
        %add3A_460 = vector.broadcast %add3A_459 : i32 to vector<16xi32>
        %add3A_461 = arith.addi %iota3A, %add3A_460 : vector<16xi32>
        %gather3A_462 = tpu.vector_load_idx %arg6[%add3A_457, %add3A_461] : memref<512x32xf32, #tpu.memory_space<vmem>>[vector<16xi32>, vector<16xi32>], vector<16xf32>,
        %add3A_463 = vector.broadcast %add3A_432 : i32 to vector<16xi32>
        %add3A_464 = arith.addi %add3A_111, %add3A_463 : vector<16xi32>
        tpu.vector_store_idx %arg8[%add3A_464], %gather3A_458 : memref<16384xf32, #tpu.memory_space<vmem>>[vector<16xi32>], vector<16xf32>,
        %add3A_465 = arith.constant 8192 : i32
        %add3A_466 = vector.broadcast %add3A_465 : i32 to vector<16xi32>
        %add3A_467 = arith.addi %add3A_464, %add3A_466 : vector<16xi32>
        tpu.vector_store_idx %arg8[%add3A_467], %gather3A_462 : memref<16384xf32, #tpu.memory_space<vmem>>[vector<16xi32>], vector<16xf32>,
        %add3A_468 = vector.broadcast %add3A_425 : i32 to vector<16xi32>
        %add3A_469 = arith.addi %add3A_468, %and3A_36 : vector<16xi32>
        %gather3A_470 = tpu.vector_load_idx %arg6[%add3A_469, %iota3A] : memref<512x32xf32, #tpu.memory_space<vmem>>[vector<16xi32>, vector<16xi32>], vector<16xf32>,
        %add3A_471 = arith.constant 16 : i32
        %add3A_472 = vector.broadcast %add3A_471 : i32 to vector<16xi32>
        %add3A_473 = arith.addi %iota3A, %add3A_472 : vector<16xi32>
        %gather3A_474 = tpu.vector_load_idx %arg6[%add3A_469, %add3A_473] : memref<512x32xf32, #tpu.memory_space<vmem>>[vector<16xi32>, vector<16xi32>], vector<16xf32>,
        %add3A_475 = vector.broadcast %add3A_432 : i32 to vector<16xi32>
        %add3A_476 = arith.addi %add3A_112, %add3A_475 : vector<16xi32>
        tpu.vector_store_idx %arg8[%add3A_476], %gather3A_470 : memref<16384xf32, #tpu.memory_space<vmem>>[vector<16xi32>], vector<16xf32>,
        %add3A_477 = arith.constant 8192 : i32
        %add3A_478 = vector.broadcast %add3A_477 : i32 to vector<16xi32>
        %add3A_479 = arith.addi %add3A_476, %add3A_478 : vector<16xi32>
        tpu.vector_store_idx %arg8[%add3A_479], %gather3A_474 : memref<16384xf32, #tpu.memory_space<vmem>>[vector<16xi32>], vector<16xf32>,
        %add3A_480 = vector.broadcast %add3A_425 : i32 to vector<16xi32>
        %add3A_481 = arith.addi %add3A_480, %and3A_42 : vector<16xi32>
        %gather3A_482 = tpu.vector_load_idx %arg6[%add3A_481, %iota3A] : memref<512x32xf32, #tpu.memory_space<vmem>>[vector<16xi32>, vector<16xi32>], vector<16xf32>,
        %add3A_483 = arith.constant 16 : i32
        %add3A_484 = vector.broadcast %add3A_483 : i32 to vector<16xi32>
        %add3A_485 = arith.addi %iota3A, %add3A_484 : vector<16xi32>
        %gather3A_486 = tpu.vector_load_idx %arg6[%add3A_481, %add3A_485] : memref<512x32xf32, #tpu.memory_space<vmem>>[vector<16xi32>, vector<16xi32>], vector<16xf32>,
        %add3A_487 = vector.broadcast %add3A_432 : i32 to vector<16xi32>
        %add3A_488 = arith.addi %add3A_113, %add3A_487 : vector<16xi32>
        tpu.vector_store_idx %arg8[%add3A_488], %gather3A_482 : memref<16384xf32, #tpu.memory_space<vmem>>[vector<16xi32>], vector<16xf32>,
        %add3A_489 = arith.constant 8192 : i32
        %add3A_490 = vector.broadcast %add3A_489 : i32 to vector<16xi32>
        %add3A_491 = arith.addi %add3A_488, %add3A_490 : vector<16xi32>
        tpu.vector_store_idx %arg8[%add3A_491], %gather3A_486 : memref<16384xf32, #tpu.memory_space<vmem>>[vector<16xi32>], vector<16xf32>,
        %add3A_492 = vector.broadcast %add3A_425 : i32 to vector<16xi32>
        %add3A_493 = arith.addi %add3A_492, %and3A_48 : vector<16xi32>
        %gather3A_494 = tpu.vector_load_idx %arg6[%add3A_493, %iota3A] : memref<512x32xf32, #tpu.memory_space<vmem>>[vector<16xi32>, vector<16xi32>], vector<16xf32>,
        %add3A_495 = arith.constant 16 : i32
        %add3A_496 = vector.broadcast %add3A_495 : i32 to vector<16xi32>
        %add3A_497 = arith.addi %iota3A, %add3A_496 : vector<16xi32>
        %gather3A_498 = tpu.vector_load_idx %arg6[%add3A_493, %add3A_497] : memref<512x32xf32, #tpu.memory_space<vmem>>[vector<16xi32>, vector<16xi32>], vector<16xf32>,
        %add3A_499 = vector.broadcast %add3A_432 : i32 to vector<16xi32>
        %add3A_500 = arith.addi %add3A_114, %add3A_499 : vector<16xi32>
        tpu.vector_store_idx %arg8[%add3A_500], %gather3A_494 : memref<16384xf32, #tpu.memory_space<vmem>>[vector<16xi32>], vector<16xf32>,
        %add3A_501 = arith.constant 8192 : i32
        %add3A_502 = vector.broadcast %add3A_501 : i32 to vector<16xi32>
        %add3A_503 = arith.addi %add3A_500, %add3A_502 : vector<16xi32>
        tpu.vector_store_idx %arg8[%add3A_503], %gather3A_498 : memref<16384xf32, #tpu.memory_space<vmem>>[vector<16xi32>], vector<16xf32>,
        %add3A_504 = vector.broadcast %add3A_425 : i32 to vector<16xi32>
        %add3A_505 = arith.addi %add3A_504, %and3A_54 : vector<16xi32>
        %gather3A_506 = tpu.vector_load_idx %arg6[%add3A_505, %iota3A] : memref<512x32xf32, #tpu.memory_space<vmem>>[vector<16xi32>, vector<16xi32>], vector<16xf32>,
        %add3A_507 = arith.constant 16 : i32
        %add3A_508 = vector.broadcast %add3A_507 : i32 to vector<16xi32>
        %add3A_509 = arith.addi %iota3A, %add3A_508 : vector<16xi32>
        %gather3A_510 = tpu.vector_load_idx %arg6[%add3A_505, %add3A_509] : memref<512x32xf32, #tpu.memory_space<vmem>>[vector<16xi32>, vector<16xi32>], vector<16xf32>,
        %add3A_511 = vector.broadcast %add3A_432 : i32 to vector<16xi32>
        %add3A_512 = arith.addi %add3A_115, %add3A_511 : vector<16xi32>
        tpu.vector_store_idx %arg8[%add3A_512], %gather3A_506 : memref<16384xf32, #tpu.memory_space<vmem>>[vector<16xi32>], vector<16xf32>,
        %add3A_513 = arith.constant 8192 : i32
        %add3A_514 = vector.broadcast %add3A_513 : i32 to vector<16xi32>
        %add3A_515 = arith.addi %add3A_512, %add3A_514 : vector<16xi32>
        tpu.vector_store_idx %arg8[%add3A_515], %gather3A_510 : memref<16384xf32, #tpu.memory_space<vmem>>[vector<16xi32>], vector<16xf32>,
        %add3A_516 = vector.broadcast %add3A_425 : i32 to vector<16xi32>
        %add3A_517 = arith.addi %add3A_516, %and3A_60 : vector<16xi32>
        %gather3A_518 = tpu.vector_load_idx %arg6[%add3A_517, %iota3A] : memref<512x32xf32, #tpu.memory_space<vmem>>[vector<16xi32>, vector<16xi32>], vector<16xf32>,
        %add3A_519 = arith.constant 16 : i32
        %add3A_520 = vector.broadcast %add3A_519 : i32 to vector<16xi32>
        %add3A_521 = arith.addi %iota3A, %add3A_520 : vector<16xi32>
        %gather3A_522 = tpu.vector_load_idx %arg6[%add3A_517, %add3A_521] : memref<512x32xf32, #tpu.memory_space<vmem>>[vector<16xi32>, vector<16xi32>], vector<16xf32>,
        %add3A_523 = vector.broadcast %add3A_432 : i32 to vector<16xi32>
        %add3A_524 = arith.addi %add3A_116, %add3A_523 : vector<16xi32>
        tpu.vector_store_idx %arg8[%add3A_524], %gather3A_518 : memref<16384xf32, #tpu.memory_space<vmem>>[vector<16xi32>], vector<16xf32>,
        %add3A_525 = arith.constant 8192 : i32
        %add3A_526 = vector.broadcast %add3A_525 : i32 to vector<16xi32>
        %add3A_527 = arith.addi %add3A_524, %add3A_526 : vector<16xi32>
        tpu.vector_store_idx %arg8[%add3A_527], %gather3A_522 : memref<16384xf32, #tpu.memory_space<vmem>>[vector<16xi32>], vector<16xf32>,
        %add3A_528 = vector.broadcast %add3A_425 : i32 to vector<16xi32>
        %add3A_529 = arith.addi %add3A_528, %and3A_66 : vector<16xi32>
        %gather3A_530 = tpu.vector_load_idx %arg6[%add3A_529, %iota3A] : memref<512x32xf32, #tpu.memory_space<vmem>>[vector<16xi32>, vector<16xi32>], vector<16xf32>,
        %add3A_531 = arith.constant 16 : i32
        %add3A_532 = vector.broadcast %add3A_531 : i32 to vector<16xi32>
        %add3A_533 = arith.addi %iota3A, %add3A_532 : vector<16xi32>
        %gather3A_534 = tpu.vector_load_idx %arg6[%add3A_529, %add3A_533] : memref<512x32xf32, #tpu.memory_space<vmem>>[vector<16xi32>, vector<16xi32>], vector<16xf32>,
        %add3A_535 = vector.broadcast %add3A_432 : i32 to vector<16xi32>
        %add3A_536 = arith.addi %add3A_117, %add3A_535 : vector<16xi32>
        tpu.vector_store_idx %arg8[%add3A_536], %gather3A_530 : memref<16384xf32, #tpu.memory_space<vmem>>[vector<16xi32>], vector<16xf32>,
        %add3A_537 = arith.constant 8192 : i32
        %add3A_538 = vector.broadcast %add3A_537 : i32 to vector<16xi32>
        %add3A_539 = arith.addi %add3A_536, %add3A_538 : vector<16xi32>
        tpu.vector_store_idx %arg8[%add3A_539], %gather3A_534 : memref<16384xf32, #tpu.memory_space<vmem>>[vector<16xi32>], vector<16xf32>,
        %add3A_540 = vector.broadcast %add3A_425 : i32 to vector<16xi32>
        %add3A_541 = arith.addi %add3A_540, %and3A_72 : vector<16xi32>
        %gather3A_542 = tpu.vector_load_idx %arg6[%add3A_541, %iota3A] : memref<512x32xf32, #tpu.memory_space<vmem>>[vector<16xi32>, vector<16xi32>], vector<16xf32>,
        %add3A_543 = arith.constant 16 : i32
        %add3A_544 = vector.broadcast %add3A_543 : i32 to vector<16xi32>
        %add3A_545 = arith.addi %iota3A, %add3A_544 : vector<16xi32>
        %gather3A_546 = tpu.vector_load_idx %arg6[%add3A_541, %add3A_545] : memref<512x32xf32, #tpu.memory_space<vmem>>[vector<16xi32>, vector<16xi32>], vector<16xf32>,
        %add3A_547 = vector.broadcast %add3A_432 : i32 to vector<16xi32>
        %add3A_548 = arith.addi %add3A_118, %add3A_547 : vector<16xi32>
        tpu.vector_store_idx %arg8[%add3A_548], %gather3A_542 : memref<16384xf32, #tpu.memory_space<vmem>>[vector<16xi32>], vector<16xf32>,
        %add3A_549 = arith.constant 8192 : i32
        %add3A_550 = vector.broadcast %add3A_549 : i32 to vector<16xi32>
        %add3A_551 = arith.addi %add3A_548, %add3A_550 : vector<16xi32>
        tpu.vector_store_idx %arg8[%add3A_551], %gather3A_546 : memref<16384xf32, #tpu.memory_space<vmem>>[vector<16xi32>], vector<16xf32>,
        %add3A_552 = vector.broadcast %add3A_425 : i32 to vector<16xi32>
        %add3A_553 = arith.addi %add3A_552, %and3A_78 : vector<16xi32>
        %gather3A_554 = tpu.vector_load_idx %arg6[%add3A_553, %iota3A] : memref<512x32xf32, #tpu.memory_space<vmem>>[vector<16xi32>, vector<16xi32>], vector<16xf32>,
        %add3A_555 = arith.constant 16 : i32
        %add3A_556 = vector.broadcast %add3A_555 : i32 to vector<16xi32>
        %add3A_557 = arith.addi %iota3A, %add3A_556 : vector<16xi32>
        %gather3A_558 = tpu.vector_load_idx %arg6[%add3A_553, %add3A_557] : memref<512x32xf32, #tpu.memory_space<vmem>>[vector<16xi32>, vector<16xi32>], vector<16xf32>,
        %add3A_559 = vector.broadcast %add3A_432 : i32 to vector<16xi32>
        %add3A_560 = arith.addi %add3A_119, %add3A_559 : vector<16xi32>
        tpu.vector_store_idx %arg8[%add3A_560], %gather3A_554 : memref<16384xf32, #tpu.memory_space<vmem>>[vector<16xi32>], vector<16xf32>,
        %add3A_561 = arith.constant 8192 : i32
        %add3A_562 = vector.broadcast %add3A_561 : i32 to vector<16xi32>
        %add3A_563 = arith.addi %add3A_560, %add3A_562 : vector<16xi32>
        tpu.vector_store_idx %arg8[%add3A_563], %gather3A_558 : memref<16384xf32, #tpu.memory_space<vmem>>[vector<16xi32>], vector<16xf32>,
        %add3A_564 = vector.broadcast %add3A_425 : i32 to vector<16xi32>
        %add3A_565 = arith.addi %add3A_564, %and3A_84 : vector<16xi32>
        %gather3A_566 = tpu.vector_load_idx %arg6[%add3A_565, %iota3A] : memref<512x32xf32, #tpu.memory_space<vmem>>[vector<16xi32>, vector<16xi32>], vector<16xf32>,
        %add3A_567 = arith.constant 16 : i32
        %add3A_568 = vector.broadcast %add3A_567 : i32 to vector<16xi32>
        %add3A_569 = arith.addi %iota3A, %add3A_568 : vector<16xi32>
        %gather3A_570 = tpu.vector_load_idx %arg6[%add3A_565, %add3A_569] : memref<512x32xf32, #tpu.memory_space<vmem>>[vector<16xi32>, vector<16xi32>], vector<16xf32>,
        %add3A_571 = vector.broadcast %add3A_432 : i32 to vector<16xi32>
        %add3A_572 = arith.addi %add3A_120, %add3A_571 : vector<16xi32>
        tpu.vector_store_idx %arg8[%add3A_572], %gather3A_566 : memref<16384xf32, #tpu.memory_space<vmem>>[vector<16xi32>], vector<16xf32>,
        %add3A_573 = arith.constant 8192 : i32
        %add3A_574 = vector.broadcast %add3A_573 : i32 to vector<16xi32>
        %add3A_575 = arith.addi %add3A_572, %add3A_574 : vector<16xi32>
        tpu.vector_store_idx %arg8[%add3A_575], %gather3A_570 : memref<16384xf32, #tpu.memory_space<vmem>>[vector<16xi32>], vector<16xf32>,
        %add3A_576 = vector.broadcast %add3A_425 : i32 to vector<16xi32>
        %add3A_577 = arith.addi %add3A_576, %and3A_90 : vector<16xi32>
        %gather3A_578 = tpu.vector_load_idx %arg6[%add3A_577, %iota3A] : memref<512x32xf32, #tpu.memory_space<vmem>>[vector<16xi32>, vector<16xi32>], vector<16xf32>,
        %add3A_579 = arith.constant 16 : i32
        %add3A_580 = vector.broadcast %add3A_579 : i32 to vector<16xi32>
        %add3A_581 = arith.addi %iota3A, %add3A_580 : vector<16xi32>
        %gather3A_582 = tpu.vector_load_idx %arg6[%add3A_577, %add3A_581] : memref<512x32xf32, #tpu.memory_space<vmem>>[vector<16xi32>, vector<16xi32>], vector<16xf32>,
        %add3A_583 = vector.broadcast %add3A_432 : i32 to vector<16xi32>
        %add3A_584 = arith.addi %add3A_121, %add3A_583 : vector<16xi32>
        tpu.vector_store_idx %arg8[%add3A_584], %gather3A_578 : memref<16384xf32, #tpu.memory_space<vmem>>[vector<16xi32>], vector<16xf32>,
        %add3A_585 = arith.constant 8192 : i32
        %add3A_586 = vector.broadcast %add3A_585 : i32 to vector<16xi32>
        %add3A_587 = arith.addi %add3A_584, %add3A_586 : vector<16xi32>
        tpu.vector_store_idx %arg8[%add3A_587], %gather3A_582 : memref<16384xf32, #tpu.memory_space<vmem>>[vector<16xi32>], vector<16xf32>,
        %add3A_588 = vector.broadcast %add3A_425 : i32 to vector<16xi32>
        %add3A_589 = arith.addi %add3A_588, %and3A_96 : vector<16xi32>
        %gather3A_590 = tpu.vector_load_idx %arg6[%add3A_589, %iota3A] : memref<512x32xf32, #tpu.memory_space<vmem>>[vector<16xi32>, vector<16xi32>], vector<16xf32>,
        %add3A_591 = arith.constant 16 : i32
        %add3A_592 = vector.broadcast %add3A_591 : i32 to vector<16xi32>
        %add3A_593 = arith.addi %iota3A, %add3A_592 : vector<16xi32>
        %gather3A_594 = tpu.vector_load_idx %arg6[%add3A_589, %add3A_593] : memref<512x32xf32, #tpu.memory_space<vmem>>[vector<16xi32>, vector<16xi32>], vector<16xf32>,
        %add3A_595 = vector.broadcast %add3A_432 : i32 to vector<16xi32>
        %add3A_596 = arith.addi %add3A_122, %add3A_595 : vector<16xi32>
        tpu.vector_store_idx %arg8[%add3A_596], %gather3A_590 : memref<16384xf32, #tpu.memory_space<vmem>>[vector<16xi32>], vector<16xf32>,
        %add3A_597 = arith.constant 8192 : i32
        %add3A_598 = vector.broadcast %add3A_597 : i32 to vector<16xi32>
        %add3A_599 = arith.addi %add3A_596, %add3A_598 : vector<16xi32>
        tpu.vector_store_idx %arg8[%add3A_599], %gather3A_594 : memref<16384xf32, #tpu.memory_space<vmem>>[vector<16xi32>], vector<16xf32>,
        %add3A_600 = vector.broadcast %add3A_425 : i32 to vector<16xi32>
        %add3A_601 = arith.addi %add3A_600, %and3A_102 : vector<16xi32>
        %gather3A_602 = tpu.vector_load_idx %arg6[%add3A_601, %iota3A] : memref<512x32xf32, #tpu.memory_space<vmem>>[vector<16xi32>, vector<16xi32>], vector<16xf32>,
        %add3A_603 = arith.constant 16 : i32
        %add3A_604 = vector.broadcast %add3A_603 : i32 to vector<16xi32>
        %add3A_605 = arith.addi %iota3A, %add3A_604 : vector<16xi32>
        %gather3A_606 = tpu.vector_load_idx %arg6[%add3A_601, %add3A_605] : memref<512x32xf32, #tpu.memory_space<vmem>>[vector<16xi32>, vector<16xi32>], vector<16xf32>,
        %add3A_607 = vector.broadcast %add3A_432 : i32 to vector<16xi32>
        %add3A_608 = arith.addi %add3A_123, %add3A_607 : vector<16xi32>
        tpu.vector_store_idx %arg8[%add3A_608], %gather3A_602 : memref<16384xf32, #tpu.memory_space<vmem>>[vector<16xi32>], vector<16xf32>,
        %add3A_609 = arith.constant 8192 : i32
        %add3A_610 = vector.broadcast %add3A_609 : i32 to vector<16xi32>
        %add3A_611 = arith.addi %add3A_608, %add3A_610 : vector<16xi32>
        tpu.vector_store_idx %arg8[%add3A_611], %gather3A_606 : memref<16384xf32, #tpu.memory_space<vmem>>[vector<16xi32>], vector<16xf32>,
        %add3A_612 = vector.broadcast %add3A_425 : i32 to vector<16xi32>
        %add3A_613 = arith.addi %add3A_612, %and3A_108 : vector<16xi32>
        %gather3A_614 = tpu.vector_load_idx %arg6[%add3A_613, %iota3A] : memref<512x32xf32, #tpu.memory_space<vmem>>[vector<16xi32>, vector<16xi32>], vector<16xf32>,
        %add3A_615 = arith.constant 16 : i32
        %add3A_616 = vector.broadcast %add3A_615 : i32 to vector<16xi32>
        %add3A_617 = arith.addi %iota3A, %add3A_616 : vector<16xi32>
        %gather3A_618 = tpu.vector_load_idx %arg6[%add3A_613, %add3A_617] : memref<512x32xf32, #tpu.memory_space<vmem>>[vector<16xi32>, vector<16xi32>], vector<16xf32>,
        %add3A_619 = vector.broadcast %add3A_432 : i32 to vector<16xi32>
        %add3A_620 = arith.addi %add3A_124, %add3A_619 : vector<16xi32>
        tpu.vector_store_idx %arg8[%add3A_620], %gather3A_614 : memref<16384xf32, #tpu.memory_space<vmem>>[vector<16xi32>], vector<16xf32>,
        %add3A_621 = arith.constant 8192 : i32
        %add3A_622 = vector.broadcast %add3A_621 : i32 to vector<16xi32>
        %add3A_623 = arith.addi %add3A_620, %add3A_622 : vector<16xi32>
        tpu.vector_store_idx %arg8[%add3A_623], %gather3A_618 : memref<16384xf32, #tpu.memory_space<vmem>>[vector<16xi32>], vector<16xf32>,
      }
      %scan3A_165 = arith.constant 32 : i32
      %mul3A_166 = arith.constant 512 : i32
      %mul3A_167 = arith.muli %add3A_146, %mul3A_166 : i32
      %add3A_168 = arith.addi %mul3A_2, %mul3A_167 : i32
      %jit3A = arith.constant 16384 : i32
      %div3A = arith.divsi %add3A_168, %jit3A : i32
      %sign3A = arith.constant 0 : i32
      %sign3A_169 = arith.cmpi sgt, %add3A_168, %sign3A : i32
      %sign3A_170 = arith.extui %sign3A_169 : i1 to i32
      %sign3A_171 = arith.constant 0 : i32
      %sign3A_172 = arith.cmpi slt, %add3A_168, %sign3A_171 : i32
      %sign3A_173 = arith.extui %sign3A_172 : i1 to i32
      %sign3A_174 = arith.subi %sign3A_170, %sign3A_173 : i32
      %sign3A_175 = arith.constant 0 : i32
      %sign3A_176 = arith.cmpi sgt, %jit3A, %sign3A_175 : i32
      %sign3A_177 = arith.extui %sign3A_176 : i1 to i32
      %sign3A_178 = arith.constant 0 : i32
      %sign3A_179 = arith.cmpi slt, %jit3A, %sign3A_178 : i32
      %sign3A_180 = arith.extui %sign3A_179 : i1 to i32
      %sign3A_181 = arith.subi %sign3A_177, %sign3A_180 : i32
      %ne3A = arith.cmpi ne, %sign3A_174, %sign3A_181 : i32
      %rem3A = arith.remsi %add3A_168, %jit3A : i32
      %ne3A_182 = arith.constant 0 : i32
      %ne3A_183 = arith.cmpi ne, %rem3A, %ne3A_182 : i32
      %and3A_184 = arith.andi %ne3A, %ne3A_183 : i1
      %sub3A = arith.constant 1 : i32
      %sub3A_185 = arith.subi %div3A, %sub3A : i32
      %select_n3A = arith.select %and3A_184, %sub3A_185, %div3A : i32
      %jit3A_186 = arith.constant 16384 : i32
      %eq3A = arith.constant 0 : i32
      %eq3A_187 = arith.cmpi eq, %jit3A_186, %eq3A : i32
      %jit3A_188 = arith.constant 1 : i32
      %select_n3A_189 = arith.select %eq3A_187, %jit3A_188, %jit3A_186 : i32
      %rem3A_190 = arith.remsi %add3A_168, %select_n3A_189 : i32
      %ne3A_191 = arith.constant 0 : i32
      %ne3A_192 = arith.cmpi ne, %rem3A_190, %ne3A_191 : i32
      %lt3A_193 = arith.constant 0 : i32
      %lt3A_194 = arith.cmpi slt, %rem3A_190, %lt3A_193 : i32
      %lt3A_195 = arith.constant 0 : i32
      %lt3A_196 = arith.cmpi slt, %select_n3A_189, %lt3A_195 : i32
      %ne3A_197 = arith.xori %lt3A_194, %lt3A_196 : i1
      %and3A_198 = arith.andi %ne3A_197, %ne3A_192 : i1
      %add3A_199 = arith.addi %rem3A_190, %select_n3A_189 : i32
      %select_n3A_200 = arith.select %and3A_198, %add3A_199, %rem3A_190 : i32
      %jit3A_201 = arith.constant 128 : i32
      %div3A_202 = arith.divsi %select_n3A_200, %jit3A_201 : i32
      %sign3A_203 = arith.constant 0 : i32
      %sign3A_204 = arith.cmpi sgt, %select_n3A_200, %sign3A_203 : i32
      %sign3A_205 = arith.extui %sign3A_204 : i1 to i32
      %sign3A_206 = arith.constant 0 : i32
      %sign3A_207 = arith.cmpi slt, %select_n3A_200, %sign3A_206 : i32
      %sign3A_208 = arith.extui %sign3A_207 : i1 to i32
      %sign3A_209 = arith.subi %sign3A_205, %sign3A_208 : i32
      %sign3A_210 = arith.constant 0 : i32
      %sign3A_211 = arith.cmpi sgt, %jit3A_201, %sign3A_210 : i32
      %sign3A_212 = arith.extui %sign3A_211 : i1 to i32
      %sign3A_213 = arith.constant 0 : i32
      %sign3A_214 = arith.cmpi slt, %jit3A_201, %sign3A_213 : i32
      %sign3A_215 = arith.extui %sign3A_214 : i1 to i32
      %sign3A_216 = arith.subi %sign3A_212, %sign3A_215 : i32
      %ne3A_217 = arith.cmpi ne, %sign3A_209, %sign3A_216 : i32
      %rem3A_218 = arith.remsi %select_n3A_200, %jit3A_201 : i32
      %ne3A_219 = arith.constant 0 : i32
      %ne3A_220 = arith.cmpi ne, %rem3A_218, %ne3A_219 : i32
      %and3A_221 = arith.andi %ne3A_217, %ne3A_220 : i1
      %sub3A_222 = arith.constant 1 : i32
      %sub3A_223 = arith.subi %div3A_202, %sub3A_222 : i32
      %select_n3A_224 = arith.select %and3A_221, %sub3A_223, %div3A_202 : i32
      %mul3A_225 = arith.constant 524288 : i32
      %mul3A_226 = arith.muli %select_n3A, %mul3A_225 : i32
      %add3A_227 = arith.constant 0 : i32
      %add3A_228 = arith.addi %mul3A_226, %add3A_227 : i32
      %mul3A_229 = arith.constant 1024 : i32
      %mul3A_230 = arith.muli %select_n3A_224, %mul3A_229 : i32
      %add3A_231 = arith.addi %add3A_228, %mul3A_230 : i32
      %dma_start3A_232 = arith.constant 0 : i32
      %dma_start3A_233 = tpu.memref_slice %arg8[%dma_start3A_232] : memref<16384xf32, #tpu.memory_space<vmem>> -> memref<4096xf32, #tpu.memory_space<vmem>>
      %dma_start3A_234 = tpu.memref_slice %arg4[%add3A_231] : memref<26214400xf32, #tpu.memory_space<hbm>> -> memref<4096xf32, #tpu.memory_space<hbm>>
      %dma_start3A_235 = tpu.memref_slice %arg4[%add3A_231] : memref<26214400xf32, #tpu.memory_space<hbm>> -> memref<4096xf32, #tpu.memory_space<hbm>>
      %dma_start3A_236 = arith.constant 0 : i32
      %dma_start3A_237 = tpu.memref_slice %arg8[%dma_start3A_236] : memref<16384xf32, #tpu.memory_space<vmem>> -> memref<4096xf32, #tpu.memory_space<vmem>>
      tpu.enqueue_dma source(%dma_start3A_237 : memref<4096xf32, #tpu.memory_space<vmem>>) target(%dma_start3A_235 : memref<4096xf32, #tpu.memory_space<hbm>>) target_semaphore(%arg12 : memref<!tpu.dma_semaphore, #tpu.memory_space<semaphore_mem>>)
      %mul3A_238 = arith.constant 524288 : i32
      %mul3A_239 = arith.muli %select_n3A, %mul3A_238 : i32
      %add3A_240 = arith.constant 131072 : i32
      %add3A_241 = arith.addi %mul3A_239, %add3A_240 : i32
      %mul3A_242 = arith.constant 1024 : i32
      %mul3A_243 = arith.muli %select_n3A_224, %mul3A_242 : i32
      %add3A_244 = arith.addi %add3A_241, %mul3A_243 : i32
      %dma_start3A_245 = arith.constant 4096 : i32
      %dma_start3A_246 = tpu.memref_slice %arg8[%dma_start3A_245] : memref<16384xf32, #tpu.memory_space<vmem>> -> memref<4096xf32, #tpu.memory_space<vmem>>
      %dma_start3A_247 = tpu.memref_slice %arg4[%add3A_244] : memref<26214400xf32, #tpu.memory_space<hbm>> -> memref<4096xf32, #tpu.memory_space<hbm>>
      %dma_start3A_248 = tpu.memref_slice %arg4[%add3A_244] : memref<26214400xf32, #tpu.memory_space<hbm>> -> memref<4096xf32, #tpu.memory_space<hbm>>
      %dma_start3A_249 = arith.constant 4096 : i32
      %dma_start3A_250 = tpu.memref_slice %arg8[%dma_start3A_249] : memref<16384xf32, #tpu.memory_space<vmem>> -> memref<4096xf32, #tpu.memory_space<vmem>>
      tpu.enqueue_dma source(%dma_start3A_250 : memref<4096xf32, #tpu.memory_space<vmem>>) target(%dma_start3A_248 : memref<4096xf32, #tpu.memory_space<hbm>>) target_semaphore(%arg12 : memref<!tpu.dma_semaphore, #tpu.memory_space<semaphore_mem>>)
      %mul3A_251 = arith.constant 524288 : i32
      %mul3A_252 = arith.muli %select_n3A, %mul3A_251 : i32
      %add3A_253 = arith.constant 262144 : i32
      %add3A_254 = arith.addi %mul3A_252, %add3A_253 : i32
      %mul3A_255 = arith.constant 1024 : i32
      %mul3A_256 = arith.muli %select_n3A_224, %mul3A_255 : i32
      %add3A_257 = arith.addi %add3A_254, %mul3A_256 : i32
      %dma_start3A_258 = arith.constant 8192 : i32
      %dma_start3A_259 = tpu.memref_slice %arg8[%dma_start3A_258] : memref<16384xf32, #tpu.memory_space<vmem>> -> memref<4096xf32, #tpu.memory_space<vmem>>
      %dma_start3A_260 = tpu.memref_slice %arg4[%add3A_257] : memref<26214400xf32, #tpu.memory_space<hbm>> -> memref<4096xf32, #tpu.memory_space<hbm>>
      %dma_start3A_261 = tpu.memref_slice %arg4[%add3A_257] : memref<26214400xf32, #tpu.memory_space<hbm>> -> memref<4096xf32, #tpu.memory_space<hbm>>
      %dma_start3A_262 = arith.constant 8192 : i32
      %dma_start3A_263 = tpu.memref_slice %arg8[%dma_start3A_262] : memref<16384xf32, #tpu.memory_space<vmem>> -> memref<4096xf32, #tpu.memory_space<vmem>>
      tpu.enqueue_dma source(%dma_start3A_263 : memref<4096xf32, #tpu.memory_space<vmem>>) target(%dma_start3A_261 : memref<4096xf32, #tpu.memory_space<hbm>>) target_semaphore(%arg12 : memref<!tpu.dma_semaphore, #tpu.memory_space<semaphore_mem>>)
      %mul3A_264 = arith.constant 524288 : i32
      %mul3A_265 = arith.muli %select_n3A, %mul3A_264 : i32
      %add3A_266 = arith.constant 393216 : i32
      %add3A_267 = arith.addi %mul3A_265, %add3A_266 : i32
      %mul3A_268 = arith.constant 1024 : i32
      %mul3A_269 = arith.muli %select_n3A_224, %mul3A_268 : i32
      %add3A_270 = arith.addi %add3A_267, %mul3A_269 : i32
      %dma_start3A_271 = arith.constant 12288 : i32
      %dma_start3A_272 = tpu.memref_slice %arg8[%dma_start3A_271] : memref<16384xf32, #tpu.memory_space<vmem>> -> memref<4096xf32, #tpu.memory_space<vmem>>
      %dma_start3A_273 = tpu.memref_slice %arg4[%add3A_270] : memref<26214400xf32, #tpu.memory_space<hbm>> -> memref<4096xf32, #tpu.memory_space<hbm>>
      %dma_start3A_274 = tpu.memref_slice %arg4[%add3A_270] : memref<26214400xf32, #tpu.memory_space<hbm>> -> memref<4096xf32, #tpu.memory_space<hbm>>
      %dma_start3A_275 = arith.constant 12288 : i32
      %dma_start3A_276 = tpu.memref_slice %arg8[%dma_start3A_275] : memref<16384xf32, #tpu.memory_space<vmem>> -> memref<4096xf32, #tpu.memory_space<vmem>>
      tpu.enqueue_dma source(%dma_start3A_276 : memref<4096xf32, #tpu.memory_space<vmem>>) target(%dma_start3A_274 : memref<4096xf32, #tpu.memory_space<hbm>>) target_semaphore(%arg12 : memref<!tpu.dma_semaphore, #tpu.memory_space<semaphore_mem>>)
      %add3A_277 = arith.constant 1 : i32
      %add3A_278 = arith.addi %add3A_144, %add3A_277 : i32
      %add3A_279 = arith.constant 1 : i32
      %add3A_280 = arith.addi %add3A_278, %add3A_279 : i32
      %lt3A_281 = arith.constant 50 : i32
      %lt3A_282 = arith.cmpi slt, %add3A_280, %lt3A_281 : i32
      %convert_element_type3A_283 = arith.extui %lt3A_282 : i1 to i32
      %cond3A_284 = arith.constant 0 : i32
      %cond3A_285 = arith.cmpi ne, %convert_element_type3A_283, %cond3A_284 : i32
      scf.if %cond3A_285 {
        %add3A_421 = arith.constant 1 : i32
        %add3A_422 = arith.addi %add3A_278, %add3A_421 : i32
        %mul3A_423 = arith.constant 512 : i32
        %mul3A_424 = arith.muli %add3A_422, %mul3A_423 : i32
        %dma_start3A_425 = tpu.memref_slice %arg5[%mul3A_424] : memref<25600xi32, #tpu.memory_space<vmem>> -> memref<512xi32, #tpu.memory_space<vmem>>
        %dma_start3A_426 = arith.constant 0 : i32
        %dma_start3A_427 = arith.constant 0 : i32
        %dma_start3A_428 = tpu.memref_slice %arg3[%dma_start3A_426, %dma_start3A_427] : memref<1000000x32xf32, #tpu.memory_space<hbm>> -> memref<1000000x32xf32, #tpu.memory_space<hbm>>
        tpu.enqueue_indirect_dma source(%dma_start3A_428 : memref<1000000x32xf32, #tpu.memory_space<hbm>>) target(%arg6 : memref<512x32xf32, #tpu.memory_space<vmem>>) offsets(%dma_start3A_425 : memref<512xi32, #tpu.memory_space<vmem>>) semaphore(%arg10 : memref<!tpu.dma_semaphore, #tpu.memory_space<semaphore_mem>>)
      } else {
      }
      %ge3A_286 = arith.constant 2 : i32
      %ge3A_287 = arith.cmpi sge, %add3A_278, %ge3A_286 : i32
      %convert_element_type3A_288 = arith.extui %ge3A_287 : i1 to i32
      %cond3A_289 = arith.constant 0 : i32
      %cond3A_290 = arith.cmpi ne, %convert_element_type3A_288, %cond3A_289 : i32
      scf.if %cond3A_290 {
        %dma_wait3A_421 = arith.constant 0 : i32
        %dma_wait3A_422 = tpu.memref_slice %arg4[%dma_wait3A_421] : memref<26214400xf32, #tpu.memory_space<hbm>> -> memref<16384xf32, #tpu.memory_space<hbm>>
        %dma_wait3A_423 = arith.constant 0 : i32
        %dma_wait3A_424 = tpu.memref_slice %arg4[%dma_wait3A_423] : memref<26214400xf32, #tpu.memory_space<hbm>> -> memref<16384xf32, #tpu.memory_space<hbm>>
        tpu.wait_dma2 semaphore(%arg13 : memref<!tpu.dma_semaphore, #tpu.memory_space<semaphore_mem>>) src(%dma_wait3A_424 : memref<16384xf32, #tpu.memory_space<hbm>>) dst(%arg9 : memref<16384xf32, #tpu.memory_space<vmem>>)
      } else {
      }
      %dma_wait3A_291 = arith.constant 0 : i32
      %dma_wait3A_292 = arith.constant 0 : i32
      %dma_wait3A_293 = tpu.memref_slice %arg3[%dma_wait3A_291, %dma_wait3A_292] : memref<1000000x32xf32, #tpu.memory_space<hbm>> -> memref<512x32xf32, #tpu.memory_space<hbm>>
      %dma_wait3A_294 = arith.constant 0 : i32
      %dma_wait3A_295 = arith.constant 0 : i32
      %dma_wait3A_296 = tpu.memref_slice %arg3[%dma_wait3A_294, %dma_wait3A_295] : memref<1000000x32xf32, #tpu.memory_space<hbm>> -> memref<512x32xf32, #tpu.memory_space<hbm>>
      tpu.wait_dma2 semaphore(%arg11 : memref<!tpu.dma_semaphore, #tpu.memory_space<semaphore_mem>>) src(%dma_wait3A_296 : memref<512x32xf32, #tpu.memory_space<hbm>>) dst(%arg7 : memref<512x32xf32, #tpu.memory_space<vmem>>)
      %scan3A_297 = arith.constant 0 : i32
      %scan3A_298 = arith.constant 32 : i32
      %scan3A_299 = arith.addi %scan3A_297, %scan3A_298 : i32
      %scan3A_300 = arith.constant 1 : i32
      scf.for %scan3A_421 = %scan3A_297 to %scan3A_299 step %scan3A_300  : i32 {
        %mul3A_422 = arith.constant 16 : i32
        %mul3A_423 = arith.muli %scan3A_421, %mul3A_422 : i32
        %add3A_424 = arith.constant 0 : i32
        %add3A_425 = arith.addi %add3A_424, %mul3A_423 : i32
        %shift_right_arithmetic3A_426 = arith.constant 7 : i32
        %shift_right_arithmetic3A_427 = arith.shrsi %add3A_425, %shift_right_arithmetic3A_426 : i32
        %mul3A_428 = arith.constant 1024 : i32
        %mul3A_429 = arith.muli %shift_right_arithmetic3A_427, %mul3A_428 : i32
        %and3A_430 = arith.constant 127 : i32
        %and3A_431 = arith.andi %add3A_425, %and3A_430 : i32
        %add3A_432 = arith.addi %mul3A_429, %and3A_431 : i32
        %add3A_433 = vector.broadcast %add3A_425 : i32 to vector<16xi32>
        %add3A_434 = arith.addi %add3A_433, %and3A_18 : vector<16xi32>
        %gather3A = tpu.vector_load_idx %arg7[%add3A_434, %iota3A] : memref<512x32xf32, #tpu.memory_space<vmem>>[vector<16xi32>, vector<16xi32>], vector<16xf32>,
        %add3A_435 = arith.constant 16 : i32
        %add3A_436 = vector.broadcast %add3A_435 : i32 to vector<16xi32>
        %add3A_437 = arith.addi %iota3A, %add3A_436 : vector<16xi32>
        %gather3A_438 = tpu.vector_load_idx %arg7[%add3A_434, %add3A_437] : memref<512x32xf32, #tpu.memory_space<vmem>>[vector<16xi32>, vector<16xi32>], vector<16xf32>,
        %add3A_439 = vector.broadcast %add3A_432 : i32 to vector<16xi32>
        %add3A_440 = arith.addi %add3A_109, %add3A_439 : vector<16xi32>
        tpu.vector_store_idx %arg9[%add3A_440], %gather3A : memref<16384xf32, #tpu.memory_space<vmem>>[vector<16xi32>], vector<16xf32>,
        %add3A_441 = arith.constant 8192 : i32
        %add3A_442 = vector.broadcast %add3A_441 : i32 to vector<16xi32>
        %add3A_443 = arith.addi %add3A_440, %add3A_442 : vector<16xi32>
        tpu.vector_store_idx %arg9[%add3A_443], %gather3A_438 : memref<16384xf32, #tpu.memory_space<vmem>>[vector<16xi32>], vector<16xf32>,
        %add3A_444 = vector.broadcast %add3A_425 : i32 to vector<16xi32>
        %add3A_445 = arith.addi %add3A_444, %and3A_24 : vector<16xi32>
        %gather3A_446 = tpu.vector_load_idx %arg7[%add3A_445, %iota3A] : memref<512x32xf32, #tpu.memory_space<vmem>>[vector<16xi32>, vector<16xi32>], vector<16xf32>,
        %add3A_447 = arith.constant 16 : i32
        %add3A_448 = vector.broadcast %add3A_447 : i32 to vector<16xi32>
        %add3A_449 = arith.addi %iota3A, %add3A_448 : vector<16xi32>
        %gather3A_450 = tpu.vector_load_idx %arg7[%add3A_445, %add3A_449] : memref<512x32xf32, #tpu.memory_space<vmem>>[vector<16xi32>, vector<16xi32>], vector<16xf32>,
        %add3A_451 = vector.broadcast %add3A_432 : i32 to vector<16xi32>
        %add3A_452 = arith.addi %add3A_110, %add3A_451 : vector<16xi32>
        tpu.vector_store_idx %arg9[%add3A_452], %gather3A_446 : memref<16384xf32, #tpu.memory_space<vmem>>[vector<16xi32>], vector<16xf32>,
        %add3A_453 = arith.constant 8192 : i32
        %add3A_454 = vector.broadcast %add3A_453 : i32 to vector<16xi32>
        %add3A_455 = arith.addi %add3A_452, %add3A_454 : vector<16xi32>
        tpu.vector_store_idx %arg9[%add3A_455], %gather3A_450 : memref<16384xf32, #tpu.memory_space<vmem>>[vector<16xi32>], vector<16xf32>,
        %add3A_456 = vector.broadcast %add3A_425 : i32 to vector<16xi32>
        %add3A_457 = arith.addi %add3A_456, %and3A_30 : vector<16xi32>
        %gather3A_458 = tpu.vector_load_idx %arg7[%add3A_457, %iota3A] : memref<512x32xf32, #tpu.memory_space<vmem>>[vector<16xi32>, vector<16xi32>], vector<16xf32>,
        %add3A_459 = arith.constant 16 : i32
        %add3A_460 = vector.broadcast %add3A_459 : i32 to vector<16xi32>
        %add3A_461 = arith.addi %iota3A, %add3A_460 : vector<16xi32>
        %gather3A_462 = tpu.vector_load_idx %arg7[%add3A_457, %add3A_461] : memref<512x32xf32, #tpu.memory_space<vmem>>[vector<16xi32>, vector<16xi32>], vector<16xf32>,
        %add3A_463 = vector.broadcast %add3A_432 : i32 to vector<16xi32>
        %add3A_464 = arith.addi %add3A_111, %add3A_463 : vector<16xi32>
        tpu.vector_store_idx %arg9[%add3A_464], %gather3A_458 : memref<16384xf32, #tpu.memory_space<vmem>>[vector<16xi32>], vector<16xf32>,
        %add3A_465 = arith.constant 8192 : i32
        %add3A_466 = vector.broadcast %add3A_465 : i32 to vector<16xi32>
        %add3A_467 = arith.addi %add3A_464, %add3A_466 : vector<16xi32>
        tpu.vector_store_idx %arg9[%add3A_467], %gather3A_462 : memref<16384xf32, #tpu.memory_space<vmem>>[vector<16xi32>], vector<16xf32>,
        %add3A_468 = vector.broadcast %add3A_425 : i32 to vector<16xi32>
        %add3A_469 = arith.addi %add3A_468, %and3A_36 : vector<16xi32>
        %gather3A_470 = tpu.vector_load_idx %arg7[%add3A_469, %iota3A] : memref<512x32xf32, #tpu.memory_space<vmem>>[vector<16xi32>, vector<16xi32>], vector<16xf32>,
        %add3A_471 = arith.constant 16 : i32
        %add3A_472 = vector.broadcast %add3A_471 : i32 to vector<16xi32>
        %add3A_473 = arith.addi %iota3A, %add3A_472 : vector<16xi32>
        %gather3A_474 = tpu.vector_load_idx %arg7[%add3A_469, %add3A_473] : memref<512x32xf32, #tpu.memory_space<vmem>>[vector<16xi32>, vector<16xi32>], vector<16xf32>,
        %add3A_475 = vector.broadcast %add3A_432 : i32 to vector<16xi32>
        %add3A_476 = arith.addi %add3A_112, %add3A_475 : vector<16xi32>
        tpu.vector_store_idx %arg9[%add3A_476], %gather3A_470 : memref<16384xf32, #tpu.memory_space<vmem>>[vector<16xi32>], vector<16xf32>,
        %add3A_477 = arith.constant 8192 : i32
        %add3A_478 = vector.broadcast %add3A_477 : i32 to vector<16xi32>
        %add3A_479 = arith.addi %add3A_476, %add3A_478 : vector<16xi32>
        tpu.vector_store_idx %arg9[%add3A_479], %gather3A_474 : memref<16384xf32, #tpu.memory_space<vmem>>[vector<16xi32>], vector<16xf32>,
        %add3A_480 = vector.broadcast %add3A_425 : i32 to vector<16xi32>
        %add3A_481 = arith.addi %add3A_480, %and3A_42 : vector<16xi32>
        %gather3A_482 = tpu.vector_load_idx %arg7[%add3A_481, %iota3A] : memref<512x32xf32, #tpu.memory_space<vmem>>[vector<16xi32>, vector<16xi32>], vector<16xf32>,
        %add3A_483 = arith.constant 16 : i32
        %add3A_484 = vector.broadcast %add3A_483 : i32 to vector<16xi32>
        %add3A_485 = arith.addi %iota3A, %add3A_484 : vector<16xi32>
        %gather3A_486 = tpu.vector_load_idx %arg7[%add3A_481, %add3A_485] : memref<512x32xf32, #tpu.memory_space<vmem>>[vector<16xi32>, vector<16xi32>], vector<16xf32>,
        %add3A_487 = vector.broadcast %add3A_432 : i32 to vector<16xi32>
        %add3A_488 = arith.addi %add3A_113, %add3A_487 : vector<16xi32>
        tpu.vector_store_idx %arg9[%add3A_488], %gather3A_482 : memref<16384xf32, #tpu.memory_space<vmem>>[vector<16xi32>], vector<16xf32>,
        %add3A_489 = arith.constant 8192 : i32
        %add3A_490 = vector.broadcast %add3A_489 : i32 to vector<16xi32>
        %add3A_491 = arith.addi %add3A_488, %add3A_490 : vector<16xi32>
        tpu.vector_store_idx %arg9[%add3A_491], %gather3A_486 : memref<16384xf32, #tpu.memory_space<vmem>>[vector<16xi32>], vector<16xf32>,
        %add3A_492 = vector.broadcast %add3A_425 : i32 to vector<16xi32>
        %add3A_493 = arith.addi %add3A_492, %and3A_48 : vector<16xi32>
        %gather3A_494 = tpu.vector_load_idx %arg7[%add3A_493, %iota3A] : memref<512x32xf32, #tpu.memory_space<vmem>>[vector<16xi32>, vector<16xi32>], vector<16xf32>,
        %add3A_495 = arith.constant 16 : i32
        %add3A_496 = vector.broadcast %add3A_495 : i32 to vector<16xi32>
        %add3A_497 = arith.addi %iota3A, %add3A_496 : vector<16xi32>
        %gather3A_498 = tpu.vector_load_idx %arg7[%add3A_493, %add3A_497] : memref<512x32xf32, #tpu.memory_space<vmem>>[vector<16xi32>, vector<16xi32>], vector<16xf32>,
        %add3A_499 = vector.broadcast %add3A_432 : i32 to vector<16xi32>
        %add3A_500 = arith.addi %add3A_114, %add3A_499 : vector<16xi32>
        tpu.vector_store_idx %arg9[%add3A_500], %gather3A_494 : memref<16384xf32, #tpu.memory_space<vmem>>[vector<16xi32>], vector<16xf32>,
        %add3A_501 = arith.constant 8192 : i32
        %add3A_502 = vector.broadcast %add3A_501 : i32 to vector<16xi32>
        %add3A_503 = arith.addi %add3A_500, %add3A_502 : vector<16xi32>
        tpu.vector_store_idx %arg9[%add3A_503], %gather3A_498 : memref<16384xf32, #tpu.memory_space<vmem>>[vector<16xi32>], vector<16xf32>,
        %add3A_504 = vector.broadcast %add3A_425 : i32 to vector<16xi32>
        %add3A_505 = arith.addi %add3A_504, %and3A_54 : vector<16xi32>
        %gather3A_506 = tpu.vector_load_idx %arg7[%add3A_505, %iota3A] : memref<512x32xf32, #tpu.memory_space<vmem>>[vector<16xi32>, vector<16xi32>], vector<16xf32>,
        %add3A_507 = arith.constant 16 : i32
        %add3A_508 = vector.broadcast %add3A_507 : i32 to vector<16xi32>
        %add3A_509 = arith.addi %iota3A, %add3A_508 : vector<16xi32>
        %gather3A_510 = tpu.vector_load_idx %arg7[%add3A_505, %add3A_509] : memref<512x32xf32, #tpu.memory_space<vmem>>[vector<16xi32>, vector<16xi32>], vector<16xf32>,
        %add3A_511 = vector.broadcast %add3A_432 : i32 to vector<16xi32>
        %add3A_512 = arith.addi %add3A_115, %add3A_511 : vector<16xi32>
        tpu.vector_store_idx %arg9[%add3A_512], %gather3A_506 : memref<16384xf32, #tpu.memory_space<vmem>>[vector<16xi32>], vector<16xf32>,
        %add3A_513 = arith.constant 8192 : i32
        %add3A_514 = vector.broadcast %add3A_513 : i32 to vector<16xi32>
        %add3A_515 = arith.addi %add3A_512, %add3A_514 : vector<16xi32>
        tpu.vector_store_idx %arg9[%add3A_515], %gather3A_510 : memref<16384xf32, #tpu.memory_space<vmem>>[vector<16xi32>], vector<16xf32>,
        %add3A_516 = vector.broadcast %add3A_425 : i32 to vector<16xi32>
        %add3A_517 = arith.addi %add3A_516, %and3A_60 : vector<16xi32>
        %gather3A_518 = tpu.vector_load_idx %arg7[%add3A_517, %iota3A] : memref<512x32xf32, #tpu.memory_space<vmem>>[vector<16xi32>, vector<16xi32>], vector<16xf32>,
        %add3A_519 = arith.constant 16 : i32
        %add3A_520 = vector.broadcast %add3A_519 : i32 to vector<16xi32>
        %add3A_521 = arith.addi %iota3A, %add3A_520 : vector<16xi32>
        %gather3A_522 = tpu.vector_load_idx %arg7[%add3A_517, %add3A_521] : memref<512x32xf32, #tpu.memory_space<vmem>>[vector<16xi32>, vector<16xi32>], vector<16xf32>,
        %add3A_523 = vector.broadcast %add3A_432 : i32 to vector<16xi32>
        %add3A_524 = arith.addi %add3A_116, %add3A_523 : vector<16xi32>
        tpu.vector_store_idx %arg9[%add3A_524], %gather3A_518 : memref<16384xf32, #tpu.memory_space<vmem>>[vector<16xi32>], vector<16xf32>,
        %add3A_525 = arith.constant 8192 : i32
        %add3A_526 = vector.broadcast %add3A_525 : i32 to vector<16xi32>
        %add3A_527 = arith.addi %add3A_524, %add3A_526 : vector<16xi32>
        tpu.vector_store_idx %arg9[%add3A_527], %gather3A_522 : memref<16384xf32, #tpu.memory_space<vmem>>[vector<16xi32>], vector<16xf32>,
        %add3A_528 = vector.broadcast %add3A_425 : i32 to vector<16xi32>
        %add3A_529 = arith.addi %add3A_528, %and3A_66 : vector<16xi32>
        %gather3A_530 = tpu.vector_load_idx %arg7[%add3A_529, %iota3A] : memref<512x32xf32, #tpu.memory_space<vmem>>[vector<16xi32>, vector<16xi32>], vector<16xf32>,
        %add3A_531 = arith.constant 16 : i32
        %add3A_532 = vector.broadcast %add3A_531 : i32 to vector<16xi32>
        %add3A_533 = arith.addi %iota3A, %add3A_532 : vector<16xi32>
        %gather3A_534 = tpu.vector_load_idx %arg7[%add3A_529, %add3A_533] : memref<512x32xf32, #tpu.memory_space<vmem>>[vector<16xi32>, vector<16xi32>], vector<16xf32>,
        %add3A_535 = vector.broadcast %add3A_432 : i32 to vector<16xi32>
        %add3A_536 = arith.addi %add3A_117, %add3A_535 : vector<16xi32>
        tpu.vector_store_idx %arg9[%add3A_536], %gather3A_530 : memref<16384xf32, #tpu.memory_space<vmem>>[vector<16xi32>], vector<16xf32>,
        %add3A_537 = arith.constant 8192 : i32
        %add3A_538 = vector.broadcast %add3A_537 : i32 to vector<16xi32>
        %add3A_539 = arith.addi %add3A_536, %add3A_538 : vector<16xi32>
        tpu.vector_store_idx %arg9[%add3A_539], %gather3A_534 : memref<16384xf32, #tpu.memory_space<vmem>>[vector<16xi32>], vector<16xf32>,
        %add3A_540 = vector.broadcast %add3A_425 : i32 to vector<16xi32>
        %add3A_541 = arith.addi %add3A_540, %and3A_72 : vector<16xi32>
        %gather3A_542 = tpu.vector_load_idx %arg7[%add3A_541, %iota3A] : memref<512x32xf32, #tpu.memory_space<vmem>>[vector<16xi32>, vector<16xi32>], vector<16xf32>,
        %add3A_543 = arith.constant 16 : i32
        %add3A_544 = vector.broadcast %add3A_543 : i32 to vector<16xi32>
        %add3A_545 = arith.addi %iota3A, %add3A_544 : vector<16xi32>
        %gather3A_546 = tpu.vector_load_idx %arg7[%add3A_541, %add3A_545] : memref<512x32xf32, #tpu.memory_space<vmem>>[vector<16xi32>, vector<16xi32>], vector<16xf32>,
        %add3A_547 = vector.broadcast %add3A_432 : i32 to vector<16xi32>
        %add3A_548 = arith.addi %add3A_118, %add3A_547 : vector<16xi32>
        tpu.vector_store_idx %arg9[%add3A_548], %gather3A_542 : memref<16384xf32, #tpu.memory_space<vmem>>[vector<16xi32>], vector<16xf32>,
        %add3A_549 = arith.constant 8192 : i32
        %add3A_550 = vector.broadcast %add3A_549 : i32 to vector<16xi32>
        %add3A_551 = arith.addi %add3A_548, %add3A_550 : vector<16xi32>
        tpu.vector_store_idx %arg9[%add3A_551], %gather3A_546 : memref<16384xf32, #tpu.memory_space<vmem>>[vector<16xi32>], vector<16xf32>,
        %add3A_552 = vector.broadcast %add3A_425 : i32 to vector<16xi32>
        %add3A_553 = arith.addi %add3A_552, %and3A_78 : vector<16xi32>
        %gather3A_554 = tpu.vector_load_idx %arg7[%add3A_553, %iota3A] : memref<512x32xf32, #tpu.memory_space<vmem>>[vector<16xi32>, vector<16xi32>], vector<16xf32>,
        %add3A_555 = arith.constant 16 : i32
        %add3A_556 = vector.broadcast %add3A_555 : i32 to vector<16xi32>
        %add3A_557 = arith.addi %iota3A, %add3A_556 : vector<16xi32>
        %gather3A_558 = tpu.vector_load_idx %arg7[%add3A_553, %add3A_557] : memref<512x32xf32, #tpu.memory_space<vmem>>[vector<16xi32>, vector<16xi32>], vector<16xf32>,
        %add3A_559 = vector.broadcast %add3A_432 : i32 to vector<16xi32>
        %add3A_560 = arith.addi %add3A_119, %add3A_559 : vector<16xi32>
        tpu.vector_store_idx %arg9[%add3A_560], %gather3A_554 : memref<16384xf32, #tpu.memory_space<vmem>>[vector<16xi32>], vector<16xf32>,
        %add3A_561 = arith.constant 8192 : i32
        %add3A_562 = vector.broadcast %add3A_561 : i32 to vector<16xi32>
        %add3A_563 = arith.addi %add3A_560, %add3A_562 : vector<16xi32>
        tpu.vector_store_idx %arg9[%add3A_563], %gather3A_558 : memref<16384xf32, #tpu.memory_space<vmem>>[vector<16xi32>], vector<16xf32>,
        %add3A_564 = vector.broadcast %add3A_425 : i32 to vector<16xi32>
        %add3A_565 = arith.addi %add3A_564, %and3A_84 : vector<16xi32>
        %gather3A_566 = tpu.vector_load_idx %arg7[%add3A_565, %iota3A] : memref<512x32xf32, #tpu.memory_space<vmem>>[vector<16xi32>, vector<16xi32>], vector<16xf32>,
        %add3A_567 = arith.constant 16 : i32
        %add3A_568 = vector.broadcast %add3A_567 : i32 to vector<16xi32>
        %add3A_569 = arith.addi %iota3A, %add3A_568 : vector<16xi32>
        %gather3A_570 = tpu.vector_load_idx %arg7[%add3A_565, %add3A_569] : memref<512x32xf32, #tpu.memory_space<vmem>>[vector<16xi32>, vector<16xi32>], vector<16xf32>,
        %add3A_571 = vector.broadcast %add3A_432 : i32 to vector<16xi32>
        %add3A_572 = arith.addi %add3A_120, %add3A_571 : vector<16xi32>
        tpu.vector_store_idx %arg9[%add3A_572], %gather3A_566 : memref<16384xf32, #tpu.memory_space<vmem>>[vector<16xi32>], vector<16xf32>,
        %add3A_573 = arith.constant 8192 : i32
        %add3A_574 = vector.broadcast %add3A_573 : i32 to vector<16xi32>
        %add3A_575 = arith.addi %add3A_572, %add3A_574 : vector<16xi32>
        tpu.vector_store_idx %arg9[%add3A_575], %gather3A_570 : memref<16384xf32, #tpu.memory_space<vmem>>[vector<16xi32>], vector<16xf32>,
        %add3A_576 = vector.broadcast %add3A_425 : i32 to vector<16xi32>
        %add3A_577 = arith.addi %add3A_576, %and3A_90 : vector<16xi32>
        %gather3A_578 = tpu.vector_load_idx %arg7[%add3A_577, %iota3A] : memref<512x32xf32, #tpu.memory_space<vmem>>[vector<16xi32>, vector<16xi32>], vector<16xf32>,
        %add3A_579 = arith.constant 16 : i32
        %add3A_580 = vector.broadcast %add3A_579 : i32 to vector<16xi32>
        %add3A_581 = arith.addi %iota3A, %add3A_580 : vector<16xi32>
        %gather3A_582 = tpu.vector_load_idx %arg7[%add3A_577, %add3A_581] : memref<512x32xf32, #tpu.memory_space<vmem>>[vector<16xi32>, vector<16xi32>], vector<16xf32>,
        %add3A_583 = vector.broadcast %add3A_432 : i32 to vector<16xi32>
        %add3A_584 = arith.addi %add3A_121, %add3A_583 : vector<16xi32>
        tpu.vector_store_idx %arg9[%add3A_584], %gather3A_578 : memref<16384xf32, #tpu.memory_space<vmem>>[vector<16xi32>], vector<16xf32>,
        %add3A_585 = arith.constant 8192 : i32
        %add3A_586 = vector.broadcast %add3A_585 : i32 to vector<16xi32>
        %add3A_587 = arith.addi %add3A_584, %add3A_586 : vector<16xi32>
        tpu.vector_store_idx %arg9[%add3A_587], %gather3A_582 : memref<16384xf32, #tpu.memory_space<vmem>>[vector<16xi32>], vector<16xf32>,
        %add3A_588 = vector.broadcast %add3A_425 : i32 to vector<16xi32>
        %add3A_589 = arith.addi %add3A_588, %and3A_96 : vector<16xi32>
        %gather3A_590 = tpu.vector_load_idx %arg7[%add3A_589, %iota3A] : memref<512x32xf32, #tpu.memory_space<vmem>>[vector<16xi32>, vector<16xi32>], vector<16xf32>,
        %add3A_591 = arith.constant 16 : i32
        %add3A_592 = vector.broadcast %add3A_591 : i32 to vector<16xi32>
        %add3A_593 = arith.addi %iota3A, %add3A_592 : vector<16xi32>
        %gather3A_594 = tpu.vector_load_idx %arg7[%add3A_589, %add3A_593] : memref<512x32xf32, #tpu.memory_space<vmem>>[vector<16xi32>, vector<16xi32>], vector<16xf32>,
        %add3A_595 = vector.broadcast %add3A_432 : i32 to vector<16xi32>
        %add3A_596 = arith.addi %add3A_122, %add3A_595 : vector<16xi32>
        tpu.vector_store_idx %arg9[%add3A_596], %gather3A_590 : memref<16384xf32, #tpu.memory_space<vmem>>[vector<16xi32>], vector<16xf32>,
        %add3A_597 = arith.constant 8192 : i32
        %add3A_598 = vector.broadcast %add3A_597 : i32 to vector<16xi32>
        %add3A_599 = arith.addi %add3A_596, %add3A_598 : vector<16xi32>
        tpu.vector_store_idx %arg9[%add3A_599], %gather3A_594 : memref<16384xf32, #tpu.memory_space<vmem>>[vector<16xi32>], vector<16xf32>,
        %add3A_600 = vector.broadcast %add3A_425 : i32 to vector<16xi32>
        %add3A_601 = arith.addi %add3A_600, %and3A_102 : vector<16xi32>
        %gather3A_602 = tpu.vector_load_idx %arg7[%add3A_601, %iota3A] : memref<512x32xf32, #tpu.memory_space<vmem>>[vector<16xi32>, vector<16xi32>], vector<16xf32>,
        %add3A_603 = arith.constant 16 : i32
        %add3A_604 = vector.broadcast %add3A_603 : i32 to vector<16xi32>
        %add3A_605 = arith.addi %iota3A, %add3A_604 : vector<16xi32>
        %gather3A_606 = tpu.vector_load_idx %arg7[%add3A_601, %add3A_605] : memref<512x32xf32, #tpu.memory_space<vmem>>[vector<16xi32>, vector<16xi32>], vector<16xf32>,
        %add3A_607 = vector.broadcast %add3A_432 : i32 to vector<16xi32>
        %add3A_608 = arith.addi %add3A_123, %add3A_607 : vector<16xi32>
        tpu.vector_store_idx %arg9[%add3A_608], %gather3A_602 : memref<16384xf32, #tpu.memory_space<vmem>>[vector<16xi32>], vector<16xf32>,
        %add3A_609 = arith.constant 8192 : i32
        %add3A_610 = vector.broadcast %add3A_609 : i32 to vector<16xi32>
        %add3A_611 = arith.addi %add3A_608, %add3A_610 : vector<16xi32>
        tpu.vector_store_idx %arg9[%add3A_611], %gather3A_606 : memref<16384xf32, #tpu.memory_space<vmem>>[vector<16xi32>], vector<16xf32>,
        %add3A_612 = vector.broadcast %add3A_425 : i32 to vector<16xi32>
        %add3A_613 = arith.addi %add3A_612, %and3A_108 : vector<16xi32>
        %gather3A_614 = tpu.vector_load_idx %arg7[%add3A_613, %iota3A] : memref<512x32xf32, #tpu.memory_space<vmem>>[vector<16xi32>, vector<16xi32>], vector<16xf32>,
        %add3A_615 = arith.constant 16 : i32
        %add3A_616 = vector.broadcast %add3A_615 : i32 to vector<16xi32>
        %add3A_617 = arith.addi %iota3A, %add3A_616 : vector<16xi32>
        %gather3A_618 = tpu.vector_load_idx %arg7[%add3A_613, %add3A_617] : memref<512x32xf32, #tpu.memory_space<vmem>>[vector<16xi32>, vector<16xi32>], vector<16xf32>,
        %add3A_619 = vector.broadcast %add3A_432 : i32 to vector<16xi32>
        %add3A_620 = arith.addi %add3A_124, %add3A_619 : vector<16xi32>
        tpu.vector_store_idx %arg9[%add3A_620], %gather3A_614 : memref<16384xf32, #tpu.memory_space<vmem>>[vector<16xi32>], vector<16xf32>,
        %add3A_621 = arith.constant 8192 : i32
        %add3A_622 = vector.broadcast %add3A_621 : i32 to vector<16xi32>
        %add3A_623 = arith.addi %add3A_620, %add3A_622 : vector<16xi32>
        tpu.vector_store_idx %arg9[%add3A_623], %gather3A_618 : memref<16384xf32, #tpu.memory_space<vmem>>[vector<16xi32>], vector<16xf32>,
      }
      %scan3A_301 = arith.constant 32 : i32
      %mul3A_302 = arith.constant 512 : i32
      %mul3A_303 = arith.muli %add3A_278, %mul3A_302 : i32
      %add3A_304 = arith.addi %mul3A_2, %mul3A_303 : i32
      %jit3A_305 = arith.constant 16384 : i32
      %div3A_306 = arith.divsi %add3A_304, %jit3A_305 : i32
      %sign3A_307 = arith.constant 0 : i32
      %sign3A_308 = arith.cmpi sgt, %add3A_304, %sign3A_307 : i32
      %sign3A_309 = arith.extui %sign3A_308 : i1 to i32
      %sign3A_310 = arith.constant 0 : i32
      %sign3A_311 = arith.cmpi slt, %add3A_304, %sign3A_310 : i32
      %sign3A_312 = arith.extui %sign3A_311 : i1 to i32
      %sign3A_313 = arith.subi %sign3A_309, %sign3A_312 : i32
      %sign3A_314 = arith.constant 0 : i32
      %sign3A_315 = arith.cmpi sgt, %jit3A_305, %sign3A_314 : i32
      %sign3A_316 = arith.extui %sign3A_315 : i1 to i32
      %sign3A_317 = arith.constant 0 : i32
      %sign3A_318 = arith.cmpi slt, %jit3A_305, %sign3A_317 : i32
      %sign3A_319 = arith.extui %sign3A_318 : i1 to i32
      %sign3A_320 = arith.subi %sign3A_316, %sign3A_319 : i32
      %ne3A_321 = arith.cmpi ne, %sign3A_313, %sign3A_320 : i32
      %rem3A_322 = arith.remsi %add3A_304, %jit3A_305 : i32
      %ne3A_323 = arith.constant 0 : i32
      %ne3A_324 = arith.cmpi ne, %rem3A_322, %ne3A_323 : i32
      %and3A_325 = arith.andi %ne3A_321, %ne3A_324 : i1
      %sub3A_326 = arith.constant 1 : i32
      %sub3A_327 = arith.subi %div3A_306, %sub3A_326 : i32
      %select_n3A_328 = arith.select %and3A_325, %sub3A_327, %div3A_306 : i32
      %jit3A_329 = arith.constant 16384 : i32
      %eq3A_330 = arith.constant 0 : i32
      %eq3A_331 = arith.cmpi eq, %jit3A_329, %eq3A_330 : i32
      %jit3A_332 = arith.constant 1 : i32
      %select_n3A_333 = arith.select %eq3A_331, %jit3A_332, %jit3A_329 : i32
      %rem3A_334 = arith.remsi %add3A_304, %select_n3A_333 : i32
      %ne3A_335 = arith.constant 0 : i32
      %ne3A_336 = arith.cmpi ne, %rem3A_334, %ne3A_335 : i32
      %lt3A_337 = arith.constant 0 : i32
      %lt3A_338 = arith.cmpi slt, %rem3A_334, %lt3A_337 : i32
      %lt3A_339 = arith.constant 0 : i32
      %lt3A_340 = arith.cmpi slt, %select_n3A_333, %lt3A_339 : i32
      %ne3A_341 = arith.xori %lt3A_338, %lt3A_340 : i1
      %and3A_342 = arith.andi %ne3A_341, %ne3A_336 : i1
      %add3A_343 = arith.addi %rem3A_334, %select_n3A_333 : i32
      %select_n3A_344 = arith.select %and3A_342, %add3A_343, %rem3A_334 : i32
      %jit3A_345 = arith.constant 128 : i32
      %div3A_346 = arith.divsi %select_n3A_344, %jit3A_345 : i32
      %sign3A_347 = arith.constant 0 : i32
      %sign3A_348 = arith.cmpi sgt, %select_n3A_344, %sign3A_347 : i32
      %sign3A_349 = arith.extui %sign3A_348 : i1 to i32
      %sign3A_350 = arith.constant 0 : i32
      %sign3A_351 = arith.cmpi slt, %select_n3A_344, %sign3A_350 : i32
      %sign3A_352 = arith.extui %sign3A_351 : i1 to i32
      %sign3A_353 = arith.subi %sign3A_349, %sign3A_352 : i32
      %sign3A_354 = arith.constant 0 : i32
      %sign3A_355 = arith.cmpi sgt, %jit3A_345, %sign3A_354 : i32
      %sign3A_356 = arith.extui %sign3A_355 : i1 to i32
      %sign3A_357 = arith.constant 0 : i32
      %sign3A_358 = arith.cmpi slt, %jit3A_345, %sign3A_357 : i32
      %sign3A_359 = arith.extui %sign3A_358 : i1 to i32
      %sign3A_360 = arith.subi %sign3A_356, %sign3A_359 : i32
      %ne3A_361 = arith.cmpi ne, %sign3A_353, %sign3A_360 : i32
      %rem3A_362 = arith.remsi %select_n3A_344, %jit3A_345 : i32
      %ne3A_363 = arith.constant 0 : i32
      %ne3A_364 = arith.cmpi ne, %rem3A_362, %ne3A_363 : i32
      %and3A_365 = arith.andi %ne3A_361, %ne3A_364 : i1
      %sub3A_366 = arith.constant 1 : i32
      %sub3A_367 = arith.subi %div3A_346, %sub3A_366 : i32
      %select_n3A_368 = arith.select %and3A_365, %sub3A_367, %div3A_346 : i32
      %mul3A_369 = arith.constant 524288 : i32
      %mul3A_370 = arith.muli %select_n3A_328, %mul3A_369 : i32
      %add3A_371 = arith.constant 0 : i32
      %add3A_372 = arith.addi %mul3A_370, %add3A_371 : i32
      %mul3A_373 = arith.constant 1024 : i32
      %mul3A_374 = arith.muli %select_n3A_368, %mul3A_373 : i32
      %add3A_375 = arith.addi %add3A_372, %mul3A_374 : i32
      %dma_start3A_376 = arith.constant 0 : i32
      %dma_start3A_377 = tpu.memref_slice %arg9[%dma_start3A_376] : memref<16384xf32, #tpu.memory_space<vmem>> -> memref<4096xf32, #tpu.memory_space<vmem>>
      %dma_start3A_378 = tpu.memref_slice %arg4[%add3A_375] : memref<26214400xf32, #tpu.memory_space<hbm>> -> memref<4096xf32, #tpu.memory_space<hbm>>
      %dma_start3A_379 = tpu.memref_slice %arg4[%add3A_375] : memref<26214400xf32, #tpu.memory_space<hbm>> -> memref<4096xf32, #tpu.memory_space<hbm>>
      %dma_start3A_380 = arith.constant 0 : i32
      %dma_start3A_381 = tpu.memref_slice %arg9[%dma_start3A_380] : memref<16384xf32, #tpu.memory_space<vmem>> -> memref<4096xf32, #tpu.memory_space<vmem>>
      tpu.enqueue_dma source(%dma_start3A_381 : memref<4096xf32, #tpu.memory_space<vmem>>) target(%dma_start3A_379 : memref<4096xf32, #tpu.memory_space<hbm>>) target_semaphore(%arg13 : memref<!tpu.dma_semaphore, #tpu.memory_space<semaphore_mem>>)
      %mul3A_382 = arith.constant 524288 : i32
      %mul3A_383 = arith.muli %select_n3A_328, %mul3A_382 : i32
      %add3A_384 = arith.constant 131072 : i32
      %add3A_385 = arith.addi %mul3A_383, %add3A_384 : i32
      %mul3A_386 = arith.constant 1024 : i32
      %mul3A_387 = arith.muli %select_n3A_368, %mul3A_386 : i32
      %add3A_388 = arith.addi %add3A_385, %mul3A_387 : i32
      %dma_start3A_389 = arith.constant 4096 : i32
      %dma_start3A_390 = tpu.memref_slice %arg9[%dma_start3A_389] : memref<16384xf32, #tpu.memory_space<vmem>> -> memref<4096xf32, #tpu.memory_space<vmem>>
      %dma_start3A_391 = tpu.memref_slice %arg4[%add3A_388] : memref<26214400xf32, #tpu.memory_space<hbm>> -> memref<4096xf32, #tpu.memory_space<hbm>>
      %dma_start3A_392 = tpu.memref_slice %arg4[%add3A_388] : memref<26214400xf32, #tpu.memory_space<hbm>> -> memref<4096xf32, #tpu.memory_space<hbm>>
      %dma_start3A_393 = arith.constant 4096 : i32
      %dma_start3A_394 = tpu.memref_slice %arg9[%dma_start3A_393] : memref<16384xf32, #tpu.memory_space<vmem>> -> memref<4096xf32, #tpu.memory_space<vmem>>
      tpu.enqueue_dma source(%dma_start3A_394 : memref<4096xf32, #tpu.memory_space<vmem>>) target(%dma_start3A_392 : memref<4096xf32, #tpu.memory_space<hbm>>) target_semaphore(%arg13 : memref<!tpu.dma_semaphore, #tpu.memory_space<semaphore_mem>>)
      %mul3A_395 = arith.constant 524288 : i32
      %mul3A_396 = arith.muli %select_n3A_328, %mul3A_395 : i32
      %add3A_397 = arith.constant 262144 : i32
      %add3A_398 = arith.addi %mul3A_396, %add3A_397 : i32
      %mul3A_399 = arith.constant 1024 : i32
      %mul3A_400 = arith.muli %select_n3A_368, %mul3A_399 : i32
      %add3A_401 = arith.addi %add3A_398, %mul3A_400 : i32
      %dma_start3A_402 = arith.constant 8192 : i32
      %dma_start3A_403 = tpu.memref_slice %arg9[%dma_start3A_402] : memref<16384xf32, #tpu.memory_space<vmem>> -> memref<4096xf32, #tpu.memory_space<vmem>>
      %dma_start3A_404 = tpu.memref_slice %arg4[%add3A_401] : memref<26214400xf32, #tpu.memory_space<hbm>> -> memref<4096xf32, #tpu.memory_space<hbm>>
      %dma_start3A_405 = tpu.memref_slice %arg4[%add3A_401] : memref<26214400xf32, #tpu.memory_space<hbm>> -> memref<4096xf32, #tpu.memory_space<hbm>>
      %dma_start3A_406 = arith.constant 8192 : i32
      %dma_start3A_407 = tpu.memref_slice %arg9[%dma_start3A_406] : memref<16384xf32, #tpu.memory_space<vmem>> -> memref<4096xf32, #tpu.memory_space<vmem>>
      tpu.enqueue_dma source(%dma_start3A_407 : memref<4096xf32, #tpu.memory_space<vmem>>) target(%dma_start3A_405 : memref<4096xf32, #tpu.memory_space<hbm>>) target_semaphore(%arg13 : memref<!tpu.dma_semaphore, #tpu.memory_space<semaphore_mem>>)
      %mul3A_408 = arith.constant 524288 : i32
      %mul3A_409 = arith.muli %select_n3A_328, %mul3A_408 : i32
      %add3A_410 = arith.constant 393216 : i32
      %add3A_411 = arith.addi %mul3A_409, %add3A_410 : i32
      %mul3A_412 = arith.constant 1024 : i32
      %mul3A_413 = arith.muli %select_n3A_368, %mul3A_412 : i32
      %add3A_414 = arith.addi %add3A_411, %mul3A_413 : i32
      %dma_start3A_415 = arith.constant 12288 : i32
      %dma_start3A_416 = tpu.memref_slice %arg9[%dma_start3A_415] : memref<16384xf32, #tpu.memory_space<vmem>> -> memref<4096xf32, #tpu.memory_space<vmem>>
      %dma_start3A_417 = tpu.memref_slice %arg4[%add3A_414] : memref<26214400xf32, #tpu.memory_space<hbm>> -> memref<4096xf32, #tpu.memory_space<hbm>>
      %dma_start3A_418 = tpu.memref_slice %arg4[%add3A_414] : memref<26214400xf32, #tpu.memory_space<hbm>> -> memref<4096xf32, #tpu.memory_space<hbm>>
      %dma_start3A_419 = arith.constant 12288 : i32
      %dma_start3A_420 = tpu.memref_slice %arg9[%dma_start3A_419] : memref<16384xf32, #tpu.memory_space<vmem>> -> memref<4096xf32, #tpu.memory_space<vmem>>
      tpu.enqueue_dma source(%dma_start3A_420 : memref<4096xf32, #tpu.memory_space<vmem>>) target(%dma_start3A_418 : memref<4096xf32, #tpu.memory_space<hbm>>) target_semaphore(%arg13 : memref<!tpu.dma_semaphore, #tpu.memory_space<semaphore_mem>>)
    }
    %scan3A_132 = arith.constant 25 : i32
    %dma_wait3A = arith.constant 0 : i32
    %dma_wait3A_133 = tpu.memref_slice %arg4[%dma_wait3A] : memref<26214400xf32, #tpu.memory_space<hbm>> -> memref<16384xf32, #tpu.memory_space<hbm>>
    %dma_wait3A_134 = arith.constant 0 : i32
    %dma_wait3A_135 = tpu.memref_slice %arg4[%dma_wait3A_134] : memref<26214400xf32, #tpu.memory_space<hbm>> -> memref<16384xf32, #tpu.memory_space<hbm>>
    tpu.wait_dma2 semaphore(%arg12 : memref<!tpu.dma_semaphore, #tpu.memory_space<semaphore_mem>>) src(%dma_wait3A_135 : memref<16384xf32, #tpu.memory_space<hbm>>) dst(%arg8 : memref<16384xf32, #tpu.memory_space<vmem>>)
    %dma_wait3A_136 = arith.constant 0 : i32
    %dma_wait3A_137 = tpu.memref_slice %arg4[%dma_wait3A_136] : memref<26214400xf32, #tpu.memory_space<hbm>> -> memref<16384xf32, #tpu.memory_space<hbm>>
    %dma_wait3A_138 = arith.constant 0 : i32
    %dma_wait3A_139 = tpu.memref_slice %arg4[%dma_wait3A_138] : memref<26214400xf32, #tpu.memory_space<hbm>> -> memref<16384xf32, #tpu.memory_space<hbm>>
    tpu.wait_dma2 semaphore(%arg13 : memref<!tpu.dma_semaphore, #tpu.memory_space<semaphore_mem>>) src(%dma_wait3A_139 : memref<16384xf32, #tpu.memory_space<hbm>>) dst(%arg9 : memref<16384xf32, #tpu.memory_space<vmem>>)
    return
  }
}

</mosaic_0001>

<sc_bundles>
// kernel: kernel.4.cloned.1.call-start
scs
__scs_entry_jumppad:
0x0: {  	(pc) =	sbr.rel $0x88, $3  }
0x1: {  	(tag) =	ssettag $0x0;
	lr =	simm.s32 $0x1  }
0x2: {  	[smem:$0x3F9F] =	sst lr;
	_ =	strace $0xD0000000  }
0x3: {  	_ = 	snop  }
0x4: {  	_ = 	snop  }
0x5: {  	_ = 	snop  }
0x6: {  	_ = 	snop  }
0x7: {  	_ = 	snop  }
__scs_overlays_trampoline_lowered:
0x8: {  	[smem:$0x3FAE] =	sst s0  }
0x9: {  	[smem:$0x3FAF] =	sst s1  }
0xa: {  	[smem:$0x3FB0] =	sst s2  }
0xb: {  	[smem:$0x3FB1] =	sst s3  }
0xc: {  	[smem:$0x3FB2] =	sst s4  }
0xd: {  	[smem:$0x3FB3] =	sst s5  }
0xe: {  	[smem:$0x3FB4] =	sst s6  }
0xf: {  	[smem:$0x3FB5] =	sst s7  }
0x10: {  	[smem:$0x3FB6] =	sst s8  }
0x11: {  	[smem:$0x3FB7] =	sst s9;
	s0 =	simm.s32 @!p0 $0x0  }
0x12: {  	s1 =	sld [smem:$0x3F9D];
	s0 =	simm.s32 @p0 $0x1  }
0x13: {  	[smem:$0x3FB8] =	sst s0;
	s0 =	simm.s32 @!p1 $0x0  }
0x14: {  	s2 =	sld [smem:$0x3F9C];
	s0 =	simm.s32 @p1 $0x1  }
0x15: {  	[smem:$0x3FB9] =	sst s0;
	s0 =	simm.s32 @!p2 $0x0  }
0x16: {  	s3 =	sld [smem:$0x3FDB];
	s0 =	simm.s32 @p2 $0x1  }
0x17: {  	s4 =	simm.s32 $0x1BF5;
	[smem:$0x3FBB] =	sst s0  }
0x18: {  	s0 =	sld [smem:$0x3F9E];
	_ =	swait.ge [sflag:s4], $0x0  }
0x19: {  	s7 =	sld [smem:$0x3F9F]  }
0x1a: {  	s8 =	sadd.s32 $0xFFFFE003, lr  }
0x1b: {  	s9 =	sadd.s32 $0xFFFFFEF7, lr;
	s5 =	simm.s32 $0xFFFFFFFF;
	p2 =	slt.u32 s8, $0xFFFFF086  }
0x1c: {  	p1 =	slt.u32 s9, $0xF7A;
	s5 =	simm.s32 @!p2 $0x0  }
0x1d: {  	s5 =	simm.s32 @p1 $0x1;
	p0 =	seq.s32 s7, s2  }
0x1e: {  	s7 =	smul.u32 @!p0 $0xF7A, s2;
	p2 =	seq.s32 @!p0 s5, $0x0  }
0x1f: {  	s9 =	smul.u32 $0xF7A, s1;
	s8 =	simm.s32 @!p0 $0x1BF5;
	p2 =	por !p2, p0  }
0x20: {  	[sflag:s8] =	ssyncset.s32 @!p0 $0xFFFFF086;
	s6 =	sadd.s32 @!p0 s3, s7;
	s7 =	simm.s32 @!p0 $0x108  }
0x21: {  	s3 =	sadd.s32 s3, s9;
	s6 =	sadd.s32 @!p0 $0x88, s6;
	s7 =	simm.s32 @p2 $0x1082  }
0x22: {  	[simem:s7], [sflag:s8] =	dma.local @!p0 [hbm:s6], $0xF7A  }
0x23: {  	s9 =	sor.u32 $0xD0000000, s2;
	s6 =	simm.s32 $0x108;
	_ =	swait.ge @!p0 [sflag:s8], $0x0  }
0x24: {  	s3 =	sadd.s32 $0x88, s3;
	s6 =	simm.s32 @!p1 $0x1082;
	[sflag:s4] =	ssyncset.s32 $0xFFFFF086  }
0x25: {  	[simem:s6], [sflag:s4] =	dma.local [hbm:s3], $0xF7A  }
0x26: {  	[smem:$0x3F9F] =	sst s1;
	(tag) =	ssettag s2;
	_ =	strace s9  }
0x27: {  	s1 =	sld [smem:$0x3FAF]  }
0x28: {  	s2 =	sld [smem:$0x3FB0]  }
0x29: {  	s4 =	sld [smem:$0x3FB2]  }
0x2a: {  	p0 =	seq.s32 s5, $0x0;
	s5 =	sld [smem:$0x3FB3]  }
0x2b: {  	s6 =	sld [smem:$0x3FB4]  }
0x2c: {  	s7 =	sld [smem:$0x3FB5]  }
0x2d: {  	s3 =	simm.s32 $0x108;
	s8 =	sld [smem:$0x3FB6]  }
0x2e: {  	s3 =	simm.s32 @!p0 $0x1082;
	s9 =	sld [smem:$0x3FB7]  }
0x2f: {  	lr =	sadd.s32 s0, s3;
	s0 =	sld [smem:$0x3FAE]  }
0x30: {  	s3 =	sld [smem:$0x3FB1]  }
0x31: {  	[smem:$0x3FBA] =	sst s10  }
0x32: {  	s10 =	sld [smem:$0x3FB8];
	_ =	sdelay $0x3  }
0x33: {  	p0 =	seq.s32 s10, $0x1;
	s10 =	sld [smem:$0x3FBA];
	_ =	sdelay $0x3  }
0x34: {  	[smem:$0x3FBA] =	sst s10  }
0x35: {  	s10 =	sld [smem:$0x3FB9];
	_ =	sdelay $0x3  }
0x36: {  	p1 =	seq.s32 s10, $0x1;
	s10 =	sld [smem:$0x3FBA];
	_ =	sdelay $0x3  }
0x37: {  	[smem:$0x3FBA] =	sst s10  }
0x38: {  	s10 =	sld [smem:$0x3FBB]  }
0x39: {  	_ = 	snop;
	(pc) =	sbr.ind lr, $3  }
0x3a: {  	_ = 	snop  }
0x3b: {  	_ = 	snop  }
0x3c: {  	p2 =	seq.s32 s10, $0x1;
	s10 =	sld [smem:$0x3FBA]  }
0x3d: {  	_ =	shalt  }
0x3e: {  	_ =	shalt  }
0x3f: {  	_ =	shalt  }
0x40: {  	_ =	shalt  }
0x41: {  	_ =	shalt  }
0x42: {  	_ =	shalt  }
0x43: {  	_ =	shalt  }
0x44: {  	_ =	shalt  }
0x45: {  	_ =	shalt  }
0x46: {  	_ =	shalt  }
0x47: {  	_ =	shalt  }
0x48: {  	_ =	shalt  }
0x49: {  	_ =	shalt  }
0x4a: {  	_ =	shalt  }
0x4b: {  	_ =	shalt  }
0x4c: {  	_ =	shalt  }
0x4d: {  	_ =	shalt  }
0x4e: {  	_ =	shalt  }
0x4f: {  	_ =	shalt  }
0x50: {  	_ =	shalt  }
0x51: {  	_ =	shalt  }
0x52: {  	_ =	shalt  }
0x53: {  	_ =	shalt  }
0x54: {  	_ =	shalt  }
0x55: {  	_ =	shalt  }
0x56: {  	_ =	shalt  }
0x57: {  	_ =	shalt  }
0x58: {  	_ =	shalt  }
0x59: {  	_ =	shalt  }
0x5a: {  	_ =	shalt  }
0x5b: {  	_ =	shalt  }
0x5c: {  	_ =	shalt  }
0x5d: {  	_ =	shalt  }
0x5e: {  	_ =	shalt  }
0x5f: {  	_ =	shalt  }
0x60: {  	_ =	shalt  }
0x61: {  	_ =	shalt  }
0x62: {  	_ =	shalt  }
0x63: {  	_ =	shalt  }
0x64: {  	_ =	shalt  }
0x65: {  	_ =	shalt  }
0x66: {  	_ =	shalt  }
0x67: {  	_ =	shalt  }
0x68: {  	_ =	shalt  }
0x69: {  	_ =	shalt  }
0x6a: {  	_ =	shalt  }
0x6b: {  	_ =	shalt  }
0x6c: {  	_ =	shalt  }
0x6d: {  	_ =	shalt  }
0x6e: {  	_ =	shalt  }
0x6f: {  	_ =	shalt  }
0x70: {  	_ =	shalt  }
0x71: {  	_ =	shalt  }
0x72: {  	_ =	shalt  }
0x73: {  	_ =	shalt  }
0x74: {  	_ =	shalt  }
0x75: {  	_ =	shalt  }
0x76: {  	_ =	shalt  }
0x77: {  	_ =	shalt  }
0x78: {  	_ =	shalt  }
0x79: {  	_ =	shalt  }
0x7a: {  	_ =	shalt  }
0x7b: {  	_ =	shalt  }
0x7c: {  	_ =	shalt  }
0x7d: {  	_ =	shalt  }
0x7e: {  	_ =	shalt  }
0x7f: {  	_ =	shalt  }
0x80: {  	_ =	shalt  }
0x81: {  	_ =	shalt  }
0x82: {  	_ =	shalt  }
0x83: {  	_ =	shalt  }
0x84: {  	_ =	shalt  }
0x85: {  	_ =	shalt  }
0x86: {  	_ =	shalt  }
0x87: {  	_ =	shalt  }
.Lfunc_end0:
.L_simem_size_0:
called_computation_lowered:
.L_overlay_start_0:
0x88: {  	s2 =	sld [smem:$0x3FD9]  }
0x89: {  	s3 =	sld [smem:$0x3FFE];
	_ =	sdelay $0x1  }
0x8a: {  	s1 =	srdreg.scid  }
0x8b: {  	s0 =	sand.u32 $0x1, s1  }
0x8c: {  	s17 =	sshll.u32 s0, $0xA;
	s2 =	sadd.s32 s3, s2  }
0x8d: {  	s2 =	sadd.s32 s2, s17  }
0x8e: {  	[smem:$0x3FC6] =	sst s2  }
0x8f: {  	_ = 	snop  }
0x90: {  	s2 =	sld [smem:$0x3FC8]  }
0x91: {  	s18 =	sld [smem:$0x3FD0];
	(tm) =	ssettm $0x1  }
0x92: {  	s4 =	sld [smem:$0x3FFB];
	_ =	sdelay $0x3  }
0x93: {  	_ =	strace s4  }
0x94: {  	s4 =	sld [smem:$0x3FFC];
	_ =	sdelay $0x3  }
0x95: {  	_ =	strace s4  }
0x96: {  	s4 =	sld [smem:$0x3FFD];
	_ =	sdelay $0x3  }
0x97: {  	_ =	strace s4  }
0x98: {  	_ =	strace $0x8FFFFFFF  }
0x99: {  	s19 =	sld [smem:$0x3FDB];
	_ =	sdelay $0x1  }
0x9a: {  	s5 =	simm.s32 $_scs_section_size  }
0x9b: {  	s6 =	simm.s32 $_size__tile_overlayer_lowered;
	s7 =	simm.s32 $_tile_overlayer_lowered  }
0x9c: {  	s22 =	simm.s32 $0x1BFF;
	s21 =	sshll.u32 s7, $0x1;
	s4 =	sadd.s32 s5, s19  }
0x9d: {  	s8 =	simm.s32 $0x0;
	s20 =	sshll.u32 s6, $0x1;
	s6 =	sadd.s32 s21, s4  }
0x9e: {  	[timem:s8], [sflag:s22] =	dma.local [hbm:s6], s20  }
0x9f: {  	_ =	swait.ge [sflag:s22], s20  }
0xa0: {  	s5 =	ssub.s32 $0x0, s20;
	[sflag:s22] =	ssyncset.done $0x0  }
0xa1: {  	[sflag:s22] =	ssyncadd.s32 s5;
	_ =	sdelay $0x1  }
0xa2: {  	s23 =	simm.s32 $0x1B8B  }
0xa3: {  	_ =	swait.ge [sflag:s23], $0x1  }
0xa4: {  	[sflag:s23] =	ssyncset.done $0x0  }
0xa5: {  	s25 =	simm.s32 $0x1B8E;
	s24 =	sld [smem:$0x3FFE];
	[sflag:s23] =	ssyncadd.s32 $0xFFFFFFFF  }
0xa6: {  	s26 =	simm.s32 $execute0_lowered;
	[smem:$0x3FD2] =	sst s25  }
0xa7: {  	s6 =	sshll.u32 s26, $0x1;
	_ =	strace $0x80000046;
	[dreg:$0x1] =	wrdreg $0xFFFFFFFF  }
0xa8: {  	s28 =	simm.s32 $_size_execute0_lowered;
	s4 =	sadd.s32 s4, s6;
	[dreg:$0x0] =	wrdreg $0x0  }
0xa9: {  	s6 =	sshll.u32 s28, $0x1;
	[dreg:$0x2] =	wrdreg s4  }
0xaa: {  	[dreg:$0x3] =	wrdreg s6  }
0xab: {  	[dreg:$0x4] =	wrdreg $0xC0  }
0xac: {  	_ =	task [dreg:s8], $0x5FFFF  }
0xad: {  	[dreg:$0x1] =	wrdreg $0xFFFFFFFF  }
0xae: {  	[dreg:$0x0] =	wrdreg $0x60  }
0xaf: {  	[dreg:$0x2] =	wrdreg s2  }
0xb0: {  	[dreg:$0x3] =	wrdreg s18  }
0xb1: {  	[dreg:$0x4] =	wrdreg s24  }
0xb2: {  	[dreg:$0x5] =	wrdreg $0x9  }
0xb3: {  	_ =	task.clear_ibuf [dreg:s8], $0x6FFFF;
	_ =	strace $0x90000046  }
0xb4: {  	s29 =	simm.s32 $0x9;
	_ =	strace $0x80000048  }
0xb5: {  	_ =	swait.ge [sflag:s29], $0x1  }
0xb6: {  	[sflag:s29] =	ssyncadd.s32 $0xFFFFFFFF  }
0xb7: {  	_ =	strace $0x90000048  }
0xb8: {  	_ =	sfence  }
0xb9: {  	s30 =	sld [smem:$0x0];
	_ =	sdelay $0x2  }
0xba: {  	s31 =	sshll.u32 s1, $0xD;
	s1 =	sshrl.u32 s1, $0x2  }
0xbb: {  	s3 =	sand.u32 $0x4000, s31;
	s1 =	sadd.s32 s1, s30  }
0xbc: {  	s0 =	sor.u32 s3, s0;
	s1 =	sshll.u32 s1, $0x11  }
0xbd: {  	s0 =	sor.u32 s1, s0  }
0xbe: {  	s0 =	sadd.s32 $0x8F2B, s0  }
0xbf: {  	[sflag:s0] =	ssyncadd.remote.s32 $0x1  }
0xc0: {  	_ =	sfence.sel $0xFFFF  }
0xc1: {  	[dreg:$0x0] =	wrdreg $0xFFFFFFFF;
	(pc) =	sbr.abs _section_cstart, $3  }
0xc2: {  	[dreg:$0x1] =	wrdreg $0xFFFFFFFF  }
0xc3: {  	_ =	task.clear_ibuf [dreg:s8], $0x2FFFF;
	_ =	strace $0x9FFFFFFF  }
0xc4: {  	(tm) =	ssettm $0x7FFFFFFF  }
0xc5: {  	_ =	shalt  }
tec
execute0_lowered:
.L_overlay_start_1:
0x0: {  	(tag) =	ssettag $0x1  }
0x1: {  	v0 =	vimm.s32 $0xEFCEAD8C;
	v1 =	vimm.s32 $0xE3C2A180;
	vm10 =	vcmask $0x300  }
0x2: {  	vm9 =	vcmask $0x704;
	vm8 =	vcmask $0xB08;
	vm7 =	vcmask $0xF0C  }
0x3: {  	vm6 =	vcmask $0x1310;
	vm5 =	vcmask $0x1714;
	vm4 =	vcmask $0x1B18  }
0x4: {  	vm3 =	vcmask $0x1F1C;
	vm2 =	vcmask $0x2320;
	vm1 =	vcmask $0x2724  }
0x5: {  	vm11 =	vcmask $0xF00;
	vm12 =	vcmask $0x1B10;
	vm0 =	vcmask $0x2B28  }
0x6: {  	v12 =	vimm.s32 $0x83E2C1A0;
	v2 =	vimm.s32 $0xA3826140;
	v13 =	vimm.s32 $0x87E6C5A4  }
0x7: {  	v3 =	vimm.s32 $0xB3927150;
	v7 =	vimm.s32 $0x168;
	v9 =	vimm.s32 $0xF2D1B0  }
0x8: {  	vm13 =	vcmask $0x3728;
	vm14 =	vcmask $0x3324;
	v16 =	vimm.s32 $0x76A4928  }
0x9: {  	v17 =	vimm.s32 $0x8BEECDAC;
	v20 =	vimm.s32 $0x11F;
	v21 =	vimm.s32 $0xBB9AFDDC  }
0xa: {  	v24 =	vimm.s32 $0xCBAA89EC;
	v25 =	vimm.s32 $0x57361578;
	v26 =	vimm.s32 $0xDBBA99FC  }
0xb: {  	v27 =	vimm.s32 $0x97FAD9B8;
	v39 =	vimm.s32 $0x33127554;
	v40 =	vimm.s32 $0x43220164  }
0xc: {  	v29 =	vimm.s32 $0xB796F9D8;
	v41 =	vimm.s32 $0x1CF;
	v37 =	vimm.s32 $0x53321174  }
0xd: {  	v38 =	vimm.s32 $0xC7A685E8;
	v45 =	vimm.s32 $0xF80;
	v46 =	vimm.s32 $0x781  }
0xe: {  	v47 =	vimm.s32 $0xF81;
	v49 =	vimm.s32 $0x782;
	v52 =	vimm.s32 $0xF82  }
0xf: {  	v54 =	vimm.s32 $0xF3D2B190;
	v55 =	vimm.s32 $0xF83;
	v56 =	vimm.s32 $0xF85  }
0x10: {  	v57 =	vimm.s32 $0x786;
	v58 =	vimm.s32 $0x100;
	v59 =	vimm.s32 $0x110  }
0x11: {  	v61 =	vimm.s32 $0x788;
	v63 =	vimm.s32 $0xF88;
	vm15 =	vcmask $0x3B38  }
0x12: {  	v5 =	vunpack.c.0.s8.s32 v0;
	v0 =	vimm.s32 $0xEBCAA988;
	v10 =	vunpack.c.0.s8.s32 v1  }
0x13: {  	v1 =	vimm.s32 $0xE6C5A4;
	v2 =	vunpack.c.0.s8.s32 v2;
	v3 =	vunpack.c.0.s8.s32 v3  }
0x14: {  	v15 =	vunpack.c.0.s8.s32 v9;
	v16 =	vunpack.c.0.s8.s32 v16;
	v17 =	vunpack.c.0.s8.s32 v17  }
0x15: {  	v20 =	vsel vm10, $0x130, v20;
	v21 =	vunpack.c.0.s8.s32 v21;
	v25 =	vunpack.c.0.s8.s32 v25  }
0x16: {  	v24 =	vunpack.c.0.s8.s32 v24;
	v26 =	vunpack.c.0.s8.s32 v26;
	v12 =	vunpack.c.0.s8.s32 v12  }
0x17: {  	v13 =	vunpack.c.0.s8.s32 v13;
	v37 =	vunpack.c.0.s8.s32 v37;
	v38 =	vunpack.c.0.s8.s32 v38  }
0x18: {  	v62 =	vsel vm10, $0x9, v61;
	v4 =	vunpack.c.0.s8.s32 v0;
	v0 =	vimm.s32 $0xE7C6A584  }
0x19: {  	v1 =	vunpack.c.0.s8.s32 v1;
	v20 =	vsel vm9, $0x151, v20;
	v6 =	vunpack.c.0.s8.s32 v0  }
0x1a: {  	v0 =	vimm.s32 $0x83624120;
	v2 =	vand.u32 $0xFF, v2;
	v16 =	vand.u32 $0xFF, v16  }
0x1b: {  	v21 =	vand.u32 $0xFF, v21;
	v24 =	vand.u32 $0xFF, v24;
	v37 =	vand.u32 $0xFF, v37  }
0x1c: {  	v43 =	vand.u32 $0xFF, v38;
	v38 =	vsel vm10, $0x803, v52;
	v52 =	vimm.s32 $0x78D  }
0x1d: {  	v0 =	vunpack.c.0.s8.s32 v0;
	v1 =	vand.u32 $0xFF, v1;
	v22 =	vnsel vm11, $0x2F, v2  }
0x1e: {  	v2 =	vimm.s32 $0xE2C1A0;
	v52 =	vsel vm10, $0xE, v52;
	v38 =	vsel vm9, $0x884, v38  }
0x1f: {  	v52 =	vsel vm9, $0x8F, v52;
	v38 =	vsel vm8, $0x905, v38;
	v22 =	vsel vm6, $0xC4, v22  }
0x20: {  	v0 =	vand.u32 $0xFF, v0;
	v52 =	vsel vm8, $0x100, v52;
	v38 =	vsel vm7, $0x986, v38  }
0x21: {  	v22 =	vsel vm5, $0xE5, v22;
	v0 =	vnsel vm11, $0xF, v0;
	v52 =	vsel vm7, $0x181, v52  }
0x22: {  	v38 =	vsel vm6, $0xA07, v38;
	v22 =	vsel vm4, $0x106, v22;
	v18 =	vsel vm12, v1, v0  }
0x23: {  	v0 =	vimm.s32 $0x8BEAC9A8;
	v1 =	vimm.s32 $0x93725130;
	v52 =	vsel vm6, $0x202, v52  }
0x24: {  	v38 =	vsel vm5, $0xA88, v38;
	v22 =	vsel vm3, $0x127, v22;
	v8 =	vunpack.c.0.s8.s32 v0  }
0x25: {  	v0 =	vimm.s32 $0x8FEECDAC;
	v52 =	vsel vm5, $0x283, v52;
	v38 =	vsel vm4, $0xB09, v38  }
0x26: {  	v18 =	vsel vm3, $0x107, v18;
	v22 =	vsel vm2, $0x148, v22;
	v11 =	vunpack.c.0.s8.s32 v0  }
0x27: {  	v0 =	vunpack.c.0.s8.s32 v1;
	v1 =	vimm.s32 $0xF6D5B4;
	v52 =	vsel vm4, $0x304, v52  }
0x28: {  	v38 =	vsel vm3, $0xB8A, v38;
	v18 =	vsel vm2, $0x128, v18;
	v22 =	vsel vm1, $0x169, v22  }
0x29: {  	v1 =	vunpack.c.0.s8.s32 v1;
	v52 =	vsel vm3, $0x385, v52;
	v38 =	vsel vm2, $0xC0B, v38  }
0x2a: {  	v18 =	vsel vm1, $0x149, v18;
	v22 =	vsel vm0, $0x18A, v22;
	v0 =	vand.u32 $0xFF, v0  }
0x2b: {  	v52 =	vsel vm2, $0x406, v52;
	v38 =	vsel vm1, $0xC8C, v38;
	v18 =	vsel vm0, $0x16A, v18  }
0x2c: {  	v0 =	vnsel vm11, $0x1F, v0;
	v1 =	vand.u32 $0xFF, v1;
	v52 =	vsel vm1, $0x487, v52  }
0x2d: {  	v38 =	vsel vm0, $0xD0D, v38;
	v19 =	vsel vm12, v1, v0;
	v0 =	vsel vm9, $0x189, v7  }
0x2e: {  	v1 =	vand.u32 $0xFF, v3;
	v3 =	vimm.s32 $0x178;
	vm12 =	vcmask $0x1F14  }
0x2f: {  	v7 =	vimm.s32 $0x5F3E1D00;
	v52 =	vsel vm0, $0x508, v52;
	v0 =	vsel vm8, $0x1AA, v0  }
0x30: {  	v23 =	vnsel vm11, $0x3F, v1;
	v1 =	vunpack.c.0.s8.s32 v2;
	v2 =	vimm.s32 $0x4F2E0D00  }
0x31: {  	v3 =	vsel vm9, $0x199, v3;
	vm11 =	vcmask $0xB00;
	v14 =	vunpack.c.0.s8.s32 v7  }
0x32: {  	v19 =	vsel vm3, $0x117, v19;
	v0 =	vsel vm7, $0x1CB, v0;
	v1 =	vand.u32 $0xFF, v1  }
0x33: {  	v2 =	vunpack.c.0.s8.s32 v2;
	v3 =	vsel vm8, $0x1BA, v3;
	v1 =	vnsel vm11, $0x8F, v1  }
0x34: {  	v23 =	vsel vm6, $0xD4, v23;
	v19 =	vsel vm2, $0x138, v19;
	v1 =	vsel vm7, $0x103, v1  }
0x35: {  	v0 =	vsel vm6, $0x1EC, v0;
	v3 =	vsel vm7, $0x1DB, v3;
	v1 =	vsel vm6, $0x124, v1  }
0x36: {  	v23 =	vsel vm5, $0xF5, v23;
	v7 =	vsel vm12, v2, v0;
	v1 =	vsel vm5, $0x145, v1  }
0x37: {  	v0 =	vsel vm6, $0x1FC, v3;
	v2 =	vimm.s32 $0xB6E4D2C;
	v1 =	vsel vm4, $0x166, v1  }
0x38: {  	v9 =	vsel vm12, v14, v0;
	v0 =	vsel vm3, $0x187, v1;
	v1 =	vand.u32 $0xFF, v15  }
0x39: {  	v3 =	vimm.s32 $0xAF;
	v2 =	vunpack.c.0.s8.s32 v2;
	v1 =	vnsel vm11, $0x9F, v1  }
0x3a: {  	v3 =	vsel vm10, $0xC0, v3;
	v0 =	vsel vm2, $0x1A8, v0;
	v1 =	vsel vm7, $0x113, v1  }
0x3b: {  	v2 =	vand.u32 $0xFF, v2;
	v0 =	vsel vm1, $0x1C9, v0;
	v1 =	vsel vm6, $0x134, v1  }
0x3c: {  	vm11 =	vcmask $0x3B2C;
	v0 =	vsel vm0, $0x1EA, v0;
	v1 =	vsel vm5, $0x155, v1  }
0x3d: {  	v3 =	vsel vm9, $0xE1, v3;
	v0 =	vsel vm11, v2, v0;
	v1 =	vsel vm4, $0x176, v1  }
0x3e: {  	v2 =	vimm.s32 $0x1B7E5D3C;
	[tilespmem:$0x1FCA0] =	vst v0;
	v0 =	vsel vm3, $0x197, v1;
	v1 =	vsel vm8, $0x102, v3  }
0x3f: {  	v14 =	vimm.s32 $0x2B0A6D4C;
	v2 =	vunpack.c.0.s8.s32 v2;
	v1 =	vsel vm7, $0x123, v1  }
0x40: {  	v14 =	vunpack.c.0.s8.s32 v14;
	v3 =	vimm.s32 $0xBF;
	v1 =	vsel vm6, $0x144, v1  }
0x41: {  	v0 =	vsel vm2, $0x1B8, v0;
	v2 =	vand.u32 $0xFF, v2;
	v1 =	vsel vm5, $0x165, v1  }
0x42: {  	v3 =	vsel vm10, $0xD0, v3;
	v0 =	vsel vm1, $0x1D9, v0;
	v1 =	vsel vm4, $0x186, v1  }
0x43: {  	v3 =	vsel vm9, $0xF1, v3;
	v0 =	vsel vm0, $0x1FA, v0;
	v1 =	vsel vm3, $0x1A7, v1  }
0x44: {  	v3 =	vsel vm8, $0x112, v3;
	v0 =	vsel vm11, v2, v0;
	v1 =	vsel vm2, $0x1C8, v1  }
0x45: {  	v15 =	vimm.s32 $0x10F;
	[tilespmem:$0x1FCB0] =	vst v0;
	v0 =	vsel vm1, $0x1E9, v1;
	v1 =	vsel vm7, $0x133, v3  }
0x46: {  	v2 =	vand.u32 $0xFF, v14;
	v3 =	vimm.s32 $0xCF;
	v1 =	vsel vm6, $0x154, v1  }
0x47: {  	v3 =	vsel vm10, $0xE0, v3;
	v0 =	vsel vm13, v2, v0;
	v1 =	vsel vm5, $0x175, v1  }
0x48: {  	v2 =	vsel vm9, $0x101, v3;
	v3 =	vimm.s32 $0x3B1A7D5C;
	v1 =	vsel vm4, $0x196, v1  }
0x49: {  	v14 =	vimm.s32 $0xDF;
	v3 =	vunpack.c.0.s8.s32 v3;
	v1 =	vsel vm3, $0x1B7, v1  }
0x4a: {  	v15 =	vsel vm10, $0x120, v15;
	v14 =	vsel vm10, $0xF0, v14;
	v1 =	vsel vm2, $0x1D8, v1  }
0x4b: {  	v2 =	vsel vm8, $0x122, v2;
	v3 =	vand.u32 $0xFF, v3;
	v1 =	vsel vm1, $0x1F9, v1  }
0x4c: {  	[tilespmem:$0x1FD80] =	vst v0;
	v2 =	vsel vm7, $0x143, v2;
	v0 =	vsel vm13, v3, v1;
	v3 =	vsel vm9, $0x111, v14  }
0x4d: {  	v15 =	vsel vm9, $0x141, v15;
	v2 =	vsel vm6, $0x164, v2;
	v3 =	vsel vm8, $0x132, v3  }
0x4e: {  	v2 =	vsel vm5, $0x185, v2;
	v14 =	vimm.s32 $0x4B2A096C;
	v3 =	vsel vm7, $0x153, v3  }
0x4f: {  	v2 =	vsel vm4, $0x1A6, v2;
	v14 =	vunpack.c.0.s8.s32 v14;
	v3 =	vsel vm6, $0x174, v3  }
0x50: {  	v15 =	vsel vm8, $0x162, v15;
	v2 =	vsel vm3, $0x1C7, v2;
	v3 =	vsel vm5, $0x195, v3  }
0x51: {  	v2 =	vsel vm2, $0x1E8, v2;
	v14 =	vand.u32 $0xFF, v14;
	v3 =	vsel vm4, $0x1B6, v3  }
0x52: {  	v14 =	vsel vm14, v14, v2;
	v2 =	vsel vm3, $0x1D7, v3;
	v3 =	vsel vm7, $0x183, v15  }
0x53: {  	v19 =	vsel vm1, $0x159, v19;
	v23 =	vsel vm4, $0x116, v23;
	v3 =	vsel vm6, $0x1A4, v3  }
0x54: {  	v15 =	vsel vm2, $0x1F8, v2;
	v2 =	vimm.s32 $0x5B3A197C;
	v3 =	vsel vm5, $0x1C5, v3  }
0x55: {  	vm12 =	vcmask $0x2B1C;
	v2 =	vunpack.c.0.s8.s32 v2;
	v3 =	vsel vm4, $0x1E6, v3  }
0x56: {  	v3 =	vsel vm12, v16, v3;
	v16 =	vand.u32 $0xFF, v17;
	v17 =	vsel vm8, $0x172, v20  }
0x57: {  	[tilespmem:$0x1FDA0] =	vst v0;
	v20 =	vand.u32 $0xFF, v2;
	v0 =	vsel vm11, v16, v3;
	v2 =	vsel vm7, $0x193, v17  }
0x58: {  	v3 =	vimm.s32 $0x177A5938;
	v16 =	vimm.s32 $0x12F;
	v17 =	vimm.s32 $0x9BFEDDBC  }
0x59: {  	v2 =	vsel vm6, $0x1B4, v2;
	v3 =	vunpack.c.0.s8.s32 v3;
	v16 =	vsel vm10, $0x140, v16  }
0x5a: {  	v17 =	vunpack.c.0.s8.s32 v17;
	v2 =	vsel vm5, $0x1D5, v2;
	v16 =	vsel vm9, $0x161, v16  }
0x5b: {  	v2 =	vsel vm4, $0x1F6, v2;
	v3 =	vand.u32 $0xFF, v3;
	v16 =	vsel vm8, $0x182, v16  }
0x5c: {  	v2 =	vsel vm12, v3, v2;
	v3 =	vand.u32 $0xFF, v17;
	v16 =	vsel vm7, $0x1A3, v16  }
0x5d: {  	[tilespmem:$0x1FCC0] =	vst v0;
	v17 =	vimm.s32 $0x13F;
	v0 =	vsel vm11, v3, v2;
	v3 =	vimm.s32 $0x27066948  }
0x5e: {  	v2 =	vsel vm6, $0x1C4, v16;
	v16 =	vimm.s32 $0xAB8AEDCC;
	v3 =	vunpack.c.0.s8.s32 v3  }
0x5f: {  	v17 =	vsel vm10, $0x150, v17;
	vm11 =	vcmask $0x2718;
	v16 =	vunpack.c.0.s8.s32 v16  }
0x60: {  	v2 =	vsel vm5, $0x1E5, v2;
	v17 =	vsel vm9, $0x171, v17;
	v3 =	vand.u32 $0xFF, v3  }
0x61: {  	v2 =	vsel vm11, v3, v2;
	v3 =	vand.u32 $0xFF, v16;
	v16 =	vsel vm8, $0x192, v17  }
0x62: {  	[tilespmem:$0x1FCD0] =	vst v0;
	v0 =	vsel vm13, v3, v2;
	v3 =	vsel vm7, $0x1B3, v16;
	v16 =	vimm.s32 $0x37167958  }
0x63: {  	v19 =	vsel vm0, $0x17A, v19;
	v17 =	vimm.s32 $0x14F;
	v16 =	vunpack.c.0.s8.s32 v16  }
0x64: {  	v23 =	vsel vm3, $0x137, v23;
	v17 =	vsel vm10, $0x160, v17;
	v3 =	vsel vm6, $0x1D4, v3  }
0x65: {  	v17 =	vsel vm9, $0x181, v17;
	v3 =	vsel vm5, $0x1F5, v3;
	v16 =	vand.u32 $0xFF, v16  }
0x66: {  	v23 =	vsel vm2, $0x158, v23;
	v3 =	vsel vm11, v16, v3;
	v16 =	vsel vm8, $0x1A2, v17  }
0x67: {  	[tilespmem:$0x1FE20] =	vst v0;
	v17 =	vimm.s32 $0x47260568;
	v0 =	vsel vm13, v21, v3;
	v21 =	vimm.s32 $0x15F  }
0x68: {  	v23 =	vsel vm1, $0x179, v23;
	v17 =	vunpack.c.0.s8.s32 v17;
	v21 =	vsel vm10, $0x170, v21  }
0x69: {  	v16 =	vsel vm7, $0x1C3, v16;
	vm13 =	vcmask $0x2314;
	v21 =	vsel vm9, $0x191, v21  }
0x6a: {  	v16 =	vsel vm6, $0x1E4, v16;
	v17 =	vand.u32 $0xFF, v17;
	v21 =	vsel vm8, $0x1B2, v21  }
0x6b: {  	v23 =	vsel vm0, $0x19A, v23;
	v16 =	vsel vm13, v17, v16;
	v21 =	vsel vm7, $0x1D3, v21  }
0x6c: {  	v17 =	vsel vm6, $0x1F4, v21;
	v21 =	vand.u32 $0xFF, v25;
	v25 =	vand.u32 $0xFF, v26  }
0x6d: {  	v26 =	vimm.s32 $0x188;
	v21 =	vsel vm13, v21, v17;
	v17 =	vsel vm14, v20, v15  }
0x6e: {  	v15 =	vsel vm14, v24, v16;
	v20 =	vimm.s32 $0xCBAA89E8;
	v24 =	vimm.s32 $0xC3A281E0  }
0x6f: {  	v3 =	vsel vm14, v25, v21;
	vm14 =	vcmask $0x1F10;
	v20 =	vunpack.c.0.s8.s32 v20  }
0x70: {  	v21 =	vimm.s32 $0xCFAE8DEC;
	v25 =	vimm.s32 $0xC7A685E4;
	v24 =	vunpack.c.0.s8.s32 v24  }
0x71: {  	v33 =	vsel vm14, v5, v4;
	v34 =	vsel vm14, v6, v10;
	v6 =	vsel vm14, v11, v8  }
0x72: {  	v32 =	vsel vm14, v13, v12;
	v8 =	vimm.s32 $0xAB8AE9C8;
	v11 =	vimm.s32 $0xAF8EEDCC  }
0x73: {  	v12 =	vimm.s32 $0xA382E1C0;
	v13 =	vimm.s32 $0xA786E5C4;
	v21 =	vunpack.c.0.s8.s32 v21  }
0x74: {  	v25 =	vunpack.c.0.s8.s32 v25;
	v5 =	vand.u32 $0xFF, v5;
	v8 =	vunpack.c.0.s8.s32 v8  }
0x75: {  	v11 =	vunpack.c.0.s8.s32 v11;
	v12 =	vunpack.c.0.s8.s32 v12;
	v13 =	vunpack.c.0.s8.s32 v13  }
0x76: {  	v4 =	vand.u32 $0xFF, v4;
	v30 =	vsel vm14, v25, v24;
	v24 =	vimm.s32 $0xFFDEBD9C  }
0x77: {  	v25 =	vimm.s32 $0x3664524;
	v35 =	vsel vm14, v11, v8;
	v36 =	vsel vm14, v13, v12  }
0x78: {  	v11 =	vsel vm9, $0x1A9, v26;
	v8 =	vsel vm14, v21, v20;
	v12 =	vimm.s32 $0x6F4E2D0C  }
0x79: {  	v13 =	vimm.s32 $0x198;
	v20 =	vimm.s32 $0x6B4A2908;
	v21 =	vimm.s32 $0x7F5E3D1C  }
0x7a: {  	v24 =	vunpack.c.0.s8.s32 v24;
	v25 =	vunpack.c.0.s8.s32 v25;
	v11 =	vsel vm8, $0x1CA, v11  }
0x7b: {  	v12 =	vunpack.c.0.s8.s32 v12;
	v13 =	vsel vm9, $0x1B9, v13;
	v20 =	vunpack.c.0.s8.s32 v20  }
0x7c: {  	v8 =	vcombine.low v30, v8;
	v30 =	vsel vm10, $0x804, v55;
	v55 =	vimm.s32 $0xF8E  }
0x7d: {  	v11 =	vsel vm7, $0x1EB, v11;
	v13 =	vsel vm8, $0x1DA, v13;
	v55 =	vsel vm10, $0x80F, v55  }
0x7e: {  	v30 =	vsel vm9, $0x885, v30;
	v11 =	vsel vm14, v12, v11;
	v12 =	vsel vm7, $0x1FB, v13  }
0x7f: {  	v13 =	vunpack.c.0.s8.s32 v21;
	v20 =	vand.u32 $0xFF, v20;
	v21 =	vimm.s32 $0x7B5A3918  }
0x80: {  	v55 =	vsel vm9, $0x880, v55;
	v30 =	vsel vm8, $0x906, v30;
	v21 =	vunpack.c.0.s8.s32 v21  }
0x81: {  	v55 =	vsel vm8, $0x901, v55;
	v30 =	vsel vm7, $0x987, v30;
	v31 =	vsel vm14, v13, v12  }
0x82: {  	v12 =	vsel vm14, v5, v20;
	v5 =	vimm.s32 $0x16F;
	v20 =	vand.u32 $0xFF, v24  }
0x83: {  	v24 =	vimm.s32 $0x77563514;
	v55 =	vsel vm7, $0x982, v55;
	v30 =	vsel vm6, $0xA08, v30  }
0x84: {  	v13 =	vand.u32 $0xFF, v21;
	v5 =	vsel vm10, $0x180, v5;
	v21 =	vimm.s32 $0x17F  }
0x85: {  	v24 =	vunpack.c.0.s8.s32 v24;
	v55 =	vsel vm6, $0xA03, v55;
	v30 =	vsel vm5, $0xA89, v30  }
0x86: {  	v13 =	vsel vm14, v20, v13;
	v5 =	vsel vm9, $0x1A1, v5;
	v20 =	vimm.s32 $0x67462504  }
0x87: {  	v21 =	vsel vm10, $0x190, v21;
	v55 =	vsel vm5, $0xA84, v55;
	v30 =	vsel vm4, $0xB0A, v30  }
0x88: {  	v5 =	vsel vm8, $0x1C2, v5;
	v20 =	vunpack.c.0.s8.s32 v20;
	v21 =	vsel vm9, $0x1B1, v21  }
0x89: {  	v55 =	vsel vm4, $0xB05, v55;
	v30 =	vsel vm3, $0xB8B, v30;
	v5 =	vsel vm7, $0x1E3, v5  }
0x8a: {  	v55 =	vsel vm3, $0xB86, v55;
	v30 =	vsel vm2, $0xC0C, v30;
	v20 =	vand.u32 $0xFF, v20  }
0x8b: {  	v55 =	vsel vm2, $0xC07, v55;
	v5 =	vsel vm14, v20, v5;
	v20 =	vsel vm8, $0x1D2, v21  }
0x8c: {  	v21 =	vand.u32 $0xFF, v24;
	v24 =	vimm.s32 $0xFBDAB998;
	v20 =	vsel vm7, $0x1F3, v20  }
0x8d: {  	v30 =	vsel vm1, $0xC8D, v30;
	v21 =	vsel vm14, v21, v20;
	v20 =	vunpack.c.0.s8.s32 v24  }
0x8e: {  	v55 =	vsel vm1, $0xC88, v55;
	v30 =	vsel vm0, $0xD0E, v30;
	v24 =	vimm.s32 $0x18F  }
0x8f: {  	vm14 =	vcmask $0x2F20;
	v24 =	vsel vm10, $0x1A0, v24;
	v26 =	vand.u32 $0xFF, v20  }
0x90: {  	v24 =	vsel vm9, $0x1C1, v24;
	v20 =	vsel vm14, v4, v5;
	v5 =	vand.u32 $0xFF, v25  }
0x91: {  	v25 =	vimm.s32 $0x13765534;
	v4 =	vsel vm8, $0x1E2, v24;
	v24 =	vimm.s32 $0x19F  }
0x92: {  	v21 =	vsel vm14, v26, v21;
	v25 =	vunpack.c.0.s8.s32 v25;
	v24 =	vsel vm10, $0x1B0, v24  }
0x93: {  	v26 =	vimm.s32 $0x87EAC9A8;
	vm14 =	vcmask $0x1B0C;
	v24 =	vsel vm9, $0x1D1, v24  }
0x94: {  	v26 =	vunpack.c.0.s8.s32 v26;
	v25 =	vand.u32 $0xFF, v25;
	v24 =	vsel vm8, $0x1F2, v24  }
0x95: {  	v55 =	vsel vm0, $0xD09, v55;
	v4 =	vsel vm14, v5, v4;
	v5 =	vsel vm14, v25, v24  }
0x96: {  	v24 =	vunpack.c.0.s8.s32 v27;
	v25 =	vand.u32 $0xFF, v26;
	v26 =	vimm.s32 $0x1AF  }
0x97: {  	v27 =	vimm.s32 $0x23026544;
	vm14 =	vcmask $0x3734;
	v26 =	vsel vm10, $0x1C0, v26  }
0x98: {  	v27 =	vunpack.c.0.s8.s32 v27;
	v61 =	vsel vm14, $0x11D, v3;
	v28 =	vand.u32 $0xFF, v24  }
0x99: {  	v24 =	vsel vm12, v25, v4;
	v4 =	vsel vm9, $0x1E1, v26;
	v26 =	vimm.s32 $0xA786E9C8  }
0x9a: {  	v25 =	vsel vm12, v28, v5;
	v5 =	vand.u32 $0xFF, v27;
	vm12 =	vcmask $0x1708  }
0x9b: {  	v26 =	vunpack.c.0.s8.s32 v26;
	v27 =	vimm.s32 $0x1BF;
	v28 =	vunpack.c.0.s8.s32 v40  }
0x9c: {  	v40 =	vimm.s32 $0xD7B695F8;
	v4 =	vsel vm12, v5, v4;
	v5 =	vsel vm10, $0x1D0, v27  }
0x9d: {  	v27 =	vunpack.c.0.s8.s32 v39;
	v39 =	vimm.s32 $0x1DF;
	v40 =	vunpack.c.0.s8.s32 v40  }
0x9e: {  	v26 =	vand.u32 $0xFF, v26;
	v5 =	vsel vm9, $0x1F1, v5;
	v28 =	vand.u32 $0xFF, v28  }
0x9f: {  	v39 =	vsel vm10, $0x1F0, v39;
	v27 =	vand.u32 $0xFF, v27;
	v26 =	vsel vm11, v26, v4  }
0xa0: {  	v44 =	vand.u32 $0xFF, v40;
	v40 =	vunpack.c.0.s8.s32 v54;
	v54 =	vimm.s32 $0x78E  }
0xa1: {  	v5 =	vsel vm12, v27, v5;
	v27 =	vunpack.c.0.s8.s32 v29;
	v29 =	vsel vm10, $0x1E0, v41  }
0xa2: {  	vm12 =	vcmask $0x1304;
	v41 =	vimm.s32 $0xF86;
	v54 =	vsel vm10, $0xF, v54  }
0xa3: {  	v26 =	vsel vm0, $0x10A, v26;
	v28 =	vsel vm12, v28, v29;
	v42 =	vsel vm12, v37, v39  }
0xa4: {  	v37 =	vsel vm10, $0x802, v47;
	v41 =	vsel vm10, $0x807, v41;
	v47 =	vimm.s32 $0xF8A  }
0xa5: {  	v54 =	vsel vm9, $0x80, v54;
	vm12 =	vcmask $0x2F2C;
	v4 =	vand.u32 $0xFF, v27  }
0xa6: {  	v28 =	vsel vm13, v43, v28;
	v29 =	vsel vm13, v44, v42;
	v42 =	vimm.s32 $0x787  }
0xa7: {  	v43 =	vimm.s32 $0xF87;
	v44 =	vimm.s32 $0x789;
	v47 =	vsel vm10, $0x80B, v47  }
0xa8: {  	v37 =	vsel vm9, $0x883, v37;
	v41 =	vsel vm9, $0x888, v41;
	v54 =	vsel vm8, $0x101, v54  }
0xa9: {  	vm13 =	vcmask $0x3330;
	v18 =	vsel vm12, $0x18B, v18;
	v19 =	vsel vm12, $0x19B, v19  }
0xaa: {  	v22 =	vsel vm12, $0x1AB, v22;
	v23 =	vsel vm12, $0x1BB, v23;
	v38 =	vsel vm12, $0xD8E, v38  }
0xab: {  	v30 =	vsel vm12, $0xD8F, v30;
	v24 =	vsel vm12, $0x10B, v24;
	v25 =	vsel vm12, $0x11B, v25  }
0xac: {  	v52 =	vsel vm12, $0x589, v52;
	v26 =	vsel vm12, $0x12B, v26;
	v55 =	vsel vm12, $0xD8A, v55  }
0xad: {  	v27 =	vsel vm11, v4, v5;
	v4 =	vcombine.low v34, v33;
	v5 =	vimm.s32 $0x780  }
0xae: {  	v33 =	vsel vm10, $0x801, v45;
	v42 =	vsel vm10, $0x8, v42;
	v43 =	vsel vm10, $0x808, v43  }
0xaf: {  	v45 =	vimm.s32 $0xF89;
	v44 =	vsel vm10, $0xA, v44;
	v47 =	vsel vm9, $0x88C, v47  }
0xb0: {  	v37 =	vsel vm8, $0x904, v37;
	v41 =	vsel vm8, $0x909, v41;
	v54 =	vsel vm7, $0x182, v54  }
0xb1: {  	v28 =	vsel vm1, $0x109, v28;
	v29 =	vsel vm1, $0x119, v29;
	v18 =	vsel vm13, $0x1AC, v18  }
0xb2: {  	v19 =	vsel vm13, $0x1BC, v19;
	v22 =	vsel vm13, $0x1CC, v22;
	v23 =	vsel vm13, $0x1DC, v23  }
0xb3: {  	v38 =	vsel vm13, $0xE0F, v38;
	v30 =	vsel vm13, $0xE00, v30;
	v20 =	vsel vm13, $0x10C, v20  }
0xb4: {  	v21 =	vsel vm13, $0x11C, v21;
	v24 =	vsel vm13, $0x12C, v24;
	v25 =	vsel vm13, $0x13C, v25  }
0xb5: {  	v52 =	vsel vm13, $0x60A, v52;
	v26 =	vsel vm13, $0x14C, v26;
	v55 =	vsel vm13, $0xE0B, v55  }
0xb6: {  	v34 =	vsel vm10, $0x1, v5;
	v5 =	vcombine.low v32, v6;
	v32 =	vsel vm10, $0x2, v46  }
0xb7: {  	v6 =	vimm.s32 $0xC3A28160;
	v45 =	vsel vm10, $0x80A, v45;
	v46 =	vimm.s32 $0x78A  }
0xb8: {  	v33 =	vsel vm9, $0x882, v33;
	v42 =	vsel vm9, $0x89, v42;
	v43 =	vsel vm9, $0x889, v43  }
0xb9: {  	v44 =	vsel vm9, $0x8B, v44;
	v47 =	vsel vm8, $0x90D, v47;
	v37 =	vsel vm7, $0x985, v37  }
0xba: {  	v41 =	vsel vm7, $0x98A, v41;
	v54 =	vsel vm6, $0x203, v54;
	v27 =	vsel vm0, $0x11A, v27  }
0xbb: {  	v28 =	vsel vm0, $0x12A, v28;
	v29 =	vsel vm0, $0x13A, v29;
	v18 =	vsel vm14, $0x1CD, v18  }
0xbc: {  	v19 =	vsel vm14, $0x1DD, v19;
	v22 =	vsel vm14, $0x1ED, v22;
	v23 =	vsel vm14, $0x1FD, v23  }
0xbd: {  	v38 =	vsel vm14, $0xE80, v38;
	v30 =	vsel vm14, $0xE81, v30;
	v48 =	vunpack.c.0.s8.s32 v6  }
0xbe: {  	v6 =	vimm.s32 $0xD3B29170;
	v46 =	vsel vm10, $0xB, v46;
	v34 =	vsel vm9, $0x82, v34  }
0xbf: {  	v32 =	vsel vm9, $0x83, v32;
	v45 =	vsel vm9, $0x88B, v45;
	v33 =	vsel vm8, $0x903, v33  }
0xc0: {  	v42 =	vsel vm8, $0x10A, v42;
	v43 =	vsel vm8, $0x90A, v43;
	v44 =	vsel vm8, $0x10C, v44  }
0xc1: {  	v47 =	vsel vm7, $0x98E, v47;
	v37 =	vsel vm6, $0xA06, v37;
	v41 =	vsel vm6, $0xA0B, v41  }
0xc2: {  	v54 =	vsel vm5, $0x284, v54;
	v27 =	vsel vm12, $0x13B, v27;
	v28 =	vsel vm12, $0x14B, v28  }
0xc3: {  	v29 =	vsel vm12, $0x15B, v29;
	v50 =	vunpack.c.0.s8.s32 v6;
	v6 =	vcombine.low v36, v35  }
0xc4: {  	v35 =	vsel vm10, $0x3, v49;
	v49 =	vimm.s32 $0xF8B;
	v46 =	vsel vm9, $0x8C, v46  }
0xc5: {  	v34 =	vsel vm8, $0x103, v34;
	v32 =	vsel vm8, $0x104, v32;
	v45 =	vsel vm8, $0x90C, v45  }
0xc6: {  	v33 =	vsel vm7, $0x984, v33;
	v42 =	vsel vm7, $0x18B, v42;
	v43 =	vsel vm7, $0x98B, v43  }
0xc7: {  	v44 =	vsel vm7, $0x18D, v44;
	v47 =	vsel vm6, $0xA0F, v47;
	v37 =	vsel vm5, $0xA87, v37  }
0xc8: {  	v41 =	vsel vm5, $0xA8C, v41;
	v54 =	vsel vm4, $0x305, v54;
	v27 =	vsel vm13, $0x15C, v27  }
0xc9: {  	v28 =	vsel vm13, $0x16C, v28;
	v29 =	vsel vm13, $0x17C, v29;
	v51 =	vand.u32 $0xFF, v48  }
0xca: {  	v48 =	vimm.s32 $0x78B;
	v49 =	vsel vm10, $0x80C, v49;
	v35 =	vsel vm9, $0x84, v35  }
0xcb: {  	v46 =	vsel vm8, $0x10D, v46;
	v34 =	vsel vm7, $0x184, v34;
	v32 =	vsel vm7, $0x185, v32  }
0xcc: {  	v45 =	vsel vm7, $0x98D, v45;
	v33 =	vsel vm6, $0xA05, v33;
	v42 =	vsel vm6, $0x20C, v42  }
0xcd: {  	v43 =	vsel vm6, $0xA0C, v43;
	v44 =	vsel vm6, $0x20E, v44;
	v47 =	vsel vm5, $0xA80, v47  }
0xce: {  	v37 =	vsel vm4, $0xB08, v37;
	v41 =	vsel vm4, $0xB0D, v41;
	v54 =	vsel vm3, $0x386, v54  }
0xcf: {  	v27 =	vsel vm14, $0x17D, v27;
	v28 =	vsel vm14, $0x18D, v28;
	v36 =	vsel vm6, $0xE4, v51  }
0xd0: {  	v53 =	vand.u32 $0xFF, v50;
	v48 =	vsel vm10, $0xC, v48;
	v50 =	vimm.s32 $0x78C  }
0xd1: {  	v51 =	vimm.s32 $0xF8C;
	v49 =	vsel vm9, $0x88D, v49;
	v35 =	vsel vm8, $0x105, v35  }
0xd2: {  	v46 =	vsel vm7, $0x18E, v46;
	v34 =	vsel vm6, $0x205, v34;
	v32 =	vsel vm6, $0x206, v32  }
0xd3: {  	v45 =	vsel vm6, $0xA0E, v45;
	v33 =	vsel vm5, $0xA86, v33;
	v42 =	vsel vm5, $0x28D, v42  }
0xd4: {  	v43 =	vsel vm5, $0xA8D, v43;
	v44 =	vsel vm5, $0x28F, v44;
	v47 =	vsel vm4, $0xB01, v47  }
0xd5: {  	v37 =	vsel vm3, $0xB89, v37;
	v41 =	vsel vm3, $0xB8E, v41;
	v54 =	vsel vm2, $0x407, v54  }
0xd6: {  	v36 =	vsel vm5, $0x105, v36;
	v39 =	vsel vm6, $0xF4, v53;
	v50 =	vsel vm10, $0xD, v50  }
0xd7: {  	v51 =	vsel vm10, $0x80D, v51;
	v53 =	vimm.s32 $0xF8D;
	v48 =	vsel vm9, $0x8D, v48  }
0xd8: {  	v49 =	vsel vm8, $0x90E, v49;
	v35 =	vsel vm7, $0x186, v35;
	v46 =	vsel vm6, $0x20F, v46  }
0xd9: {  	v34 =	vsel vm5, $0x286, v34;
	v32 =	vsel vm5, $0x287, v32;
	v45 =	vsel vm5, $0xA8F, v45  }
0xda: {  	v33 =	vsel vm4, $0xB07, v33;
	v42 =	vsel vm4, $0x30E, v42;
	v43 =	vsel vm4, $0xB0E, v43  }
0xdb: {  	v44 =	vsel vm4, $0x300, v44;
	v47 =	vsel vm3, $0xB82, v47;
	v37 =	vsel vm2, $0xC0A, v37  }
0xdc: {  	v41 =	vsel vm2, $0xC0F, v41;
	v54 =	vsel vm1, $0x488, v54;
	v36 =	vsel vm4, $0x126, v36  }
0xdd: {  	v39 =	vsel vm5, $0x115, v39;
	v53 =	vsel vm10, $0x80E, v53;
	v50 =	vsel vm9, $0x8E, v50  }
0xde: {  	v51 =	vsel vm9, $0x88E, v51;
	v48 =	vsel vm8, $0x10E, v48;
	v49 =	vsel vm7, $0x98F, v49  }
0xdf: {  	v35 =	vsel vm6, $0x207, v35;
	v46 =	vsel vm5, $0x280, v46;
	v34 =	vsel vm4, $0x307, v34  }
0xe0: {  	v32 =	vsel vm4, $0x308, v32;
	v45 =	vsel vm4, $0xB00, v45;
	v33 =	vsel vm3, $0xB88, v33  }
0xe1: {  	v42 =	vsel vm3, $0x38F, v42;
	v43 =	vsel vm3, $0xB8F, v43;
	v44 =	vsel vm3, $0x381, v44  }
0xe2: {  	v47 =	vsel vm2, $0xC03, v47;
	v37 =	vsel vm1, $0xC8B, v37;
	v41 =	vsel vm1, $0xC80, v41  }
0xe3: {  	v54 =	vsel vm0, $0x509, v54;
	v36 =	vsel vm3, $0x147, v36;
	v39 =	vsel vm4, $0x136, v39  }
0xe4: {  	v53 =	vsel vm9, $0x88F, v53;
	v50 =	vsel vm8, $0x10F, v50;
	v51 =	vsel vm8, $0x90F, v51  }
0xe5: {  	v48 =	vsel vm7, $0x18F, v48;
	v49 =	vsel vm6, $0xA00, v49;
	v35 =	vsel vm5, $0x288, v35  }
0xe6: {  	v34 =	vsel vm3, $0x388, v34;
	v46 =	vsel vm4, $0x301, v46;
	v32 =	vsel vm3, $0x389, v32  }
0xe7: {  	v45 =	vsel vm3, $0xB81, v45;
	v33 =	vsel vm2, $0xC09, v33;
	v42 =	vsel vm2, $0x400, v42  }
0xe8: {  	v43 =	vsel vm2, $0xC00, v43;
	v44 =	vsel vm2, $0x402, v44;
	v47 =	vsel vm1, $0xC84, v47  }
0xe9: {  	v37 =	vsel vm0, $0xD0C, v37;
	v41 =	vsel vm0, $0xD01, v41;
	v54 =	vsel vm12, $0x58A, v54  }
0xea: {  	[tilespmem:$0x1FE30] =	vst v0;
	v0 =	vcombine.low v36, v7;
	v7 =	vsel vm3, $0x157, v39;
	v36 =	vsel vm10, $0x7, v57  }
0xeb: {  	v39 =	vsel vm9, $0x121, v58;
	v53 =	vsel vm8, $0x900, v53;
	v50 =	vsel vm7, $0x180, v50  }
0xec: {  	v51 =	vsel vm7, $0x980, v51;
	v48 =	vsel vm6, $0x200, v48;
	v49 =	vsel vm5, $0xA81, v49  }
0xed: {  	v35 =	vsel vm4, $0x309, v35;
	v34 =	vsel vm2, $0x409, v34;
	v46 =	vsel vm3, $0x382, v46  }
0xee: {  	v32 =	vsel vm2, $0x40A, v32;
	v45 =	vsel vm2, $0xC02, v45;
	v33 =	vsel vm1, $0xC8A, v33  }
0xef: {  	v42 =	vsel vm1, $0x481, v42;
	v43 =	vsel vm1, $0xC81, v43;
	v44 =	vsel vm1, $0x483, v44  }
0xf0: {  	v47 =	vsel vm0, $0xD05, v47;
	v37 =	vsel vm12, $0xD8D, v37;
	v41 =	vsel vm12, $0xD82, v41  }
0xf1: {  	v54 =	vsel vm13, $0x60B, v54;
	v57 =	vsel vm14, $0x9D, v17;
	v39 =	vsel vm8, $0x142, v39  }
0xf2: {  	v36 =	vsel vm9, $0x88, v36;
	v53 =	vsel vm7, $0x981, v53;
	v50 =	vsel vm6, $0x201, v50  }
0xf3: {  	v51 =	vsel vm6, $0xA01, v51;
	v48 =	vsel vm5, $0x281, v48;
	v49 =	vsel vm4, $0xB02, v49  }
0xf4: {  	v34 =	vsel vm1, $0x48A, v34;
	v35 =	vsel vm3, $0x38A, v35;
	v46 =	vsel vm2, $0x403, v46  }
0xf5: {  	v32 =	vsel vm1, $0x48B, v32;
	v45 =	vsel vm1, $0xC83, v45;
	v33 =	vsel vm0, $0xD0B, v33  }
0xf6: {  	v42 =	vsel vm0, $0x502, v42;
	v43 =	vsel vm0, $0xD02, v43;
	v44 =	vsel vm0, $0x504, v44  }
0xf7: {  	v47 =	vsel vm12, $0xD86, v47;
	v37 =	vsel vm13, $0xE0E, v37;
	v41 =	vsel vm13, $0xE03, v41  }
0xf8: {  	[tilespmem:$0x1FCE0] =	vst v0;
	v0 =	vcombine.low v7, v9;
	v7 =	vand.u32 $0xFF, v10;
	v9 =	vand.u32 $0xFF, v40  }
0xf9: {  	v10 =	vimm.s32 $0x783;
	v40 =	vsel vm9, $0x131, v59;
	v39 =	vsel vm7, $0x163, v39  }
0xfa: {  	v36 =	vsel vm8, $0x109, v36;
	v53 =	vsel vm6, $0xA02, v53;
	v50 =	vsel vm5, $0x282, v50  }
0xfb: {  	v51 =	vsel vm5, $0xA82, v51;
	v48 =	vsel vm4, $0x302, v48;
	v49 =	vsel vm3, $0xB83, v49  }
0xfc: {  	v34 =	vsel vm0, $0x50B, v34;
	v35 =	vsel vm2, $0x40B, v35;
	v46 =	vsel vm1, $0x484, v46  }
0xfd: {  	v32 =	vsel vm0, $0x50C, v32;
	v45 =	vsel vm0, $0xD04, v45;
	v33 =	vsel vm12, $0xD8C, v33  }
0xfe: {  	v42 =	vsel vm12, $0x583, v42;
	v43 =	vsel vm12, $0xD83, v43;
	v44 =	vsel vm12, $0x585, v44  }
0xff: {  	v47 =	vsel vm13, $0xE07, v47;
	v37 =	vsel vm14, $0xE8F, v37;
	v2 =	vsel vm14, $0xE84, v41  }
0x100: {  	v41 =	vsel vm15, $0xE, v22;
	v7 =	vsel vm6, $0x104, v7;
	v9 =	vsel vm6, $0x114, v9  }
0x101: {  	v10 =	vsel vm10, $0x4, v10;
	v40 =	vsel vm8, $0x152, v40;
	v39 =	vsel vm6, $0x184, v39  }
0x102: {  	v36 =	vsel vm7, $0x18A, v36;
	v53 =	vsel vm5, $0xA83, v53;
	v50 =	vsel vm4, $0x303, v50  }
0x103: {  	v51 =	vsel vm4, $0xB03, v51;
	v48 =	vsel vm3, $0x383, v48;
	v49 =	vsel vm2, $0xC04, v49  }
0x104: {  	v35 =	vsel vm1, $0x48C, v35;
	v34 =	vsel vm12, $0x58C, v34;
	v46 =	vsel vm0, $0x505, v46  }
0x105: {  	v32 =	vsel vm12, $0x58D, v32;
	v45 =	vsel vm12, $0xD85, v45;
	v33 =	vsel vm13, $0xE0D, v33  }
0x106: {  	v42 =	vsel vm13, $0x604, v42;
	v43 =	vsel vm13, $0xE04, v43;
	v44 =	vsel vm13, $0x606, v44  }
0x107: {  	v47 =	vsel vm14, $0xE88, v47;
	v7 =	vsel vm5, $0x125, v7;
	v9 =	vsel vm5, $0x135, v9  }
0x108: {  	v40 =	vsel vm7, $0x173, v40;
	v39 =	vsel vm5, $0x1A5, v39;
	v10 =	vsel vm9, $0x85, v10  }
0x109: {  	v36 =	vsel vm6, $0x20B, v36;
	v53 =	vsel vm4, $0xB04, v53;
	v50 =	vsel vm3, $0x384, v50  }
0x10a: {  	v51 =	vsel vm3, $0xB84, v51;
	v48 =	vsel vm2, $0x404, v48;
	v49 =	vsel vm1, $0xC85, v49  }
0x10b: {  	v35 =	vsel vm0, $0x50D, v35;
	v46 =	vsel vm12, $0x586, v46;
	v34 =	vsel vm13, $0x60D, v34  }
0x10c: {  	v32 =	vsel vm13, $0x60E, v32;
	v45 =	vsel vm13, $0xE06, v45;
	v33 =	vsel vm14, $0xE8E, v33  }
0x10d: {  	v42 =	vsel vm14, $0x685, v42;
	v43 =	vsel vm14, $0xE85, v43;
	v17 =	vsel vm14, $0x687, v44  }
0x10e: {  	v7 =	vsel vm4, $0x146, v7;
	v9 =	vsel vm4, $0x156, v9;
	v40 =	vsel vm6, $0x194, v40  }
0x10f: {  	v39 =	vsel vm4, $0x1C6, v39;
	v10 =	vsel vm8, $0x106, v10;
	v36 =	vsel vm5, $0x28C, v36  }
0x110: {  	v53 =	vsel vm3, $0xB85, v53;
	v50 =	vsel vm2, $0x405, v50;
	v51 =	vsel vm2, $0xC05, v51  }
0x111: {  	v48 =	vsel vm1, $0x485, v48;
	v49 =	vsel vm0, $0xD06, v49;
	v35 =	vsel vm12, $0x58E, v35  }
0x112: {  	v46 =	vsel vm13, $0x607, v46;
	v34 =	vsel vm14, $0x68E, v34;
	v32 =	vsel vm14, $0x68F, v32  }
0x113: {  	v16 =	vsel vm14, $0xE87, v45;
	v45 =	vsel vm15, $0xF05, v2;
	v7 =	vsel vm3, $0x167, v7  }
0x114: {  	v9 =	vsel vm3, $0x177, v9;
	v40 =	vsel vm5, $0x1B5, v40;
	v39 =	vsel vm3, $0x1E7, v39  }
0x115: {  	v10 =	vsel vm7, $0x187, v10;
	v36 =	vsel vm4, $0x30D, v36;
	v53 =	vsel vm2, $0xC06, v53  }
0x116: {  	v50 =	vsel vm1, $0x486, v50;
	v51 =	vsel vm1, $0xC86, v51;
	v48 =	vsel vm0, $0x506, v48  }
0x117: {  	v49 =	vsel vm12, $0xD87, v49;
	v35 =	vsel vm13, $0x60F, v35;
	v46 =	vsel vm14, $0x688, v46  }
0x118: {  	[tilespmem:$0x1FCF0] =	vst v0;
	v0 =	vcombine.low v7, v11;
	v7 =	vimm.s32 $0x784;
	v11 =	vimm.s32 $0x785  }
0x119: {  	v40 =	vsel vm4, $0x1D6, v40;
	v12 =	vcombine.low v39, v12;
	v39 =	vsel vm9, $0x8A, v62  }
0x11a: {  	v10 =	vsel vm6, $0x208, v10;
	v36 =	vsel vm3, $0x38E, v36;
	v53 =	vsel vm1, $0xC87, v53  }
0x11b: {  	v50 =	vsel vm0, $0x507, v50;
	v51 =	vsel vm0, $0xD07, v51;
	v48 =	vsel vm12, $0x587, v48  }
0x11c: {  	v49 =	vsel vm13, $0xE08, v49;
	v35 =	vsel vm14, $0x680, v35;
	v7 =	vsel vm10, $0x5, v7  }
0x11d: {  	v11 =	vsel vm10, $0x6, v11;
	v60 =	vsel vm3, $0x1F7, v40;
	v40 =	vsel vm10, $0x809, v63  }
0x11e: {  	v39 =	vsel vm8, $0x10B, v39;
	v10 =	vsel vm5, $0x289, v10;
	v36 =	vsel vm2, $0x40F, v36  }
0x11f: {  	v53 =	vsel vm0, $0xD08, v53;
	v50 =	vsel vm12, $0x588, v50;
	v51 =	vsel vm12, $0xD88, v51  }
0x120: {  	v48 =	vsel vm13, $0x608, v48;
	v63 =	vsel vm14, $0xE89, v49;
	[tilespmem:$0x1FD00] =	vst v0;
	v0 =	vcombine.low v9, v31  }
0x121: {  	v9 =	vimm.s32 $0xF84;
	v31 =	vsel vm10, $0x806, v56;
	v7 =	vsel vm9, $0x86, v7  }
0x122: {  	v13 =	vcombine.low v60, v13;
	v11 =	vsel vm9, $0x87, v11;
	v7 =	vsel vm8, $0x107, v7  }
0x123: {  	v40 =	vsel vm9, $0x88A, v40;
	v39 =	vsel vm7, $0x18C, v39;
	v7 =	vsel vm7, $0x188, v7  }
0x124: {  	v10 =	vsel vm4, $0x30A, v10;
	v36 =	vsel vm1, $0x480, v36;
	v7 =	vsel vm6, $0x209, v7  }
0x125: {  	v56 =	vsel vm14, $0x8D, v14;
	v14 =	vsel vm14, $0x14D, v24;
	v7 =	vsel vm5, $0x28A, v7  }
0x126: {  	v53 =	vsel vm12, $0xD89, v53;
	[tilespmem:$0x1FE40] =	vst v14;
	v14 =	vsel vm14, $0x15D, v25;
	v7 =	vsel vm4, $0x30B, v7  }
0x127: {  	v50 =	vsel vm13, $0x609, v50;
	[tilespmem:$0x1FE50] =	vst v14;
	v14 =	vsel vm14, $0x68B, v52;
	v7 =	vsel vm3, $0x38C, v7  }
0x128: {  	v51 =	vsel vm13, $0xE09, v51;
	[tilespmem:$0x1FE60] =	vst v14;
	v14 =	vsel vm14, $0x68C, v54;
	v7 =	vsel vm2, $0x40D, v7  }
0x129: {  	v60 =	vsel vm14, $0x10D, v15;
	[tilespmem:$0x1FE70] =	vst v14;
	v14 =	vsel vm14, $0xE8C, v55;
	v7 =	vsel vm1, $0x48E, v7  }
0x12a: {  	v62 =	vsel vm14, $0x689, v48;
	[tilespmem:$0x1FE80] =	vst v14;
	v14 =	vsel vm15, $0x70F, v34;
	v7 =	vsel vm0, $0x50F, v7  }
0x12b: {  	v15 =	vlaneseq.u32;
	[tilespmem:$0x1FD20] =	vst v14;
	v14 =	vsel vm15, $0xF0F, v33;
	v7 =	vsel vm12, $0x580, v7  }
0x12c: {  	v48 =	vsel vm15, $0x701, v35;
	[tilespmem:$0x1FD30] =	vst v14;
	v14 =	vsel vm15, $0x1EE, v18;
	v7 =	vsel vm13, $0x601, v7  }
0x12d: {  	v35 =	vsel vm15, $0xF01, v38;
	[tilespmem:$0x1FD40] =	vst v14;
	v14 =	vsel vm15, $0x1FE, v19;
	v7 =	vsel vm14, $0x682, v7  }
0x12e: {  	v38 =	vsel vm15, $0xF0A, v63;
	[tilespmem:$0x1FD50] =	vst v14;
	v14 =	vsel vm15, $0x700, v32;
	v32 =	vsel vm15, $0x703, v7;
	v7 =	vld [tilespmem:$0x1FD80]  }
0x12f: {  	v9 =	vsel vm10, $0x805, v9;
	v31 =	vsel vm9, $0x887, v31;
	v11 =	vsel vm8, $0x108, v11  }
0x130: {  	v40 =	vsel vm8, $0x90B, v40;
	v39 =	vsel vm6, $0x20D, v39;
	v10 =	vsel vm3, $0x38B, v10  }
0x131: {  	v36 =	vsel vm0, $0x501, v36;
	v53 =	vsel vm13, $0xE0A, v53;
	v3 =	vsel vm14, $0xE8A, v51  }
0x132: {  	v24 =	vmul.u32 $0x81, v15;
	v25 =	vmul.u32 $0x21, v15;
	v51 =	vsel vm15, $0x1E, v23  }
0x133: {  	v9 =	vsel vm9, $0x886, v9;
	v31 =	vsel vm8, $0x908, v31;
	v7 =	vsel vm15, $0x8E, v7  }
0x134: {  	v11 =	vsel vm7, $0x189, v11;
	v40 =	vsel vm7, $0x98C, v40;
	v39 =	vsel vm5, $0x28E, v39;
	[tilespmem:$0x1FD90] =	vst v7;
	v7 =	vld [tilespmem:$0x1FDA0]  }
0x135: {  	[tilespmem:$0x1FD10] =	vst v0;
	v10 =	vsel vm2, $0x40C, v10;
	v36 =	vsel vm12, $0x582, v36;
	v0 =	vsel vm14, $0x12D, v20  }
0x136: {  	v20 =	vsel vm14, $0x13D, v21;
	v21 =	vsel vm14, $0x68A, v50;
	v49 =	vsel vm14, $0xE8B, v53  }
0x137: {  	v50 =	vsel vm14, $0x16D, v26;
	v26 =	vsel vm14, $0x19D, v29;
	v23 =	vmovc v13;
	v13 =	vsel vm15, $0xF02, v30  }
0x138: {  	v52 =	vsel vm15, $0x708, v17;
	v53 =	vsel vm15, $0xF08, v16;
	[tilespmem:$0x1FD60] =	vst v14;
	v14 =	vsel vm15, $0xF00, v37  }
0x139: {  	s0 =	rddreg [dreg:$0x0];
	v17 =	vsel vm15, $0x19E, v27;
	v9 =	vsel vm8, $0x907, v9;
	[tilespmem:$0x1FD70] =	vst v14;
	v7 =	vsel vm15, $0x9E, v7  }
0x13a: {  	s1 =	rddreg [dreg:$0x1];
	v31 =	vsel vm7, $0x989, v31;
	v11 =	vsel vm6, $0x20A, v11;
	[tilespmem:$0x1FDB0] =	vst v7;
	v7 =	vsel vm15, $0xAE, v56  }
0x13b: {  	s7 =	rddreg [dreg:$0x2];
	s3 =	simm.s32 $0x0;
	v40 =	vsel vm6, $0xA0D, v40;
	v39 =	vsel vm4, $0x30F, v39;
	[tilespmem:$0x1FDC0] =	vst v7;
	v7 =	vsel vm15, $0xBE, v57  }
0x13c: {  	[smem:$0x7FF] =	sst s3;
	v10 =	vsel vm1, $0x48D, v10;
	v36 =	vsel vm13, $0x603, v36;
	[tilespmem:$0x1FDD0] =	vst v7;
	v7 =	vsel vm15, $0x706, v42  }
0x13d: {  	s2 =	rddreg [dreg:$0x3];
	v22 =	vmovc v12;
	v12 =	vmovc v24;
	v63 =	vsel vm15, $0x15E, v20;
	v15 =	vsel vm15, $0xF0C, v49;
	v1 =	vsel vm14, $0x684, v36;
	_ =	strace $0x80000047;
	[tilespmem:$0x1FDE0] =	vst v7  }
0x13e: {  	v16 =	vsel vm15, $0x18E, v50;
	v44 =	vsel vm15, $0x705, v1;
	v1 =	vsel vm15, $0xF0B, v3;
	[tilespmem:$0x1FEA0] =	vst v12  }
0x13f: {  	v9 =	vsel vm7, $0x988, v9;
	v40 =	vsel vm5, $0xA8E, v40;
	v39 =	vsel vm3, $0x380, v39;
	[tilespmem:$0x1FEB0] =	vst v1  }
0x140: {  	v31 =	vsel vm6, $0xA0A, v31;
	v40 =	vsel vm4, $0xB0F, v40;
	v39 =	vsel vm2, $0x401, v39;
	[tilespmem:$0x1FEF0] =	vst v63  }
0x141: {  	v11 =	vsel vm5, $0x28B, v11;
	v40 =	vsel vm3, $0xB80, v40;
	v39 =	vsel vm1, $0x482, v39;
	[tilespmem:$0x1FF10] =	vst v16  }
0x142: {  	v40 =	vsel vm2, $0xC01, v40;
	v57 =	vsel vm15, $0xF09, v47;
	v47 =	vadd.s32 $0x10, v25;
	[tilespmem:$0x1FF20] =	vst v17;
	v3 =	vld [tilespmem:$0x1FE50]  }
0x143: {  	v10 =	vsel vm0, $0x50E, v10;
	v39 =	vsel vm0, $0x503, v39;
	v40 =	vsel vm1, $0xC82, v40;
	[tilespmem:$0x1FF30] =	vst v47  }
0x144: {  	v9 =	vsel vm6, $0xA09, v9;
	v39 =	vsel vm12, $0x584, v39;
	v40 =	vsel vm0, $0xD03, v40;
	[tilespmem:$0x1FF40] =	vst v25  }
0x145: {  	v39 =	vsel vm13, $0x605, v39;
	v56 =	vsel vm15, $0x709, v46;
	v46 =	vsel vm15, $0x1BE, v26;
	[tilespmem:$0x1FF50] =	vst v41  }
0x146: {  	v31 =	vsel vm5, $0xA8B, v31;
	v40 =	vsel vm12, $0xD84, v40;
	v58 =	vsel vm14, $0x686, v39;
	[tilespmem:$0x1FF90] =	vst v46  }
0x147: {  	v40 =	vsel vm13, $0xE05, v40;
	v7 =	vsel vm15, $0xF06, v43;
	[tilespmem:$0x1FFA0] =	vst v38;
	v37 =	vsel vm15, $0x17E, v3;
	v3 =	vld [tilespmem:$0x1FE60]  }
0x148: {  	v11 =	vsel vm4, $0x30C, v11;
	v59 =	vsel vm14, $0xE86, v40;
	[tilespmem:$0x1FDF0] =	vst v7;
	v7 =	vsel vm15, $0x707, v58  }
0x149: {  	v10 =	vsel vm12, $0x58F, v10;
	v9 =	vsel vm5, $0xA8A, v9;
	[tilespmem:$0x1FE00] =	vst v7;
	v7 =	vsel vm15, $0xF07, v59  }
0x14a: {  	v31 =	vsel vm4, $0xB0C, v31;
	v11 =	vsel vm3, $0x38D, v11;
	v10 =	vsel vm13, $0x600, v10;
	[tilespmem:$0x1FE10] =	vst v7;
	v7 =	vld [tilespmem:$0x1FE20]  }
0x14b: {  	v9 =	vsel vm4, $0xB0B, v9;
	v31 =	vsel vm3, $0xB8D, v31;
	v11 =	vsel vm2, $0x40E, v11;
	[tilespmem:$0x1FFC0] =	vst v56;
	v2 =	vld [tilespmem:$0x1FE40]  }
0x14c: {  	s13 =	simm.s32 $0x400;
	v10 =	vsel vm14, $0x681, v10;
	v43 =	vor.u32 $0x800, v12;
	[tilespmem:$0x1FFD0] =	vst v57;
	v14 =	vsel vm15, $0x70C, v3;
	v3 =	vld [tilespmem:$0x1FE70]  }
0x14d: {  	s14 =	simm.s32 $0x7A1400;
	v9 =	vsel vm3, $0xB8C, v9;
	v58 =	vsel vm15, $0x12E, v60;
	v60 =	vsel vm15, $0x70A, v62;
	[tilespmem:$0x1FE90] =	vst v43  }
0x14e: {  	s4 =	srdreg.scid;
	s15 =	simm.s32 $0x1000;
	s17 =	simm.s32 $0x2000;
	v31 =	vsel vm2, $0xC0E, v31;
	v62 =	vsel vm15, $0x14E, v0;
	v0 =	vsel vm15, $0x70B, v21;
	[tilespmem:$0x1FEE0] =	vst v60  }
0x14f: {  	s16 =	simm.s32 $0x1;
	s18 =	simm.s32 $0x2;
	s19 =	simm.s32 $0x3000;
	v11 =	vsel vm1, $0x48F, v11;
	v36 =	vsel vm15, $0x702, v10;
	[tilespmem:$0x1FF00] =	vst v0;
	v54 =	vsel vm15, $0x10E, v7;
	v7 =	vld [tilespmem:$0x1FE30]  }
0x150: {  	s20 =	simm.s32 $0x3;
	s21 =	simm.s32 $0x4;
	s22 =	simm.s32 $0x0;
	v9 =	vsel vm2, $0xC0D, v9;
	v31 =	vsel vm1, $0xC8F, v31;
	v11 =	vsel vm0, $0x500, v11;
	[tilespmem:$0x1FFB0] =	vst v58  }
0x151: {  	s6 =	sand.u32 $0x1, s4;
	s4 =	stileid.u32;
	s5 =	sadd.s32 $0xA00, s7;
	v9 =	vsel vm1, $0xC8E, v9;
	v2 =	vsel vm15, $0x16E, v2;
	[tilespmem:$0x1FED0] =	vst v37;
	v18 =	vsel vm15, $0x70D, v3;
	v3 =	vld [tilespmem:$0x1FE80]  }
0x152: {  	s7 =	sadd.s32 $0x3D1200, s7;
	s8 =	ssub.s32 $0x2, s6;
	s10 =	sshll.u32 s4, $0x1;
	v31 =	vsel vm0, $0xD00, v31;
	v11 =	vsel vm12, $0x581, v11;
	v9 =	vsel vm0, $0xD0F, v9;
	[tilespmem:$0x1FF80] =	vst v2  }
.Ltmp0:
0x153: {  	s9 =	sshrl.u32 s8, $0x1;
	s6 =	sor.u32 s6, s10;
	v31 =	vsel vm12, $0xD81, v31;
	v11 =	vsel vm13, $0x602, v11;
	v9 =	vsel vm12, $0xD80, v9;
	[tilespmem:$0x1FFF0] =	vst v54;
	(pc) =	sbr.rel .LBB2_1-.Ltmp0, $4  }
0x154: {  	p1 =	sgt.u32 s4, $0x1;
	s12 =	ssub.s32 s8, s9;
	s29 =	sshll.u32 s6, $0x7;
	v31 =	vsel vm13, $0xE02, v31;
	v11 =	vsel vm14, $0x683, v11;
	[tilespmem:$0x1FEC0] =	vst v14;
	v55 =	vsel vm15, $0x11E, v7  }
0x155: {  	s30 =	sshll.u32 s6, $0x9;
	p0 =	sne.s32 s6, $0x0;
	s9 =	sor.u32 $0x40, s6;
	v9 =	vsel vm13, $0xE01, v9;
	v31 =	vsel vm14, $0xE83, v31;
	v40 =	vsel vm15, $0x704, v11;
	[tilespmem:$0x1FFE0] =	vst v55  }
0x156: {  	s8 =	sadd.s32 s0, s29;
	s31 =	sadd.s32 s30, s5;
	s11 =	sshll.u32 @!p0 s4, $0x6;
	v9 =	vsel vm14, $0xE82, v9;
	v24 =	vsel vm15, $0xF04, v31;
	[tilespmem:$0x1FF70] =	vst v18;
	v19 =	vsel vm15, $0xF0D, v3  }
0x157: {  	s12 =	smax.u32 s12, $0x1;
	s10 =	sadd.s32 $0x3D0000, s31;
	s11 =	sor.u32 @!p0 $0x1C05, s11;
	v39 =	vsel vm15, $0xF03, v9;
	v42 =	vsel vm15, $0x1AE, v28;
	v59 =	vsel vm15, $0x13E, v61;
	[tilespmem:$0x1FF60] =	vst v19  }
.LBB2_11:
0x158: {  	s22 =	sadd.s32 $0x1, s22  }
0x159: {  	_ =	swait.ge [sflag:s23], $0x1000;
	p2 =	sne.s32 s22, s12  }
.Ltmp1:
0x15a: {  	[sflag:s23] =	ssyncset.done $0x0;
	(pc) =	sbr.rel @!p2 .LBB2_12-.Ltmp1, $4  }
0x15b: {  	[sflag:s23] =	ssyncadd.s32 $0xFFFFF000;
	s23 =	simm.s32 @!p0 $0x5  }
0x15c: {  	_ =	swait.ge @!p0 [sflag:s23], $0x100  }
0x15d: {  	[sflag:s23] =	ssyncset.done @!p0 $0x0  }
0x15e: {  	[sflag:s23] =	ssyncadd.s32 @!p0 $0xFFFFFF00  }
.LBB2_1:
0x15f: {  	[hbm:s7], [sflag:s11] =	dma.local @!p0 [hbm:s1], $0x100  }
0x160: {  	v20 =	vld [tilespmem:$0x1FD00]  }
0x161: {  	v21 =	vld [tilespmem:$0x1FD10]  }
0x162: {  	v26 =	vld [tilespmem:$0x1FD20]  }
0x163: {  	v27 =	vld [tilespmem:$0x1FD30]  }
0x164: {  	v28 =	vld [tilespmem:$0x1FD40]  }
0x165: {  	v29 =	vld [tilespmem:$0x1FD50]  }
0x166: {  	v30 =	vld [tilespmem:$0x1FD60]  }
0x167: {  	v31 =	vld [tilespmem:$0x1FD70]  }
0x168: {  	v34 =	vmov v48;
	v48 =	vld [tilespmem:$0x1FDE0]  }
0x169: {  	v49 =	vld [tilespmem:$0x1FDF0]  }
0x16a: {  	s23 =	simm.s32 $0x0;
	v50 =	vld [tilespmem:$0x1FE00]  }
0x16b: {  	v33 =	vmov v51;
	[tilespmem:s3], [sflag:$0x1] =	stream.strided.gather [hbm4b:s8+s13], $0x1000, s14, s13, $0x38;
	v51 =	vld [tilespmem:$0x1FE10]  }
.LBB2_2:
0x16c: {  	s25 =	sshll.u32 s23, $0x6  }
0x16d: {  	s26 =	sor.u32 s25, s6  }
0x16e: {  	s24 =	sor.u32 $0x20, s26  }
0x16f: {  	p2 =	seq.s32 s23, $0x0;
	s28 =	sshll.u32 s24, $0x7  }
0x170: {  	s29 =	simm.s32 @!p2 $0x3;
	s28 =	sadd.s32 s0, s28  }
0x171: {  	[tilespmem:s15], [sflag:$0x2] =	stream.strided.gather [hbm4b:s28+s13], $0x1000, s14, s13, $0x38;
	[tilespmem:$0x4000] =	vst v63  }
0x172: {  	s28 =	simm.s32 $0x0;
	_ =	swait.ge @!p2 [sflag:s29], $0x1000  }
0x173: {  	v7 =	vor.u32 s28, v12;
	[sflag:s29] =	ssyncset.done @!p2 $0x0  }
0x174: {  	v9 =	vor.u32 s28, v43;
	[sflag:s29] =	ssyncadd.s32 @!p2 $0xFFFFF000  }
0x175: {  	_ =	swait.ge [sflag:s16], $0x1000  }
0x176: {  	[sflag:s16] =	ssyncset.done $0x0  }
0x177: {  	v10 =	vor.u32 s28, v25;
	[sflag:s16] =	ssyncadd.s32 $0xFFFFF000  }
0x178: {  	v10 =	vand.u32 v4, v10;
	v3 =	vld.idx.msk [tilespmem:v7+s3+$0x0], $0xffff  }
0x179: {  	v11 =	vor.u32 s28, v47;
	v9 =	vld.idx.msk [tilespmem:v9+s3+$0x0], $0xffff  }
0x17a: {  	v7 =	vor.u32 s28, v26  }
0x17b: {  	v61 =	vor.u32 s28, v27;
	_ =	sdelay $0x1  }
0x17c: {  	[tilespmem:v10+s17+$0x0] =	vst.idx.msk $0xffff, v3  }
0x17d: {  	[tilespmem:v11+s17+$0x0] =	vst.idx.msk $0xffff, v9;
	v9 =	vor.u32 s28, v28  }
0x17e: {  	v3 =	vld.idx.msk [tilespmem:v7+s3+$0x0], $0xffff;
	v9 =	vand.u32 v5, v9  }
0x17f: {  	v11 =	vor.u32 s28, v29;
	v10 =	vld.idx.msk [tilespmem:v61+s3+$0x0], $0xffff  }
0x180: {  	v7 =	vor.u32 s28, v30  }
0x181: {  	v61 =	vor.u32 s28, v31;
	_ =	sdelay $0x1  }
0x182: {  	[tilespmem:v9+s17+$0x0] =	vst.idx.msk $0xffff, v3  }
0x183: {  	v9 =	vor.u32 s28, v41;
	[tilespmem:v11+s17+$0x0] =	vst.idx.msk $0xffff, v10  }
0x184: {  	v3 =	vmov v41;
	v9 =	vand.u32 v6, v9;
	v41 =	vld.idx.msk [tilespmem:v7+s3+$0x0], $0xffff  }
0x185: {  	v11 =	vor.u32 s28, v33;
	v10 =	vld.idx.msk [tilespmem:v61+s3+$0x0], $0xffff  }
0x186: {  	v7 =	vor.u32 s28, v34;
	_ =	sdelay $0x2  }
0x187: {  	[tilespmem:v9+s17+$0x0] =	vst.idx.msk $0xffff, v41  }
0x188: {  	v9 =	vld [tilespmem:$0x1FCE0];
	[tilespmem:v11+s17+$0x0] =	vst.idx.msk $0xffff, v10  }
0x189: {  	v41 =	vld.idx.msk [tilespmem:v7+s3+$0x0], $0xffff  }
0x18a: {  	v61 =	vor.u32 s28, v35;
	v7 =	vld [tilespmem:$0x1FCF0];
	_ =	sdelay $0x2  }
0x18b: {  	v9 =	vor.u32 s28, v9  }
0x18c: {  	v9 =	vand.u32 v8, v9  }
0x18d: {  	v10 =	vld.idx.msk [tilespmem:v61+s3+$0x0], $0xffff;
	v11 =	vor.u32 s28, v7  }
0x18e: {  	v7 =	vor.u32 s28, v36;
	_ =	sdelay $0x2  }
0x18f: {  	[tilespmem:v9+s17+$0x0] =	vst.idx.msk $0xffff, v41  }
0x190: {  	[tilespmem:v11+s17+$0x0] =	vst.idx.msk $0xffff, v10  }
0x191: {  	v7 =	vld.idx.msk [tilespmem:v7+s3+$0x0], $0xffff;
	_ =	sdelay $0x1  }
0x192: {  	v61 =	vor.u32 s28, v13;
	_ =	sdelay $0x2  }
0x193: {  	v9 =	vor.u32 s28, v20;
	[tilespmem:$0x1FC90] =	vst v7  }
0x194: {  	v41 =	vmov v32;
	v9 =	vand.u32 v4, v9;
	v7 =	vor.u32 s28, v32;
	v32 =	vld [tilespmem:$0x1FC90]  }
0x195: {  	v11 =	vor.u32 s28, v21;
	v10 =	vld.idx.msk [tilespmem:v61+s3+$0x0], $0xffff;
	_ =	sdelay $0x3  }
0x196: {  	[tilespmem:v9+s17+$0x0] =	vst.idx.msk $0xffff, v32  }
0x197: {  	v9 =	vld [tilespmem:$0x1FCA0];
	[tilespmem:v11+s17+$0x0] =	vst.idx.msk $0xffff, v10  }
0x198: {  	v32 =	vld.idx.msk [tilespmem:v7+s3+$0x0], $0xffff  }
0x199: {  	v61 =	vor.u32 s28, v39;
	v7 =	vld [tilespmem:$0x1FCB0];
	_ =	sdelay $0x2  }
0x19a: {  	v9 =	vor.u32 s28, v9  }
0x19b: {  	v9 =	vand.u32 v5, v9  }
0x19c: {  	v10 =	vld.idx.msk [tilespmem:v61+s3+$0x0], $0xffff;
	v11 =	vor.u32 s28, v7  }
0x19d: {  	v7 =	vor.u32 s28, v40;
	_ =	sdelay $0x2  }
0x19e: {  	[tilespmem:v9+s17+$0x0] =	vst.idx.msk $0xffff, v32  }
0x19f: {  	v9 =	vld [tilespmem:$0x1FD90];
	[tilespmem:v11+s17+$0x0] =	vst.idx.msk $0xffff, v10  }
0x1a0: {  	v32 =	vld.idx.msk [tilespmem:v7+s3+$0x0], $0xffff  }
0x1a1: {  	v61 =	vmov v24;
	v24 =	vor.u32 s28, v24;
	v7 =	vld [tilespmem:$0x1FDB0];
	_ =	sdelay $0x2  }
0x1a2: {  	v9 =	vor.u32 s28, v9  }
0x1a3: {  	v9 =	vand.u32 v6, v9  }
0x1a4: {  	v10 =	vld.idx.msk [tilespmem:v24+s3+$0x0], $0xffff;
	v11 =	vor.u32 s28, v7  }
0x1a5: {  	v7 =	vor.u32 s28, v44;
	_ =	sdelay $0x2  }
0x1a6: {  	[tilespmem:v9+s17+$0x0] =	vst.idx.msk $0xffff, v32  }
0x1a7: {  	v9 =	vld [tilespmem:$0x1FDC0];
	[tilespmem:v11+s17+$0x0] =	vst.idx.msk $0xffff, v10  }
0x1a8: {  	v32 =	vld.idx.msk [tilespmem:v7+s3+$0x0], $0xffff  }
0x1a9: {  	v24 =	vor.u32 s28, v45;
	v7 =	vld [tilespmem:$0x1FDD0];
	_ =	sdelay $0x2  }
0x1aa: {  	v9 =	vor.u32 s28, v9  }
0x1ab: {  	v9 =	vand.u32 v8, v9  }
0x1ac: {  	v10 =	vld.idx.msk [tilespmem:v24+s3+$0x0], $0xffff;
	v11 =	vor.u32 s28, v7  }
0x1ad: {  	v7 =	vor.u32 s28, v48  }
0x1ae: {  	v24 =	vor.u32 s28, v49;
	_ =	sdelay $0x1  }
0x1af: {  	[tilespmem:v9+s17+$0x0] =	vst.idx.msk $0xffff, v32  }
0x1b0: {  	v9 =	vor.u32 s28, v22;
	[tilespmem:v11+s17+$0x0] =	vst.idx.msk $0xffff, v10  }
0x1b1: {  	v9 =	vand.u32 v4, v9;
	v32 =	vld.idx.msk [tilespmem:v7+s3+$0x0], $0xffff  }
0x1b2: {  	v11 =	vor.u32 s28, v23;
	v10 =	vld.idx.msk [tilespmem:v24+s3+$0x0], $0xffff  }
0x1b3: {  	v7 =	vor.u32 s28, v50;
	_ =	sdelay $0x2  }
0x1b4: {  	[tilespmem:v9+s17+$0x0] =	vst.idx.msk $0xffff, v32  }
0x1b5: {  	v9 =	vld [tilespmem:$0x1FCC0];
	[tilespmem:v11+s17+$0x0] =	vst.idx.msk $0xffff, v10  }
0x1b6: {  	v32 =	vld.idx.msk [tilespmem:v7+s3+$0x0], $0xffff  }
0x1b7: {  	v24 =	vor.u32 s28, v51;
	v7 =	vld [tilespmem:$0x1FCD0];
	_ =	sdelay $0x2  }
0x1b8: {  	v9 =	vor.u32 s28, v9  }
0x1b9: {  	v9 =	vand.u32 v5, v9  }
0x1ba: {  	v10 =	vld.idx.msk [tilespmem:v24+s3+$0x0], $0xffff;
	v11 =	vor.u32 s28, v7  }
0x1bb: {  	v7 =	vor.u32 s28, v52  }
0x1bc: {  	v24 =	vor.u32 s28, v53;
	_ =	sdelay $0x1  }
0x1bd: {  	[tilespmem:v9+s17+$0x0] =	vst.idx.msk $0xffff, v32  }
0x1be: {  	v9 =	vor.u32 s28, v54;
	[tilespmem:v11+s17+$0x0] =	vst.idx.msk $0xffff, v10  }
0x1bf: {  	v9 =	vand.u32 v6, v9;
	v32 =	vld.idx.msk [tilespmem:v7+s3+$0x0], $0xffff  }
0x1c0: {  	v11 =	vor.u32 s28, v55;
	v10 =	vld.idx.msk [tilespmem:v24+s3+$0x0], $0xffff  }
0x1c1: {  	v7 =	vor.u32 s28, v56  }
0x1c2: {  	v24 =	vor.u32 s28, v57;
	_ =	sdelay $0x1  }
0x1c3: {  	[tilespmem:v9+s17+$0x0] =	vst.idx.msk $0xffff, v32  }
0x1c4: {  	v9 =	vor.u32 s28, v58;
	[tilespmem:v11+s17+$0x0] =	vst.idx.msk $0xffff, v10  }
0x1c5: {  	v9 =	vand.u32 v8, v9;
	v32 =	vld.idx.msk [tilespmem:v7+s3+$0x0], $0xffff  }
0x1c6: {  	v11 =	vor.u32 s28, v59;
	v10 =	vld.idx.msk [tilespmem:v24+s3+$0x0], $0xffff  }
0x1c7: {  	v7 =	vor.u32 s28, v60  }
0x1c8: {  	v24 =	vor.u32 s28, v38;
	_ =	sdelay $0x1  }
0x1c9: {  	[tilespmem:v9+s17+$0x0] =	vst.idx.msk $0xffff, v32  }
0x1ca: {  	v9 =	vor.u32 s28, v62;
	[tilespmem:v11+s17+$0x0] =	vst.idx.msk $0xffff, v10  }
0x1cb: {  	v9 =	vand.u32 v4, v9;
	v32 =	vld.idx.msk [tilespmem:v7+s3+$0x0], $0xffff  }
0x1cc: {  	v11 =	vor.u32 s28, v63;
	v10 =	vld.idx.msk [tilespmem:v24+s3+$0x0], $0xffff  }
0x1cd: {  	v7 =	vor.u32 s28, v0  }
0x1ce: {  	v24 =	vor.u32 s28, v1;
	_ =	sdelay $0x1  }
0x1cf: {  	[tilespmem:v9+s17+$0x0] =	vst.idx.msk $0xffff, v32  }
0x1d0: {  	v9 =	vor.u32 s28, v2;
	[tilespmem:v11+s17+$0x0] =	vst.idx.msk $0xffff, v10  }
0x1d1: {  	v9 =	vand.u32 v5, v9;
	v32 =	vld.idx.msk [tilespmem:v7+s3+$0x0], $0xffff  }
0x1d2: {  	v11 =	vor.u32 s28, v37;
	v10 =	vld.idx.msk [tilespmem:v24+s3+$0x0], $0xffff  }
0x1d3: {  	v7 =	vor.u32 s28, v14  }
0x1d4: {  	v24 =	vor.u32 s28, v15;
	_ =	sdelay $0x1  }
0x1d5: {  	[tilespmem:v9+s17+$0x0] =	vst.idx.msk $0xffff, v32  }
0x1d6: {  	v9 =	vor.u32 s28, v16;
	[tilespmem:v11+s17+$0x0] =	vst.idx.msk $0xffff, v10  }
0x1d7: {  	v9 =	vand.u32 v6, v9;
	v7 =	vld.idx.msk [tilespmem:v7+s3+$0x0], $0xffff  }
0x1d8: {  	v11 =	vor.u32 s28, v17;
	v10 =	vld.idx.msk [tilespmem:v24+s3+$0x0], $0xffff  }
0x1d9: {  	v24 =	vor.u32 s28, v18;
	_ =	sdelay $0x2  }
0x1da: {  	[tilespmem:v9+s17+$0x0] =	vst.idx.msk $0xffff, v7  }
0x1db: {  	v9 =	vor.u32 s28, v42;
	[tilespmem:v11+s17+$0x0] =	vst.idx.msk $0xffff, v10  }
0x1dc: {  	v7 =	vor.u32 s28, v19;
	v9 =	vand.u32 v8, v9;
	v10 =	vld.idx.msk [tilespmem:v24+s3+$0x0], $0xffff;
	_ =	sdelay $0x3  }
0x1dd: {  	s29 =	simm.s32 $0x10;
	v32 =	vmov v3;
	v3 =	vmov v37;
	v11 =	vor.u32 s28, v46  }
0x1de: {  	v24 =	vmovc v12;
	v7 =	vld.idx.msk [tilespmem:v7+s3+$0x0], $0xffff;
	[tilespmem:v9+s17+$0x0] =	vst.idx.msk $0xffff, v10;
	v10 =	vor.u32 s29, v12;
	v12 =	vmov v13;
	v13 =	vmov v61  }
0x1df: {  	s30 =	simm.s32 $0x20;
	v9 =	vor.u32 s29, v43;
	v61 =	vmovc v38;
	v38 =	vmovc v41;
	v37 =	vmov v12;
	v41 =	vmov v13  }
.LBB2_3:
0x1e0: {  	_ =	sdelay $0x3  }
0x1e1: {  	[tilespmem:v11+s17+$0x0] =	vst.idx.msk $0xffff, v7;
	s28 =	sadd.s32 $0x200, s28  }
0x1e2: {  	v7 =	vld.idx.msk [tilespmem:v10+s3+$0x0], $0xffff;
	v10 =	vor.u32 s28, v25  }
0x1e3: {  	v10 =	vand.u32 v4, v10  }
0x1e4: {  	v9 =	vld.idx.msk [tilespmem:v9+s3+$0x0], $0xffff;
	v11 =	vor.u32 s28, v47  }
0x1e5: {  	v12 =	vor.u32 s29, v26  }
0x1e6: {  	v13 =	vor.u32 s29, v27;
	_ =	sdelay $0x1  }
0x1e7: {  	[tilespmem:v10+s17+$0x0] =	vst.idx.msk $0xffff, v7  }
0x1e8: {  	[tilespmem:v11+s17+$0x0] =	vst.idx.msk $0xffff, v9;
	v9 =	vor.u32 s28, v28  }
0x1e9: {  	v7 =	vld.idx.msk [tilespmem:v12+s3+$0x0], $0xffff;
	v9 =	vand.u32 v5, v9  }
0x1ea: {  	v11 =	vor.u32 s28, v29;
	v10 =	vld.idx.msk [tilespmem:v13+s3+$0x0], $0xffff  }
0x1eb: {  	v12 =	vor.u32 s29, v30;
	_ =	sdelay $0x1  }
0x1ec: {  	v13 =	vor.u32 s29, v31  }
0x1ed: {  	[tilespmem:v9+s17+$0x0] =	vst.idx.msk $0xffff, v7  }
0x1ee: {  	v9 =	vor.u32 s28, v32;
	[tilespmem:v11+s17+$0x0] =	vst.idx.msk $0xffff, v10  }
0x1ef: {  	v9 =	vand.u32 v6, v9;
	v7 =	vld.idx.msk [tilespmem:v12+s3+$0x0], $0xffff;
	_ =	sdelay $0x1  }
0x1f0: {  	v11 =	vor.u32 s28, v33;
	v10 =	vld.idx.msk [tilespmem:v13+s3+$0x0], $0xffff;
	_ =	sdelay $0x2  }
0x1f1: {  	[tilespmem:v9+s17+$0x0] =	vst.idx.msk $0xffff, v7;
	v9 =	vld [tilespmem:$0x1FCE0]  }
0x1f2: {  	v12 =	vor.u32 s29, v34  }
0x1f3: {  	v13 =	vor.u32 s29, v35;
	[tilespmem:v11+s17+$0x0] =	vst.idx.msk $0xffff, v10;
	v11 =	vld [tilespmem:$0x1FCF0];
	_ =	sdelay $0x2  }
0x1f4: {  	v9 =	vor.u32 s28, v9  }
0x1f5: {  	v7 =	vld.idx.msk [tilespmem:v12+s3+$0x0], $0xffff;
	v9 =	vand.u32 v8, v9  }
0x1f6: {  	v10 =	vld.idx.msk [tilespmem:v13+s3+$0x0], $0xffff;
	v11 =	vor.u32 s28, v11  }
0x1f7: {  	v12 =	vor.u32 s29, v36;
	_ =	sdelay $0x2  }
0x1f8: {  	[tilespmem:v9+s17+$0x0] =	vst.idx.msk $0xffff, v7  }
0x1f9: {  	v13 =	vor.u32 s29, v37;
	v9 =	vor.u32 s28, v20;
	[tilespmem:v11+s17+$0x0] =	vst.idx.msk $0xffff, v10  }
0x1fa: {  	v9 =	vand.u32 v4, v9;
	v7 =	vld.idx.msk [tilespmem:v12+s3+$0x0], $0xffff;
	_ =	sdelay $0x3  }
0x1fb: {  	v11 =	vor.u32 s28, v21;
	v10 =	vld.idx.msk [tilespmem:v13+s3+$0x0], $0xffff  }
0x1fc: {  	[tilespmem:v9+s17+$0x0] =	vst.idx.msk $0xffff, v7;
	v9 =	vld [tilespmem:$0x1FCA0]  }
0x1fd: {  	v12 =	vor.u32 s29, v38;
	_ =	sdelay $0x2  }
0x1fe: {  	v13 =	vor.u32 s29, v39;
	[tilespmem:v11+s17+$0x0] =	vst.idx.msk $0xffff, v10;
	v11 =	vld [tilespmem:$0x1FCB0]  }
0x1ff: {  	v9 =	vor.u32 s28, v9  }
0x200: {  	v7 =	vld.idx.msk [tilespmem:v12+s3+$0x0], $0xffff;
	v9 =	vand.u32 v5, v9;
	_ =	sdelay $0x2  }
0x201: {  	v10 =	vld.idx.msk [tilespmem:v13+s3+$0x0], $0xffff;
	v11 =	vor.u32 s28, v11;
	_ =	sdelay $0x1  }
0x202: {  	[tilespmem:v9+s17+$0x0] =	vst.idx.msk $0xffff, v7;
	v9 =	vld [tilespmem:$0x1FD90]  }
0x203: {  	v12 =	vor.u32 s29, v40;
	_ =	sdelay $0x1  }
0x204: {  	v13 =	vor.u32 s29, v41;
	[tilespmem:v11+s17+$0x0] =	vst.idx.msk $0xffff, v10;
	v11 =	vld [tilespmem:$0x1FDB0];
	_ =	sdelay $0x1  }
0x205: {  	v9 =	vor.u32 s28, v9  }
0x206: {  	v7 =	vld.idx.msk [tilespmem:v12+s3+$0x0], $0xffff;
	v9 =	vand.u32 v6, v9;
	_ =	sdelay $0x1  }
0x207: {  	v10 =	vld.idx.msk [tilespmem:v13+s3+$0x0], $0xffff;
	v11 =	vor.u32 s28, v11;
	_ =	sdelay $0x2  }
0x208: {  	[tilespmem:v9+s17+$0x0] =	vst.idx.msk $0xffff, v7;
	v9 =	vld [tilespmem:$0x1FDC0]  }
0x209: {  	v12 =	vor.u32 s29, v44  }
0x20a: {  	v13 =	vor.u32 s29, v45;
	[tilespmem:v11+s17+$0x0] =	vst.idx.msk $0xffff, v10;
	v11 =	vld [tilespmem:$0x1FDD0];
	_ =	sdelay $0x2  }
0x20b: {  	v9 =	vor.u32 s28, v9  }
0x20c: {  	v7 =	vld.idx.msk [tilespmem:v12+s3+$0x0], $0xffff;
	v9 =	vand.u32 v8, v9  }
0x20d: {  	v10 =	vld.idx.msk [tilespmem:v13+s3+$0x0], $0xffff;
	v11 =	vor.u32 s28, v11  }
0x20e: {  	v12 =	vor.u32 s29, v48;
	_ =	sdelay $0x1  }
0x20f: {  	v13 =	vor.u32 s29, v49  }
0x210: {  	[tilespmem:v9+s17+$0x0] =	vst.idx.msk $0xffff, v7  }
0x211: {  	v9 =	vor.u32 s28, v22;
	[tilespmem:v11+s17+$0x0] =	vst.idx.msk $0xffff, v10  }
0x212: {  	v9 =	vand.u32 v4, v9;
	v7 =	vld.idx.msk [tilespmem:v12+s3+$0x0], $0xffff;
	_ =	sdelay $0x1  }
0x213: {  	v11 =	vor.u32 s28, v23;
	v10 =	vld.idx.msk [tilespmem:v13+s3+$0x0], $0xffff;
	_ =	sdelay $0x2  }
0x214: {  	[tilespmem:v9+s17+$0x0] =	vst.idx.msk $0xffff, v7;
	v9 =	vld [tilespmem:$0x1FCC0]  }
0x215: {  	v12 =	vor.u32 s29, v50  }
0x216: {  	v13 =	vor.u32 s29, v51;
	[tilespmem:v11+s17+$0x0] =	vst.idx.msk $0xffff, v10;
	v11 =	vld [tilespmem:$0x1FCD0];
	_ =	sdelay $0x2  }
0x217: {  	v9 =	vor.u32 s28, v9  }
0x218: {  	v7 =	vld.idx.msk [tilespmem:v12+s3+$0x0], $0xffff;
	v9 =	vand.u32 v5, v9  }
0x219: {  	v10 =	vld.idx.msk [tilespmem:v13+s3+$0x0], $0xffff;
	v11 =	vor.u32 s28, v11  }
0x21a: {  	v12 =	vor.u32 s29, v52  }
0x21b: {  	v13 =	vor.u32 s29, v53;
	_ =	sdelay $0x1  }
0x21c: {  	[tilespmem:v9+s17+$0x0] =	vst.idx.msk $0xffff, v7  }
0x21d: {  	v9 =	vor.u32 s28, v54;
	[tilespmem:v11+s17+$0x0] =	vst.idx.msk $0xffff, v10  }
0x21e: {  	v9 =	vand.u32 v6, v9;
	v7 =	vld.idx.msk [tilespmem:v12+s3+$0x0], $0xffff  }
0x21f: {  	v11 =	vor.u32 s28, v55;
	v10 =	vld.idx.msk [tilespmem:v13+s3+$0x0], $0xffff  }
0x220: {  	v12 =	vor.u32 s29, v56  }
0x221: {  	v13 =	vor.u32 s29, v57;
	_ =	sdelay $0x1  }
0x222: {  	[tilespmem:v9+s17+$0x0] =	vst.idx.msk $0xffff, v7  }
0x223: {  	v9 =	vor.u32 s28, v58;
	[tilespmem:v11+s17+$0x0] =	vst.idx.msk $0xffff, v10  }
0x224: {  	v9 =	vand.u32 v8, v9;
	v7 =	vld.idx.msk [tilespmem:v12+s3+$0x0], $0xffff  }
0x225: {  	v11 =	vor.u32 s28, v59;
	v10 =	vld.idx.msk [tilespmem:v13+s3+$0x0], $0xffff  }
0x226: {  	v12 =	vor.u32 s29, v60  }
0x227: {  	v13 =	vor.u32 s29, v61;
	_ =	sdelay $0x1  }
0x228: {  	[tilespmem:v9+s17+$0x0] =	vst.idx.msk $0xffff, v7  }
0x229: {  	v9 =	vor.u32 s28, v62;
	[tilespmem:v11+s17+$0x0] =	vst.idx.msk $0xffff, v10  }
0x22a: {  	v9 =	vand.u32 v4, v9;
	v7 =	vld.idx.msk [tilespmem:v12+s3+$0x0], $0xffff  }
0x22b: {  	v11 =	vor.u32 s28, v63;
	v10 =	vld.idx.msk [tilespmem:v13+s3+$0x0], $0xffff  }
0x22c: {  	v12 =	vor.u32 s29, v0  }
0x22d: {  	v13 =	vor.u32 s29, v1;
	_ =	sdelay $0x1  }
0x22e: {  	[tilespmem:v9+s17+$0x0] =	vst.idx.msk $0xffff, v7  }
0x22f: {  	v9 =	vor.u32 s28, v2;
	[tilespmem:v11+s17+$0x0] =	vst.idx.msk $0xffff, v10  }
0x230: {  	v9 =	vand.u32 v5, v9;
	v7 =	vld.idx.msk [tilespmem:v12+s3+$0x0], $0xffff  }
0x231: {  	v11 =	vor.u32 s28, v3;
	v10 =	vld.idx.msk [tilespmem:v13+s3+$0x0], $0xffff  }
0x232: {  	v12 =	vor.u32 s29, v14  }
0x233: {  	v13 =	vor.u32 s29, v15;
	_ =	sdelay $0x1  }
0x234: {  	[tilespmem:v9+s17+$0x0] =	vst.idx.msk $0xffff, v7  }
0x235: {  	v9 =	vor.u32 s28, v16;
	[tilespmem:v11+s17+$0x0] =	vst.idx.msk $0xffff, v10  }
0x236: {  	v9 =	vand.u32 v6, v9;
	v7 =	vld.idx.msk [tilespmem:v12+s3+$0x0], $0xffff  }
0x237: {  	v11 =	vor.u32 s28, v17;
	v10 =	vld.idx.msk [tilespmem:v13+s3+$0x0], $0xffff  }
0x238: {  	v12 =	vor.u32 s29, v18  }
0x239: {  	v13 =	vor.u32 s29, v19;
	_ =	sdelay $0x1  }
0x23a: {  	[tilespmem:v9+s17+$0x0] =	vst.idx.msk $0xffff, v7  }
0x23b: {  	[tilespmem:v11+s17+$0x0] =	vst.idx.msk $0xffff, v10  }
0x23c: {  	v9 =	vor.u32 s28, v42;
	v12 =	vld.idx.msk [tilespmem:v12+s3+$0x0], $0xffff  }
0x23d: {  	p3 =	sne.s32 s30, $0x70;
	v7 =	vld.idx.msk [tilespmem:v13+s3+$0x0], $0xffff;
	v13 =	vand.u32 v8, v9  }
.Ltmp2:
0x23e: {  	_ = 	snop;
	(pc) =	sbr.rel @p3 .LBB2_3-.Ltmp2, $4  }
0x23f: {  	_ = 	snop  }
0x240: {  	s31 =	smov.u32 s30  }
0x241: {  	s29 =	smov.u32 s31  }
0x242: {  	s30 =	sadd.s32 $0x10, s30;
	v11 =	vor.u32 s28, v46;
	v10 =	vor.u32 s29, v24;
	v9 =	vor.u32 s29, v43;
	[tilespmem:v13+s17+$0x0] =	vst.idx.msk $0xffff, v12  }
0x243: {  	_ =	sdelay $0x2  }
0x244: {  	s28 =	sadd.s32 $0x200, s28  }
0x245: {  	[tilespmem:v11+s17+$0x0] =	vst.idx.msk $0xffff, v7;
	v7 =	vor.u32 s28, v25  }
0x246: {  	v10 =	vld.idx.msk [tilespmem:v10+s3+$0x0], $0xffff;
	v7 =	vand.u32 v4, v7  }
0x247: {  	v9 =	vld.idx.msk [tilespmem:v9+s3+$0x0], $0xffff;
	v11 =	vor.u32 s28, v47  }
0x248: {  	v12 =	vor.u32 s29, v26  }
0x249: {  	v13 =	vor.u32 s29, v27;
	_ =	sdelay $0x1  }
0x24a: {  	[tilespmem:v7+s17+$0x0] =	vst.idx.msk $0xffff, v10  }
0x24b: {  	v7 =	vor.u32 s28, v28;
	[tilespmem:v11+s17+$0x0] =	vst.idx.msk $0xffff, v9  }
0x24c: {  	v7 =	vand.u32 v5, v7;
	v9 =	vld.idx.msk [tilespmem:v12+s3+$0x0], $0xffff  }
0x24d: {  	v11 =	vor.u32 s28, v29;
	v10 =	vld.idx.msk [tilespmem:v13+s3+$0x0], $0xffff  }
0x24e: {  	v12 =	vor.u32 s29, v30;
	_ =	sdelay $0x1  }
0x24f: {  	v13 =	vor.u32 s29, v31  }
0x250: {  	[tilespmem:v7+s17+$0x0] =	vst.idx.msk $0xffff, v9  }
0x251: {  	v7 =	vor.u32 s28, v32;
	[tilespmem:v11+s17+$0x0] =	vst.idx.msk $0xffff, v10  }
0x252: {  	v7 =	vand.u32 v6, v7;
	v9 =	vld.idx.msk [tilespmem:v12+s3+$0x0], $0xffff;
	_ =	sdelay $0x1  }
0x253: {  	v11 =	vor.u32 s28, v33;
	v10 =	vld.idx.msk [tilespmem:v13+s3+$0x0], $0xffff;
	_ =	sdelay $0x2  }
0x254: {  	[tilespmem:v7+s17+$0x0] =	vst.idx.msk $0xffff, v9;
	v7 =	vld [tilespmem:$0x1FCE0]  }
0x255: {  	v12 =	vor.u32 s29, v34  }
0x256: {  	v13 =	vor.u32 s29, v35;
	[tilespmem:v11+s17+$0x0] =	vst.idx.msk $0xffff, v10;
	v11 =	vld [tilespmem:$0x1FCF0];
	_ =	sdelay $0x2  }
0x257: {  	v7 =	vor.u32 s28, v7  }
0x258: {  	v9 =	vld.idx.msk [tilespmem:v12+s3+$0x0], $0xffff;
	v7 =	vand.u32 v8, v7  }
0x259: {  	v10 =	vld.idx.msk [tilespmem:v13+s3+$0x0], $0xffff;
	v11 =	vor.u32 s28, v11  }
0x25a: {  	v12 =	vor.u32 s29, v36;
	_ =	sdelay $0x2  }
0x25b: {  	[tilespmem:v7+s17+$0x0] =	vst.idx.msk $0xffff, v9  }
0x25c: {  	v13 =	vor.u32 s29, v37;
	v7 =	vor.u32 s28, v20;
	[tilespmem:v11+s17+$0x0] =	vst.idx.msk $0xffff, v10  }
0x25d: {  	v7 =	vand.u32 v4, v7;
	v9 =	vld.idx.msk [tilespmem:v12+s3+$0x0], $0xffff;
	_ =	sdelay $0x3  }
0x25e: {  	v11 =	vor.u32 s28, v21;
	v10 =	vld.idx.msk [tilespmem:v13+s3+$0x0], $0xffff  }
0x25f: {  	[tilespmem:v7+s17+$0x0] =	vst.idx.msk $0xffff, v9;
	v7 =	vld [tilespmem:$0x1FCA0]  }
0x260: {  	v12 =	vor.u32 s29, v38;
	_ =	sdelay $0x2  }
0x261: {  	v13 =	vor.u32 s29, v39;
	[tilespmem:v11+s17+$0x0] =	vst.idx.msk $0xffff, v10;
	v11 =	vld [tilespmem:$0x1FCB0]  }
0x262: {  	v7 =	vor.u32 s28, v7  }
0x263: {  	v9 =	vld.idx.msk [tilespmem:v12+s3+$0x0], $0xffff;
	v7 =	vand.u32 v5, v7;
	_ =	sdelay $0x2  }
0x264: {  	v10 =	vld.idx.msk [tilespmem:v13+s3+$0x0], $0xffff;
	v11 =	vor.u32 s28, v11;
	_ =	sdelay $0x1  }
0x265: {  	[tilespmem:v7+s17+$0x0] =	vst.idx.msk $0xffff, v9;
	v7 =	vld [tilespmem:$0x1FD90]  }
0x266: {  	v12 =	vor.u32 s29, v40;
	_ =	sdelay $0x1  }
0x267: {  	v13 =	vor.u32 s29, v41;
	[tilespmem:v11+s17+$0x0] =	vst.idx.msk $0xffff, v10;
	v11 =	vld [tilespmem:$0x1FDB0];
	_ =	sdelay $0x1  }
0x268: {  	v7 =	vor.u32 s28, v7  }
0x269: {  	v9 =	vld.idx.msk [tilespmem:v12+s3+$0x0], $0xffff;
	v7 =	vand.u32 v6, v7;
	_ =	sdelay $0x1  }
0x26a: {  	v10 =	vld.idx.msk [tilespmem:v13+s3+$0x0], $0xffff;
	v11 =	vor.u32 s28, v11;
	_ =	sdelay $0x2  }
0x26b: {  	[tilespmem:v7+s17+$0x0] =	vst.idx.msk $0xffff, v9;
	v7 =	vld [tilespmem:$0x1FDC0]  }
0x26c: {  	v12 =	vor.u32 s29, v44  }
0x26d: {  	v13 =	vor.u32 s29, v45;
	[tilespmem:v11+s17+$0x0] =	vst.idx.msk $0xffff, v10;
	v11 =	vld [tilespmem:$0x1FDD0];
	_ =	sdelay $0x2  }
0x26e: {  	v7 =	vor.u32 s28, v7  }
0x26f: {  	v9 =	vld.idx.msk [tilespmem:v12+s3+$0x0], $0xffff;
	v7 =	vand.u32 v8, v7  }
0x270: {  	v10 =	vld.idx.msk [tilespmem:v13+s3+$0x0], $0xffff;
	v11 =	vor.u32 s28, v11  }
0x271: {  	v12 =	vor.u32 s29, v48;
	_ =	sdelay $0x1  }
0x272: {  	v13 =	vor.u32 s29, v49  }
0x273: {  	[tilespmem:v7+s17+$0x0] =	vst.idx.msk $0xffff, v9  }
0x274: {  	v7 =	vor.u32 s28, v22;
	[tilespmem:v11+s17+$0x0] =	vst.idx.msk $0xffff, v10  }
0x275: {  	v7 =	vand.u32 v4, v7;
	v9 =	vld.idx.msk [tilespmem:v12+s3+$0x0], $0xffff;
	_ =	sdelay $0x1  }
0x276: {  	v11 =	vor.u32 s28, v23;
	v10 =	vld.idx.msk [tilespmem:v13+s3+$0x0], $0xffff;
	_ =	sdelay $0x2  }
0x277: {  	[tilespmem:v7+s17+$0x0] =	vst.idx.msk $0xffff, v9;
	v7 =	vld [tilespmem:$0x1FCC0]  }
0x278: {  	v12 =	vor.u32 s29, v50  }
0x279: {  	v13 =	vor.u32 s29, v51;
	[tilespmem:v11+s17+$0x0] =	vst.idx.msk $0xffff, v10;
	v11 =	vld [tilespmem:$0x1FCD0];
	_ =	sdelay $0x2  }
0x27a: {  	v7 =	vor.u32 s28, v7  }
0x27b: {  	v9 =	vld.idx.msk [tilespmem:v12+s3+$0x0], $0xffff;
	v7 =	vand.u32 v5, v7  }
0x27c: {  	v10 =	vld.idx.msk [tilespmem:v13+s3+$0x0], $0xffff;
	v11 =	vor.u32 s28, v11  }
0x27d: {  	v12 =	vor.u32 s29, v52  }
0x27e: {  	v13 =	vor.u32 s29, v53;
	_ =	sdelay $0x1  }
0x27f: {  	[tilespmem:v7+s17+$0x0] =	vst.idx.msk $0xffff, v9  }
0x280: {  	v7 =	vor.u32 s28, v54;
	[tilespmem:v11+s17+$0x0] =	vst.idx.msk $0xffff, v10  }
0x281: {  	v7 =	vand.u32 v6, v7;
	v9 =	vld.idx.msk [tilespmem:v12+s3+$0x0], $0xffff  }
0x282: {  	v11 =	vor.u32 s28, v55;
	v10 =	vld.idx.msk [tilespmem:v13+s3+$0x0], $0xffff  }
0x283: {  	v12 =	vor.u32 s29, v56  }
0x284: {  	v13 =	vor.u32 s29, v57;
	_ =	sdelay $0x1  }
0x285: {  	[tilespmem:v7+s17+$0x0] =	vst.idx.msk $0xffff, v9  }
0x286: {  	v7 =	vor.u32 s28, v58;
	[tilespmem:v11+s17+$0x0] =	vst.idx.msk $0xffff, v10  }
0x287: {  	v7 =	vand.u32 v8, v7;
	v9 =	vld.idx.msk [tilespmem:v12+s3+$0x0], $0xffff  }
0x288: {  	v11 =	vor.u32 s28, v59;
	v10 =	vld.idx.msk [tilespmem:v13+s3+$0x0], $0xffff  }
0x289: {  	v12 =	vor.u32 s29, v60  }
0x28a: {  	v13 =	vor.u32 s29, v61;
	_ =	sdelay $0x1  }
0x28b: {  	[tilespmem:v7+s17+$0x0] =	vst.idx.msk $0xffff, v9  }
0x28c: {  	v7 =	vor.u32 s28, v62;
	[tilespmem:v11+s17+$0x0] =	vst.idx.msk $0xffff, v10  }
0x28d: {  	v7 =	vand.u32 v4, v7;
	v9 =	vld.idx.msk [tilespmem:v12+s3+$0x0], $0xffff  }
0x28e: {  	v11 =	vor.u32 s28, v63;
	v10 =	vld.idx.msk [tilespmem:v13+s3+$0x0], $0xffff  }
0x28f: {  	v12 =	vor.u32 s29, v0  }
0x290: {  	v13 =	vor.u32 s29, v1;
	_ =	sdelay $0x1  }
0x291: {  	[tilespmem:v7+s17+$0x0] =	vst.idx.msk $0xffff, v9  }
0x292: {  	v7 =	vor.u32 s28, v2;
	[tilespmem:v11+s17+$0x0] =	vst.idx.msk $0xffff, v10  }
0x293: {  	v7 =	vand.u32 v5, v7;
	v9 =	vld.idx.msk [tilespmem:v12+s3+$0x0], $0xffff  }
0x294: {  	v11 =	vor.u32 s28, v3;
	v10 =	vld.idx.msk [tilespmem:v13+s3+$0x0], $0xffff  }
0x295: {  	v12 =	vor.u32 s29, v14  }
0x296: {  	v13 =	vor.u32 s29, v15;
	_ =	sdelay $0x1  }
0x297: {  	[tilespmem:v7+s17+$0x0] =	vst.idx.msk $0xffff, v9  }
0x298: {  	v7 =	vor.u32 s28, v16;
	[tilespmem:v11+s17+$0x0] =	vst.idx.msk $0xffff, v10  }
0x299: {  	v7 =	vand.u32 v6, v7;
	v9 =	vld.idx.msk [tilespmem:v12+s3+$0x0], $0xffff  }
0x29a: {  	v11 =	vor.u32 s28, v17;
	v10 =	vld.idx.msk [tilespmem:v13+s3+$0x0], $0xffff  }
0x29b: {  	v12 =	vor.u32 s29, v18  }
0x29c: {  	v13 =	vor.u32 s29, v19;
	_ =	sdelay $0x1  }
0x29d: {  	[tilespmem:v7+s17+$0x0] =	vst.idx.msk $0xffff, v9  }
0x29e: {  	v7 =	vor.u32 s28, v42;
	[tilespmem:v11+s17+$0x0] =	vst.idx.msk $0xffff, v10  }
0x29f: {  	v7 =	vand.u32 v8, v7;
	v9 =	vld.idx.msk [tilespmem:v12+s3+$0x0], $0xffff  }
0x2a0: {  	v11 =	vor.u32 s28, v46;
	v10 =	vld.idx.msk [tilespmem:v13+s3+$0x0], $0xffff;
	_ =	sdelay $0x1  }
0x2a1: {  	s25 =	sadd.s32 s9, s25  }
0x2a2: {  	p3 =	sgt.u32 s25, $0x1E83  }
0x2a3: {  	s26 =	sshll.u32 s26, $0x9;
	s25 =	sshll.u32 @!p3 s25, $0x7;
	[tilespmem:v7+s17+$0x0] =	vst.idx.msk $0xffff, v9  }
0x2a4: {  	s26 =	sadd.s32 s5, s26;
	s25 =	sadd.s32 @!p3 s0, s25;
	[tilespmem:v11+s17+$0x0] =	vst.idx.msk $0xffff, v10  }
0x2a5: {  	[hbm4b:s26+s3] =	stream.linear.scatter [tilespmem:s17], [sflag:$0x3], $0x1000, $0x38;
	[tilespmem:$0x4000] =	vst v63  }
0x2a6: {  	s29 =	simm.s32 @!p3 $0x0;
	s28 =	simm.s32 @!p3 $0x7A1400;
	s26 =	simm.s32 @!p3 $0x400  }
0x2a7: {  	[tilespmem:s29], [sflag:$0x1] =	stream.strided.gather @!p3 [hbm4b:s25+s26], $0x1000, s28, s26, $0x38;
	[tilespmem:$0x4000] =	vst v63  }
0x2a8: {  	s26 =	simm.s32 @!p2 $0x4  }
0x2a9: {  	s25 =	simm.s32 $0x0;
	_ =	swait.ge @!p2 [sflag:s26], $0x1000  }
0x2aa: {  	v7 =	vor.u32 s25, v24;
	[sflag:s26] =	ssyncset.done @!p2 $0x0  }
0x2ab: {  	v9 =	vor.u32 s25, v43;
	[sflag:s26] =	ssyncadd.s32 @!p2 $0xFFFFF000  }
0x2ac: {  	_ =	swait.ge [sflag:s18], $0x1000  }
0x2ad: {  	[sflag:s18] =	ssyncset.done $0x0  }
0x2ae: {  	v10 =	vor.u32 s25, v25;
	[sflag:s18] =	ssyncadd.s32 $0xFFFFF000  }
0x2af: {  	v10 =	vand.u32 v4, v10;
	v7 =	vld.idx.msk [tilespmem:v7+s15+$0x0], $0xffff  }
0x2b0: {  	v11 =	vor.u32 s25, v47;
	v9 =	vld.idx.msk [tilespmem:v9+s15+$0x0], $0xffff  }
0x2b1: {  	v12 =	vor.u32 s25, v26  }
0x2b2: {  	v13 =	vor.u32 s25, v27;
	_ =	sdelay $0x1  }
0x2b3: {  	[tilespmem:v10+s19+$0x0] =	vst.idx.msk $0xffff, v7  }
0x2b4: {  	v7 =	vor.u32 s25, v28;
	[tilespmem:v11+s19+$0x0] =	vst.idx.msk $0xffff, v9  }
0x2b5: {  	v7 =	vand.u32 v5, v7;
	v9 =	vld.idx.msk [tilespmem:v12+s15+$0x0], $0xffff  }
0x2b6: {  	v11 =	vor.u32 s25, v29;
	v10 =	vld.idx.msk [tilespmem:v13+s15+$0x0], $0xffff  }
0x2b7: {  	v12 =	vor.u32 s25, v30;
	_ =	sdelay $0x1  }
0x2b8: {  	v13 =	vor.u32 s25, v31  }
0x2b9: {  	[tilespmem:v7+s19+$0x0] =	vst.idx.msk $0xffff, v9  }
0x2ba: {  	v7 =	vor.u32 s25, v32;
	[tilespmem:v11+s19+$0x0] =	vst.idx.msk $0xffff, v10  }
0x2bb: {  	v7 =	vand.u32 v6, v7;
	v9 =	vld.idx.msk [tilespmem:v12+s15+$0x0], $0xffff;
	_ =	sdelay $0x1  }
0x2bc: {  	v11 =	vor.u32 s25, v33;
	v10 =	vld.idx.msk [tilespmem:v13+s15+$0x0], $0xffff;
	_ =	sdelay $0x2  }
0x2bd: {  	[tilespmem:v7+s19+$0x0] =	vst.idx.msk $0xffff, v9;
	v7 =	vld [tilespmem:$0x1FCE0]  }
0x2be: {  	v12 =	vor.u32 s25, v34  }
0x2bf: {  	v13 =	vor.u32 s25, v35;
	[tilespmem:v11+s19+$0x0] =	vst.idx.msk $0xffff, v10;
	v11 =	vld [tilespmem:$0x1FCF0];
	_ =	sdelay $0x2  }
0x2c0: {  	v7 =	vor.u32 s25, v7  }
0x2c1: {  	v9 =	vld.idx.msk [tilespmem:v12+s15+$0x0], $0xffff;
	v7 =	vand.u32 v8, v7  }
0x2c2: {  	v10 =	vld.idx.msk [tilespmem:v13+s15+$0x0], $0xffff;
	v11 =	vor.u32 s25, v11  }
0x2c3: {  	v12 =	vor.u32 s25, v36;
	_ =	sdelay $0x2  }
0x2c4: {  	[tilespmem:v7+s19+$0x0] =	vst.idx.msk $0xffff, v9  }
0x2c5: {  	v13 =	vor.u32 s25, v37;
	v7 =	vor.u32 s25, v20;
	[tilespmem:v11+s19+$0x0] =	vst.idx.msk $0xffff, v10  }
0x2c6: {  	v7 =	vand.u32 v4, v7;
	v9 =	vld.idx.msk [tilespmem:v12+s15+$0x0], $0xffff;
	_ =	sdelay $0x3  }
0x2c7: {  	v11 =	vor.u32 s25, v21;
	v10 =	vld.idx.msk [tilespmem:v13+s15+$0x0], $0xffff  }
0x2c8: {  	[tilespmem:v7+s19+$0x0] =	vst.idx.msk $0xffff, v9;
	v7 =	vld [tilespmem:$0x1FCA0]  }
0x2c9: {  	v12 =	vor.u32 s25, v38;
	_ =	sdelay $0x2  }
0x2ca: {  	v13 =	vor.u32 s25, v39;
	[tilespmem:v11+s19+$0x0] =	vst.idx.msk $0xffff, v10;
	v11 =	vld [tilespmem:$0x1FCB0]  }
0x2cb: {  	v7 =	vor.u32 s25, v7  }
0x2cc: {  	v9 =	vld.idx.msk [tilespmem:v12+s15+$0x0], $0xffff;
	v7 =	vand.u32 v5, v7;
	_ =	sdelay $0x2  }
0x2cd: {  	v10 =	vld.idx.msk [tilespmem:v13+s15+$0x0], $0xffff;
	v11 =	vor.u32 s25, v11;
	_ =	sdelay $0x1  }
0x2ce: {  	[tilespmem:v7+s19+$0x0] =	vst.idx.msk $0xffff, v9;
	v7 =	vld [tilespmem:$0x1FD90]  }
0x2cf: {  	v12 =	vor.u32 s25, v40;
	_ =	sdelay $0x1  }
0x2d0: {  	v13 =	vor.u32 s25, v41;
	[tilespmem:v11+s19+$0x0] =	vst.idx.msk $0xffff, v10;
	v11 =	vld [tilespmem:$0x1FDB0];
	_ =	sdelay $0x1  }
0x2d1: {  	v7 =	vor.u32 s25, v7  }
0x2d2: {  	v9 =	vld.idx.msk [tilespmem:v12+s15+$0x0], $0xffff;
	v7 =	vand.u32 v6, v7;
	_ =	sdelay $0x1  }
0x2d3: {  	v10 =	vld.idx.msk [tilespmem:v13+s15+$0x0], $0xffff;
	v11 =	vor.u32 s25, v11;
	_ =	sdelay $0x2  }
0x2d4: {  	[tilespmem:v7+s19+$0x0] =	vst.idx.msk $0xffff, v9;
	v7 =	vld [tilespmem:$0x1FDC0]  }
0x2d5: {  	v12 =	vor.u32 s25, v44  }
0x2d6: {  	v13 =	vor.u32 s25, v45;
	[tilespmem:v11+s19+$0x0] =	vst.idx.msk $0xffff, v10;
	v11 =	vld [tilespmem:$0x1FDD0];
	_ =	sdelay $0x2  }
0x2d7: {  	v7 =	vor.u32 s25, v7  }
0x2d8: {  	v9 =	vld.idx.msk [tilespmem:v12+s15+$0x0], $0xffff;
	v7 =	vand.u32 v8, v7  }
0x2d9: {  	v10 =	vld.idx.msk [tilespmem:v13+s15+$0x0], $0xffff;
	v11 =	vor.u32 s25, v11  }
0x2da: {  	v12 =	vor.u32 s25, v48;
	_ =	sdelay $0x1  }
0x2db: {  	v13 =	vor.u32 s25, v49  }
0x2dc: {  	[tilespmem:v7+s19+$0x0] =	vst.idx.msk $0xffff, v9  }
0x2dd: {  	v7 =	vor.u32 s25, v22;
	[tilespmem:v11+s19+$0x0] =	vst.idx.msk $0xffff, v10  }
0x2de: {  	v7 =	vand.u32 v4, v7;
	v9 =	vld.idx.msk [tilespmem:v12+s15+$0x0], $0xffff;
	_ =	sdelay $0x1  }
0x2df: {  	v11 =	vor.u32 s25, v23;
	v10 =	vld.idx.msk [tilespmem:v13+s15+$0x0], $0xffff;
	_ =	sdelay $0x2  }
0x2e0: {  	[tilespmem:v7+s19+$0x0] =	vst.idx.msk $0xffff, v9;
	v7 =	vld [tilespmem:$0x1FCC0]  }
0x2e1: {  	v12 =	vor.u32 s25, v50  }
0x2e2: {  	v13 =	vor.u32 s25, v51;
	[tilespmem:v11+s19+$0x0] =	vst.idx.msk $0xffff, v10;
	v11 =	vld [tilespmem:$0x1FCD0];
	_ =	sdelay $0x2  }
0x2e3: {  	v7 =	vor.u32 s25, v7  }
0x2e4: {  	v9 =	vld.idx.msk [tilespmem:v12+s15+$0x0], $0xffff;
	v7 =	vand.u32 v5, v7  }
0x2e5: {  	v10 =	vld.idx.msk [tilespmem:v13+s15+$0x0], $0xffff;
	v11 =	vor.u32 s25, v11  }
0x2e6: {  	v12 =	vor.u32 s25, v52  }
0x2e7: {  	v13 =	vor.u32 s25, v53;
	_ =	sdelay $0x1  }
0x2e8: {  	[tilespmem:v7+s19+$0x0] =	vst.idx.msk $0xffff, v9  }
0x2e9: {  	v7 =	vor.u32 s25, v54;
	[tilespmem:v11+s19+$0x0] =	vst.idx.msk $0xffff, v10  }
0x2ea: {  	v7 =	vand.u32 v6, v7;
	v9 =	vld.idx.msk [tilespmem:v12+s15+$0x0], $0xffff  }
0x2eb: {  	v11 =	vor.u32 s25, v55;
	v10 =	vld.idx.msk [tilespmem:v13+s15+$0x0], $0xffff  }
0x2ec: {  	v12 =	vor.u32 s25, v56  }
0x2ed: {  	v13 =	vor.u32 s25, v57;
	_ =	sdelay $0x1  }
0x2ee: {  	[tilespmem:v7+s19+$0x0] =	vst.idx.msk $0xffff, v9  }
0x2ef: {  	v7 =	vor.u32 s25, v58;
	[tilespmem:v11+s19+$0x0] =	vst.idx.msk $0xffff, v10  }
0x2f0: {  	v7 =	vand.u32 v8, v7;
	v9 =	vld.idx.msk [tilespmem:v12+s15+$0x0], $0xffff  }
0x2f1: {  	v11 =	vor.u32 s25, v59;
	v10 =	vld.idx.msk [tilespmem:v13+s15+$0x0], $0xffff  }
0x2f2: {  	v12 =	vor.u32 s25, v60  }
0x2f3: {  	v13 =	vor.u32 s25, v61;
	_ =	sdelay $0x1  }
0x2f4: {  	[tilespmem:v7+s19+$0x0] =	vst.idx.msk $0xffff, v9  }
0x2f5: {  	v7 =	vor.u32 s25, v62;
	[tilespmem:v11+s19+$0x0] =	vst.idx.msk $0xffff, v10  }
0x2f6: {  	v7 =	vand.u32 v4, v7;
	v9 =	vld.idx.msk [tilespmem:v12+s15+$0x0], $0xffff  }
0x2f7: {  	v11 =	vor.u32 s25, v63;
	v10 =	vld.idx.msk [tilespmem:v13+s15+$0x0], $0xffff  }
0x2f8: {  	v12 =	vor.u32 s25, v0  }
0x2f9: {  	v13 =	vor.u32 s25, v1;
	_ =	sdelay $0x1  }
0x2fa: {  	[tilespmem:v7+s19+$0x0] =	vst.idx.msk $0xffff, v9  }
0x2fb: {  	v7 =	vor.u32 s25, v2;
	[tilespmem:v11+s19+$0x0] =	vst.idx.msk $0xffff, v10  }
0x2fc: {  	v7 =	vand.u32 v5, v7;
	v9 =	vld.idx.msk [tilespmem:v12+s15+$0x0], $0xffff  }
0x2fd: {  	v11 =	vor.u32 s25, v3;
	v10 =	vld.idx.msk [tilespmem:v13+s15+$0x0], $0xffff  }
0x2fe: {  	v12 =	vor.u32 s25, v14  }
0x2ff: {  	v13 =	vor.u32 s25, v15;
	_ =	sdelay $0x1  }
0x300: {  	[tilespmem:v7+s19+$0x0] =	vst.idx.msk $0xffff, v9  }
0x301: {  	v7 =	vor.u32 s25, v16;
	[tilespmem:v11+s19+$0x0] =	vst.idx.msk $0xffff, v10  }
0x302: {  	v7 =	vand.u32 v6, v7;
	v9 =	vld.idx.msk [tilespmem:v12+s15+$0x0], $0xffff  }
0x303: {  	v11 =	vor.u32 s25, v17;
	v10 =	vld.idx.msk [tilespmem:v13+s15+$0x0], $0xffff  }
0x304: {  	v12 =	vor.u32 s25, v18;
	_ =	sdelay $0x2  }
0x305: {  	[tilespmem:v7+s19+$0x0] =	vst.idx.msk $0xffff, v9  }
0x306: {  	v9 =	vor.u32 s25, v42;
	[tilespmem:v11+s19+$0x0] =	vst.idx.msk $0xffff, v10  }
0x307: {  	v7 =	vor.u32 s25, v19;
	v9 =	vand.u32 v8, v9;
	v10 =	vld.idx.msk [tilespmem:v12+s15+$0x0], $0xffff;
	_ =	sdelay $0x3  }
0x308: {  	s26 =	simm.s32 $0x10  }
0x309: {  	s28 =	simm.s32 $0x20;
	v11 =	vor.u32 s25, v46;
	v7 =	vld.idx.msk [tilespmem:v7+s15+$0x0], $0xffff;
	[tilespmem:v9+s19+$0x0] =	vst.idx.msk $0xffff, v10;
	v10 =	vor.u32 s26, v24;
	v9 =	vor.u32 s26, v43  }
.LBB2_5:
0x30a: {  	_ =	sdelay $0x3  }
0x30b: {  	[tilespmem:v11+s19+$0x0] =	vst.idx.msk $0xffff, v7;
	s25 =	sadd.s32 $0x200, s25  }
0x30c: {  	v7 =	vld.idx.msk [tilespmem:v10+s15+$0x0], $0xffff;
	v10 =	vor.u32 s25, v25  }
0x30d: {  	v10 =	vand.u32 v4, v10  }
0x30e: {  	v9 =	vld.idx.msk [tilespmem:v9+s15+$0x0], $0xffff;
	v11 =	vor.u32 s25, v47  }
0x30f: {  	v12 =	vor.u32 s26, v26  }
0x310: {  	v13 =	vor.u32 s26, v27;
	_ =	sdelay $0x1  }
0x311: {  	[tilespmem:v10+s19+$0x0] =	vst.idx.msk $0xffff, v7  }
0x312: {  	[tilespmem:v11+s19+$0x0] =	vst.idx.msk $0xffff, v9;
	v9 =	vor.u32 s25, v28  }
0x313: {  	v7 =	vld.idx.msk [tilespmem:v12+s15+$0x0], $0xffff;
	v9 =	vand.u32 v5, v9  }
0x314: {  	v11 =	vor.u32 s25, v29;
	v10 =	vld.idx.msk [tilespmem:v13+s15+$0x0], $0xffff  }
0x315: {  	v12 =	vor.u32 s26, v30;
	_ =	sdelay $0x1  }
0x316: {  	v13 =	vor.u32 s26, v31  }
0x317: {  	[tilespmem:v9+s19+$0x0] =	vst.idx.msk $0xffff, v7  }
0x318: {  	v9 =	vor.u32 s25, v32;
	[tilespmem:v11+s19+$0x0] =	vst.idx.msk $0xffff, v10  }
0x319: {  	v9 =	vand.u32 v6, v9;
	v7 =	vld.idx.msk [tilespmem:v12+s15+$0x0], $0xffff;
	_ =	sdelay $0x1  }
0x31a: {  	v11 =	vor.u32 s25, v33;
	v10 =	vld.idx.msk [tilespmem:v13+s15+$0x0], $0xffff;
	_ =	sdelay $0x2  }
0x31b: {  	[tilespmem:v9+s19+$0x0] =	vst.idx.msk $0xffff, v7;
	v9 =	vld [tilespmem:$0x1FCE0]  }
0x31c: {  	v12 =	vor.u32 s26, v34  }
0x31d: {  	v13 =	vor.u32 s26, v35;
	[tilespmem:v11+s19+$0x0] =	vst.idx.msk $0xffff, v10;
	v11 =	vld [tilespmem:$0x1FCF0];
	_ =	sdelay $0x2  }
0x31e: {  	v9 =	vor.u32 s25, v9  }
0x31f: {  	v7 =	vld.idx.msk [tilespmem:v12+s15+$0x0], $0xffff;
	v9 =	vand.u32 v8, v9  }
0x320: {  	v10 =	vld.idx.msk [tilespmem:v13+s15+$0x0], $0xffff;
	v11 =	vor.u32 s25, v11  }
0x321: {  	v12 =	vor.u32 s26, v36;
	_ =	sdelay $0x2  }
0x322: {  	[tilespmem:v9+s19+$0x0] =	vst.idx.msk $0xffff, v7  }
0x323: {  	v13 =	vor.u32 s26, v37;
	v9 =	vor.u32 s25, v20;
	[tilespmem:v11+s19+$0x0] =	vst.idx.msk $0xffff, v10  }
0x324: {  	v9 =	vand.u32 v4, v9;
	v7 =	vld.idx.msk [tilespmem:v12+s15+$0x0], $0xffff;
	_ =	sdelay $0x3  }
0x325: {  	v11 =	vor.u32 s25, v21;
	v10 =	vld.idx.msk [tilespmem:v13+s15+$0x0], $0xffff  }
0x326: {  	[tilespmem:v9+s19+$0x0] =	vst.idx.msk $0xffff, v7;
	v9 =	vld [tilespmem:$0x1FCA0]  }
0x327: {  	v12 =	vor.u32 s26, v38;
	_ =	sdelay $0x2  }
0x328: {  	v13 =	vor.u32 s26, v39;
	[tilespmem:v11+s19+$0x0] =	vst.idx.msk $0xffff, v10;
	v11 =	vld [tilespmem:$0x1FCB0]  }
0x329: {  	v9 =	vor.u32 s25, v9  }
0x32a: {  	v7 =	vld.idx.msk [tilespmem:v12+s15+$0x0], $0xffff;
	v9 =	vand.u32 v5, v9;
	_ =	sdelay $0x2  }
0x32b: {  	v10 =	vld.idx.msk [tilespmem:v13+s15+$0x0], $0xffff;
	v11 =	vor.u32 s25, v11;
	_ =	sdelay $0x1  }
0x32c: {  	[tilespmem:v9+s19+$0x0] =	vst.idx.msk $0xffff, v7;
	v9 =	vld [tilespmem:$0x1FD90]  }
0x32d: {  	v12 =	vor.u32 s26, v40;
	_ =	sdelay $0x1  }
0x32e: {  	v13 =	vor.u32 s26, v41;
	[tilespmem:v11+s19+$0x0] =	vst.idx.msk $0xffff, v10;
	v11 =	vld [tilespmem:$0x1FDB0];
	_ =	sdelay $0x1  }
0x32f: {  	v9 =	vor.u32 s25, v9  }
0x330: {  	v7 =	vld.idx.msk [tilespmem:v12+s15+$0x0], $0xffff;
	v9 =	vand.u32 v6, v9;
	_ =	sdelay $0x1  }
0x331: {  	v10 =	vld.idx.msk [tilespmem:v13+s15+$0x0], $0xffff;
	v11 =	vor.u32 s25, v11;
	_ =	sdelay $0x2  }
0x332: {  	[tilespmem:v9+s19+$0x0] =	vst.idx.msk $0xffff, v7;
	v9 =	vld [tilespmem:$0x1FDC0]  }
0x333: {  	v12 =	vor.u32 s26, v44  }
0x334: {  	v13 =	vor.u32 s26, v45;
	[tilespmem:v11+s19+$0x0] =	vst.idx.msk $0xffff, v10;
	v11 =	vld [tilespmem:$0x1FDD0];
	_ =	sdelay $0x2  }
0x335: {  	v9 =	vor.u32 s25, v9  }
0x336: {  	v7 =	vld.idx.msk [tilespmem:v12+s15+$0x0], $0xffff;
	v9 =	vand.u32 v8, v9  }
0x337: {  	v10 =	vld.idx.msk [tilespmem:v13+s15+$0x0], $0xffff;
	v11 =	vor.u32 s25, v11  }
0x338: {  	v12 =	vor.u32 s26, v48;
	_ =	sdelay $0x1  }
0x339: {  	v13 =	vor.u32 s26, v49  }
0x33a: {  	[tilespmem:v9+s19+$0x0] =	vst.idx.msk $0xffff, v7  }
0x33b: {  	v9 =	vor.u32 s25, v22;
	[tilespmem:v11+s19+$0x0] =	vst.idx.msk $0xffff, v10  }
0x33c: {  	v9 =	vand.u32 v4, v9;
	v7 =	vld.idx.msk [tilespmem:v12+s15+$0x0], $0xffff;
	_ =	sdelay $0x1  }
0x33d: {  	v11 =	vor.u32 s25, v23;
	v10 =	vld.idx.msk [tilespmem:v13+s15+$0x0], $0xffff;
	_ =	sdelay $0x2  }
0x33e: {  	[tilespmem:v9+s19+$0x0] =	vst.idx.msk $0xffff, v7;
	v9 =	vld [tilespmem:$0x1FCC0]  }
0x33f: {  	v12 =	vor.u32 s26, v50  }
0x340: {  	v13 =	vor.u32 s26, v51;
	[tilespmem:v11+s19+$0x0] =	vst.idx.msk $0xffff, v10;
	v11 =	vld [tilespmem:$0x1FCD0];
	_ =	sdelay $0x2  }
0x341: {  	v9 =	vor.u32 s25, v9  }
0x342: {  	v7 =	vld.idx.msk [tilespmem:v12+s15+$0x0], $0xffff;
	v9 =	vand.u32 v5, v9  }
0x343: {  	v10 =	vld.idx.msk [tilespmem:v13+s15+$0x0], $0xffff;
	v11 =	vor.u32 s25, v11  }
0x344: {  	v12 =	vor.u32 s26, v52  }
0x345: {  	v13 =	vor.u32 s26, v53;
	_ =	sdelay $0x1  }
0x346: {  	[tilespmem:v9+s19+$0x0] =	vst.idx.msk $0xffff, v7  }
0x347: {  	v9 =	vor.u32 s25, v54;
	[tilespmem:v11+s19+$0x0] =	vst.idx.msk $0xffff, v10  }
0x348: {  	v9 =	vand.u32 v6, v9;
	v7 =	vld.idx.msk [tilespmem:v12+s15+$0x0], $0xffff  }
0x349: {  	v11 =	vor.u32 s25, v55;
	v10 =	vld.idx.msk [tilespmem:v13+s15+$0x0], $0xffff  }
0x34a: {  	v12 =	vor.u32 s26, v56  }
0x34b: {  	v13 =	vor.u32 s26, v57;
	_ =	sdelay $0x1  }
0x34c: {  	[tilespmem:v9+s19+$0x0] =	vst.idx.msk $0xffff, v7  }
0x34d: {  	v9 =	vor.u32 s25, v58;
	[tilespmem:v11+s19+$0x0] =	vst.idx.msk $0xffff, v10  }
0x34e: {  	v9 =	vand.u32 v8, v9;
	v7 =	vld.idx.msk [tilespmem:v12+s15+$0x0], $0xffff  }
0x34f: {  	v11 =	vor.u32 s25, v59;
	v10 =	vld.idx.msk [tilespmem:v13+s15+$0x0], $0xffff  }
0x350: {  	v12 =	vor.u32 s26, v60  }
0x351: {  	v13 =	vor.u32 s26, v61;
	_ =	sdelay $0x1  }
0x352: {  	[tilespmem:v9+s19+$0x0] =	vst.idx.msk $0xffff, v7  }
0x353: {  	v9 =	vor.u32 s25, v62;
	[tilespmem:v11+s19+$0x0] =	vst.idx.msk $0xffff, v10  }
0x354: {  	v9 =	vand.u32 v4, v9;
	v7 =	vld.idx.msk [tilespmem:v12+s15+$0x0], $0xffff  }
0x355: {  	v11 =	vor.u32 s25, v63;
	v10 =	vld.idx.msk [tilespmem:v13+s15+$0x0], $0xffff  }
0x356: {  	v12 =	vor.u32 s26, v0  }
0x357: {  	v13 =	vor.u32 s26, v1;
	_ =	sdelay $0x1  }
0x358: {  	[tilespmem:v9+s19+$0x0] =	vst.idx.msk $0xffff, v7  }
0x359: {  	v9 =	vor.u32 s25, v2;
	[tilespmem:v11+s19+$0x0] =	vst.idx.msk $0xffff, v10  }
0x35a: {  	v9 =	vand.u32 v5, v9;
	v7 =	vld.idx.msk [tilespmem:v12+s15+$0x0], $0xffff  }
0x35b: {  	v11 =	vor.u32 s25, v3;
	v10 =	vld.idx.msk [tilespmem:v13+s15+$0x0], $0xffff  }
0x35c: {  	v12 =	vor.u32 s26, v14  }
0x35d: {  	v13 =	vor.u32 s26, v15;
	_ =	sdelay $0x1  }
0x35e: {  	[tilespmem:v9+s19+$0x0] =	vst.idx.msk $0xffff, v7  }
0x35f: {  	v9 =	vor.u32 s25, v16;
	[tilespmem:v11+s19+$0x0] =	vst.idx.msk $0xffff, v10  }
0x360: {  	v9 =	vand.u32 v6, v9;
	v7 =	vld.idx.msk [tilespmem:v12+s15+$0x0], $0xffff  }
0x361: {  	v11 =	vor.u32 s25, v17;
	v10 =	vld.idx.msk [tilespmem:v13+s15+$0x0], $0xffff  }
0x362: {  	v12 =	vor.u32 s26, v18  }
0x363: {  	v13 =	vor.u32 s26, v19;
	_ =	sdelay $0x1  }
0x364: {  	[tilespmem:v9+s19+$0x0] =	vst.idx.msk $0xffff, v7  }
0x365: {  	[tilespmem:v11+s19+$0x0] =	vst.idx.msk $0xffff, v10  }
0x366: {  	v9 =	vor.u32 s25, v42;
	v12 =	vld.idx.msk [tilespmem:v12+s15+$0x0], $0xffff  }
0x367: {  	p2 =	sne.s32 s28, $0x70;
	v7 =	vld.idx.msk [tilespmem:v13+s15+$0x0], $0xffff;
	v13 =	vand.u32 v8, v9  }
.Ltmp3:
0x368: {  	_ = 	snop;
	(pc) =	sbr.rel @p2 .LBB2_5-.Ltmp3, $4  }
0x369: {  	_ = 	snop  }
0x36a: {  	s29 =	smov.u32 s28  }
0x36b: {  	s26 =	smov.u32 s29  }
0x36c: {  	s28 =	sadd.s32 $0x10, s28;
	v11 =	vor.u32 s25, v46;
	v10 =	vor.u32 s26, v24;
	v9 =	vor.u32 s26, v43;
	[tilespmem:v13+s19+$0x0] =	vst.idx.msk $0xffff, v12  }
0x36d: {  	_ =	sdelay $0x2  }
0x36e: {  	s25 =	sadd.s32 $0x200, s25  }
0x36f: {  	[tilespmem:v11+s19+$0x0] =	vst.idx.msk $0xffff, v7;
	v7 =	vor.u32 s25, v25  }
0x370: {  	v10 =	vld.idx.msk [tilespmem:v10+s15+$0x0], $0xffff;
	v7 =	vand.u32 v4, v7  }
0x371: {  	v9 =	vld.idx.msk [tilespmem:v9+s15+$0x0], $0xffff;
	v11 =	vor.u32 s25, v47  }
0x372: {  	v12 =	vor.u32 s26, v26  }
0x373: {  	v13 =	vor.u32 s26, v27;
	_ =	sdelay $0x1  }
0x374: {  	[tilespmem:v7+s19+$0x0] =	vst.idx.msk $0xffff, v10  }
0x375: {  	v7 =	vor.u32 s25, v28;
	[tilespmem:v11+s19+$0x0] =	vst.idx.msk $0xffff, v9  }
0x376: {  	v7 =	vand.u32 v5, v7;
	v9 =	vld.idx.msk [tilespmem:v12+s15+$0x0], $0xffff  }
0x377: {  	v11 =	vor.u32 s25, v29;
	v10 =	vld.idx.msk [tilespmem:v13+s15+$0x0], $0xffff  }
0x378: {  	v12 =	vor.u32 s26, v30;
	_ =	sdelay $0x1  }
0x379: {  	v13 =	vor.u32 s26, v31  }
0x37a: {  	[tilespmem:v7+s19+$0x0] =	vst.idx.msk $0xffff, v9  }
0x37b: {  	v7 =	vor.u32 s25, v32;
	[tilespmem:v11+s19+$0x0] =	vst.idx.msk $0xffff, v10  }
0x37c: {  	v7 =	vand.u32 v6, v7;
	v9 =	vld.idx.msk [tilespmem:v12+s15+$0x0], $0xffff;
	_ =	sdelay $0x1  }
0x37d: {  	v11 =	vor.u32 s25, v33;
	v10 =	vld.idx.msk [tilespmem:v13+s15+$0x0], $0xffff;
	_ =	sdelay $0x2  }
0x37e: {  	[tilespmem:v7+s19+$0x0] =	vst.idx.msk $0xffff, v9;
	v7 =	vld [tilespmem:$0x1FCE0]  }
0x37f: {  	v12 =	vor.u32 s26, v34  }
0x380: {  	v13 =	vor.u32 s26, v35;
	[tilespmem:v11+s19+$0x0] =	vst.idx.msk $0xffff, v10;
	v11 =	vld [tilespmem:$0x1FCF0];
	_ =	sdelay $0x2  }
0x381: {  	v7 =	vor.u32 s25, v7  }
0x382: {  	v9 =	vld.idx.msk [tilespmem:v12+s15+$0x0], $0xffff;
	v7 =	vand.u32 v8, v7  }
0x383: {  	v10 =	vld.idx.msk [tilespmem:v13+s15+$0x0], $0xffff;
	v11 =	vor.u32 s25, v11  }
0x384: {  	v12 =	vor.u32 s26, v36;
	_ =	sdelay $0x2  }
0x385: {  	[tilespmem:v7+s19+$0x0] =	vst.idx.msk $0xffff, v9  }
0x386: {  	v13 =	vor.u32 s26, v37;
	v7 =	vor.u32 s25, v20;
	[tilespmem:v11+s19+$0x0] =	vst.idx.msk $0xffff, v10  }
0x387: {  	v7 =	vand.u32 v4, v7;
	v9 =	vld.idx.msk [tilespmem:v12+s15+$0x0], $0xffff;
	_ =	sdelay $0x3  }
0x388: {  	v11 =	vor.u32 s25, v21;
	v10 =	vld.idx.msk [tilespmem:v13+s15+$0x0], $0xffff  }
0x389: {  	[tilespmem:v7+s19+$0x0] =	vst.idx.msk $0xffff, v9;
	v7 =	vld [tilespmem:$0x1FCA0]  }
0x38a: {  	v12 =	vor.u32 s26, v38;
	_ =	sdelay $0x2  }
0x38b: {  	v13 =	vor.u32 s26, v39;
	[tilespmem:v11+s19+$0x0] =	vst.idx.msk $0xffff, v10;
	v11 =	vld [tilespmem:$0x1FCB0]  }
0x38c: {  	v7 =	vor.u32 s25, v7  }
0x38d: {  	v9 =	vld.idx.msk [tilespmem:v12+s15+$0x0], $0xffff;
	v7 =	vand.u32 v5, v7;
	_ =	sdelay $0x2  }
0x38e: {  	v10 =	vld.idx.msk [tilespmem:v13+s15+$0x0], $0xffff;
	v11 =	vor.u32 s25, v11;
	_ =	sdelay $0x1  }
0x38f: {  	[tilespmem:v7+s19+$0x0] =	vst.idx.msk $0xffff, v9;
	v7 =	vld [tilespmem:$0x1FD90]  }
0x390: {  	v12 =	vor.u32 s26, v40;
	_ =	sdelay $0x1  }
0x391: {  	v13 =	vor.u32 s26, v41;
	[tilespmem:v11+s19+$0x0] =	vst.idx.msk $0xffff, v10;
	v11 =	vld [tilespmem:$0x1FDB0];
	_ =	sdelay $0x1  }
0x392: {  	v7 =	vor.u32 s25, v7  }
0x393: {  	v9 =	vld.idx.msk [tilespmem:v12+s15+$0x0], $0xffff;
	v7 =	vand.u32 v6, v7;
	_ =	sdelay $0x1  }
0x394: {  	v10 =	vld.idx.msk [tilespmem:v13+s15+$0x0], $0xffff;
	v11 =	vor.u32 s25, v11;
	_ =	sdelay $0x2  }
0x395: {  	[tilespmem:v7+s19+$0x0] =	vst.idx.msk $0xffff, v9;
	v7 =	vld [tilespmem:$0x1FDC0]  }
0x396: {  	v12 =	vor.u32 s26, v44  }
0x397: {  	v13 =	vor.u32 s26, v45;
	[tilespmem:v11+s19+$0x0] =	vst.idx.msk $0xffff, v10;
	v11 =	vld [tilespmem:$0x1FDD0];
	_ =	sdelay $0x2  }
0x398: {  	v7 =	vor.u32 s25, v7  }
0x399: {  	v9 =	vld.idx.msk [tilespmem:v12+s15+$0x0], $0xffff;
	v7 =	vand.u32 v8, v7  }
0x39a: {  	v10 =	vld.idx.msk [tilespmem:v13+s15+$0x0], $0xffff;
	v11 =	vor.u32 s25, v11  }
0x39b: {  	v12 =	vor.u32 s26, v48;
	_ =	sdelay $0x1  }
0x39c: {  	v13 =	vor.u32 s26, v49  }
0x39d: {  	[tilespmem:v7+s19+$0x0] =	vst.idx.msk $0xffff, v9  }
0x39e: {  	v7 =	vor.u32 s25, v22;
	[tilespmem:v11+s19+$0x0] =	vst.idx.msk $0xffff, v10  }
0x39f: {  	v7 =	vand.u32 v4, v7;
	v9 =	vld.idx.msk [tilespmem:v12+s15+$0x0], $0xffff;
	_ =	sdelay $0x1  }
0x3a0: {  	v11 =	vor.u32 s25, v23;
	v10 =	vld.idx.msk [tilespmem:v13+s15+$0x0], $0xffff;
	_ =	sdelay $0x2  }
0x3a1: {  	[tilespmem:v7+s19+$0x0] =	vst.idx.msk $0xffff, v9;
	v7 =	vld [tilespmem:$0x1FCC0]  }
0x3a2: {  	v12 =	vor.u32 s26, v50  }
0x3a3: {  	v13 =	vor.u32 s26, v51;
	[tilespmem:v11+s19+$0x0] =	vst.idx.msk $0xffff, v10;
	v11 =	vld [tilespmem:$0x1FCD0];
	_ =	sdelay $0x2  }
0x3a4: {  	v7 =	vor.u32 s25, v7  }
0x3a5: {  	v9 =	vld.idx.msk [tilespmem:v12+s15+$0x0], $0xffff;
	v7 =	vand.u32 v5, v7  }
0x3a6: {  	v10 =	vld.idx.msk [tilespmem:v13+s15+$0x0], $0xffff;
	v11 =	vor.u32 s25, v11  }
0x3a7: {  	v12 =	vor.u32 s26, v52  }
0x3a8: {  	v13 =	vor.u32 s26, v53;
	_ =	sdelay $0x1  }
0x3a9: {  	[tilespmem:v7+s19+$0x0] =	vst.idx.msk $0xffff, v9  }
0x3aa: {  	v7 =	vor.u32 s25, v54;
	[tilespmem:v11+s19+$0x0] =	vst.idx.msk $0xffff, v10  }
0x3ab: {  	v7 =	vand.u32 v6, v7;
	v9 =	vld.idx.msk [tilespmem:v12+s15+$0x0], $0xffff  }
0x3ac: {  	v11 =	vor.u32 s25, v55;
	v10 =	vld.idx.msk [tilespmem:v13+s15+$0x0], $0xffff  }
0x3ad: {  	v12 =	vor.u32 s26, v56  }
0x3ae: {  	v13 =	vor.u32 s26, v57;
	_ =	sdelay $0x1  }
0x3af: {  	[tilespmem:v7+s19+$0x0] =	vst.idx.msk $0xffff, v9  }
0x3b0: {  	v7 =	vor.u32 s25, v58;
	[tilespmem:v11+s19+$0x0] =	vst.idx.msk $0xffff, v10  }
0x3b1: {  	v7 =	vand.u32 v8, v7;
	v9 =	vld.idx.msk [tilespmem:v12+s15+$0x0], $0xffff  }
0x3b2: {  	v11 =	vor.u32 s25, v59;
	v10 =	vld.idx.msk [tilespmem:v13+s15+$0x0], $0xffff  }
0x3b3: {  	v12 =	vor.u32 s26, v60  }
0x3b4: {  	v13 =	vor.u32 s26, v61;
	_ =	sdelay $0x1  }
0x3b5: {  	[tilespmem:v7+s19+$0x0] =	vst.idx.msk $0xffff, v9  }
0x3b6: {  	v7 =	vor.u32 s25, v62;
	[tilespmem:v11+s19+$0x0] =	vst.idx.msk $0xffff, v10  }
0x3b7: {  	v7 =	vand.u32 v4, v7;
	v9 =	vld.idx.msk [tilespmem:v12+s15+$0x0], $0xffff  }
0x3b8: {  	v11 =	vor.u32 s25, v63;
	v10 =	vld.idx.msk [tilespmem:v13+s15+$0x0], $0xffff  }
0x3b9: {  	v12 =	vor.u32 s26, v0  }
0x3ba: {  	v13 =	vor.u32 s26, v1;
	_ =	sdelay $0x1  }
0x3bb: {  	[tilespmem:v7+s19+$0x0] =	vst.idx.msk $0xffff, v9  }
0x3bc: {  	v7 =	vor.u32 s25, v2;
	[tilespmem:v11+s19+$0x0] =	vst.idx.msk $0xffff, v10  }
0x3bd: {  	v7 =	vand.u32 v5, v7;
	v9 =	vld.idx.msk [tilespmem:v12+s15+$0x0], $0xffff  }
0x3be: {  	v11 =	vor.u32 s25, v3;
	v10 =	vld.idx.msk [tilespmem:v13+s15+$0x0], $0xffff  }
0x3bf: {  	v12 =	vor.u32 s26, v14  }
0x3c0: {  	v13 =	vor.u32 s26, v15;
	_ =	sdelay $0x1  }
0x3c1: {  	[tilespmem:v7+s19+$0x0] =	vst.idx.msk $0xffff, v9  }
0x3c2: {  	v7 =	vor.u32 s25, v16;
	[tilespmem:v11+s19+$0x0] =	vst.idx.msk $0xffff, v10  }
0x3c3: {  	v7 =	vand.u32 v6, v7;
	v9 =	vld.idx.msk [tilespmem:v12+s15+$0x0], $0xffff  }
0x3c4: {  	v11 =	vor.u32 s25, v17;
	v10 =	vld.idx.msk [tilespmem:v13+s15+$0x0], $0xffff  }
0x3c5: {  	v12 =	vor.u32 s26, v18  }
0x3c6: {  	v13 =	vor.u32 s26, v19;
	_ =	sdelay $0x1  }
0x3c7: {  	[tilespmem:v7+s19+$0x0] =	vst.idx.msk $0xffff, v9  }
0x3c8: {  	v7 =	vor.u32 s25, v42;
	[tilespmem:v11+s19+$0x0] =	vst.idx.msk $0xffff, v10  }
0x3c9: {  	v7 =	vand.u32 v8, v7;
	v9 =	vld.idx.msk [tilespmem:v12+s15+$0x0], $0xffff  }
0x3ca: {  	s23 =	sadd.s32 $0x1, s23;
	v11 =	vor.u32 s25, v46;
	v10 =	vld.idx.msk [tilespmem:v13+s15+$0x0], $0xffff  }
0x3cb: {  	p2 =	sne.s32 s23, $0x7A  }
.Ltmp4:
0x3cc: {  	_ = 	snop;
	(pc) =	sbr.rel @p2 .LBB2_2-.Ltmp4, $4  }
0x3cd: {  	_ = 	snop  }
0x3ce: {  	s24 =	sshll.u32 s24, $0x9;
	[tilespmem:v7+s19+$0x0] =	vst.idx.msk $0xffff, v9  }
0x3cf: {  	s24 =	sadd.s32 s5, s24;
	v12 =	vmov v24;
	v13 =	vmov v37;
	v7 =	vmov v32;
	[tilespmem:v11+s19+$0x0] =	vst.idx.msk $0xffff, v10  }
0x3d0: {  	v24 =	vmovc v41;
	v37 =	vmovc v3;
	v32 =	vmov v38;
	v38 =	vmov v61;
	v41 =	vmov v7;
	[hbm4b:s24+s3] =	stream.linear.scatter [tilespmem:s19], [sflag:$0x4], $0x1000, $0x38;
	[tilespmem:$0x4000] =	vst v63  }
.Ltmp5:
0x3d1: {  	(pc) =	sbr.rel @p1 .LBB2_11-.Ltmp5, $4  }
0x3d2: {  	_ = 	snop  }
0x3d3: {  	_ =	swait.ge [sflag:s20], $0x1000  }
0x3d4: {  	[sflag:s20] =	ssyncset.done $0x0  }
0x3d5: {  	s23 =	simm.s32 $0x4;
	v48 =	vmov v34;
	v51 =	vmov v33;
	[sflag:s20] =	ssyncadd.s32 $0xFFFFF000  }
0x3d6: {  	s23 =	simm.s32 $0x0  }
0x3d7: {  	v7 =	vor.u32 s23, v12;
	_ =	sdelay $0x1  }
0x3d8: {  	_ =	swait.ge [sflag:s16], $0x1000  }
0x3d9: {  	[sflag:s16] =	ssyncset.done $0x0  }
0x3da: {  	v9 =	vor.u32 s23, v43;
	v10 =	vor.u32 s23, v25;
	v0 =	vld [tilespmem:$0x1FD40];
	[sflag:s16] =	ssyncadd.s32 $0xFFFFF000  }
0x3db: {  	v10 =	vand.u32 v4, v10;
	v7 =	vld.idx.msk [tilespmem:v7+s3+$0x0], $0xffff;
	_ =	sdelay $0x1  }
0x3dc: {  	v26 =	vld [tilespmem:$0x1FD20]  }
0x3dd: {  	v27 =	vld [tilespmem:$0x1FD30]  }
0x3de: {  	v9 =	vld.idx.msk [tilespmem:v9+s3+$0x0], $0xffff  }
0x3df: {  	v11 =	vor.u32 s23, v47;
	v31 =	vmov v0;
	[tilespmem:v10+s17+$0x0] =	vst.idx.msk $0xffff, v7;
	v7 =	vor.u32 s23, v0;
	v0 =	vld [tilespmem:$0x1FD50];
	_ =	sdelay $0x2  }
0x3e0: {  	v12 =	vor.u32 s23, v26  }
0x3e1: {  	v46 =	vmovc v42;
	v42 =	vmov v15;
	v15 =	vmov v13;
	v13 =	vor.u32 s23, v27  }
0x3e2: {  	[tilespmem:v11+s17+$0x0] =	vst.idx.msk $0xffff, v9;
	v28 =	vmov v0;
	v11 =	vor.u32 s23, v0;
	v0 =	vld [tilespmem:$0x1FD60];
	_ =	sdelay $0x2  }
0x3e3: {  	v7 =	vand.u32 v5, v7;
	v9 =	vld.idx.msk [tilespmem:v12+s3+$0x0], $0xffff  }
0x3e4: {  	v10 =	vld.idx.msk [tilespmem:v13+s3+$0x0], $0xffff  }
0x3e5: {  	v29 =	vmov v0;
	v12 =	vor.u32 s23, v0;
	v0 =	vld [tilespmem:$0x1FD70];
	_ =	sdelay $0x2  }
0x3e6: {  	[tilespmem:v7+s17+$0x0] =	vst.idx.msk $0xffff, v9  }
0x3e7: {  	[tilespmem:v11+s17+$0x0] =	vst.idx.msk $0xffff, v10  }
0x3e8: {  	v7 =	vor.u32 s23, v41;
	v13 =	vor.u32 s23, v0;
	v9 =	vld.idx.msk [tilespmem:v12+s3+$0x0], $0xffff  }
0x3e9: {  	v7 =	vand.u32 v6, v7;
	v30 =	vmov v0;
	v0 =	vld [tilespmem:$0x1FCE0];
	_ =	sdelay $0x3  }
0x3ea: {  	v10 =	vld.idx.msk [tilespmem:v13+s3+$0x0], $0xffff  }
0x3eb: {  	v11 =	vor.u32 s23, v51;
	[tilespmem:v7+s17+$0x0] =	vst.idx.msk $0xffff, v9;
	v21 =	vmov v0;
	v7 =	vor.u32 s23, v0;
	v0 =	vld [tilespmem:$0x1FCF0]  }
0x3ec: {  	v12 =	vor.u32 s23, v48  }
0x3ed: {  	v13 =	vor.u32 s23, v35;
	_ =	sdelay $0x2  }
0x3ee: {  	[tilespmem:v11+s17+$0x0] =	vst.idx.msk $0xffff, v10;
	v18 =	vmov v0;
	v11 =	vor.u32 s23, v0;
	v0 =	vld [tilespmem:$0x1FD00]  }
0x3ef: {  	v9 =	vld.idx.msk [tilespmem:v12+s3+$0x0], $0xffff  }
0x3f0: {  	v1 =	vmov v36;
	v7 =	vand.u32 v8, v7;
	v10 =	vld.idx.msk [tilespmem:v13+s3+$0x0], $0xffff  }
0x3f1: {  	v14 =	vmov v1;
	v12 =	vor.u32 s23, v1;
	v1 =	vld [tilespmem:$0x1FD10];
	_ =	sdelay $0x3  }
0x3f2: {  	v13 =	vor.u32 s23, v15;
	[tilespmem:v7+s17+$0x0] =	vst.idx.msk $0xffff, v9  }
0x3f3: {  	v3 =	vmovc v0;
	v7 =	vor.u32 s23, v0;
	v0 =	vmov v1;
	[tilespmem:v11+s17+$0x0] =	vst.idx.msk $0xffff, v10;
	v11 =	vor.u32 s23, v1;
	v1 =	vld [tilespmem:$0x1FCA0]  }
0x3f4: {  	v7 =	vand.u32 v4, v7;
	v9 =	vld.idx.msk [tilespmem:v12+s3+$0x0], $0xffff;
	_ =	sdelay $0x2  }
0x3f5: {  	v16 =	vmov v32;
	v10 =	vld.idx.msk [tilespmem:v13+s3+$0x0], $0xffff  }
0x3f6: {  	v12 =	vor.u32 s23, v16  }
0x3f7: {  	v63 =	vmov v1;
	[tilespmem:v7+s17+$0x0] =	vst.idx.msk $0xffff, v9;
	v7 =	vor.u32 s23, v1;
	v1 =	vld [tilespmem:$0x1FCB0];
	_ =	sdelay $0x1  }
0x3f8: {  	v17 =	vmov v39  }
0x3f9: {  	v13 =	vor.u32 s23, v17;
	[tilespmem:v11+s17+$0x0] =	vst.idx.msk $0xffff, v10  }
0x3fa: {  	v9 =	vld.idx.msk [tilespmem:v12+s3+$0x0], $0xffff  }
0x3fb: {  	v7 =	vand.u32 v5, v7;
	v60 =	vmov v1;
	v11 =	vor.u32 s23, v1;
	v1 =	vld [tilespmem:$0x1FD90];
	_ =	sdelay $0x2  }
0x3fc: {  	v36 =	vmov v22;
	v22 =	vmov v40;
	v10 =	vld.idx.msk [tilespmem:v13+s3+$0x0], $0xffff  }
0x3fd: {  	v12 =	vor.u32 s23, v22  }
0x3fe: {  	[tilespmem:v7+s17+$0x0] =	vst.idx.msk $0xffff, v9;
	v57 =	vmov v1;
	v7 =	vor.u32 s23, v1;
	v1 =	vld [tilespmem:$0x1FDB0];
	_ =	sdelay $0x2  }
0x3ff: {  	[tilespmem:v11+s17+$0x0] =	vst.idx.msk $0xffff, v10  }
0x400: {  	v13 =	vor.u32 s23, v24;
	v9 =	vld.idx.msk [tilespmem:v12+s3+$0x0], $0xffff  }
0x401: {  	v7 =	vand.u32 v6, v7;
	v54 =	vmov v1;
	v11 =	vor.u32 s23, v1;
	v1 =	vld [tilespmem:$0x1FDC0];
	_ =	sdelay $0x3  }
0x402: {  	v10 =	vld.idx.msk [tilespmem:v13+s3+$0x0], $0xffff  }
0x403: {  	v61 =	vmov v53;
	[tilespmem:v7+s17+$0x0] =	vst.idx.msk $0xffff, v9;
	v53 =	vmov v1;
	v7 =	vor.u32 s23, v1;
	v1 =	vld [tilespmem:$0x1FDD0];
	_ =	sdelay $0x3  }
0x404: {  	v12 =	vor.u32 s23, v44  }
0x405: {  	[tilespmem:v11+s17+$0x0] =	vst.idx.msk $0xffff, v10;
	v58 =	vmov v1;
	v11 =	vor.u32 s23, v1;
	v1 =	vld [tilespmem:$0x1FDE0];
	_ =	sdelay $0x2  }
0x406: {  	v13 =	vor.u32 s23, v45  }
0x407: {  	v9 =	vld.idx.msk [tilespmem:v12+s3+$0x0], $0xffff  }
0x408: {  	v49 =	vmov v1;
	v12 =	vor.u32 s23, v1;
	v1 =	vld [tilespmem:$0x1FDF0];
	_ =	sdelay $0x1  }
0x409: {  	v7 =	vand.u32 v8, v7  }
0x40a: {  	v10 =	vld.idx.msk [tilespmem:v13+s3+$0x0], $0xffff;
	_ =	sdelay $0x1  }
0x40b: {  	v50 =	vmov v1;
	v13 =	vor.u32 s23, v1;
	v1 =	vld [tilespmem:$0x1FE00];
	_ =	sdelay $0x1  }
0x40c: {  	[tilespmem:v7+s17+$0x0] =	vst.idx.msk $0xffff, v9  }
0x40d: {  	[tilespmem:v11+s17+$0x0] =	vst.idx.msk $0xffff, v10  }
0x40e: {  	v9 =	vld.idx.msk [tilespmem:v12+s3+$0x0], $0xffff  }
0x40f: {  	v38 =	vmov v51;
	v51 =	vmov v1;
	v12 =	vor.u32 s23, v1;
	v1 =	vld [tilespmem:$0x1FE10];
	_ =	sdelay $0x3  }
0x410: {  	v7 =	vor.u32 s23, v36;
	v10 =	vld.idx.msk [tilespmem:v13+s3+$0x0], $0xffff  }
0x411: {  	v33 =	vmovc v52;
	v7 =	vand.u32 v4, v7;
	v52 =	vmov v1;
	v13 =	vor.u32 s23, v1;
	v1 =	vld [tilespmem:$0x1FCC0];
	_ =	sdelay $0x1  }
0x412: {  	v32 =	vmov v23  }
0x413: {  	v11 =	vor.u32 s23, v32;
	_ =	sdelay $0x1  }
0x414: {  	[tilespmem:v7+s17+$0x0] =	vst.idx.msk $0xffff, v9;
	v55 =	vmov v1;
	v7 =	vor.u32 s23, v1;
	v1 =	vld [tilespmem:$0x1FCD0];
	_ =	sdelay $0x2  }
0x415: {  	[tilespmem:v11+s17+$0x0] =	vst.idx.msk $0xffff, v10  }
0x416: {  	v9 =	vld.idx.msk [tilespmem:v12+s3+$0x0], $0xffff  }
0x417: {  	v7 =	vand.u32 v5, v7;
	v56 =	vmov v1;
	v11 =	vor.u32 s23, v1;
	v1 =	vld [tilespmem:$0x1FFF0];
	_ =	sdelay $0x3  }
0x418: {  	v10 =	vld.idx.msk [tilespmem:v13+s3+$0x0], $0xffff  }
0x419: {  	v34 =	vmov v16;
	[tilespmem:v7+s17+$0x0] =	vst.idx.msk $0xffff, v9;
	v16 =	vmov v1;
	v7 =	vor.u32 s23, v1;
	v1 =	vld [tilespmem:$0x1FFE0];
	_ =	sdelay $0x3  }
0x41a: {  	v12 =	vor.u32 s23, v33  }
0x41b: {  	v40 =	vmovc v35;
	v35 =	vmov v17;
	[tilespmem:v11+s17+$0x0] =	vst.idx.msk $0xffff, v10;
	v17 =	vmov v1;
	v11 =	vor.u32 s23, v1;
	v1 =	vld [tilespmem:$0x1FFC0];
	_ =	sdelay $0x3  }
0x41c: {  	v13 =	vor.u32 s23, v61;
	v9 =	vld.idx.msk [tilespmem:v12+s3+$0x0], $0xffff  }
0x41d: {  	v19 =	vmov v1;
	v12 =	vor.u32 s23, v1;
	v1 =	vld [tilespmem:$0x1FFD0];
	_ =	sdelay $0x3  }
0x41e: {  	v37 =	vmov v41;
	v10 =	vld.idx.msk [tilespmem:v13+s3+$0x0], $0xffff  }
0x41f: {  	v41 =	vmovc v22;
	v22 =	vmovc v45;
	v7 =	vand.u32 v6, v7;
	v45 =	vmov v1;
	v13 =	vor.u32 s23, v1;
	v1 =	vld [tilespmem:$0x1FFB0];
	_ =	sdelay $0x3  }
0x420: {  	v39 =	vmov v48;
	v48 =	vld [tilespmem:$0x1FEE0]  }
0x421: {  	[tilespmem:v7+s17+$0x0] =	vst.idx.msk $0xffff, v9;
	v20 =	vmov v1;
	v7 =	vor.u32 s23, v1;
	v1 =	vld [tilespmem:$0x1FFA0]  }
0x422: {  	[tilespmem:v11+s17+$0x0] =	vst.idx.msk $0xffff, v10  }
0x423: {  	v9 =	vld.idx.msk [tilespmem:v12+s3+$0x0], $0xffff;
	v7 =	vand.u32 v8, v7  }
0x424: {  	v11 =	vor.u32 s23, v59;
	v10 =	vld.idx.msk [tilespmem:v13+s3+$0x0], $0xffff  }
0x425: {  	v12 =	vor.u32 s23, v48  }
0x426: {  	v23 =	vmovc v15;
	v15 =	vmov v61;
	v61 =	vmov v1;
	v13 =	vor.u32 s23, v1;
	v1 =	vld [tilespmem:$0x1FEF0];
	_ =	sdelay $0x1  }
0x427: {  	[tilespmem:v7+s17+$0x0] =	vst.idx.msk $0xffff, v9  }
0x428: {  	v7 =	vor.u32 s23, v62;
	[tilespmem:v11+s17+$0x0] =	vst.idx.msk $0xffff, v10  }
0x429: {  	v7 =	vand.u32 v4, v7;
	v9 =	vld.idx.msk [tilespmem:v12+s3+$0x0], $0xffff  }
0x42a: {  	v11 =	vor.u32 s23, v1;
	v1 =	vld [tilespmem:$0x1FF00];
	_ =	sdelay $0x2  }
0x42b: {  	v10 =	vld.idx.msk [tilespmem:v13+s3+$0x0], $0xffff  }
0x42c: {  	[tilespmem:v7+s17+$0x0] =	vst.idx.msk $0xffff, v9;
	v7 =	vld [tilespmem:$0x1FF80]  }
0x42d: {  	v12 =	vor.u32 s23, v1;
	v1 =	vld [tilespmem:$0x1FEB0];
	_ =	sdelay $0x4  }
0x42e: {  	[tilespmem:v11+s17+$0x0] =	vst.idx.msk $0xffff, v10;
	v11 =	vld [tilespmem:$0x1FED0];
	v13 =	vor.u32 s23, v1;
	v1 =	vmov v7;
	v7 =	vor.u32 s23, v7  }
0x42f: {  	v9 =	vld.idx.msk [tilespmem:v12+s3+$0x0], $0xffff;
	v7 =	vand.u32 v5, v7  }
0x430: {  	v12 =	vld [tilespmem:$0x1FEC0];
	_ =	sdelay $0x2  }
0x431: {  	v10 =	vld.idx.msk [tilespmem:v13+s3+$0x0], $0xffff  }
0x432: {  	v11 =	vor.u32 s23, v11;
	[tilespmem:v7+s17+$0x0] =	vst.idx.msk $0xffff, v9;
	v7 =	vld [tilespmem:$0x1FF10]  }
0x433: {  	v12 =	vor.u32 s23, v12;
	_ =	sdelay $0x3  }
0x434: {  	v13 =	vor.u32 s23, v42;
	[tilespmem:v11+s17+$0x0] =	vst.idx.msk $0xffff, v10;
	v11 =	vld [tilespmem:$0x1FF20];
	v7 =	vor.u32 s23, v7  }
0x435: {  	v9 =	vld.idx.msk [tilespmem:v12+s3+$0x0], $0xffff;
	v7 =	vand.u32 v6, v7  }
0x436: {  	v12 =	vld [tilespmem:$0x1FF70];
	_ =	sdelay $0x2  }
0x437: {  	v10 =	vld.idx.msk [tilespmem:v13+s3+$0x0], $0xffff  }
0x438: {  	v11 =	vor.u32 s23, v11;
	[tilespmem:v7+s17+$0x0] =	vst.idx.msk $0xffff, v9;
	v7 =	vld [tilespmem:$0x1FF60]  }
0x439: {  	v43 =	vmovc v24;
	v24 =	vmov v32;
	v32 =	vmov v12;
	v12 =	vor.u32 s23, v12;
	_ =	sdelay $0x3  }
0x43a: {  	v2 =	vmovc v36;
	v36 =	vmovc v33;
	v9 =	vor.u32 s23, v46;
	[tilespmem:v11+s17+$0x0] =	vst.idx.msk $0xffff, v10;
	v33 =	vmov v7;
	v7 =	vor.u32 s23, v7  }
0x43b: {  	v9 =	vand.u32 v8, v9;
	v10 =	vld.idx.msk [tilespmem:v12+s3+$0x0], $0xffff;
	_ =	sdelay $0x3  }
0x43c: {  	v7 =	vld.idx.msk [tilespmem:v7+s3+$0x0], $0xffff  }
0x43d: {  	[tilespmem:v9+s17+$0x0] =	vst.idx.msk $0xffff, v10;
	v9 =	vld [tilespmem:$0x1FEA0];
	_ =	sdelay $0x3  }
0x43e: {  	s24 =	simm.s32 $0x10;
	v11 =	vld [tilespmem:$0x1FF90]  }
0x43f: {  	v10 =	vor.u32 s24, v9;
	v9 =	vld [tilespmem:$0x1FE90];
	_ =	sdelay $0x4  }
0x440: {  	s25 =	simm.s32 $0x20;
	v48 =	vmovc v42;
	v42 =	vmovc v46;
	v46 =	vmov v11;
	v11 =	vor.u32 s23, v11;
	v9 =	vor.u32 s24, v9  }
.LBB2_9:
0x441: {  	_ =	sdelay $0x3  }
0x442: {  	[tilespmem:v11+s17+$0x0] =	vst.idx.msk $0xffff, v7;
	s23 =	sadd.s32 $0x200, s23  }
0x443: {  	v7 =	vld.idx.msk [tilespmem:v10+s3+$0x0], $0xffff;
	v10 =	vor.u32 s23, v25  }
0x444: {  	v10 =	vand.u32 v4, v10  }
0x445: {  	v9 =	vld.idx.msk [tilespmem:v9+s3+$0x0], $0xffff;
	v11 =	vor.u32 s23, v47  }
0x446: {  	v12 =	vor.u32 s24, v26  }
0x447: {  	v13 =	vor.u32 s24, v27;
	_ =	sdelay $0x1  }
0x448: {  	[tilespmem:v10+s17+$0x0] =	vst.idx.msk $0xffff, v7  }
0x449: {  	[tilespmem:v11+s17+$0x0] =	vst.idx.msk $0xffff, v9;
	v9 =	vor.u32 s23, v31  }
0x44a: {  	v7 =	vld.idx.msk [tilespmem:v12+s3+$0x0], $0xffff;
	v9 =	vand.u32 v5, v9  }
0x44b: {  	v11 =	vor.u32 s23, v28;
	v10 =	vld.idx.msk [tilespmem:v13+s3+$0x0], $0xffff  }
0x44c: {  	v12 =	vor.u32 s24, v29  }
0x44d: {  	v13 =	vor.u32 s24, v30;
	_ =	sdelay $0x1  }
0x44e: {  	[tilespmem:v9+s17+$0x0] =	vst.idx.msk $0xffff, v7  }
0x44f: {  	v9 =	vor.u32 s23, v37;
	[tilespmem:v11+s17+$0x0] =	vst.idx.msk $0xffff, v10  }
0x450: {  	v9 =	vand.u32 v6, v9;
	v7 =	vld.idx.msk [tilespmem:v12+s3+$0x0], $0xffff  }
0x451: {  	v11 =	vor.u32 s23, v38;
	v10 =	vld.idx.msk [tilespmem:v13+s3+$0x0], $0xffff  }
0x452: {  	v12 =	vor.u32 s24, v39  }
0x453: {  	v13 =	vor.u32 s24, v40;
	_ =	sdelay $0x1  }
0x454: {  	[tilespmem:v9+s17+$0x0] =	vst.idx.msk $0xffff, v7  }
0x455: {  	v9 =	vor.u32 s23, v21;
	[tilespmem:v11+s17+$0x0] =	vst.idx.msk $0xffff, v10  }
0x456: {  	v9 =	vand.u32 v8, v9;
	v7 =	vld.idx.msk [tilespmem:v12+s3+$0x0], $0xffff  }
0x457: {  	v11 =	vor.u32 s23, v18;
	v10 =	vld.idx.msk [tilespmem:v13+s3+$0x0], $0xffff  }
0x458: {  	v12 =	vor.u32 s24, v14  }
0x459: {  	v13 =	vor.u32 s24, v23;
	_ =	sdelay $0x1  }
0x45a: {  	[tilespmem:v9+s17+$0x0] =	vst.idx.msk $0xffff, v7  }
0x45b: {  	v9 =	vor.u32 s23, v3;
	[tilespmem:v11+s17+$0x0] =	vst.idx.msk $0xffff, v10  }
0x45c: {  	v9 =	vand.u32 v4, v9;
	v7 =	vld.idx.msk [tilespmem:v12+s3+$0x0], $0xffff  }
0x45d: {  	v11 =	vor.u32 s23, v0;
	v10 =	vld.idx.msk [tilespmem:v13+s3+$0x0], $0xffff  }
0x45e: {  	v12 =	vor.u32 s24, v34  }
0x45f: {  	v13 =	vor.u32 s24, v35;
	_ =	sdelay $0x1  }
0x460: {  	[tilespmem:v9+s17+$0x0] =	vst.idx.msk $0xffff, v7  }
0x461: {  	v9 =	vor.u32 s23, v63;
	[tilespmem:v11+s17+$0x0] =	vst.idx.msk $0xffff, v10  }
0x462: {  	v9 =	vand.u32 v5, v9;
	v7 =	vld.idx.msk [tilespmem:v12+s3+$0x0], $0xffff  }
0x463: {  	v11 =	vor.u32 s23, v60;
	v10 =	vld.idx.msk [tilespmem:v13+s3+$0x0], $0xffff  }
0x464: {  	v12 =	vor.u32 s24, v41  }
0x465: {  	v13 =	vor.u32 s24, v43;
	_ =	sdelay $0x1  }
0x466: {  	[tilespmem:v9+s17+$0x0] =	vst.idx.msk $0xffff, v7  }
0x467: {  	v9 =	vor.u32 s23, v57;
	[tilespmem:v11+s17+$0x0] =	vst.idx.msk $0xffff, v10  }
0x468: {  	v9 =	vand.u32 v6, v9;
	v7 =	vld.idx.msk [tilespmem:v12+s3+$0x0], $0xffff  }
0x469: {  	v11 =	vor.u32 s23, v54;
	v10 =	vld.idx.msk [tilespmem:v13+s3+$0x0], $0xffff  }
0x46a: {  	v12 =	vor.u32 s24, v44  }
0x46b: {  	v13 =	vor.u32 s24, v22;
	_ =	sdelay $0x1  }
0x46c: {  	[tilespmem:v9+s17+$0x0] =	vst.idx.msk $0xffff, v7  }
0x46d: {  	v9 =	vor.u32 s23, v53;
	[tilespmem:v11+s17+$0x0] =	vst.idx.msk $0xffff, v10  }
0x46e: {  	v9 =	vand.u32 v8, v9;
	v7 =	vld.idx.msk [tilespmem:v12+s3+$0x0], $0xffff  }
0x46f: {  	v11 =	vor.u32 s23, v58;
	v10 =	vld.idx.msk [tilespmem:v13+s3+$0x0], $0xffff  }
0x470: {  	v12 =	vor.u32 s24, v49  }
0x471: {  	v13 =	vor.u32 s24, v50;
	_ =	sdelay $0x1  }
0x472: {  	[tilespmem:v9+s17+$0x0] =	vst.idx.msk $0xffff, v7  }
0x473: {  	v9 =	vor.u32 s23, v2;
	[tilespmem:v11+s17+$0x0] =	vst.idx.msk $0xffff, v10  }
0x474: {  	v9 =	vand.u32 v4, v9;
	v7 =	vld.idx.msk [tilespmem:v12+s3+$0x0], $0xffff  }
0x475: {  	v11 =	vor.u32 s23, v24;
	v10 =	vld.idx.msk [tilespmem:v13+s3+$0x0], $0xffff  }
0x476: {  	v12 =	vor.u32 s24, v51  }
0x477: {  	v13 =	vor.u32 s24, v52;
	_ =	sdelay $0x1  }
0x478: {  	[tilespmem:v9+s17+$0x0] =	vst.idx.msk $0xffff, v7  }
0x479: {  	v9 =	vor.u32 s23, v55;
	[tilespmem:v11+s17+$0x0] =	vst.idx.msk $0xffff, v10  }
0x47a: {  	v9 =	vand.u32 v5, v9;
	v7 =	vld.idx.msk [tilespmem:v12+s3+$0x0], $0xffff  }
0x47b: {  	v11 =	vor.u32 s23, v56;
	v10 =	vld.idx.msk [tilespmem:v13+s3+$0x0], $0xffff  }
0x47c: {  	v12 =	vor.u32 s24, v36  }
0x47d: {  	v13 =	vor.u32 s24, v15;
	_ =	sdelay $0x1  }
0x47e: {  	[tilespmem:v9+s17+$0x0] =	vst.idx.msk $0xffff, v7  }
0x47f: {  	v9 =	vor.u32 s23, v16;
	[tilespmem:v11+s17+$0x0] =	vst.idx.msk $0xffff, v10  }
0x480: {  	v9 =	vand.u32 v6, v9;
	v7 =	vld.idx.msk [tilespmem:v12+s3+$0x0], $0xffff  }
0x481: {  	v11 =	vor.u32 s23, v17;
	v10 =	vld.idx.msk [tilespmem:v13+s3+$0x0], $0xffff  }
0x482: {  	v12 =	vor.u32 s24, v19;
	_ =	sdelay $0x2  }
0x483: {  	[tilespmem:v9+s17+$0x0] =	vst.idx.msk $0xffff, v7  }
0x484: {  	v13 =	vor.u32 s24, v45;
	[tilespmem:v11+s17+$0x0] =	vst.idx.msk $0xffff, v10  }
0x485: {  	v7 =	vld.idx.msk [tilespmem:v12+s3+$0x0], $0xffff  }
0x486: {  	v12 =	vld [tilespmem:$0x1FEE0]  }
0x487: {  	v9 =	vor.u32 s23, v20  }
0x488: {  	v9 =	vand.u32 v8, v9  }
0x489: {  	v11 =	vor.u32 s23, v59;
	v10 =	vld.idx.msk [tilespmem:v13+s3+$0x0], $0xffff;
	_ =	sdelay $0x1  }
0x48a: {  	v12 =	vor.u32 s24, v12;
	_ =	sdelay $0x1  }
0x48b: {  	v13 =	vor.u32 s24, v61;
	[tilespmem:v9+s17+$0x0] =	vst.idx.msk $0xffff, v7  }
0x48c: {  	[tilespmem:v11+s17+$0x0] =	vst.idx.msk $0xffff, v10;
	v11 =	vld [tilespmem:$0x1FEF0];
	_ =	sdelay $0x1  }
0x48d: {  	v7 =	vld.idx.msk [tilespmem:v12+s3+$0x0], $0xffff  }
0x48e: {  	v9 =	vor.u32 s23, v62;
	v12 =	vld [tilespmem:$0x1FF00]  }
0x48f: {  	v9 =	vand.u32 v4, v9;
	v10 =	vld.idx.msk [tilespmem:v13+s3+$0x0], $0xffff  }
0x490: {  	v13 =	vld [tilespmem:$0x1FEB0];
	v11 =	vor.u32 s23, v11;
	_ =	sdelay $0x2  }
0x491: {  	v12 =	vor.u32 s24, v12  }
0x492: {  	[tilespmem:v9+s17+$0x0] =	vst.idx.msk $0xffff, v7  }
0x493: {  	v13 =	vor.u32 s24, v13;
	[tilespmem:v11+s17+$0x0] =	vst.idx.msk $0xffff, v10;
	v11 =	vld [tilespmem:$0x1FED0];
	_ =	sdelay $0x1  }
0x494: {  	v9 =	vor.u32 s23, v1  }
0x495: {  	v9 =	vand.u32 v5, v9;
	v7 =	vld.idx.msk [tilespmem:v12+s3+$0x0], $0xffff  }
0x496: {  	v12 =	vld [tilespmem:$0x1FEC0]  }
0x497: {  	v10 =	vld.idx.msk [tilespmem:v13+s3+$0x0], $0xffff;
	v11 =	vor.u32 s23, v11;
	_ =	sdelay $0x2  }
0x498: {  	[tilespmem:v9+s17+$0x0] =	vst.idx.msk $0xffff, v7;
	v9 =	vld [tilespmem:$0x1FF10]  }
0x499: {  	v12 =	vor.u32 s24, v12  }
0x49a: {  	v13 =	vor.u32 s24, v48;
	[tilespmem:v11+s17+$0x0] =	vst.idx.msk $0xffff, v10;
	v11 =	vld [tilespmem:$0x1FF20];
	_ =	sdelay $0x2  }
0x49b: {  	v9 =	vor.u32 s23, v9  }
0x49c: {  	v7 =	vld.idx.msk [tilespmem:v12+s3+$0x0], $0xffff;
	v9 =	vand.u32 v6, v9  }
0x49d: {  	v10 =	vld.idx.msk [tilespmem:v13+s3+$0x0], $0xffff;
	v11 =	vor.u32 s23, v11  }
0x49e: {  	v13 =	vor.u32 s24, v33;
	_ =	sdelay $0x2  }
0x49f: {  	[tilespmem:v9+s17+$0x0] =	vst.idx.msk $0xffff, v7  }
0x4a0: {  	[tilespmem:v11+s17+$0x0] =	vst.idx.msk $0xffff, v10  }
0x4a1: {  	v12 =	vor.u32 s24, v32;
	v9 =	vor.u32 s23, v42;
	v7 =	vld.idx.msk [tilespmem:v13+s3+$0x0], $0xffff  }
0x4a2: {  	v13 =	vand.u32 v8, v9;
	v9 =	vld [tilespmem:$0x1FEA0];
	_ =	sdelay $0x2  }
0x4a3: {  	s26 =	smov.u32 s25  }
0x4a4: {  	s24 =	smov.u32 s26;
	v12 =	vld.idx.msk [tilespmem:v12+s3+$0x0], $0xffff  }
0x4a5: {  	p2 =	sne.s32 s25, $0x70;
	v10 =	vor.u32 s24, v9;
	v9 =	vld [tilespmem:$0x1FE90]  }
.Ltmp6:
0x4a6: {  	_ = 	snop;
	(pc) =	sbr.rel @p2 .LBB2_9-.Ltmp6, $2  }
0x4a7: {  	_ =	sdelay $0x2  }
0x4a8: {  	s25 =	sadd.s32 $0x10, s25;
	v11 =	vor.u32 s23, v46;
	[tilespmem:v13+s17+$0x0] =	vst.idx.msk $0xffff, v12;
	v9 =	vor.u32 s24, v9  }
0x4a9: {  	_ =	sdelay $0x2  }
0x4aa: {  	s23 =	sadd.s32 $0x200, s23  }
0x4ab: {  	[tilespmem:v11+s17+$0x0] =	vst.idx.msk $0xffff, v7;
	v7 =	vor.u32 s23, v25  }
0x4ac: {  	v10 =	vld.idx.msk [tilespmem:v10+s3+$0x0], $0xffff;
	v7 =	vand.u32 v4, v7  }
0x4ad: {  	v9 =	vld.idx.msk [tilespmem:v9+s3+$0x0], $0xffff;
	v11 =	vor.u32 s23, v47  }
0x4ae: {  	v12 =	vor.u32 s24, v26  }
0x4af: {  	v13 =	vor.u32 s24, v27;
	_ =	sdelay $0x1  }
0x4b0: {  	[tilespmem:v7+s17+$0x0] =	vst.idx.msk $0xffff, v10  }
0x4b1: {  	v7 =	vor.u32 s23, v31;
	[tilespmem:v11+s17+$0x0] =	vst.idx.msk $0xffff, v9  }
0x4b2: {  	v7 =	vand.u32 v5, v7;
	v9 =	vld.idx.msk [tilespmem:v12+s3+$0x0], $0xffff  }
0x4b3: {  	v11 =	vor.u32 s23, v28;
	v10 =	vld.idx.msk [tilespmem:v13+s3+$0x0], $0xffff  }
0x4b4: {  	v12 =	vor.u32 s24, v29  }
0x4b5: {  	v13 =	vor.u32 s24, v30;
	_ =	sdelay $0x1  }
0x4b6: {  	[tilespmem:v7+s17+$0x0] =	vst.idx.msk $0xffff, v9  }
0x4b7: {  	v7 =	vor.u32 s23, v37;
	[tilespmem:v11+s17+$0x0] =	vst.idx.msk $0xffff, v10  }
0x4b8: {  	v7 =	vand.u32 v6, v7;
	v9 =	vld.idx.msk [tilespmem:v12+s3+$0x0], $0xffff  }
0x4b9: {  	v11 =	vor.u32 s23, v38;
	v10 =	vld.idx.msk [tilespmem:v13+s3+$0x0], $0xffff  }
0x4ba: {  	v12 =	vor.u32 s24, v39  }
0x4bb: {  	v13 =	vor.u32 s24, v40;
	_ =	sdelay $0x1  }
0x4bc: {  	[tilespmem:v7+s17+$0x0] =	vst.idx.msk $0xffff, v9  }
0x4bd: {  	v7 =	vor.u32 s23, v21;
	[tilespmem:v11+s17+$0x0] =	vst.idx.msk $0xffff, v10  }
0x4be: {  	v7 =	vand.u32 v8, v7;
	v9 =	vld.idx.msk [tilespmem:v12+s3+$0x0], $0xffff  }
0x4bf: {  	v11 =	vor.u32 s23, v18;
	v10 =	vld.idx.msk [tilespmem:v13+s3+$0x0], $0xffff  }
0x4c0: {  	v12 =	vor.u32 s24, v14  }
0x4c1: {  	v13 =	vor.u32 s24, v23;
	_ =	sdelay $0x1  }
0x4c2: {  	[tilespmem:v7+s17+$0x0] =	vst.idx.msk $0xffff, v9  }
0x4c3: {  	v7 =	vor.u32 s23, v3;
	[tilespmem:v11+s17+$0x0] =	vst.idx.msk $0xffff, v10  }
0x4c4: {  	v7 =	vand.u32 v4, v7;
	v9 =	vld.idx.msk [tilespmem:v12+s3+$0x0], $0xffff  }
0x4c5: {  	v11 =	vor.u32 s23, v0;
	v10 =	vld.idx.msk [tilespmem:v13+s3+$0x0], $0xffff  }
0x4c6: {  	v12 =	vor.u32 s24, v34  }
0x4c7: {  	v13 =	vor.u32 s24, v35;
	_ =	sdelay $0x1  }
0x4c8: {  	[tilespmem:v7+s17+$0x0] =	vst.idx.msk $0xffff, v9  }
0x4c9: {  	v7 =	vor.u32 s23, v63;
	[tilespmem:v11+s17+$0x0] =	vst.idx.msk $0xffff, v10  }
0x4ca: {  	v7 =	vand.u32 v5, v7;
	v9 =	vld.idx.msk [tilespmem:v12+s3+$0x0], $0xffff  }
0x4cb: {  	v11 =	vor.u32 s23, v60;
	v10 =	vld.idx.msk [tilespmem:v13+s3+$0x0], $0xffff  }
0x4cc: {  	v12 =	vor.u32 s24, v41  }
0x4cd: {  	v13 =	vor.u32 s24, v43;
	_ =	sdelay $0x1  }
0x4ce: {  	[tilespmem:v7+s17+$0x0] =	vst.idx.msk $0xffff, v9  }
0x4cf: {  	v7 =	vor.u32 s23, v57;
	[tilespmem:v11+s17+$0x0] =	vst.idx.msk $0xffff, v10  }
0x4d0: {  	v7 =	vand.u32 v6, v7;
	v9 =	vld.idx.msk [tilespmem:v12+s3+$0x0], $0xffff  }
0x4d1: {  	v11 =	vor.u32 s23, v54;
	v10 =	vld.idx.msk [tilespmem:v13+s3+$0x0], $0xffff  }
0x4d2: {  	v12 =	vor.u32 s24, v44  }
0x4d3: {  	v13 =	vor.u32 s24, v22;
	_ =	sdelay $0x1  }
0x4d4: {  	[tilespmem:v7+s17+$0x0] =	vst.idx.msk $0xffff, v9  }
0x4d5: {  	v7 =	vor.u32 s23, v53;
	[tilespmem:v11+s17+$0x0] =	vst.idx.msk $0xffff, v10  }
0x4d6: {  	v7 =	vand.u32 v8, v7;
	v9 =	vld.idx.msk [tilespmem:v12+s3+$0x0], $0xffff  }
0x4d7: {  	v11 =	vor.u32 s23, v58;
	v10 =	vld.idx.msk [tilespmem:v13+s3+$0x0], $0xffff  }
0x4d8: {  	v12 =	vor.u32 s24, v49  }
0x4d9: {  	v13 =	vor.u32 s24, v50;
	_ =	sdelay $0x1  }
0x4da: {  	[tilespmem:v7+s17+$0x0] =	vst.idx.msk $0xffff, v9  }
0x4db: {  	v7 =	vor.u32 s23, v2;
	[tilespmem:v11+s17+$0x0] =	vst.idx.msk $0xffff, v10  }
0x4dc: {  	v7 =	vand.u32 v4, v7;
	v9 =	vld.idx.msk [tilespmem:v12+s3+$0x0], $0xffff  }
0x4dd: {  	v11 =	vor.u32 s23, v24;
	v10 =	vld.idx.msk [tilespmem:v13+s3+$0x0], $0xffff  }
0x4de: {  	v12 =	vor.u32 s24, v51  }
0x4df: {  	v13 =	vor.u32 s24, v52;
	_ =	sdelay $0x1  }
0x4e0: {  	[tilespmem:v7+s17+$0x0] =	vst.idx.msk $0xffff, v9  }
0x4e1: {  	v7 =	vor.u32 s23, v55;
	[tilespmem:v11+s17+$0x0] =	vst.idx.msk $0xffff, v10  }
0x4e2: {  	v7 =	vand.u32 v5, v7;
	v9 =	vld.idx.msk [tilespmem:v12+s3+$0x0], $0xffff  }
0x4e3: {  	v11 =	vor.u32 s23, v56;
	v10 =	vld.idx.msk [tilespmem:v13+s3+$0x0], $0xffff  }
0x4e4: {  	v12 =	vor.u32 s24, v36  }
0x4e5: {  	v13 =	vor.u32 s24, v15;
	_ =	sdelay $0x1  }
0x4e6: {  	[tilespmem:v7+s17+$0x0] =	vst.idx.msk $0xffff, v9  }
0x4e7: {  	v7 =	vor.u32 s23, v16;
	[tilespmem:v11+s17+$0x0] =	vst.idx.msk $0xffff, v10  }
0x4e8: {  	v7 =	vand.u32 v6, v7;
	v9 =	vld.idx.msk [tilespmem:v12+s3+$0x0], $0xffff  }
0x4e9: {  	v11 =	vor.u32 s23, v17;
	v10 =	vld.idx.msk [tilespmem:v13+s3+$0x0], $0xffff  }
0x4ea: {  	v12 =	vor.u32 s24, v19  }
0x4eb: {  	v13 =	vor.u32 s24, v45  }
0x4ec: {  	v60 =	vld [tilespmem:$0x1FEE0]  }
0x4ed: {  	[tilespmem:v7+s17+$0x0] =	vst.idx.msk $0xffff, v9  }
0x4ee: {  	v7 =	vor.u32 s23, v20;
	[tilespmem:v11+s17+$0x0] =	vst.idx.msk $0xffff, v10  }
0x4ef: {  	v7 =	vand.u32 v8, v7;
	v9 =	vld.idx.msk [tilespmem:v12+s3+$0x0], $0xffff  }
0x4f0: {  	v11 =	vor.u32 s23, v59;
	v10 =	vld.idx.msk [tilespmem:v13+s3+$0x0], $0xffff  }
0x4f1: {  	v12 =	vor.u32 s24, v60  }
0x4f2: {  	v63 =	vld [tilespmem:$0x1FEF0];
	v13 =	vor.u32 s24, v61  }
0x4f3: {  	v0 =	vld [tilespmem:$0x1FF00]  }
0x4f4: {  	v18 =	vld [tilespmem:$0x1FEB0];
	[tilespmem:v7+s17+$0x0] =	vst.idx.msk $0xffff, v9  }
0x4f5: {  	v7 =	vor.u32 s23, v62;
	[tilespmem:v11+s17+$0x0] =	vst.idx.msk $0xffff, v10  }
0x4f6: {  	v7 =	vand.u32 v4, v7;
	v9 =	vld.idx.msk [tilespmem:v12+s3+$0x0], $0xffff  }
0x4f7: {  	v11 =	vor.u32 s23, v63;
	v10 =	vld.idx.msk [tilespmem:v13+s3+$0x0], $0xffff  }
0x4f8: {  	v12 =	vor.u32 s24, v0  }
0x4f9: {  	v28 =	vld [tilespmem:$0x1FED0];
	v13 =	vor.u32 s24, v18  }
0x4fa: {  	v47 =	vmov v14;
	v14 =	vld [tilespmem:$0x1FEC0]  }
0x4fb: {  	[tilespmem:v7+s17+$0x0] =	vst.idx.msk $0xffff, v9  }
0x4fc: {  	v54 =	vmov v16;
	v16 =	vld [tilespmem:$0x1FF10];
	v7 =	vor.u32 s23, v1;
	[tilespmem:v11+s17+$0x0] =	vst.idx.msk $0xffff, v10  }
0x4fd: {  	v7 =	vand.u32 v5, v7;
	v9 =	vld.idx.msk [tilespmem:v12+s3+$0x0], $0xffff  }
0x4fe: {  	v11 =	vor.u32 s23, v28;
	v10 =	vld.idx.msk [tilespmem:v13+s3+$0x0], $0xffff  }
0x4ff: {  	v12 =	vor.u32 s24, v14  }
0x500: {  	v55 =	vmov v17;
	v17 =	vld [tilespmem:$0x1FF20];
	v13 =	vor.u32 s24, v48;
	_ =	sdelay $0x1  }
0x501: {  	[tilespmem:v7+s17+$0x0] =	vst.idx.msk $0xffff, v9  }
0x502: {  	v7 =	vor.u32 s23, v16;
	[tilespmem:v11+s17+$0x0] =	vst.idx.msk $0xffff, v10  }
0x503: {  	v7 =	vand.u32 v6, v7;
	v9 =	vld.idx.msk [tilespmem:v12+s3+$0x0], $0xffff  }
0x504: {  	v11 =	vor.u32 s23, v17;
	v10 =	vld.idx.msk [tilespmem:v13+s3+$0x0], $0xffff  }
0x505: {  	v12 =	vor.u32 s24, v32  }
0x506: {  	v13 =	vor.u32 s24, v33;
	_ =	sdelay $0x1  }
0x507: {  	[tilespmem:v7+s17+$0x0] =	vst.idx.msk $0xffff, v9  }
0x508: {  	v7 =	vor.u32 s23, v42;
	[tilespmem:v11+s17+$0x0] =	vst.idx.msk $0xffff, v10  }
0x509: {  	v7 =	vand.u32 v8, v7;
	v9 =	vld.idx.msk [tilespmem:v12+s3+$0x0], $0xffff  }
0x50a: {  	v11 =	vor.u32 s23, v46;
	v10 =	vld.idx.msk [tilespmem:v13+s3+$0x0], $0xffff;
	_ =	sdelay $0x3  }
0x50b: {  	[tilespmem:v7+s17+$0x0] =	vst.idx.msk $0xffff, v9  }
0x50c: {  	[tilespmem:v11+s17+$0x0] =	vst.idx.msk $0xffff, v10  }
0x50d: {  	[hbm4b:s10+s3] =	stream.linear.scatter [tilespmem:s17], [sflag:$0x3], $0x1000, $0x38;
	[tilespmem:$0x4000] =	vst v63  }
0x50e: {  	v31 =	vmovc v23;
	v29 =	vmov v32;
	v37 =	vmov v28;
	v23 =	vmov v2;
	_ =	swait.ge [sflag:s21], $0x1000  }
.Ltmp7:
0x50f: {  	v57 =	vmovc v45;
	v53 =	vmovc v15;
	v58 =	vmov v20;
	v2 =	vmov v1;
	v51 =	vmov v38;
	v12 =	vld [tilespmem:$0x1FEA0];
	(pc) =	sbr.rel .LBB2_11-.Ltmp7, $4  }
0x510: {  	v52 =	vmovc v36;
	v38 =	vmovc v61;
	v56 =	vmov v19;
	v15 =	vmov v48;
	v36 =	vmov v47;
	v25 =	vld [tilespmem:$0x1FF40]  }
0x511: {  	v45 =	vmovc v22;
	v19 =	vmovc v33;
	v1 =	vmov v18;
	v11 =	vmov v40;
	v40 =	vmov v41;
	v41 =	vld [tilespmem:$0x1FF50]  }
0x512: {  	v18 =	vmovc v29;
	v48 =	vmovc v39;
	v9 =	vmov v23;
	v23 =	vmov v24;
	v24 =	vmov v43;
	[sflag:s21] =	ssyncset.done $0x0;
	v43 =	vld [tilespmem:$0x1FE90]  }
0x513: {  	v39 =	vmovc v35;
	v32 =	vmovc v34;
	s23 =	simm.s32 $0x3;
	v13 =	vmov v31;
	v22 =	vmov v9;
	v35 =	vmov v11;
	v47 =	vld [tilespmem:$0x1FF30];
	[sflag:s21] =	ssyncadd.s32 $0xFFFFF000  }
.LBB2_12:
0x514: {  	_ =	sfence.sel $0x180000  }
0x515: {  	[bflag:$0x0] =	sbarrier.arrive $0xFFFF  }
0x516: {  	p0 =	sne.s32 s4, $0x0;
	_ =	strace $0x90000047  }
0x517: {  	s0 =	sadd.s32 @!p0 $0x100000, s2;
	[bflag:$0x2] =	sbarrier.arrive $0xFFFF  }
0x518: {  	[sflag:s0] =	ssyncadd.tile.s32 @!p0 $0x1;
	_ =	shalt  }
.Lfunc_end2:
_tile_overlayer_lowered:
.L_overlay_start_2:
0x519: {  	(tag) =	ssettag $0x2  }
0x51a: {  	s0 =	rddreg [dreg:$0x0];
	s2 =	stileid.u32  }
0x51b: {  	s1 =	rddreg [dreg:$0x1];
	p0 =	sne.s32 s2, $0x0  }
0x51c: {  	s3 =	rddreg [dreg:$0x2];
	[bflag:$0x3] =	sbarrier.arrive $0xFFFF;
	s2 =	simm.s32 @!p0 $0x1C06  }
0x51d: {  	[timem:s3], [sflag:s2] =	dma.local @!p0 [hbm:s0], s1  }
0x51e: {  	s0 =	simm.s32 @!p0 $0x6  }
0x51f: {  	_ =	swait.ge @!p0 [sflag:s0], s1  }
0x520: {  	s1 =	ssub.s32 @!p0 $0x0, s1;
	[sflag:s0] =	ssyncset.done @!p0 $0x0  }
0x521: {  	[sflag:s0] =	ssyncadd.s32 @!p0 s1  }
0x522: {  	[bflag:$0x3] =	sbarrier.arrive $0xFFFF  }
0x523: {  	_ =	shalt  }

// kernel: kernel.7.cloned.1.call-start
scs
__scs_entry_jumppad:
0x0: {  	(pc) =	sbr.rel $0x88, $3  }
0x1: {  	(tag) =	ssettag $0x0;
	lr =	simm.s32 $0x1  }
0x2: {  	[smem:$0x3F9F] =	sst lr;
	_ =	strace $0xD0000000  }
0x3: {  	_ = 	snop  }
0x4: {  	_ = 	snop  }
0x5: {  	_ = 	snop  }
0x6: {  	_ = 	snop  }
0x7: {  	_ = 	snop  }
__scs_overlays_trampoline_lowered:
0x8: {  	[smem:$0x3FAE] =	sst s0  }
0x9: {  	[smem:$0x3FAF] =	sst s1  }
0xa: {  	[smem:$0x3FB0] =	sst s2  }
0xb: {  	[smem:$0x3FB1] =	sst s3  }
0xc: {  	[smem:$0x3FB2] =	sst s4  }
0xd: {  	[smem:$0x3FB3] =	sst s5  }
0xe: {  	[smem:$0x3FB4] =	sst s6  }
0xf: {  	[smem:$0x3FB5] =	sst s7  }
0x10: {  	[smem:$0x3FB6] =	sst s8  }
0x11: {  	[smem:$0x3FB7] =	sst s9;
	s0 =	simm.s32 @!p0 $0x0  }
0x12: {  	s1 =	sld [smem:$0x3F9D];
	s0 =	simm.s32 @p0 $0x1  }
0x13: {  	[smem:$0x3FB8] =	sst s0;
	s0 =	simm.s32 @!p1 $0x0  }
0x14: {  	s2 =	sld [smem:$0x3F9C];
	s0 =	simm.s32 @p1 $0x1  }
0x15: {  	[smem:$0x3FB9] =	sst s0;
	s0 =	simm.s32 @!p2 $0x0  }
0x16: {  	s3 =	sld [smem:$0x3FDB];
	s0 =	simm.s32 @p2 $0x1  }
0x17: {  	s4 =	simm.s32 $0x1BF5;
	[smem:$0x3FBB] =	sst s0  }
0x18: {  	s0 =	sld [smem:$0x3F9E];
	_ =	swait.ge [sflag:s4], $0x0  }
0x19: {  	s7 =	sld [smem:$0x3F9F]  }
0x1a: {  	s8 =	sadd.s32 $0xFFFFE003, lr  }
0x1b: {  	s9 =	sadd.s32 $0xFFFFFEF7, lr;
	s5 =	simm.s32 $0xFFFFFFFF;
	p2 =	slt.u32 s8, $0xFFFFF086  }
0x1c: {  	p1 =	slt.u32 s9, $0xF7A;
	s5 =	simm.s32 @!p2 $0x0  }
0x1d: {  	s5 =	simm.s32 @p1 $0x1;
	p0 =	seq.s32 s7, s2  }
0x1e: {  	s7 =	smul.u32 @!p0 $0xF7A, s2;
	p2 =	seq.s32 @!p0 s5, $0x0  }
0x1f: {  	s9 =	smul.u32 $0xF7A, s1;
	s8 =	simm.s32 @!p0 $0x1BF5;
	p2 =	por !p2, p0  }
0x20: {  	[sflag:s8] =	ssyncset.s32 @!p0 $0xFFFFF086;
	s6 =	sadd.s32 @!p0 s3, s7;
	s7 =	simm.s32 @!p0 $0x108  }
0x21: {  	s3 =	sadd.s32 s3, s9;
	s6 =	sadd.s32 @!p0 $0x88, s6;
	s7 =	simm.s32 @p2 $0x1082  }
0x22: {  	[simem:s7], [sflag:s8] =	dma.local @!p0 [hbm:s6], $0xF7A  }
0x23: {  	s9 =	sor.u32 $0xD0000000, s2;
	s6 =	simm.s32 $0x108;
	_ =	swait.ge @!p0 [sflag:s8], $0x0  }
0x24: {  	s3 =	sadd.s32 $0x88, s3;
	s6 =	simm.s32 @!p1 $0x1082;
	[sflag:s4] =	ssyncset.s32 $0xFFFFF086  }
0x25: {  	[simem:s6], [sflag:s4] =	dma.local [hbm:s3], $0xF7A  }
0x26: {  	[smem:$0x3F9F] =	sst s1;
	(tag) =	ssettag s2;
	_ =	strace s9  }
0x27: {  	s1 =	sld [smem:$0x3FAF]  }
0x28: {  	s2 =	sld [smem:$0x3FB0]  }
0x29: {  	s4 =	sld [smem:$0x3FB2]  }
0x2a: {  	p0 =	seq.s32 s5, $0x0;
	s5 =	sld [smem:$0x3FB3]  }
0x2b: {  	s6 =	sld [smem:$0x3FB4]  }
0x2c: {  	s7 =	sld [smem:$0x3FB5]  }
0x2d: {  	s3 =	simm.s32 $0x108;
	s8 =	sld [smem:$0x3FB6]  }
0x2e: {  	s3 =	simm.s32 @!p0 $0x1082;
	s9 =	sld [smem:$0x3FB7]  }
0x2f: {  	lr =	sadd.s32 s0, s3;
	s0 =	sld [smem:$0x3FAE]  }
0x30: {  	s3 =	sld [smem:$0x3FB1]  }
0x31: {  	[smem:$0x3FBA] =	sst s10  }
0x32: {  	s10 =	sld [smem:$0x3FB8];
	_ =	sdelay $0x3  }
0x33: {  	p0 =	seq.s32 s10, $0x1;
	s10 =	sld [smem:$0x3FBA];
	_ =	sdelay $0x3  }
0x34: {  	[smem:$0x3FBA] =	sst s10  }
0x35: {  	s10 =	sld [smem:$0x3FB9];
	_ =	sdelay $0x3  }
0x36: {  	p1 =	seq.s32 s10, $0x1;
	s10 =	sld [smem:$0x3FBA];
	_ =	sdelay $0x3  }
0x37: {  	[smem:$0x3FBA] =	sst s10  }
0x38: {  	s10 =	sld [smem:$0x3FBB]  }
0x39: {  	_ = 	snop;
	(pc) =	sbr.ind lr, $3  }
0x3a: {  	_ = 	snop  }
0x3b: {  	_ = 	snop  }
0x3c: {  	p2 =	seq.s32 s10, $0x1;
	s10 =	sld [smem:$0x3FBA]  }
0x3d: {  	_ =	shalt  }
0x3e: {  	_ =	shalt  }
0x3f: {  	_ =	shalt  }
0x40: {  	_ =	shalt  }
0x41: {  	_ =	shalt  }
0x42: {  	_ =	shalt  }
0x43: {  	_ =	shalt  }
0x44: {  	_ =	shalt  }
0x45: {  	_ =	shalt  }
0x46: {  	_ =	shalt  }
0x47: {  	_ =	shalt  }
0x48: {  	_ =	shalt  }
0x49: {  	_ =	shalt  }
0x4a: {  	_ =	shalt  }
0x4b: {  	_ =	shalt  }
0x4c: {  	_ =	shalt  }
0x4d: {  	_ =	shalt  }
0x4e: {  	_ =	shalt  }
0x4f: {  	_ =	shalt  }
0x50: {  	_ =	shalt  }
0x51: {  	_ =	shalt  }
0x52: {  	_ =	shalt  }
0x53: {  	_ =	shalt  }
0x54: {  	_ =	shalt  }
0x55: {  	_ =	shalt  }
0x56: {  	_ =	shalt  }
0x57: {  	_ =	shalt  }
0x58: {  	_ =	shalt  }
0x59: {  	_ =	shalt  }
0x5a: {  	_ =	shalt  }
0x5b: {  	_ =	shalt  }
0x5c: {  	_ =	shalt  }
0x5d: {  	_ =	shalt  }
0x5e: {  	_ =	shalt  }
0x5f: {  	_ =	shalt  }
0x60: {  	_ =	shalt  }
0x61: {  	_ =	shalt  }
0x62: {  	_ =	shalt  }
0x63: {  	_ =	shalt  }
0x64: {  	_ =	shalt  }
0x65: {  	_ =	shalt  }
0x66: {  	_ =	shalt  }
0x67: {  	_ =	shalt  }
0x68: {  	_ =	shalt  }
0x69: {  	_ =	shalt  }
0x6a: {  	_ =	shalt  }
0x6b: {  	_ =	shalt  }
0x6c: {  	_ =	shalt  }
0x6d: {  	_ =	shalt  }
0x6e: {  	_ =	shalt  }
0x6f: {  	_ =	shalt  }
0x70: {  	_ =	shalt  }
0x71: {  	_ =	shalt  }
0x72: {  	_ =	shalt  }
0x73: {  	_ =	shalt  }
0x74: {  	_ =	shalt  }
0x75: {  	_ =	shalt  }
0x76: {  	_ =	shalt  }
0x77: {  	_ =	shalt  }
0x78: {  	_ =	shalt  }
0x79: {  	_ =	shalt  }
0x7a: {  	_ =	shalt  }
0x7b: {  	_ =	shalt  }
0x7c: {  	_ =	shalt  }
0x7d: {  	_ =	shalt  }
0x7e: {  	_ =	shalt  }
0x7f: {  	_ =	shalt  }
0x80: {  	_ =	shalt  }
0x81: {  	_ =	shalt  }
0x82: {  	_ =	shalt  }
0x83: {  	_ =	shalt  }
0x84: {  	_ =	shalt  }
0x85: {  	_ =	shalt  }
0x86: {  	_ =	shalt  }
0x87: {  	_ =	shalt  }
.Lfunc_end0:
.L_simem_size_0:
called_computation.1_lowered:
.L_overlay_start_0:
0x88: {  	s2 =	sld [smem:$0x3FD9]  }
0x89: {  	s3 =	sld [smem:$0x3FFE];
	_ =	sdelay $0x1  }
0x8a: {  	s1 =	srdreg.scid  }
0x8b: {  	s0 =	sand.u32 $0x1, s1  }
0x8c: {  	s17 =	sshll.u32 s0, $0xA;
	s2 =	sadd.s32 s3, s2  }
0x8d: {  	s2 =	sadd.s32 s2, s17  }
0x8e: {  	[smem:$0x3FC6] =	sst s2  }
0x8f: {  	_ = 	snop  }
0x90: {  	s2 =	sld [smem:$0x3FD0];
	(tm) =	ssettm $0x1  }
0x91: {  	s18 =	sld [smem:$0x3FFB];
	_ =	sdelay $0x3  }
0x92: {  	_ =	strace s18  }
0x93: {  	s3 =	sld [smem:$0x3FFC];
	_ =	sdelay $0x3  }
0x94: {  	_ =	strace s3  }
0x95: {  	s3 =	sld [smem:$0x3FFD];
	_ =	sdelay $0x3  }
0x96: {  	_ =	strace s3  }
0x97: {  	_ =	strace $0x8FFFFFFF  }
0x98: {  	s19 =	sld [smem:$0x3FDB];
	_ =	sdelay $0x1  }
0x99: {  	s4 =	simm.s32 $_scs_section_size  }
0x9a: {  	s5 =	simm.s32 $_size__tile_overlayer_lowered;
	s6 =	simm.s32 $_tile_overlayer_lowered  }
0x9b: {  	s22 =	simm.s32 $0x1BFF;
	s21 =	sshll.u32 s6, $0x1;
	s3 =	sadd.s32 s4, s19  }
0x9c: {  	s7 =	simm.s32 $0x0;
	s20 =	sshll.u32 s5, $0x1;
	s5 =	sadd.s32 s21, s3  }
0x9d: {  	[timem:s7], [sflag:s22] =	dma.local [hbm:s5], s20  }
0x9e: {  	_ =	swait.ge [sflag:s22], s20  }
0x9f: {  	s4 =	ssub.s32 $0x0, s20;
	[sflag:s22] =	ssyncset.done $0x0  }
0xa0: {  	[sflag:s22] =	ssyncadd.s32 s4;
	_ =	sdelay $0x1  }
0xa1: {  	s23 =	simm.s32 $0x1B8B  }
0xa2: {  	_ =	swait.ge [sflag:s23], $0x1  }
0xa3: {  	[sflag:s23] =	ssyncset.done $0x0  }
0xa4: {  	s25 =	simm.s32 $0x1B8E;
	s24 =	sld [smem:$0x3FFE];
	[sflag:s23] =	ssyncadd.s32 $0xFFFFFFFF  }
0xa5: {  	s26 =	simm.s32 $execute0_lowered;
	[smem:$0x3FD2] =	sst s25  }
0xa6: {  	s5 =	sshll.u32 s26, $0x1;
	_ =	strace $0x80000049;
	[dreg:$0x1] =	wrdreg $0xFFFFFFFF  }
0xa7: {  	s28 =	simm.s32 $_size_execute0_lowered;
	s3 =	sadd.s32 s3, s5;
	[dreg:$0x0] =	wrdreg $0x0  }
0xa8: {  	s5 =	sshll.u32 s28, $0x1;
	[dreg:$0x2] =	wrdreg s3  }
0xa9: {  	[dreg:$0x3] =	wrdreg s5  }
0xaa: {  	[dreg:$0x4] =	wrdreg $0xC0  }
0xab: {  	_ =	task [dreg:s7], $0x5FFFF  }
0xac: {  	[dreg:$0x1] =	wrdreg $0xFFFFFFFF  }
0xad: {  	[dreg:$0x0] =	wrdreg $0x60  }
0xae: {  	[dreg:$0x2] =	wrdreg s24  }
0xaf: {  	[dreg:$0x3] =	wrdreg s2  }
0xb0: {  	[dreg:$0x4] =	wrdreg $0x9  }
0xb1: {  	_ =	task.clear_ibuf [dreg:s7], $0x5FFFF;
	_ =	strace $0x90000049  }
0xb2: {  	s29 =	simm.s32 $0x9;
	_ =	strace $0x8000004B  }
0xb3: {  	_ =	swait.ge [sflag:s29], $0x1  }
0xb4: {  	[sflag:s29] =	ssyncadd.s32 $0xFFFFFFFF  }
0xb5: {  	_ =	strace $0x9000004B  }
0xb6: {  	_ =	sfence  }
0xb7: {  	s30 =	sld [smem:$0x0];
	_ =	sdelay $0x2  }
0xb8: {  	s31 =	sshll.u32 s1, $0xD;
	s1 =	sshrl.u32 s1, $0x2  }
0xb9: {  	s3 =	sand.u32 $0x4000, s31;
	s1 =	sadd.s32 s1, s30  }
0xba: {  	s0 =	sor.u32 s3, s0;
	s1 =	sshll.u32 s1, $0x11  }
0xbb: {  	s0 =	sor.u32 s1, s0  }
0xbc: {  	s0 =	sadd.s32 $0x8F2B, s0  }
0xbd: {  	[sflag:s0] =	ssyncadd.remote.s32 $0x1  }
0xbe: {  	_ =	sfence.sel $0xFFFF  }
0xbf: {  	[dreg:$0x0] =	wrdreg $0xFFFFFFFF;
	(pc) =	sbr.abs _section_cstart, $3  }
0xc0: {  	[dreg:$0x1] =	wrdreg $0xFFFFFFFF  }
0xc1: {  	_ =	task.clear_ibuf [dreg:s7], $0x2FFFF;
	_ =	strace $0x9FFFFFFF  }
0xc2: {  	(tm) =	ssettm $0x7FFFFFFF  }
0xc3: {  	_ =	shalt  }
tec
execute0_lowered:
.L_overlay_start_1:
0x0: {  	(tag) =	ssettag $0x1  }
0x1: {  	v0 =	vimm.s32 $0x60402000  }
0x2: {  	v1 =	vimm.s32 $0xE0C0A080;
	vm5 =	vcmask $0x1F10;
	v12 =	vimm.s32 $0x100  }
0x3: {  	vm9 =	vcmask $0x704;
	vm8 =	vcmask $0xB08;
	vm7 =	vcmask $0xF0C  }
0x4: {  	vm6 =	vcmask $0x1310;
	vm4 =	vcmask $0x1714;
	v33 =	vimm.s32 $0x180  }
0x5: {  	v3 =	vimm.s32 $0x160;
	vm3 =	vcmask $0x1B18;
	vm2 =	vcmask $0x1F1C  }
0x6: {  	v6 =	vimm.s32 $0x40200000;
	v7 =	vimm.s32 $0x40200060;
	v8 =	vimm.s32 $0x1C0  }
0x7: {  	vm10 =	vcmask $0x300;
	vm0 =	vcmask $0x1F14;
	v9 =	vimm.s32 $0xC0A080E0  }
0x8: {  	vm1 =	vcmask $0x1304;
	vm11 =	vcmask $0x2314;
	v36 =	vimm.s32 $0x1A0  }
0x9: {  	vm12 =	vcmask $0x1708;
	vm13 =	vcmask $0x2718;
	vm14 =	vcmask $0xF00  }
0xa: {  	vm15 =	vcmask $0x1B10;
	v51 =	vimm.s32 $0x138F;
	v18 =	vimm.s32 $0x1382  }
0xb: {  	v19 =	vimm.s32 $0x3382;
	v20 =	vimm.s32 $0x1383;
	v21 =	vimm.s32 $0x3383  }
0xc: {  	v22 =	vimm.s32 $0x1384;
	v23 =	vimm.s32 $0x3384;
	v24 =	vimm.s32 $0x1385  }
0xd: {  	v25 =	vimm.s32 $0x3385;
	v26 =	vimm.s32 $0x1386;
	v27 =	vimm.s32 $0x3386  }
0xe: {  	v28 =	vimm.s32 $0x1387;
	v29 =	vimm.s32 $0x3387;
	v30 =	vimm.s32 $0x1388  }
0xf: {  	v31 =	vimm.s32 $0x3388;
	v32 =	vimm.s32 $0x1389;
	v0 =	vunpack.c.0.s8.s32 v0  }
0x10: {  	v1 =	vunpack.c.0.s8.s32 v1;
	v4 =	vsel vm9, $0x1A0, v33;
	v5 =	vsel vm9, $0x180, v3  }
0x11: {  	v6 =	vunpack.c.0.s8.s32 v6;
	v7 =	vunpack.c.0.s8.s32 v7;
	v8 =	vsel vm10, $0x1E0, v8  }
0x12: {  	v3 =	vsel vm10, $0x180, v3;
	v42 =	vsel vm10, $0x120, v12;
	v52 =	vsel vm10, $0x0, v51  }
0x13: {  	v18 =	vsel vm10, $0x3, v18;
	v19 =	vsel vm10, $0x2003, v19;
	v20 =	vsel vm10, $0x4, v20  }
0x14: {  	v21 =	vsel vm10, $0x2004, v21;
	v22 =	vsel vm10, $0x5, v22;
	v23 =	vsel vm10, $0x2005, v23  }
0x15: {  	v24 =	vsel vm10, $0x6, v24;
	v25 =	vsel vm10, $0x2006, v25;
	v26 =	vsel vm10, $0x7, v26  }
0x16: {  	v27 =	vsel vm10, $0x2007, v27;
	v28 =	vsel vm10, $0x8, v28;
	v29 =	vsel vm10, $0x2008, v29  }
0x17: {  	v30 =	vsel vm10, $0x9, v30;
	v31 =	vsel vm10, $0x2009, v31;
	v32 =	vsel vm10, $0xA, v32  }
0x18: {  	v12 =	vsel vm9, $0x120, v12;
	v4 =	vsel vm8, $0x1C0, v4;
	v5 =	vsel vm8, $0x1A0, v5  }
0x19: {  	v3 =	vsel vm9, $0x1A0, v3;
	v15 =	vsel vm9, $0x140, v42;
	v42 =	vimm.s32 $0x138E  }
0x1a: {  	v18 =	vsel vm9, $0x84, v18;
	v19 =	vsel vm9, $0x2084, v19;
	v20 =	vsel vm9, $0x85, v20  }
0x1b: {  	v21 =	vsel vm9, $0x2085, v21;
	v22 =	vsel vm9, $0x86, v22;
	v23 =	vsel vm9, $0x2086, v23  }
0x1c: {  	v24 =	vsel vm9, $0x87, v24;
	v25 =	vsel vm9, $0x2087, v25;
	v26 =	vsel vm9, $0x88, v26  }
0x1d: {  	v27 =	vsel vm9, $0x2088, v27;
	v28 =	vsel vm9, $0x89, v28;
	v29 =	vsel vm9, $0x2089, v29  }
0x1e: {  	v30 =	vsel vm9, $0x8A, v30;
	v31 =	vsel vm9, $0x208A, v31;
	v32 =	vsel vm9, $0x8B, v32  }
0x1f: {  	v12 =	vsel vm8, $0x140, v12;
	v2 =	vand.u32 $0xFF, v0;
	v10 =	vand.u32 $0xFF, v1  }
0x20: {  	v4 =	vsel vm7, $0x1E0, v4;
	v5 =	vsel vm7, $0x1C0, v5;
	v11 =	vand.u32 $0xFF, v7  }
0x21: {  	v7 =	vunpack.c.0.s8.s32 v9;
	v3 =	vsel vm8, $0x1C0, v3;
	v44 =	vsel vm8, $0x160, v15  }
0x22: {  	v15 =	vimm.s32 $0xE0C0A0;
	v42 =	vsel vm10, $0xF, v42;
	v18 =	vsel vm8, $0x105, v18  }
0x23: {  	v19 =	vsel vm8, $0x2105, v19;
	v20 =	vsel vm8, $0x106, v20;
	v21 =	vsel vm8, $0x2106, v21  }
0x24: {  	v22 =	vsel vm8, $0x107, v22;
	v23 =	vsel vm8, $0x2107, v23;
	v24 =	vsel vm8, $0x108, v24  }
0x25: {  	v25 =	vsel vm8, $0x2108, v25;
	v26 =	vsel vm8, $0x109, v26;
	v27 =	vsel vm8, $0x2109, v27  }
0x26: {  	v28 =	vsel vm8, $0x10A, v28;
	v29 =	vsel vm8, $0x210A, v29;
	v30 =	vsel vm8, $0x10B, v30  }
0x27: {  	v31 =	vsel vm8, $0x210B, v31;
	v32 =	vsel vm8, $0x10C, v32;
	v12 =	vsel vm7, $0x160, v12  }
0x28: {  	v1 =	vsel vm5, v10, v2;
	v5 =	vsel vm6, $0x1E0, v5;
	v0 =	vsel vm5, v0, v4  }
0x29: {  	v35 =	vsel vm1, v11, v8;
	vm1 =	vcmask $0x2724;
	v37 =	vsel vm7, $0x1E0, v3  }
0x2a: {  	v3 =	vimm.s32 $0x140;
	v15 =	vunpack.c.0.s8.s32 v15;
	v42 =	vsel vm9, $0x80, v42  }
0x2b: {  	v18 =	vsel vm7, $0x186, v18;
	v19 =	vsel vm7, $0x2186, v19;
	v20 =	vsel vm7, $0x187, v20  }
0x2c: {  	v21 =	vsel vm7, $0x2187, v21;
	v22 =	vsel vm7, $0x188, v22;
	v23 =	vsel vm7, $0x2188, v23  }
0x2d: {  	v24 =	vsel vm7, $0x189, v24;
	v25 =	vsel vm7, $0x2189, v25;
	v26 =	vsel vm7, $0x18A, v26  }
0x2e: {  	v27 =	vsel vm7, $0x218A, v27;
	v28 =	vsel vm7, $0x18B, v28;
	v29 =	vsel vm7, $0x218B, v29  }
0x2f: {  	v30 =	vsel vm7, $0x18C, v30;
	v31 =	vsel vm7, $0x218C, v31;
	v32 =	vsel vm7, $0x18D, v32  }
0x30: {  	v12 =	vsel vm6, $0x180, v12;
	v34 =	vsel vm0, v6, v5;
	v4 =	vand.u32 $0xFF, v7  }
0x31: {  	[tilespmem:$0x1FEC0] =	vst v0;
	v5 =	vimm.s32 $0x20006040;
	vm0 =	vcmask $0x2B28;
	v0 =	vsel vm10, $0x1C0, v36  }
0x32: {  	[tilespmem:$0x1FEA0] =	vst v1;
	v1 =	vsel vm10, $0x1A0, v33;
	v6 =	vimm.s32 $0x604020;
	v38 =	vsel vm10, $0x160, v3  }
0x33: {  	v33 =	vimm.s32 $0x3389;
	v36 =	vimm.s32 $0x138B;
	v42 =	vsel vm8, $0x101, v42  }
0x34: {  	v18 =	vsel vm6, $0x207, v18;
	v19 =	vsel vm6, $0x2207, v19;
	v20 =	vsel vm6, $0x208, v20  }
0x35: {  	v21 =	vsel vm6, $0x2208, v21;
	v22 =	vsel vm6, $0x209, v22;
	v23 =	vsel vm6, $0x2209, v23  }
0x36: {  	v24 =	vsel vm6, $0x20A, v24;
	v25 =	vsel vm6, $0x220A, v25;
	v26 =	vsel vm6, $0x20B, v26  }
0x37: {  	v27 =	vsel vm6, $0x220B, v27;
	v28 =	vsel vm6, $0x20C, v28;
	v29 =	vsel vm6, $0x220C, v29  }
0x38: {  	v30 =	vsel vm6, $0x20D, v30;
	v31 =	vsel vm6, $0x220D, v31;
	v32 =	vsel vm6, $0x20E, v32  }
0x39: {  	v12 =	vsel vm4, $0x1A0, v12;
	v8 =	vsel vm11, v4, v35;
	v5 =	vunpack.c.0.s8.s32 v5  }
0x3a: {  	v0 =	vsel vm9, $0x1E0, v0;
	v1 =	vsel vm9, $0x1C0, v1;
	v6 =	vunpack.c.0.s8.s32 v6  }
0x3b: {  	[tilespmem:$0x1FEE0] =	vst v34;
	v15 =	vand.u32 $0xFF, v15;
	v34 =	vimm.s32 $0x138A;
	v33 =	vsel vm10, $0x200A, v33  }
0x3c: {  	v35 =	vimm.s32 $0x338A;
	v36 =	vsel vm10, $0xC, v36;
	v42 =	vsel vm7, $0x182, v42  }
0x3d: {  	v18 =	vsel vm4, $0x288, v18;
	v19 =	vsel vm4, $0x2288, v19;
	v20 =	vsel vm4, $0x289, v20  }
0x3e: {  	v21 =	vsel vm4, $0x2289, v21;
	v22 =	vsel vm4, $0x28A, v22;
	v23 =	vsel vm4, $0x228A, v23  }
0x3f: {  	v24 =	vsel vm4, $0x28B, v24;
	v25 =	vsel vm4, $0x228B, v25;
	v26 =	vsel vm4, $0x28C, v26  }
0x40: {  	v27 =	vsel vm4, $0x228C, v27;
	v28 =	vsel vm4, $0x28D, v28;
	v29 =	vsel vm4, $0x228D, v29  }
0x41: {  	v30 =	vsel vm4, $0x28E, v30;
	v31 =	vsel vm4, $0x228E, v31;
	v32 =	vsel vm4, $0x28F, v32  }
0x42: {  	v12 =	vsel vm3, $0x1C0, v12;
	v1 =	vsel vm8, $0x1E0, v1;
	v34 =	vsel vm10, $0xB, v34  }
0x43: {  	v35 =	vsel vm10, $0x200B, v35;
	v33 =	vsel vm9, $0x208B, v33;
	v36 =	vsel vm9, $0x8D, v36  }
0x44: {  	v42 =	vsel vm6, $0x203, v42;
	v18 =	vsel vm3, $0x309, v18;
	v19 =	vsel vm3, $0x2309, v19  }
0x45: {  	v20 =	vsel vm3, $0x30A, v20;
	v21 =	vsel vm3, $0x230A, v21;
	v22 =	vsel vm3, $0x30B, v22  }
0x46: {  	v23 =	vsel vm3, $0x230B, v23;
	v24 =	vsel vm3, $0x30C, v24;
	v25 =	vsel vm3, $0x230C, v25  }
0x47: {  	v26 =	vsel vm3, $0x30D, v26;
	v27 =	vsel vm3, $0x230D, v27;
	v28 =	vsel vm3, $0x30E, v28  }
0x48: {  	v29 =	vsel vm3, $0x230E, v29;
	v30 =	vsel vm3, $0x30F, v30;
	v31 =	vsel vm3, $0x230F, v31  }
0x49: {  	v32 =	vsel vm3, $0x300, v32;
	v12 =	vsel vm2, $0x1E0, v12;
	v8 =	vsel vm1, $0x100, v8  }
0x4a: {  	v9 =	vand.u32 $0xFF, v5;
	v5 =	vimm.s32 $0xA080E0C0;
	v13 =	vand.u32 $0xFF, v6  }
0x4b: {  	v34 =	vsel vm9, $0x8C, v34;
	v35 =	vsel vm9, $0x208C, v35;
	v33 =	vsel vm8, $0x210C, v33  }
0x4c: {  	v36 =	vsel vm8, $0x10E, v36;
	v42 =	vsel vm4, $0x284, v42;
	v8 =	vsel vm0, $0x120, v8  }
0x4d: {  	v5 =	vunpack.c.0.s8.s32 v5;
	v0 =	vsel vm12, v9, v0;
	vm12 =	vcmask $0x1B0C  }
0x4e: {  	v34 =	vsel vm8, $0x10D, v34;
	v35 =	vsel vm8, $0x210D, v35;
	v33 =	vsel vm7, $0x218D, v33  }
0x4f: {  	v36 =	vsel vm7, $0x18F, v36;
	v42 =	vsel vm3, $0x305, v42;
	v1 =	vsel vm12, v13, v1  }
0x50: {  	vm12 =	vcmask $0x2F20;
	v34 =	vsel vm7, $0x18E, v34;
	v35 =	vsel vm7, $0x218E, v35  }
0x51: {  	v33 =	vsel vm6, $0x220E, v33;
	v36 =	vsel vm6, $0x200, v36;
	v62 =	vsel vm2, $0x386, v42  }
0x52: {  	v7 =	vand.u32 $0xFF, v5;
	v5 =	vimm.s32 $0x80E0C0A0;
	v34 =	vsel vm6, $0x20F, v34  }
0x53: {  	v35 =	vsel vm6, $0x220F, v35;
	v33 =	vsel vm4, $0x228F, v33;
	v36 =	vsel vm4, $0x281, v36  }
0x54: {  	v5 =	vunpack.c.0.s8.s32 v5;
	v6 =	vsel vm13, v7, v0;
	v0 =	vsel vm5, v2, v37  }
0x55: {  	v2 =	vsel vm9, $0x180, v38;
	vm5 =	vcmask $0x2B1C;
	v37 =	vimm.s32 $0x338B  }
0x56: {  	v38 =	vimm.s32 $0x138C;
	v34 =	vsel vm4, $0x280, v34;
	v35 =	vsel vm4, $0x2280, v35  }
0x57: {  	v33 =	vsel vm3, $0x2300, v33;
	v36 =	vsel vm3, $0x302, v36;
	v3 =	vsel vm12, v10, v0  }
0x58: {  	v39 =	vsel vm8, $0x1A0, v2;
	vm12 =	vcmask $0x3324;
	v37 =	vsel vm10, $0x200C, v37  }
0x59: {  	v38 =	vsel vm10, $0xD, v38;
	v10 =	vsel vm6, $0x100, v10;
	v34 =	vsel vm3, $0x301, v34  }
0x5a: {  	v35 =	vsel vm3, $0x2301, v35;
	v56 =	vsel vm2, $0x383, v36;
	v6 =	vsel vm0, $0x100, v6  }
0x5b: {  	v14 =	vand.u32 $0xFF, v5;
	v5 =	vimm.s32 $0x120;
	v0 =	vsel vm7, $0x1C0, v39  }
0x5c: {  	v39 =	vimm.s32 $0x338C;
	v37 =	vsel vm9, $0x208D, v37;
	v38 =	vsel vm9, $0x8E, v38  }
0x5d: {  	v10 =	vsel vm4, $0x120, v10;
	v54 =	vsel vm2, $0x382, v34;
	v55 =	vsel vm2, $0x2382, v35  }
0x5e: {  	v40 =	vsel vm10, $0x140, v5;
	v5 =	vsel vm5, v14, v1;
	v0 =	vsel vm6, $0x1E0, v0  }
0x5f: {  	v39 =	vsel vm10, $0x200D, v39;
	v37 =	vsel vm8, $0x210E, v37;
	v38 =	vsel vm8, $0x10F, v38  }
0x60: {  	v10 =	vsel vm3, $0x140, v10;
	v2 =	vsel vm9, $0x160, v40;
	v0 =	vsel vm11, v11, v0  }
0x61: {  	vm11 =	vcmask $0x3728;
	v40 =	vimm.s32 $0x138D;
	v39 =	vsel vm9, $0x208E, v39  }
0x62: {  	v37 =	vsel vm7, $0x218F, v37;
	v38 =	vsel vm7, $0x180, v38;
	v10 =	vsel vm2, $0x160, v10  }
0x63: {  	v41 =	vsel vm8, $0x180, v2;
	v2 =	vsel vm12, v4, v0;
	v4 =	vimm.s32 $0xC0  }
0x64: {  	v40 =	vsel vm10, $0xE, v40;
	v39 =	vsel vm8, $0x210F, v39;
	v37 =	vsel vm6, $0x2200, v37  }
0x65: {  	v38 =	vsel vm6, $0x201, v38;
	v1 =	vsel vm7, $0x1A0, v41;
	v4 =	vsel vm10, $0xE0, v4  }
0x66: {  	v41 =	vimm.s32 $0x338D;
	v40 =	vsel vm9, $0x8F, v40;
	v39 =	vsel vm7, $0x2180, v39  }
0x67: {  	v37 =	vsel vm4, $0x2281, v37;
	v38 =	vsel vm4, $0x282, v38;
	v1 =	vsel vm6, $0x1C0, v1  }
0x68: {  	v46 =	vsel vm9, $0x100, v4;
	v4 =	vimm.s32 $0xA0;
	v41 =	vsel vm10, $0x200E, v41  }
0x69: {  	v40 =	vsel vm8, $0x100, v40;
	v39 =	vsel vm6, $0x2201, v39;
	v37 =	vsel vm3, $0x2302, v37  }
0x6a: {  	v38 =	vsel vm3, $0x303, v38;
	v43 =	vsel vm4, $0x1E0, v1;
	v1 =	vsel vm7, $0x180, v44  }
0x6b: {  	v4 =	vsel vm10, $0xC0, v4;
	v41 =	vsel vm9, $0x208F, v41;
	v40 =	vsel vm7, $0x181, v40  }
0x6c: {  	v39 =	vsel vm4, $0x2282, v39;
	v57 =	vsel vm2, $0x2383, v37;
	v58 =	vsel vm2, $0x384, v38  }
0x6d: {  	v0 =	vsel vm13, v9, v43;
	v1 =	vsel vm6, $0x1A0, v1;
	v4 =	vsel vm9, $0xE0, v4  }
0x6e: {  	vm13 =	vcmask $0xB00;
	v43 =	vimm.s32 $0x338E;
	v41 =	vsel vm8, $0x2100, v41  }
0x6f: {  	v40 =	vsel vm6, $0x202, v40;
	v39 =	vsel vm3, $0x2303, v39;
	v7 =	vsel vm11, v7, v0  }
0x70: {  	v45 =	vsel vm4, $0x1C0, v1;
	v1 =	vsel vm8, $0x120, v46;
	v4 =	vsel vm8, $0x100, v4  }
0x71: {  	v16 =	vnsel vm13, $0x80, v15;
	v43 =	vsel vm10, $0x200F, v43;
	v41 =	vsel vm7, $0x2181, v41  }
0x72: {  	v40 =	vsel vm4, $0x283, v40;
	v59 =	vsel vm2, $0x2384, v39;
	vm13 =	vcmask $0x3330  }
0x73: {  	v0 =	vsel vm3, $0x1E0, v45;
	v1 =	vsel vm7, $0x140, v1;
	v4 =	vsel vm7, $0x120, v4  }
0x74: {  	v16 =	vsel vm7, $0x100, v16;
	v43 =	vsel vm9, $0x2080, v43;
	v45 =	vimm.s32 $0xC0A08060  }
0x75: {  	v41 =	vsel vm6, $0x2202, v41;
	v40 =	vsel vm3, $0x304, v40;
	v3 =	vsel vm13, $0x100, v3  }
0x76: {  	v1 =	vsel vm6, $0x160, v1;
	v0 =	vsel vm5, v13, v0;
	v4 =	vsel vm6, $0x140, v4  }
0x77: {  	vm5 =	vcmask $0x2320;
	v16 =	vsel vm6, $0x120, v16;
	v43 =	vsel vm8, $0x2101, v43  }
0x78: {  	v45 =	vunpack.c.0.s8.s32 v45;
	v41 =	vsel vm4, $0x2283, v41;
	v60 =	vsel vm2, $0x385, v40  }
0x79: {  	v1 =	vsel vm4, $0x180, v1;
	v4 =	vsel vm4, $0x160, v4;
	v16 =	vsel vm4, $0x140, v16  }
0x7a: {  	v43 =	vsel vm7, $0x2182, v43;
	v41 =	vsel vm3, $0x2304, v41;
	v34 =	vsel vm5, $0x1004, v56  }
0x7b: {  	v35 =	vsel vm5, $0x3004, v57;
	v36 =	vsel vm5, $0x1005, v58;
	v37 =	vsel vm5, $0x3005, v59  }
0x7c: {  	v38 =	vsel vm5, $0x1006, v60;
	v40 =	vsel vm5, $0x1007, v62;
	v1 =	vsel vm3, $0x1A0, v1  }
0x7d: {  	v4 =	vsel vm3, $0x180, v4;
	v45 =	vand.u32 $0xFF, v45;
	v43 =	vsel vm6, $0x2203, v43  }
0x7e: {  	v61 =	vsel vm2, $0x2385, v41;
	v34 =	vsel vm1, $0x1085, v34;
	v35 =	vsel vm1, $0x3085, v35  }
0x7f: {  	v36 =	vsel vm1, $0x1086, v36;
	v37 =	vsel vm1, $0x3086, v37;
	v38 =	vsel vm1, $0x1087, v38  }
0x80: {  	v40 =	vsel vm1, $0x1088, v40;
	v1 =	vsel vm2, $0x1C0, v1;
	v17 =	vsel vm2, $0x1A0, v4  }
0x81: {  	v45 =	vsel vm6, $0xE0, v45;
	v43 =	vsel vm4, $0x2284, v43;
	v39 =	vsel vm5, $0x3006, v61  }
0x82: {  	v34 =	vsel vm0, $0x1106, v34;
	v35 =	vsel vm0, $0x3106, v35;
	v36 =	vsel vm0, $0x1107, v36  }
0x83: {  	v37 =	vsel vm0, $0x3107, v37;
	v38 =	vsel vm0, $0x1108, v38;
	v40 =	vsel vm0, $0x1109, v40  }
0x84: {  	v1 =	vsel vm5, $0x1E0, v1;
	v47 =	vsel vm5, $0x1C0, v17;
	v17 =	vimm.s32 $0x80604020  }
0x85: {  	v45 =	vsel vm4, $0x100, v45;
	v43 =	vsel vm3, $0x2305, v43;
	v39 =	vsel vm1, $0x3087, v39  }
0x86: {  	v4 =	vsel vm12, v11, v1;
	v11 =	vsel vm3, $0x160, v16;
	vm12 =	vcmask $0x3B2C  }
0x87: {  	v1 =	vsel vm1, $0x1E0, v47;
	v16 =	vimm.s32 $0xA0806040;
	v17 =	vunpack.c.0.s8.s32 v17  }
0x88: {  	v63 =	vsel vm2, $0x2386, v43;
	v39 =	vsel vm0, $0x3108, v39;
	v11 =	vsel vm2, $0x180, v11  }
0x89: {  	v16 =	vunpack.c.0.s8.s32 v16;
	v0 =	vsel vm12, v14, v0;
	v9 =	vsel vm11, v9, v1  }
0x8a: {  	v14 =	vimm.s32 $0x338F;
	v41 =	vsel vm5, $0x3007, v63;
	v11 =	vsel vm5, $0x1A0, v11  }
0x8b: {  	v53 =	vsel vm10, $0x2000, v14;
	v14 =	vimm.s32 $0x1380;
	v41 =	vsel vm1, $0x3088, v41  }
0x8c: {  	v11 =	vsel vm1, $0x1C0, v11;
	v49 =	vand.u32 $0xFF, v16;
	v16 =	vimm.s32 $0x1381  }
0x8d: {  	v14 =	vsel vm10, $0x1, v14;
	v1 =	vsel vm9, $0x2081, v53;
	v41 =	vsel vm0, $0x3109, v41  }
0x8e: {  	v48 =	vsel vm0, $0x1E0, v11;
	v11 =	vand.u32 $0xFF, v17;
	v16 =	vsel vm10, $0x2, v16  }
0x8f: {  	v17 =	vimm.s32 $0x3381;
	v14 =	vsel vm9, $0x82, v14;
	v1 =	vsel vm8, $0x2102, v1  }
0x90: {  	[tilespmem:$0x1FE30] =	vst v0;
	v0 =	vsel vm12, v13, v48;
	v13 =	vnsel vm14, $0x20, v49;
	v50 =	vnsel vm14, $0x0, v11  }
0x91: {  	v17 =	vsel vm10, $0x2002, v17;
	v16 =	vsel vm9, $0x83, v16;
	v14 =	vsel vm8, $0x103, v14  }
0x92: {  	v1 =	vsel vm7, $0x2183, v1;
	v48 =	vsel vm3, $0x120, v45;
	vm12 =	vcmask $0x2F2C  }
0x93: {  	vm14 =	vcmask $0x3734;
	v11 =	vsel vm15, v15, v50;
	v15 =	vimm.s32 $0x3380  }
0x94: {  	[tilespmem:$0x1FE40] =	vst v0;
	v0 =	vsel vm9, $0x81, v52;
	v17 =	vsel vm9, $0x2083, v17;
	v16 =	vsel vm8, $0x104, v16  }
0x95: {  	v14 =	vsel vm7, $0x184, v14;
	v13 =	vsel vm6, $0xC0, v13;
	v1 =	vsel vm6, $0x2204, v1  }
0x96: {  	[tilespmem:$0x1FED0] =	vst v10;
	v10 =	vsel vm2, $0x140, v48;
	v8 =	vsel vm12, $0x140, v8;
	v6 =	vsel vm12, $0x120, v6  }
0x97: {  	v5 =	vsel vm12, $0x100, v5;
	v34 =	vsel vm12, $0x1187, v34;
	v35 =	vsel vm12, $0x3187, v35  }
0x98: {  	v36 =	vsel vm12, $0x1188, v36;
	v37 =	vsel vm12, $0x3188, v37;
	v38 =	vsel vm12, $0x1189, v38  }
0x99: {  	v39 =	vsel vm12, $0x3189, v39;
	v40 =	vsel vm12, $0x118A, v40;
	v41 =	vsel vm12, $0x318A, v41  }
0x9a: {  	v3 =	vsel vm14, $0x120, v3;
	v2 =	vsel vm14, $0x100, v2;
	v42 =	vsel vm14, $0x80, v4  }
0x9b: {  	vm15 =	vcmask $0x3B38;
	v15 =	vsel vm10, $0x2001, v15;
	v0 =	vsel vm8, $0x102, v0  }
0x9c: {  	v17 =	vsel vm8, $0x2104, v17;
	v16 =	vsel vm7, $0x185, v16;
	v14 =	vsel vm6, $0x205, v14  }
0x9d: {  	v13 =	vsel vm4, $0xE0, v13;
	v1 =	vsel vm4, $0x2285, v1;
	v11 =	vsel vm2, $0x100, v11  }
0x9e: {  	v8 =	vsel vm13, $0x160, v8;
	v6 =	vsel vm13, $0x140, v6;
	v5 =	vsel vm13, $0x120, v5  }
0x9f: {  	v34 =	vsel vm13, $0x1208, v34;
	v35 =	vsel vm13, $0x3208, v35;
	v36 =	vsel vm13, $0x1209, v36  }
0xa0: {  	v37 =	vsel vm13, $0x3209, v37;
	v38 =	vsel vm13, $0x120A, v38;
	v39 =	vsel vm13, $0x320A, v39  }
0xa1: {  	v40 =	vsel vm13, $0x120B, v40;
	v41 =	vsel vm13, $0x320B, v41;
	v3 =	vsel vm15, $0x140, v3  }
0xa2: {  	v15 =	vsel vm9, $0x2082, v15;
	v0 =	vsel vm7, $0x183, v0;
	v17 =	vsel vm7, $0x2185, v17  }
0xa3: {  	v16 =	vsel vm6, $0x206, v16;
	v14 =	vsel vm4, $0x286, v14;
	v13 =	vsel vm3, $0x100, v13  }
0xa4: {  	v1 =	vsel vm3, $0x2306, v1;
	v11 =	vsel vm5, $0x120, v11;
	v8 =	vsel vm14, $0x180, v8  }
0xa5: {  	v6 =	vsel vm14, $0x160, v6;
	v5 =	vsel vm14, $0x140, v5;
	v38 =	vsel vm14, $0x128B, v38  }
0xa6: {  	v15 =	vsel vm8, $0x2103, v15;
	v0 =	vsel vm6, $0x204, v0;
	v17 =	vsel vm6, $0x2206, v17  }
0xa7: {  	[tilespmem:$0x1FEF0] =	vst v10;
	v16 =	vsel vm4, $0x287, v16;
	v14 =	vsel vm3, $0x307, v14;
	v10 =	vsel vm2, $0x120, v13  }
0xa8: {  	v1 =	vsel vm2, $0x2387, v1;
	v11 =	vsel vm1, $0x140, v11;
	v8 =	vsel vm15, $0x1A0, v8  }
0xa9: {  	v15 =	vsel vm7, $0x2184, v15;
	v0 =	vsel vm4, $0x285, v0;
	v17 =	vsel vm4, $0x2287, v17  }
0xaa: {  	[tilespmem:$0x1FEB0] =	vst v12;
	v16 =	vsel vm3, $0x308, v16;
	v12 =	vsel vm2, $0x388, v14;
	v10 =	vsel vm5, $0x140, v10  }
0xab: {  	v1 =	vsel vm5, $0x3008, v1;
	v11 =	vsel vm0, $0x160, v11;
	v15 =	vsel vm6, $0x2205, v15  }
0xac: {  	v0 =	vsel vm3, $0x306, v0;
	v17 =	vsel vm3, $0x2308, v17;
	v14 =	vsel vm2, $0x389, v16  }
0xad: {  	v16 =	vsel vm2, $0x38A, v18;
	v18 =	vsel vm2, $0x38B, v20;
	v20 =	vsel vm2, $0x38C, v22  }
0xae: {  	v22 =	vsel vm2, $0x38D, v24;
	v24 =	vsel vm2, $0x38E, v26;
	v26 =	vsel vm2, $0x38F, v28  }
0xaf: {  	v28 =	vsel vm2, $0x380, v30;
	v30 =	vsel vm2, $0x381, v32;
	v12 =	vsel vm5, $0x1009, v12  }
0xb0: {  	v32 =	vsel vm5, $0x1003, v54;
	v10 =	vsel vm1, $0x160, v10;
	v1 =	vsel vm1, $0x3089, v1  }
0xb1: {  	v11 =	vsel vm12, $0x180, v11;
	v15 =	vsel vm4, $0x2286, v15;
	v0 =	vsel vm2, $0x387, v0  }
0xb2: {  	v14 =	vsel vm5, $0x100A, v14;
	v16 =	vsel vm5, $0x100B, v16;
	v18 =	vsel vm5, $0x100C, v18  }
0xb3: {  	v20 =	vsel vm5, $0x100D, v20;
	v22 =	vsel vm5, $0x100E, v22;
	v24 =	vsel vm5, $0x100F, v24  }
0xb4: {  	v26 =	vsel vm5, $0x1000, v26;
	v28 =	vsel vm5, $0x1001, v28;
	v30 =	vsel vm5, $0x1002, v30  }
0xb5: {  	v12 =	vsel vm1, $0x108A, v12;
	v32 =	vsel vm1, $0x1084, v32;
	v10 =	vsel vm0, $0x180, v10  }
0xb6: {  	v1 =	vsel vm0, $0x310A, v1;
	v11 =	vsel vm13, $0x1A0, v11;
	v15 =	vsel vm3, $0x2307, v15  }
0xb7: {  	v0 =	vsel vm5, $0x1008, v0;
	v14 =	vsel vm1, $0x108B, v14;
	v16 =	vsel vm1, $0x108C, v16  }
0xb8: {  	v18 =	vsel vm1, $0x108D, v18;
	v20 =	vsel vm1, $0x108E, v20;
	v22 =	vsel vm1, $0x108F, v22  }
0xb9: {  	v24 =	vsel vm1, $0x1080, v24;
	v26 =	vsel vm1, $0x1081, v26;
	v28 =	vsel vm1, $0x1082, v28  }
0xba: {  	v30 =	vsel vm1, $0x1083, v30;
	v12 =	vsel vm0, $0x110B, v12;
	v32 =	vsel vm0, $0x1105, v32  }
0xbb: {  	v10 =	vsel vm12, $0x1A0, v10;
	v1 =	vsel vm12, $0x318B, v1;
	v11 =	vsel vm14, $0x1C0, v11  }
0xbc: {  	v13 =	vsel vm2, $0x2388, v15;
	v15 =	vsel vm2, $0x2389, v17;
	v17 =	vsel vm2, $0x238A, v19  }
0xbd: {  	v19 =	vsel vm2, $0x238B, v21;
	v21 =	vsel vm2, $0x238C, v23;
	v23 =	vsel vm2, $0x238D, v25  }
0xbe: {  	v25 =	vsel vm2, $0x238E, v27;
	v27 =	vsel vm2, $0x238F, v29;
	v29 =	vsel vm2, $0x2380, v31  }
0xbf: {  	v31 =	vsel vm2, $0x2381, v33;
	v33 =	vsel vm5, $0x3003, v55;
	v0 =	vsel vm1, $0x1089, v0  }
0xc0: {  	v14 =	vsel vm0, $0x110C, v14;
	v16 =	vsel vm0, $0x110D, v16;
	v18 =	vsel vm0, $0x110E, v18  }
0xc1: {  	v20 =	vsel vm0, $0x110F, v20;
	v22 =	vsel vm0, $0x1100, v22;
	v24 =	vsel vm0, $0x1101, v24  }
0xc2: {  	v26 =	vsel vm0, $0x1102, v26;
	v28 =	vsel vm0, $0x1103, v28;
	v30 =	vsel vm0, $0x1104, v30  }
0xc3: {  	v12 =	vsel vm12, $0x118C, v12;
	v32 =	vsel vm12, $0x1186, v32;
	v10 =	vsel vm13, $0x1C0, v10  }
0xc4: {  	v1 =	vsel vm13, $0x320C, v1;
	v13 =	vsel vm5, $0x3009, v13;
	v15 =	vsel vm5, $0x300A, v15  }
0xc5: {  	v17 =	vsel vm5, $0x300B, v17;
	v19 =	vsel vm5, $0x300C, v19;
	v21 =	vsel vm5, $0x300D, v21  }
0xc6: {  	v23 =	vsel vm5, $0x300E, v23;
	v25 =	vsel vm5, $0x300F, v25;
	v27 =	vsel vm5, $0x3000, v27  }
0xc7: {  	v29 =	vsel vm5, $0x3001, v29;
	v31 =	vsel vm5, $0x3002, v31;
	v33 =	vsel vm1, $0x3084, v33  }
0xc8: {  	v0 =	vsel vm0, $0x110A, v0;
	v14 =	vsel vm12, $0x118D, v14;
	v16 =	vsel vm12, $0x118E, v16  }
0xc9: {  	v18 =	vsel vm12, $0x118F, v18;
	v20 =	vsel vm12, $0x1180, v20;
	v22 =	vsel vm12, $0x1181, v22  }
0xca: {  	v24 =	vsel vm12, $0x1182, v24;
	v26 =	vsel vm12, $0x1183, v26;
	v28 =	vsel vm12, $0x1184, v28  }
0xcb: {  	v30 =	vsel vm12, $0x1185, v30;
	v12 =	vsel vm13, $0x120D, v12;
	v32 =	vsel vm13, $0x1207, v32  }
0xcc: {  	v10 =	vsel vm14, $0x1E0, v10;
	v1 =	vsel vm14, $0x328D, v1;
	v13 =	vsel vm1, $0x308A, v13  }
0xcd: {  	v15 =	vsel vm1, $0x308B, v15;
	v17 =	vsel vm1, $0x308C, v17;
	v19 =	vsel vm1, $0x308D, v19  }
0xce: {  	v21 =	vsel vm1, $0x308E, v21;
	v23 =	vsel vm1, $0x308F, v23;
	v25 =	vsel vm1, $0x3080, v25  }
0xcf: {  	v27 =	vsel vm1, $0x3081, v27;
	v29 =	vsel vm1, $0x3082, v29;
	v31 =	vsel vm1, $0x3083, v31  }
0xd0: {  	v33 =	vsel vm0, $0x3105, v33;
	v0 =	vsel vm12, $0x118B, v0;
	v14 =	vsel vm13, $0x120E, v14  }
0xd1: {  	v16 =	vsel vm13, $0x120F, v16;
	v18 =	vsel vm13, $0x1200, v18;
	v20 =	vsel vm13, $0x1201, v20  }
0xd2: {  	v22 =	vsel vm13, $0x1202, v22;
	v24 =	vsel vm13, $0x1203, v24;
	v26 =	vsel vm13, $0x1204, v26  }
0xd3: {  	v28 =	vsel vm13, $0x1205, v28;
	v30 =	vsel vm13, $0x1206, v30;
	v43 =	vsel vm14, $0x128E, v12  }
0xd4: {  	v49 =	vsel vm14, $0x1288, v32;
	v32 =	vsel vm15, $0x100, v7;
	v7 =	vsel vm15, $0x0, v10  }
0xd5: {  	v13 =	vsel vm0, $0x310B, v13;
	v15 =	vsel vm0, $0x310C, v15;
	v17 =	vsel vm0, $0x310D, v17  }
0xd6: {  	v19 =	vsel vm0, $0x310E, v19;
	v21 =	vsel vm0, $0x310F, v21;
	v23 =	vsel vm0, $0x3100, v23  }
0xd7: {  	v25 =	vsel vm0, $0x3101, v25;
	v27 =	vsel vm0, $0x3102, v27;
	v29 =	vsel vm0, $0x3103, v29  }
0xd8: {  	v31 =	vsel vm0, $0x3104, v31;
	v33 =	vsel vm12, $0x3186, v33;
	v0 =	vsel vm13, $0x120C, v0  }
0xd9: {  	v51 =	vsel vm14, $0x128F, v14;
	v53 =	vsel vm14, $0x1280, v16;
	v55 =	vsel vm14, $0x1281, v18  }
0xda: {  	v57 =	vsel vm14, $0x1282, v20;
	v16 =	vsel vm14, $0x1284, v24;
	v63 =	vsel vm14, $0x1285, v26  }
0xdb: {  	v45 =	vsel vm14, $0x1286, v28;
	v10 =	vsel vm15, $0x1309, v49;
	v13 =	vsel vm12, $0x318C, v13  }
0xdc: {  	v15 =	vsel vm12, $0x318D, v15;
	v17 =	vsel vm12, $0x318E, v17;
	v19 =	vsel vm12, $0x318F, v19  }
0xdd: {  	v21 =	vsel vm12, $0x3180, v21;
	v23 =	vsel vm12, $0x3181, v23;
	v25 =	vsel vm12, $0x3182, v25  }
0xde: {  	v27 =	vsel vm12, $0x3183, v27;
	v29 =	vsel vm12, $0x3184, v29;
	v31 =	vsel vm12, $0x3185, v31  }
0xdf: {  	v33 =	vsel vm13, $0x3207, v33;
	v0 =	vsel vm14, $0x128D, v0;
	v48 =	vsel vm15, $0x1301, v53  }
0xe0: {  	v14 =	vsel vm15, $0x1302, v55;
	v13 =	vsel vm13, $0x320D, v13;
	v4 =	vsel vm14, $0x3288, v33  }
0xe1: {  	v15 =	vsel vm13, $0x320E, v15;
	v17 =	vsel vm13, $0x320F, v17;
	[tilespmem:$0x1FE50] =	vst v4;
	v4 =	vsel vm14, $0x1289, v34  }
0xe2: {  	v19 =	vsel vm13, $0x3200, v19;
	v23 =	vsel vm13, $0x3202, v23;
	[tilespmem:$0x1FE60] =	vst v4;
	v4 =	vsel vm14, $0x3289, v35  }
0xe3: {  	v25 =	vsel vm13, $0x3203, v25;
	v29 =	vsel vm13, $0x3205, v29;
	[tilespmem:$0x1FE70] =	vst v4;
	v4 =	vsel vm14, $0x128A, v36  }
0xe4: {  	s5 =	rddreg [dreg:$0x0];
	s4 =	simm.s32 $0x0;
	v31 =	vsel vm13, $0x3206, v31;
	v50 =	vsel vm14, $0x328E, v13;
	[tilespmem:$0x1FE80] =	vst v4;
	v4 =	vsel vm14, $0x328A, v37  }
0xe5: {  	[smem:$0x7FF] =	sst s4;
	v52 =	vsel vm14, $0x328F, v15;
	v54 =	vsel vm14, $0x3280, v17;
	v56 =	vsel vm14, $0x3281, v19;
	[tilespmem:$0x1FE90] =	vst v4  }
0xe6: {  	s2 =	rddreg [dreg:$0x1];
	v13 =	vsel vm14, $0x1283, v22;
	v47 =	vsel vm14, $0x3283, v23;
	v59 =	vsel vm15, $0x3302, v56;
	v56 =	vld [tilespmem:$0x1FE30];
	_ =	strace $0x8000004A  }
0xe7: {  	v36 =	vsel vm14, $0x328C, v41;
	v4 =	vsel vm15, $0x180, v6;
	v6 =	vsel vm15, $0x1E0, v11;
	v41 =	vld [tilespmem:$0x1FE50]  }
0xe8: {  	v46 =	vsel vm14, $0x3286, v29;
	v29 =	vsel vm15, $0x120, v2;
	v11 =	vsel vm15, $0x130F, v43;
	[tilespmem:$0x1FF40] =	vst v6;
	v43 =	vld [tilespmem:$0x1FE70]  }
0xe9: {  	s12 =	simm.s32 $0x200;
	v17 =	vsel vm14, $0x3284, v25;
	v26 =	vsel vm14, $0x3287, v31;
	v15 =	vsel vm15, $0x1307, v45;
	[tilespmem:$0x1FF50] =	vst v29;
	v45 =	vld [tilespmem:$0x1FE90]  }
0xea: {  	s13 =	simm.s32 $0x6400;
	v31 =	vsel vm14, $0x328B, v39;
	v22 =	vsel vm15, $0xA0, v42;
	v35 =	vsel vm15, $0x3307, v46;
	[tilespmem:$0x1FF70] =	vst v7;
	v46 =	vld [tilespmem:$0x1FEA0]  }
0xeb: {  	s14 =	simm.s32 $0xA400;
	v23 =	vsel vm15, $0x160, v5;
	v5 =	vsel vm15, $0x80, v9;
	v25 =	vsel vm15, $0x330F, v50;
	[tilespmem:$0x1FF80] =	vst v22;
	v50 =	vld [tilespmem:$0x1FEC0]  }
0xec: {  	s16 =	simm.s32 $0xE400;
	v28 =	vsel vm15, $0x3301, v54;
	v60 =	vsel vm15, $0x1304, v13;
	v13 =	vsel vm15, $0x330C, v31;
	[tilespmem:$0x1FF90] =	vst v5;
	v54 =	vld [tilespmem:$0x1FEE0]  }
0xed: {  	s17 =	simm.s32 $0xF400;
	v57 =	vsel vm15, $0x1303, v57;
	v33 =	vsel vm14, $0x128C, v40;
	v53 =	vmovc v8;
	v34 =	vsel vm15, $0x1306, v63;
	[tilespmem:$0x1FFA0] =	vst v13;
	v63 =	vld [tilespmem:$0x1FEF0]  }
0xee: {  	s0 =	srdreg.scid;
	s1 =	stileid.u32;
	s18 =	simm.s32 $0x10400;
	v24 =	vsel vm15, $0x3300, v52;
	v12 =	vsel vm15, $0x3305, v17;
	v17 =	vsel vm15, $0x130D, v33;
	[tilespmem:$0x1FFB0] =	vst v53;
	v52 =	vld [tilespmem:$0x1FED0]  }
0xef: {  	s19 =	simm.s32 $0x11400;
	s0 =	sand.u32 $0x1, s0;
	s1 =	sshll.u32 s1, $0x1;
	v61 =	vsel vm15, $0x1305, v16;
	v62 =	vsel vm15, $0x3304, v47;
	v47 =	vsel vm15, $0x130C, v38;
	[tilespmem:$0x1FFC0] =	vst v17;
	v49 =	vld [tilespmem:$0x1FEB0]  }
0xf0: {  	s21 =	simm.s32 $0x12400;
	s22 =	simm.s32 $0x13400;
	s1 =	sor.u32 s0, s1;
	v21 =	vsel vm13, $0x3201, v21;
	v27 =	vsel vm13, $0x3204, v27;
	v18 =	vsel vm15, $0x130E, v0;
	[tilespmem:$0x1FFD0] =	vst v47  }
0xf1: {  	s15 =	simm.s32 $0x1;
	s20 =	simm.s32 $0x2;
	s3 =	smul.u32 $0x6400, s1;
	v44 =	vsel vm14, $0x3285, v27;
	v37 =	vsel vm15, $0x3308, v26;
	v26 =	vmovc v4;
	v4 =	vsel vm15, $0x330D, v36;
	[tilespmem:$0x1FFF0] =	vst v32;
	v42 =	vld [tilespmem:$0x1FE60]  }
0xf2: {  	s23 =	simm.s32 $0x14400;
	s24 =	simm.s32 $0x15400;
	s25 =	simm.s32 $0x3;
	v27 =	vsel vm14, $0x1287, v30;
	v30 =	vsel vm15, $0x3306, v44;
	v44 =	vld [tilespmem:$0x1FE80];
	[tilespmem:$0x1FF00] =	vst v4;
	v16 =	vcombine.low v63, v54  }
0xf3: {  	s7 =	sadd.s32 $0x4000, s2;
	s0 =	ssub.s32 $0x2, s0;
	s1 =	sshrl.u32 s3, $0x3;
	v55 =	vmovc v18;
	[tilespmem:$0x1FFE0] =	vst v26;
	v39 =	vsel vm15, $0x3309, v41;
	v41 =	vsel vm15, $0x330A, v43;
	v18 =	vcombine.low v52, v50  }
0xf4: {  	s8 =	sadd.s32 $0x8000, s2;
	s6 =	sshrl.u32 s0, $0x1;
	s1 =	sadd.s32 s1, s5;
	v43 =	vsel vm15, $0x330B, v45;
	v8 =	vcombine.low v49, v46;
	v45 =	vlaneseq.u32;
	[tilespmem:$0x1FF20] =	vst v16  }
0xf5: {  	s26 =	simm.s32 $0x4;
	s0 =	ssub.s32 s0, s6;
	s1 =	sadd.s32 $0x3D1400, s1;
	v58 =	vsel vm14, $0x3282, v21;
	v19 =	vsel vm15, $0x330E, v1;
	v54 =	vmul.u32 $0x20, v45;
	[tilespmem:$0x1FF30] =	vst v18  }
0xf6: {  	s9 =	sadd.s32 $0xC000, s2;
	s0 =	smax.u32 s0, $0x1;
	v9 =	vsel vm15, $0x1300, v51;
	v21 =	vsel vm15, $0x3303, v58;
	v20 =	vsel vm15, $0x1308, v27;
	[dreg:$0x3] =	wrdreg s1;
	[tilespmem:$0x1FF60] =	vst v8  }
0xf7: {  	s28 =	simm.s32 $0x0;
	s5 =	sadd.s32 $0xA00, s5;
	v51 =	vmovc v19;
	v27 =	vmovc v3;
	[dreg:$0x4] =	wrdreg s0;
	v58 =	vld [tilespmem:$0x1FE40];
	v19 =	vsel vm15, $0x130A, v42;
	v42 =	vsel vm15, $0x130B, v44;
	v49 =	vor.u32 $0x10, v45;
	[tilespmem:$0x1FF10] =	vst v54  }
.LBB2_1:
0xf8: {  	s0 =	rddreg [dreg:$0x3];
	s31 =	simm.s32 $0x5  }
0xf9: {  	[tilespmem:s4], [sflag:$0x5] =	stream.linear.gather [hbm4b:s0+s4], $0x6400, $0x38;
	[tilespmem:$0x16400] =	vst v63  }
0xfa: {  	_ =	swait.ge [sflag:s31], $0x6400  }
0xfb: {  	[sflag:s31] =	ssyncset.done $0x0  }
0xfc: {  	s29 =	simm.s32 $0x0;
	[sflag:s31] =	ssyncadd.s32 $0xFFFF9C00  }
0xfd: {  	[tilespmem:s13], [sflag:$0x1] =	stream.indirect.gather [hbm4b:s5+s12], $0x20, s4, s12, $0xb8;
	[tilespmem:$0x16400] =	vst v63  }
.LBB2_2:
0xfe: {  	s0 =	sshllo.u32 s29, $0x1  }
0xff: {  	s10 =	simm.s32 $0x0;
	p0 =	seq.s32 s29, $0x0;
	s30 =	sshll.u32 s0, $0x9  }
0x100: {  	v0 =	vmov s10;
	s1 =	simm.s32 @!p0 $0x3;
	s0 =	sand.u32 $0x3FFFFE00, s30  }
0x101: {  	v50 =	vshll.u32 v0, $0x5;
	[tilespmem:s14], [sflag:$0x2] =	stream.indirect.gather [hbm4b:s5+s12], $0x20, s0, s12, $0xb8;
	[tilespmem:$0x16400] =	vst v63  }
0x102: {  	v0 =	vor.u32 v54, v50;
	_ =	swait.ge @!p0 [sflag:s1], $0x4000  }
0x103: {  	v1 =	vor.u32 v45, v0;
	[sflag:s1] =	ssyncset.done @!p0 $0x0  }
0x104: {  	v0 =	vor.u32 v49, v0;
	[sflag:s1] =	ssyncadd.s32 @!p0 $0xFFFFC000  }
0x105: {  	_ =	swait.ge [sflag:s15], $0x4000  }
0x106: {  	s11 =	sand.u32 $0xC00, s10;
	s0 =	sand.u32 $0x70, s10;
	[sflag:s15] =	ssyncset.done $0x0  }
0x107: {  	s0 =	sor.u32 s0, s11;
	[sflag:s15] =	ssyncadd.s32 $0xFFFFC000  }
0x108: {  	v2 =	vor.u32 s0, v55;
	v1 =	vld.idx.msk [tilespmem:v1+s13+$0x0], $0xffff  }
0x109: {  	v3 =	vor.u32 v6, v50;
	v33 =	vor.u32 s0, v51;
	v0 =	vld.idx.msk [tilespmem:v0+s13+$0x0], $0xffff  }
0x10a: {  	v52 =	vor.u32 v45, v3  }
0x10b: {  	v3 =	vor.u32 v49, v3;
	_ =	sdelay $0x1  }
0x10c: {  	[tilespmem:v2+s16+$0x0] =	vst.idx.msk $0xffff, v1  }
0x10d: {  	[tilespmem:v33+s16+$0x0] =	vst.idx.msk $0xffff, v0  }
0x10e: {  	v1 =	vor.u32 s0, v11;
	v0 =	vld.idx.msk [tilespmem:v52+s13+$0x0], $0xffff  }
0x10f: {  	v36 =	vor.u32 s0, v25;
	v2 =	vor.u32 v7, v50;
	v3 =	vld.idx.msk [tilespmem:v3+s13+$0x0], $0xffff  }
0x110: {  	v38 =	vor.u32 v45, v2  }
0x111: {  	v2 =	vor.u32 v49, v2;
	_ =	sdelay $0x1  }
0x112: {  	[tilespmem:v1+s16+$0x0] =	vst.idx.msk $0xffff, v0  }
0x113: {  	[tilespmem:v36+s16+$0x0] =	vst.idx.msk $0xffff, v3  }
0x114: {  	v1 =	vor.u32 s0, v9;
	v0 =	vld.idx.msk [tilespmem:v38+s13+$0x0], $0xffff  }
0x115: {  	v40 =	vor.u32 s0, v24;
	v3 =	vor.u32 v16, v50;
	v2 =	vld.idx.msk [tilespmem:v2+s13+$0x0], $0xffff  }
0x116: {  	v44 =	vor.u32 v45, v3  }
0x117: {  	v3 =	vor.u32 v49, v3;
	_ =	sdelay $0x1  }
0x118: {  	[tilespmem:v1+s16+$0x0] =	vst.idx.msk $0xffff, v0  }
0x119: {  	[tilespmem:v40+s16+$0x0] =	vst.idx.msk $0xffff, v2  }
0x11a: {  	v1 =	vor.u32 s0, v48;
	v0 =	vld.idx.msk [tilespmem:v44+s13+$0x0], $0xffff  }
0x11b: {  	v46 =	vor.u32 s0, v28;
	v2 =	vor.u32 v18, v50;
	v3 =	vld.idx.msk [tilespmem:v3+s13+$0x0], $0xffff  }
0x11c: {  	v63 =	vor.u32 v45, v2  }
0x11d: {  	v2 =	vor.u32 v49, v2;
	_ =	sdelay $0x1  }
0x11e: {  	[tilespmem:v1+s16+$0x0] =	vst.idx.msk $0xffff, v0  }
0x11f: {  	[tilespmem:v46+s16+$0x0] =	vst.idx.msk $0xffff, v3  }
0x120: {  	v1 =	vor.u32 s0, v14;
	v0 =	vld.idx.msk [tilespmem:v63+s13+$0x0], $0xffff  }
0x121: {  	v33 =	vor.u32 s0, v59;
	v3 =	vor.u32 v58, v50;
	v2 =	vld.idx.msk [tilespmem:v2+s13+$0x0], $0xffff  }
0x122: {  	v36 =	vor.u32 v45, v3  }
0x123: {  	v3 =	vor.u32 v49, v3;
	_ =	sdelay $0x1  }
0x124: {  	[tilespmem:v1+s16+$0x0] =	vst.idx.msk $0xffff, v0  }
0x125: {  	[tilespmem:v33+s16+$0x0] =	vst.idx.msk $0xffff, v2  }
0x126: {  	v1 =	vor.u32 s0, v57;
	v0 =	vld.idx.msk [tilespmem:v36+s13+$0x0], $0xffff  }
0x127: {  	v38 =	vor.u32 s0, v21;
	v2 =	vor.u32 v5, v50;
	v3 =	vld.idx.msk [tilespmem:v3+s13+$0x0], $0xffff  }
0x128: {  	v40 =	vor.u32 v45, v2  }
0x129: {  	v2 =	vor.u32 v49, v2;
	_ =	sdelay $0x1  }
0x12a: {  	[tilespmem:v1+s16+$0x0] =	vst.idx.msk $0xffff, v0  }
0x12b: {  	[tilespmem:v38+s16+$0x0] =	vst.idx.msk $0xffff, v3  }
0x12c: {  	v1 =	vor.u32 s0, v60;
	v0 =	vld.idx.msk [tilespmem:v40+s13+$0x0], $0xffff  }
0x12d: {  	v44 =	vor.u32 s0, v62;
	v3 =	vor.u32 v22, v50;
	v2 =	vld.idx.msk [tilespmem:v2+s13+$0x0], $0xffff  }
0x12e: {  	v46 =	vor.u32 v45, v3  }
0x12f: {  	v3 =	vor.u32 v49, v3;
	_ =	sdelay $0x1  }
0x130: {  	[tilespmem:v1+s16+$0x0] =	vst.idx.msk $0xffff, v0  }
0x131: {  	[tilespmem:v44+s16+$0x0] =	vst.idx.msk $0xffff, v2  }
0x132: {  	v1 =	vor.u32 s0, v61;
	v0 =	vld.idx.msk [tilespmem:v46+s13+$0x0], $0xffff  }
0x133: {  	v63 =	vor.u32 s0, v12;
	v2 =	vor.u32 v8, v50;
	v3 =	vld.idx.msk [tilespmem:v3+s13+$0x0], $0xffff  }
0x134: {  	v33 =	vor.u32 v45, v2  }
0x135: {  	v2 =	vor.u32 v49, v2;
	_ =	sdelay $0x1  }
0x136: {  	[tilespmem:v1+s16+$0x0] =	vst.idx.msk $0xffff, v0  }
0x137: {  	[tilespmem:v63+s16+$0x0] =	vst.idx.msk $0xffff, v3  }
0x138: {  	v1 =	vor.u32 s0, v34;
	v0 =	vld.idx.msk [tilespmem:v33+s13+$0x0], $0xffff  }
0x139: {  	v36 =	vor.u32 s0, v30;
	v3 =	vor.u32 v56, v50;
	v2 =	vld.idx.msk [tilespmem:v2+s13+$0x0], $0xffff  }
0x13a: {  	v38 =	vor.u32 v45, v3  }
0x13b: {  	v3 =	vor.u32 v49, v3;
	_ =	sdelay $0x1  }
0x13c: {  	[tilespmem:v1+s16+$0x0] =	vst.idx.msk $0xffff, v0  }
0x13d: {  	[tilespmem:v36+s16+$0x0] =	vst.idx.msk $0xffff, v2  }
0x13e: {  	v1 =	vor.u32 s0, v15;
	v0 =	vld.idx.msk [tilespmem:v38+s13+$0x0], $0xffff  }
0x13f: {  	v40 =	vor.u32 s0, v35;
	v2 =	vor.u32 v32, v50;
	v3 =	vld.idx.msk [tilespmem:v3+s13+$0x0], $0xffff  }
0x140: {  	v44 =	vor.u32 v45, v2  }
0x141: {  	v2 =	vor.u32 v49, v2;
	_ =	sdelay $0x1  }
0x142: {  	[tilespmem:v1+s16+$0x0] =	vst.idx.msk $0xffff, v0  }
0x143: {  	[tilespmem:v40+s16+$0x0] =	vst.idx.msk $0xffff, v3  }
0x144: {  	v1 =	vor.u32 s0, v20;
	v0 =	vld.idx.msk [tilespmem:v44+s13+$0x0], $0xffff  }
0x145: {  	v46 =	vor.u32 s0, v37;
	v3 =	vor.u32 v29, v50;
	v2 =	vld.idx.msk [tilespmem:v2+s13+$0x0], $0xffff  }
0x146: {  	v63 =	vor.u32 v45, v3  }
0x147: {  	v3 =	vor.u32 v49, v3;
	_ =	sdelay $0x1  }
0x148: {  	[tilespmem:v1+s16+$0x0] =	vst.idx.msk $0xffff, v0  }
0x149: {  	[tilespmem:v46+s16+$0x0] =	vst.idx.msk $0xffff, v2  }
0x14a: {  	v1 =	vor.u32 s0, v10;
	v0 =	vld.idx.msk [tilespmem:v63+s13+$0x0], $0xffff  }
0x14b: {  	v33 =	vor.u32 s0, v39;
	v2 =	vor.u32 v27, v50;
	v3 =	vld.idx.msk [tilespmem:v3+s13+$0x0], $0xffff  }
0x14c: {  	v36 =	vor.u32 v45, v2  }
0x14d: {  	v2 =	vor.u32 v49, v2;
	_ =	sdelay $0x1  }
0x14e: {  	[tilespmem:v1+s16+$0x0] =	vst.idx.msk $0xffff, v0  }
0x14f: {  	[tilespmem:v33+s16+$0x0] =	vst.idx.msk $0xffff, v3  }
0x150: {  	v1 =	vor.u32 s0, v19;
	v0 =	vld.idx.msk [tilespmem:v36+s13+$0x0], $0xffff  }
0x151: {  	v38 =	vor.u32 s0, v41;
	v3 =	vor.u32 v23, v50;
	v2 =	vld.idx.msk [tilespmem:v2+s13+$0x0], $0xffff  }
0x152: {  	v40 =	vor.u32 v45, v3  }
0x153: {  	v3 =	vor.u32 v49, v3;
	_ =	sdelay $0x1  }
0x154: {  	[tilespmem:v1+s16+$0x0] =	vst.idx.msk $0xffff, v0  }
0x155: {  	[tilespmem:v38+s16+$0x0] =	vst.idx.msk $0xffff, v2  }
0x156: {  	v1 =	vor.u32 s0, v42;
	v0 =	vld.idx.msk [tilespmem:v40+s13+$0x0], $0xffff  }
0x157: {  	v44 =	vor.u32 s0, v43;
	v2 =	vor.u32 v26, v50;
	v3 =	vld.idx.msk [tilespmem:v3+s13+$0x0], $0xffff  }
0x158: {  	v46 =	vor.u32 v45, v2  }
0x159: {  	v2 =	vor.u32 v49, v2;
	_ =	sdelay $0x1  }
0x15a: {  	[tilespmem:v1+s16+$0x0] =	vst.idx.msk $0xffff, v0  }
0x15b: {  	[tilespmem:v44+s16+$0x0] =	vst.idx.msk $0xffff, v3  }
0x15c: {  	v31 =	vmov v51;
	v1 =	vor.u32 s0, v47;
	v0 =	vld.idx.msk [tilespmem:v46+s13+$0x0], $0xffff  }
0x15d: {  	v47 =	vor.u32 s0, v13;
	v3 =	vor.u32 v53, v50;
	v2 =	vld.idx.msk [tilespmem:v2+s13+$0x0], $0xffff  }
0x15e: {  	v51 =	vor.u32 s0, v17;
	v33 =	vmov v23;
	v63 =	vor.u32 v45, v3  }
0x15f: {  	v17 =	vmovc v32;
	v32 =	vmovc v61;
	v23 =	vmov v31;
	v31 =	vmov v57;
	v36 =	vmov v62  }
0x160: {  	v26 =	vmovc v9;
	v38 =	vmovc v27;
	v9 =	vmov v59;
	v40 =	vmov v12;
	v13 =	vmov v29  }
0x161: {  	s31 =	simm.s32 $0x10;
	v29 =	vmovc v21;
	v21 =	vmovc v33;
	v33 =	vmov v19;
	v19 =	vmov v16;
	v44 =	vmov v34;
	[tilespmem:v1+s16+$0x0] =	vst.idx.msk $0xffff, v0  }
0x162: {  	v34 =	vmovc v60;
	v12 =	vmovc v13;
	v3 =	vor.u32 v49, v3;
	v46 =	vmov v30;
	v0 =	vmov s31;
	[tilespmem:v47+s16+$0x0] =	vst.idx.msk $0xffff, v2  }
0x163: {  	v30 =	vmovc v14;
	v14 =	vmovc v22;
	v22 =	vmov v55;
	v53 =	vshll.u32 v0, $0x5;
	v2 =	vmov v24;
	v50 =	vld.idx.msk [tilespmem:v63+s13+$0x0], $0xffff  }
0x164: {  	v24 =	vmovc v11;
	v47 =	vmovc v15;
	v11 =	vmov v20;
	v20 =	vmov v54;
	v1 =	vor.u32 v54, v53  }
0x165: {  	v15 =	vmovc v5;
	v0 =	vor.u32 v6, v53;
	v63 =	vor.u32 v7, v53;
	v62 =	vor.u32 v16, v53  }
0x166: {  	v27 =	vmovc v2;
	v61 =	vor.u32 v18, v53;
	v60 =	vor.u32 v58, v53;
	v59 =	vor.u32 v5, v53  }
0x167: {  	v2 =	vld.idx.msk [tilespmem:v3+s13+$0x0], $0xffff;
	v57 =	vor.u32 v14, v53;
	v54 =	vor.u32 v8, v53;
	v52 =	vor.u32 v56, v53  }
0x168: {  	v3 =	vor.u32 s0, v4;
	v55 =	vor.u32 v45, v1;
	v1 =	vor.u32 v49, v1;
	[tilespmem:v51+s16+$0x0] =	vst.idx.msk $0xffff, v50  }
0x169: {  	s6 =	simm.s32 $0x20;
	s1 =	simm.s32 $0x80;
	v16 =	vmovc v7;
	v51 =	vor.u32 v17, v53;
	v50 =	vor.u32 v13, v53;
	v13 =	vmovc v17;
	v17 =	vmov v6  }
.LBB2_3:
0x16a: {  	_ =	sdelay $0x3  }
0x16b: {  	[tilespmem:v3+s16+$0x0] =	vst.idx.msk $0xffff, v2;
	v3 =	vld [tilespmem:$0x1FFE0];
	_ =	sdelay $0x3  }
0x16c: {  	v2 =	vld.idx.msk [tilespmem:v55+s13+$0x0], $0xffff  }
0x16d: {  	v55 =	vor.u32 v3, v53;
	v3 =	vld [tilespmem:$0x1FFB0];
	_ =	sdelay $0x2  }
0x16e: {  	s10 =	sand.u32 $0xC00, s1;
	s11 =	sand.u32 $0x70, s31  }
0x16f: {  	v7 =	vmov v58;
	v58 =	vor.u32 v38, v53;
	s11 =	sor.u32 s11, s10  }
0x170: {  	v6 =	vmovc v56;
	v56 =	vor.u32 v21, v53;
	v53 =	vor.u32 v3, v53;
	v3 =	vor.u32 s11, v22  }
0x171: {  	v1 =	vld.idx.msk [tilespmem:v1+s13+$0x0], $0xffff;
	v4 =	vor.u32 s11, v23  }
0x172: {  	v5 =	vor.u32 v45, v0  }
0x173: {  	v0 =	vor.u32 v49, v0;
	_ =	sdelay $0x1  }
0x174: {  	[tilespmem:v3+s16+$0x0] =	vst.idx.msk $0xffff, v2  }
0x175: {  	[tilespmem:v4+s16+$0x0] =	vst.idx.msk $0xffff, v1  }
0x176: {  	v2 =	vor.u32 s11, v24;
	v1 =	vld.idx.msk [tilespmem:v5+s13+$0x0], $0xffff  }
0x177: {  	v3 =	vor.u32 s11, v25;
	v0 =	vld.idx.msk [tilespmem:v0+s13+$0x0], $0xffff  }
0x178: {  	v4 =	vor.u32 v45, v63  }
0x179: {  	v5 =	vor.u32 v49, v63;
	_ =	sdelay $0x1  }
0x17a: {  	[tilespmem:v2+s16+$0x0] =	vst.idx.msk $0xffff, v1  }
0x17b: {  	[tilespmem:v3+s16+$0x0] =	vst.idx.msk $0xffff, v0  }
0x17c: {  	v2 =	vor.u32 s11, v26;
	v0 =	vld.idx.msk [tilespmem:v4+s13+$0x0], $0xffff  }
0x17d: {  	v3 =	vor.u32 s11, v27;
	v1 =	vld.idx.msk [tilespmem:v5+s13+$0x0], $0xffff  }
0x17e: {  	v4 =	vor.u32 v45, v62  }
0x17f: {  	v5 =	vor.u32 v49, v62;
	_ =	sdelay $0x1  }
0x180: {  	[tilespmem:v2+s16+$0x0] =	vst.idx.msk $0xffff, v0  }
0x181: {  	[tilespmem:v3+s16+$0x0] =	vst.idx.msk $0xffff, v1  }
0x182: {  	v2 =	vor.u32 s11, v48;
	v0 =	vld.idx.msk [tilespmem:v4+s13+$0x0], $0xffff  }
0x183: {  	v3 =	vor.u32 s11, v28;
	v1 =	vld.idx.msk [tilespmem:v5+s13+$0x0], $0xffff  }
0x184: {  	v4 =	vor.u32 v45, v61  }
0x185: {  	v5 =	vor.u32 v49, v61;
	_ =	sdelay $0x1  }
0x186: {  	[tilespmem:v2+s16+$0x0] =	vst.idx.msk $0xffff, v0  }
0x187: {  	[tilespmem:v3+s16+$0x0] =	vst.idx.msk $0xffff, v1  }
0x188: {  	v2 =	vor.u32 s11, v30;
	v0 =	vld.idx.msk [tilespmem:v4+s13+$0x0], $0xffff  }
0x189: {  	v3 =	vor.u32 s11, v9;
	v1 =	vld.idx.msk [tilespmem:v5+s13+$0x0], $0xffff  }
0x18a: {  	v4 =	vor.u32 v45, v60  }
0x18b: {  	v5 =	vor.u32 v49, v60;
	_ =	sdelay $0x1  }
0x18c: {  	[tilespmem:v2+s16+$0x0] =	vst.idx.msk $0xffff, v0  }
0x18d: {  	[tilespmem:v3+s16+$0x0] =	vst.idx.msk $0xffff, v1  }
0x18e: {  	v2 =	vor.u32 s11, v31;
	v0 =	vld.idx.msk [tilespmem:v4+s13+$0x0], $0xffff  }
0x18f: {  	v3 =	vor.u32 s11, v29;
	v1 =	vld.idx.msk [tilespmem:v5+s13+$0x0], $0xffff  }
0x190: {  	v4 =	vor.u32 v45, v59  }
0x191: {  	v5 =	vor.u32 v49, v59;
	_ =	sdelay $0x1  }
0x192: {  	[tilespmem:v2+s16+$0x0] =	vst.idx.msk $0xffff, v0  }
0x193: {  	[tilespmem:v3+s16+$0x0] =	vst.idx.msk $0xffff, v1  }
0x194: {  	v2 =	vor.u32 s11, v34;
	v0 =	vld.idx.msk [tilespmem:v4+s13+$0x0], $0xffff  }
0x195: {  	v3 =	vor.u32 s11, v36;
	v1 =	vld.idx.msk [tilespmem:v5+s13+$0x0], $0xffff  }
0x196: {  	v4 =	vor.u32 v45, v57  }
0x197: {  	v5 =	vor.u32 v49, v57;
	_ =	sdelay $0x1  }
0x198: {  	[tilespmem:v2+s16+$0x0] =	vst.idx.msk $0xffff, v0  }
0x199: {  	[tilespmem:v3+s16+$0x0] =	vst.idx.msk $0xffff, v1  }
0x19a: {  	v2 =	vor.u32 s11, v32;
	v0 =	vld.idx.msk [tilespmem:v4+s13+$0x0], $0xffff  }
0x19b: {  	v3 =	vor.u32 s11, v40;
	v1 =	vld.idx.msk [tilespmem:v5+s13+$0x0], $0xffff  }
0x19c: {  	v4 =	vor.u32 v45, v54  }
0x19d: {  	v5 =	vor.u32 v49, v54;
	_ =	sdelay $0x1  }
0x19e: {  	[tilespmem:v2+s16+$0x0] =	vst.idx.msk $0xffff, v0  }
0x19f: {  	[tilespmem:v3+s16+$0x0] =	vst.idx.msk $0xffff, v1  }
0x1a0: {  	v2 =	vor.u32 s11, v44;
	v0 =	vld.idx.msk [tilespmem:v4+s13+$0x0], $0xffff  }
0x1a1: {  	v3 =	vor.u32 s11, v46;
	v1 =	vld.idx.msk [tilespmem:v5+s13+$0x0], $0xffff  }
0x1a2: {  	v4 =	vor.u32 v45, v52  }
0x1a3: {  	v5 =	vor.u32 v49, v52;
	_ =	sdelay $0x1  }
0x1a4: {  	[tilespmem:v2+s16+$0x0] =	vst.idx.msk $0xffff, v0  }
0x1a5: {  	[tilespmem:v3+s16+$0x0] =	vst.idx.msk $0xffff, v1  }
0x1a6: {  	v2 =	vor.u32 s11, v47;
	v0 =	vld.idx.msk [tilespmem:v4+s13+$0x0], $0xffff  }
0x1a7: {  	v3 =	vor.u32 s11, v35;
	v1 =	vld.idx.msk [tilespmem:v5+s13+$0x0], $0xffff  }
0x1a8: {  	v4 =	vor.u32 v45, v51  }
0x1a9: {  	v5 =	vor.u32 v49, v51;
	_ =	sdelay $0x1  }
0x1aa: {  	[tilespmem:v2+s16+$0x0] =	vst.idx.msk $0xffff, v0  }
0x1ab: {  	[tilespmem:v3+s16+$0x0] =	vst.idx.msk $0xffff, v1  }
0x1ac: {  	v2 =	vor.u32 s11, v11;
	v0 =	vld.idx.msk [tilespmem:v4+s13+$0x0], $0xffff  }
0x1ad: {  	v3 =	vor.u32 s11, v37;
	v1 =	vld.idx.msk [tilespmem:v5+s13+$0x0], $0xffff  }
0x1ae: {  	v4 =	vor.u32 v45, v50  }
0x1af: {  	v5 =	vor.u32 v49, v50;
	_ =	sdelay $0x1  }
0x1b0: {  	[tilespmem:v2+s16+$0x0] =	vst.idx.msk $0xffff, v0  }
0x1b1: {  	[tilespmem:v3+s16+$0x0] =	vst.idx.msk $0xffff, v1  }
0x1b2: {  	v2 =	vor.u32 s11, v10;
	v0 =	vld.idx.msk [tilespmem:v4+s13+$0x0], $0xffff  }
0x1b3: {  	v3 =	vor.u32 s11, v39;
	v1 =	vld.idx.msk [tilespmem:v5+s13+$0x0], $0xffff  }
0x1b4: {  	v4 =	vor.u32 v45, v58  }
0x1b5: {  	v5 =	vor.u32 v49, v58;
	_ =	sdelay $0x1  }
0x1b6: {  	[tilespmem:v2+s16+$0x0] =	vst.idx.msk $0xffff, v0  }
0x1b7: {  	[tilespmem:v3+s16+$0x0] =	vst.idx.msk $0xffff, v1  }
0x1b8: {  	v2 =	vor.u32 s11, v33;
	v0 =	vld.idx.msk [tilespmem:v4+s13+$0x0], $0xffff  }
0x1b9: {  	v3 =	vor.u32 s11, v41;
	v1 =	vld.idx.msk [tilespmem:v5+s13+$0x0], $0xffff  }
0x1ba: {  	v4 =	vor.u32 v45, v56;
	_ =	sdelay $0x2  }
0x1bb: {  	v5 =	vor.u32 v49, v56;
	[tilespmem:v2+s16+$0x0] =	vst.idx.msk $0xffff, v0  }
0x1bc: {  	[tilespmem:v3+s16+$0x0] =	vst.idx.msk $0xffff, v1  }
0x1bd: {  	v2 =	vor.u32 s11, v42;
	v0 =	vld.idx.msk [tilespmem:v4+s13+$0x0], $0xffff;
	_ =	sdelay $0x2  }
0x1be: {  	v3 =	vor.u32 s11, v43;
	v1 =	vld.idx.msk [tilespmem:v5+s13+$0x0], $0xffff;
	_ =	sdelay $0x1  }
0x1bf: {  	v4 =	vor.u32 v45, v55;
	[tilespmem:v2+s16+$0x0] =	vst.idx.msk $0xffff, v0;
	v2 =	vld [tilespmem:$0x1FFD0];
	_ =	sdelay $0x2  }
0x1c0: {  	v5 =	vor.u32 v49, v55;
	[tilespmem:v3+s16+$0x0] =	vst.idx.msk $0xffff, v1;
	v3 =	vld [tilespmem:$0x1FFA0];
	_ =	sdelay $0x1  }
0x1c1: {  	v0 =	vld.idx.msk [tilespmem:v4+s13+$0x0], $0xffff;
	v2 =	vor.u32 s11, v2;
	_ =	sdelay $0x2  }
0x1c2: {  	v1 =	vld.idx.msk [tilespmem:v5+s13+$0x0], $0xffff;
	v3 =	vor.u32 s11, v3  }
0x1c3: {  	s31 =	smov.u32 s6;
	v4 =	vor.u32 v45, v53  }
0x1c4: {  	v5 =	vor.u32 v49, v53;
	[tilespmem:v2+s16+$0x0] =	vst.idx.msk $0xffff, v0;
	v0 =	vmov s31  }
0x1c5: {  	v53 =	vshll.u32 v0, $0x5;
	v0 =	vld [tilespmem:$0x1FFC0];
	_ =	sdelay $0x1  }
0x1c6: {  	[tilespmem:v3+s16+$0x0] =	vst.idx.msk $0xffff, v1  }
0x1c7: {  	v4 =	vld.idx.msk [tilespmem:v4+s13+$0x0], $0xffff  }
0x1c8: {  	v2 =	vld.idx.msk [tilespmem:v5+s13+$0x0], $0xffff  }
0x1c9: {  	p0 =	sne.s32 s6, $0x1F0;
	v5 =	vor.u32 s11, v0;
	v0 =	vld [tilespmem:$0x1FF00]  }
.Ltmp0:
0x1ca: {  	v1 =	vor.u32 v20, v53;
	v63 =	vor.u32 v16, v53;
	v62 =	vor.u32 v19, v53;
	(pc) =	sbr.rel @p0 .LBB2_3-.Ltmp0, $4  }
0x1cb: {  	v61 =	vor.u32 v18, v53;
	v60 =	vor.u32 v7, v53;
	v59 =	vor.u32 v15, v53  }
0x1cc: {  	v58 =	vmovc v7;
	v57 =	vor.u32 v14, v53;
	v54 =	vor.u32 v8, v53;
	v52 =	vor.u32 v6, v53  }
0x1cd: {  	s0 =	sadd.s32 $0x10, s6;
	v56 =	vmovc v6;
	v51 =	vor.u32 v13, v53;
	v50 =	vor.u32 v12, v53;
	v55 =	vor.u32 v45, v1  }
0x1ce: {  	s1 =	sadd.s32 $0x80, s1;
	s6 =	smov.u32 s0;
	v1 =	vor.u32 v49, v1;
	v3 =	vor.u32 s11, v0;
	v0 =	vor.u32 v17, v53;
	[tilespmem:v5+s16+$0x0] =	vst.idx.msk $0xffff, v4  }
0x1cf: {  	_ =	sdelay $0x2  }
0x1d0: {  	s0 =	sand.u32 $0xC00, s1;
	s11 =	sand.u32 $0x70, s31  }
0x1d1: {  	[tilespmem:v3+s16+$0x0] =	vst.idx.msk $0xffff, v2;
	s0 =	sor.u32 s11, s0  }
0x1d2: {  	v2 =	vld.idx.msk [tilespmem:v55+s13+$0x0], $0xffff;
	v3 =	vor.u32 s0, v22  }
0x1d3: {  	v1 =	vld.idx.msk [tilespmem:v1+s13+$0x0], $0xffff;
	v4 =	vor.u32 s0, v23  }
0x1d4: {  	v5 =	vor.u32 v45, v0  }
0x1d5: {  	v0 =	vor.u32 v49, v0;
	_ =	sdelay $0x1  }
0x1d6: {  	[tilespmem:v3+s16+$0x0] =	vst.idx.msk $0xffff, v2  }
0x1d7: {  	[tilespmem:v4+s16+$0x0] =	vst.idx.msk $0xffff, v1  }
0x1d8: {  	v2 =	vor.u32 s0, v24;
	v1 =	vld.idx.msk [tilespmem:v5+s13+$0x0], $0xffff  }
0x1d9: {  	v3 =	vor.u32 s0, v25;
	v0 =	vld.idx.msk [tilespmem:v0+s13+$0x0], $0xffff  }
0x1da: {  	v4 =	vor.u32 v45, v63  }
0x1db: {  	v5 =	vor.u32 v49, v63;
	_ =	sdelay $0x1  }
0x1dc: {  	[tilespmem:v2+s16+$0x0] =	vst.idx.msk $0xffff, v1  }
0x1dd: {  	[tilespmem:v3+s16+$0x0] =	vst.idx.msk $0xffff, v0  }
0x1de: {  	v1 =	vor.u32 s0, v26;
	v0 =	vld.idx.msk [tilespmem:v4+s13+$0x0], $0xffff  }
0x1df: {  	v3 =	vor.u32 s0, v27;
	v2 =	vld.idx.msk [tilespmem:v5+s13+$0x0], $0xffff  }
0x1e0: {  	v4 =	vor.u32 v45, v62  }
0x1e1: {  	v5 =	vor.u32 v49, v62;
	_ =	sdelay $0x1  }
0x1e2: {  	[tilespmem:v1+s16+$0x0] =	vst.idx.msk $0xffff, v0  }
0x1e3: {  	[tilespmem:v3+s16+$0x0] =	vst.idx.msk $0xffff, v2  }
0x1e4: {  	v1 =	vor.u32 s0, v48;
	v0 =	vld.idx.msk [tilespmem:v4+s13+$0x0], $0xffff  }
0x1e5: {  	v3 =	vor.u32 s0, v28;
	v2 =	vld.idx.msk [tilespmem:v5+s13+$0x0], $0xffff  }
0x1e6: {  	v4 =	vor.u32 v45, v61  }
0x1e7: {  	v5 =	vor.u32 v49, v61;
	_ =	sdelay $0x1  }
0x1e8: {  	[tilespmem:v1+s16+$0x0] =	vst.idx.msk $0xffff, v0  }
0x1e9: {  	[tilespmem:v3+s16+$0x0] =	vst.idx.msk $0xffff, v2  }
0x1ea: {  	v1 =	vor.u32 s0, v30;
	v0 =	vld.idx.msk [tilespmem:v4+s13+$0x0], $0xffff  }
0x1eb: {  	v3 =	vor.u32 s0, v9;
	v2 =	vld.idx.msk [tilespmem:v5+s13+$0x0], $0xffff  }
0x1ec: {  	v4 =	vor.u32 v45, v60  }
0x1ed: {  	v5 =	vor.u32 v49, v60;
	_ =	sdelay $0x1  }
0x1ee: {  	[tilespmem:v1+s16+$0x0] =	vst.idx.msk $0xffff, v0  }
0x1ef: {  	[tilespmem:v3+s16+$0x0] =	vst.idx.msk $0xffff, v2  }
0x1f0: {  	v1 =	vor.u32 s0, v31;
	v0 =	vld.idx.msk [tilespmem:v4+s13+$0x0], $0xffff  }
0x1f1: {  	v3 =	vor.u32 s0, v29;
	v2 =	vld.idx.msk [tilespmem:v5+s13+$0x0], $0xffff  }
0x1f2: {  	v4 =	vor.u32 v45, v59  }
0x1f3: {  	v5 =	vor.u32 v49, v59;
	_ =	sdelay $0x1  }
0x1f4: {  	[tilespmem:v1+s16+$0x0] =	vst.idx.msk $0xffff, v0  }
0x1f5: {  	[tilespmem:v3+s16+$0x0] =	vst.idx.msk $0xffff, v2  }
0x1f6: {  	v1 =	vor.u32 s0, v34;
	v0 =	vld.idx.msk [tilespmem:v4+s13+$0x0], $0xffff  }
0x1f7: {  	v3 =	vor.u32 s0, v36;
	v2 =	vld.idx.msk [tilespmem:v5+s13+$0x0], $0xffff  }
0x1f8: {  	v4 =	vor.u32 v45, v57  }
0x1f9: {  	v5 =	vor.u32 v49, v57;
	_ =	sdelay $0x1  }
0x1fa: {  	[tilespmem:v1+s16+$0x0] =	vst.idx.msk $0xffff, v0  }
0x1fb: {  	[tilespmem:v3+s16+$0x0] =	vst.idx.msk $0xffff, v2  }
0x1fc: {  	v1 =	vor.u32 s0, v32;
	v0 =	vld.idx.msk [tilespmem:v4+s13+$0x0], $0xffff  }
0x1fd: {  	v3 =	vor.u32 s0, v40;
	v2 =	vld.idx.msk [tilespmem:v5+s13+$0x0], $0xffff  }
0x1fe: {  	v4 =	vor.u32 v45, v54  }
0x1ff: {  	v5 =	vor.u32 v49, v54;
	_ =	sdelay $0x1  }
0x200: {  	[tilespmem:v1+s16+$0x0] =	vst.idx.msk $0xffff, v0  }
0x201: {  	[tilespmem:v3+s16+$0x0] =	vst.idx.msk $0xffff, v2  }
0x202: {  	v1 =	vor.u32 s0, v44;
	v0 =	vld.idx.msk [tilespmem:v4+s13+$0x0], $0xffff  }
0x203: {  	v3 =	vor.u32 s0, v46;
	v2 =	vld.idx.msk [tilespmem:v5+s13+$0x0], $0xffff  }
0x204: {  	v4 =	vor.u32 v45, v52  }
0x205: {  	v5 =	vor.u32 v49, v52;
	_ =	sdelay $0x1  }
0x206: {  	[tilespmem:v1+s16+$0x0] =	vst.idx.msk $0xffff, v0  }
0x207: {  	[tilespmem:v3+s16+$0x0] =	vst.idx.msk $0xffff, v2  }
0x208: {  	v1 =	vor.u32 s0, v47;
	v0 =	vld.idx.msk [tilespmem:v4+s13+$0x0], $0xffff  }
0x209: {  	v3 =	vor.u32 s0, v35;
	v2 =	vld.idx.msk [tilespmem:v5+s13+$0x0], $0xffff  }
0x20a: {  	v4 =	vor.u32 v45, v51  }
0x20b: {  	v5 =	vor.u32 v49, v51;
	_ =	sdelay $0x1  }
0x20c: {  	[tilespmem:v1+s16+$0x0] =	vst.idx.msk $0xffff, v0  }
0x20d: {  	[tilespmem:v3+s16+$0x0] =	vst.idx.msk $0xffff, v2  }
0x20e: {  	v1 =	vor.u32 s0, v11;
	v0 =	vld.idx.msk [tilespmem:v4+s13+$0x0], $0xffff  }
0x20f: {  	v3 =	vor.u32 s0, v37;
	v2 =	vld.idx.msk [tilespmem:v5+s13+$0x0], $0xffff  }
0x210: {  	v4 =	vor.u32 v45, v50  }
0x211: {  	v5 =	vor.u32 v49, v50;
	_ =	sdelay $0x1  }
0x212: {  	[tilespmem:v1+s16+$0x0] =	vst.idx.msk $0xffff, v0  }
0x213: {  	[tilespmem:v3+s16+$0x0] =	vst.idx.msk $0xffff, v2  }
0x214: {  	v1 =	vor.u32 s0, v10;
	v0 =	vld.idx.msk [tilespmem:v4+s13+$0x0], $0xffff  }
0x215: {  	v2 =	vor.u32 v38, v53;
	v3 =	vld.idx.msk [tilespmem:v5+s13+$0x0], $0xffff;
	v4 =	vor.u32 s0, v39  }
0x216: {  	v5 =	vor.u32 v45, v2  }
0x217: {  	v2 =	vor.u32 v49, v2;
	_ =	sdelay $0x1  }
0x218: {  	[tilespmem:v1+s16+$0x0] =	vst.idx.msk $0xffff, v0  }
0x219: {  	[tilespmem:v4+s16+$0x0] =	vst.idx.msk $0xffff, v3  }
0x21a: {  	v1 =	vor.u32 s0, v33;
	v0 =	vld.idx.msk [tilespmem:v5+s13+$0x0], $0xffff  }
0x21b: {  	v3 =	vor.u32 v21, v53;
	v4 =	vor.u32 s0, v41;
	v2 =	vld.idx.msk [tilespmem:v2+s13+$0x0], $0xffff  }
0x21c: {  	v5 =	vor.u32 v45, v3  }
0x21d: {  	v63 =	vld [tilespmem:$0x1FFE0];
	v3 =	vor.u32 v49, v3;
	_ =	sdelay $0x1  }
0x21e: {  	[tilespmem:v1+s16+$0x0] =	vst.idx.msk $0xffff, v0  }
0x21f: {  	v15 =	vmov v48;
	v48 =	vld [tilespmem:$0x1FFB0];
	[tilespmem:v4+s16+$0x0] =	vst.idx.msk $0xffff, v2  }
0x220: {  	v1 =	vor.u32 s0, v42;
	v0 =	vld.idx.msk [tilespmem:v5+s13+$0x0], $0xffff  }
0x221: {  	v2 =	vor.u32 v63, v53;
	v4 =	vor.u32 s0, v43;
	v3 =	vld.idx.msk [tilespmem:v3+s13+$0x0], $0xffff  }
0x222: {  	v51 =	vld [tilespmem:$0x1FFD0];
	v5 =	vor.u32 v45, v2  }
0x223: {  	v52 =	vld [tilespmem:$0x1FFA0];
	v2 =	vor.u32 v49, v2;
	_ =	sdelay $0x1  }
0x224: {  	[tilespmem:v1+s16+$0x0] =	vst.idx.msk $0xffff, v0  }
0x225: {  	[tilespmem:v4+s16+$0x0] =	vst.idx.msk $0xffff, v3  }
0x226: {  	v1 =	vor.u32 s0, v51;
	v0 =	vld.idx.msk [tilespmem:v5+s13+$0x0], $0xffff  }
0x227: {  	v3 =	vor.u32 v48, v53;
	v4 =	vor.u32 s0, v52;
	v2 =	vld.idx.msk [tilespmem:v2+s13+$0x0], $0xffff  }
0x228: {  	v5 =	vor.u32 v45, v3;
	v3 =	vor.u32 v49, v3;
	_ =	sdelay $0x2  }
0x229: {  	[tilespmem:v1+s16+$0x0] =	vst.idx.msk $0xffff, v0  }
0x22a: {  	v12 =	vmov v25;
	v25 =	vld [tilespmem:$0x1FFC0];
	[tilespmem:v4+s16+$0x0] =	vst.idx.msk $0xffff, v2  }
0x22b: {  	v2 =	vld.idx.msk [tilespmem:v3+s13+$0x0], $0xffff  }
0x22c: {  	v3 =	vld [tilespmem:$0x1FF00];
	_ =	sdelay $0x3  }
0x22d: {  	v1 =	vor.u32 s0, v25;
	v0 =	vld.idx.msk [tilespmem:v5+s13+$0x0], $0xffff  }
0x22e: {  	s6 =	sshll.u32 s29, $0xA;
	v3 =	vor.u32 s0, v3  }
0x22f: {  	s0 =	sadd.s32 s3, s6  }
0x230: {  	s10 =	sshll.u32 s0, $0x2  }
0x231: {  	s0 =	sand.u32 $0x3C00, s0;
	s1 =	sand.u32 $0xFFF0000, s10  }
0x232: {  	[tilespmem:v1+s16+$0x0] =	vst.idx.msk $0xffff, v0;
	s0 =	sor.u32 s0, s1  }
0x233: {  	s1 =	sadd.s32 s2, s0;
	[tilespmem:v3+s16+$0x0] =	vst.idx.msk $0xffff, v2  }
0x234: {  	[hbm4b:s1+s4] =	stream.linear.scatter [tilespmem:s16], [sflag:$0x3], $0x1000, $0x38;
	[tilespmem:$0x16400] =	vst v63  }
0x235: {  	s11 =	sadd.s32 s0, s7  }
0x236: {  	[hbm4b:s11+s4] =	stream.linear.scatter [tilespmem:s17], [sflag:$0x3], $0x1000, $0x38;
	[tilespmem:$0x16400] =	vst v63  }
0x237: {  	s6 =	sadd.s32 s0, s8  }
0x238: {  	[hbm4b:s6+s4] =	stream.linear.scatter [tilespmem:s18], [sflag:$0x3], $0x1000, $0x38;
	[tilespmem:$0x16400] =	vst v63  }
0x239: {  	p0 =	seq.s32 s29, $0x18;
	s0 =	sadd.s32 s0, s9  }
0x23a: {  	[hbm4b:s0+s4] =	stream.linear.scatter [tilespmem:s19], [sflag:$0x3], $0x1000, $0x38;
	[tilespmem:$0x16400] =	vst v63  }
0x23b: {  	s0 =	sshll.u32 @!p0 s29, $0xA  }
0x23c: {  	p1 =	seq.s32 @!p0 s29, $0x0;
	s10 =	simm.s32 $0x0;
	s0 =	sand.u32 @!p0 $0x3FFFFC00, s0  }
0x23d: {  	s1 =	simm.s32 @!p0 $0x200;
	s6 =	simm.s32 @!p0 $0x6400;
	s0 =	sadd.s32 @!p0 $0x400, s0  }
0x23e: {  	v50 =	vmov v42;
	v0 =	vmov s10;
	[tilespmem:s6], [sflag:$0x1] =	stream.indirect.gather @!p0 [hbm4b:s5+s1], $0x20, s0, s1, $0xb8;
	[tilespmem:$0x16400] =	vst v63  }
0x23f: {  	v62 =	vmovc v24;
	v24 =	vmovc v34;
	v34 =	vmov v44;
	v44 =	vmov v50;
	v50 =	vshll.u32 v0, $0x5;
	p0 =	por p0, !p1  }
0x240: {  	v0 =	vor.u32 v20, v50;
	_ =	swait.ge @p0 [sflag:s26], $0x4000  }
0x241: {  	v1 =	vor.u32 v45, v0;
	[sflag:s26] =	ssyncset.done @p0 $0x0  }
0x242: {  	v0 =	vor.u32 v49, v0;
	[sflag:s26] =	ssyncadd.s32 @p0 $0xFFFFC000  }
0x243: {  	_ =	swait.ge [sflag:s20], $0x4000  }
0x244: {  	s11 =	sand.u32 $0xC00, s10;
	s0 =	sand.u32 $0x70, s10;
	[sflag:s20] =	ssyncset.done $0x0  }
0x245: {  	v61 =	vmov v22;
	s0 =	sor.u32 s0, s11;
	[sflag:s20] =	ssyncadd.s32 $0xFFFFC000  }
0x246: {  	v55 =	vmov v23;
	v2 =	vor.u32 s0, v61;
	v1 =	vld.idx.msk [tilespmem:v1+s14+$0x0], $0xffff  }
0x247: {  	v3 =	vor.u32 v17, v50;
	v4 =	vor.u32 s0, v55;
	v0 =	vld.idx.msk [tilespmem:v0+s14+$0x0], $0xffff  }
0x248: {  	v5 =	vor.u32 v45, v3  }
0x249: {  	v3 =	vor.u32 v49, v3;
	_ =	sdelay $0x1  }
0x24a: {  	[tilespmem:v2+s21+$0x0] =	vst.idx.msk $0xffff, v1  }
0x24b: {  	[tilespmem:v4+s21+$0x0] =	vst.idx.msk $0xffff, v0  }
0x24c: {  	v1 =	vor.u32 s0, v62;
	v0 =	vld.idx.msk [tilespmem:v5+s14+$0x0], $0xffff  }
0x24d: {  	v2 =	vor.u32 v16, v50;
	v4 =	vor.u32 s0, v12;
	v3 =	vld.idx.msk [tilespmem:v3+s14+$0x0], $0xffff  }
0x24e: {  	v5 =	vor.u32 v45, v2  }
0x24f: {  	v2 =	vor.u32 v49, v2;
	_ =	sdelay $0x1  }
0x250: {  	[tilespmem:v1+s21+$0x0] =	vst.idx.msk $0xffff, v0  }
0x251: {  	v8 =	vmov v26;
	[tilespmem:v4+s21+$0x0] =	vst.idx.msk $0xffff, v3  }
0x252: {  	v14 =	vmov v27;
	v1 =	vor.u32 s0, v8;
	v0 =	vld.idx.msk [tilespmem:v5+s14+$0x0], $0xffff  }
0x253: {  	v3 =	vor.u32 v19, v50;
	v4 =	vor.u32 s0, v14;
	v2 =	vld.idx.msk [tilespmem:v2+s14+$0x0], $0xffff  }
0x254: {  	v5 =	vor.u32 v45, v3  }
0x255: {  	v3 =	vor.u32 v49, v3;
	_ =	sdelay $0x1  }
0x256: {  	[tilespmem:v1+s21+$0x0] =	vst.idx.msk $0xffff, v0  }
0x257: {  	[tilespmem:v4+s21+$0x0] =	vst.idx.msk $0xffff, v2  }
0x258: {  	v23 =	vmov v9;
	v9 =	vmov v28;
	v1 =	vor.u32 s0, v15;
	v0 =	vld.idx.msk [tilespmem:v5+s14+$0x0], $0xffff  }
0x259: {  	v2 =	vor.u32 v18, v50;
	v4 =	vor.u32 s0, v9;
	v3 =	vld.idx.msk [tilespmem:v3+s14+$0x0], $0xffff  }
0x25a: {  	v5 =	vor.u32 v45, v2  }
0x25b: {  	v2 =	vor.u32 v49, v2;
	_ =	sdelay $0x1  }
0x25c: {  	[tilespmem:v1+s21+$0x0] =	vst.idx.msk $0xffff, v0  }
0x25d: {  	[tilespmem:v4+s21+$0x0] =	vst.idx.msk $0xffff, v3  }
0x25e: {  	v26 =	vmov v10;
	v10 =	vmov v23;
	v1 =	vor.u32 s0, v30;
	v0 =	vld.idx.msk [tilespmem:v5+s14+$0x0], $0xffff  }
0x25f: {  	v3 =	vor.u32 v58, v50;
	v4 =	vor.u32 s0, v10;
	v2 =	vld.idx.msk [tilespmem:v2+s14+$0x0], $0xffff  }
0x260: {  	v59 =	vmov v39;
	v5 =	vor.u32 v45, v3  }
0x261: {  	v27 =	vmovc v33;
	v33 =	vmov v41;
	v41 =	vmov v59;
	v59 =	vld [tilespmem:$0x1FF90];
	v3 =	vor.u32 v49, v3;
	_ =	sdelay $0x1  }
0x262: {  	[tilespmem:v1+s21+$0x0] =	vst.idx.msk $0xffff, v0  }
0x263: {  	[tilespmem:v4+s21+$0x0] =	vst.idx.msk $0xffff, v2  }
0x264: {  	v23 =	vmov v29;
	v1 =	vor.u32 s0, v31;
	v0 =	vld.idx.msk [tilespmem:v5+s14+$0x0], $0xffff  }
0x265: {  	v2 =	vor.u32 v59, v50;
	v4 =	vor.u32 s0, v23;
	v3 =	vld.idx.msk [tilespmem:v3+s14+$0x0], $0xffff  }
0x266: {  	v57 =	vmov v37;
	v5 =	vor.u32 v45, v2  }
0x267: {  	v39 =	vmov v57;
	v57 =	vld [tilespmem:$0x1FF80];
	v2 =	vor.u32 v49, v2;
	_ =	sdelay $0x1  }
0x268: {  	[tilespmem:v1+s21+$0x0] =	vst.idx.msk $0xffff, v0  }
0x269: {  	[tilespmem:v4+s21+$0x0] =	vst.idx.msk $0xffff, v3  }
0x26a: {  	v28 =	vmov v36;
	v1 =	vor.u32 s0, v24;
	v0 =	vld.idx.msk [tilespmem:v5+s14+$0x0], $0xffff  }
0x26b: {  	v3 =	vor.u32 v57, v50;
	v4 =	vor.u32 s0, v28;
	v2 =	vld.idx.msk [tilespmem:v2+s14+$0x0], $0xffff  }
0x26c: {  	v54 =	vmov v46;
	v5 =	vor.u32 v45, v3  }
0x26d: {  	v46 =	vmov v35;
	v35 =	vmov v54;
	v54 =	vld [tilespmem:$0x1FF60];
	v3 =	vor.u32 v49, v3;
	_ =	sdelay $0x1  }
0x26e: {  	[tilespmem:v1+s21+$0x0] =	vst.idx.msk $0xffff, v0  }
0x26f: {  	[tilespmem:v4+s21+$0x0] =	vst.idx.msk $0xffff, v2  }
0x270: {  	v29 =	vmov v40;
	v1 =	vor.u32 s0, v32;
	v0 =	vld.idx.msk [tilespmem:v5+s14+$0x0], $0xffff  }
0x271: {  	v2 =	vor.u32 v54, v50;
	v4 =	vor.u32 s0, v29;
	v3 =	vld.idx.msk [tilespmem:v3+s14+$0x0], $0xffff  }
0x272: {  	v5 =	vor.u32 v45, v2  }
0x273: {  	v2 =	vor.u32 v49, v2;
	_ =	sdelay $0x1  }
0x274: {  	[tilespmem:v1+s21+$0x0] =	vst.idx.msk $0xffff, v0  }
0x275: {  	[tilespmem:v4+s21+$0x0] =	vst.idx.msk $0xffff, v3  }
0x276: {  	v1 =	vor.u32 s0, v34;
	v0 =	vld.idx.msk [tilespmem:v5+s14+$0x0], $0xffff  }
0x277: {  	v3 =	vor.u32 v56, v50;
	v4 =	vor.u32 s0, v35;
	v2 =	vld.idx.msk [tilespmem:v2+s14+$0x0], $0xffff  }
0x278: {  	v5 =	vor.u32 v45, v3  }
0x279: {  	v36 =	vmov v47;
	v47 =	vmov v51;
	v51 =	vld [tilespmem:$0x1FFF0];
	v3 =	vor.u32 v49, v3;
	_ =	sdelay $0x1  }
0x27a: {  	[tilespmem:v1+s21+$0x0] =	vst.idx.msk $0xffff, v0  }
0x27b: {  	[tilespmem:v4+s21+$0x0] =	vst.idx.msk $0xffff, v2  }
0x27c: {  	v60 =	vmov v43;
	v37 =	vmov v46;
	v1 =	vor.u32 s0, v36;
	v0 =	vld.idx.msk [tilespmem:v5+s14+$0x0], $0xffff  }
0x27d: {  	v2 =	vor.u32 v51, v50;
	v4 =	vor.u32 s0, v37;
	v3 =	vld.idx.msk [tilespmem:v3+s14+$0x0], $0xffff  }
0x27e: {  	v5 =	vor.u32 v45, v2  }
0x27f: {  	v46 =	vmov v60;
	v60 =	vmov v18;
	v18 =	vld [tilespmem:$0x1FF50];
	v2 =	vor.u32 v49, v2;
	_ =	sdelay $0x1  }
0x280: {  	[tilespmem:v1+s21+$0x0] =	vst.idx.msk $0xffff, v0  }
0x281: {  	v53 =	vmov v38;
	v38 =	vmov v11;
	[tilespmem:v4+s21+$0x0] =	vst.idx.msk $0xffff, v3  }
0x282: {  	v1 =	vor.u32 s0, v38;
	v0 =	vld.idx.msk [tilespmem:v5+s14+$0x0], $0xffff  }
0x283: {  	v3 =	vor.u32 v18, v50;
	v4 =	vor.u32 s0, v39;
	v2 =	vld.idx.msk [tilespmem:v2+s14+$0x0], $0xffff  }
0x284: {  	v5 =	vor.u32 v45, v3  }
0x285: {  	v3 =	vor.u32 v49, v3;
	_ =	sdelay $0x1  }
0x286: {  	[tilespmem:v1+s21+$0x0] =	vst.idx.msk $0xffff, v0  }
0x287: {  	v40 =	vmov v26;
	[tilespmem:v4+s21+$0x0] =	vst.idx.msk $0xffff, v2  }
0x288: {  	v1 =	vor.u32 s0, v40;
	v0 =	vld.idx.msk [tilespmem:v5+s14+$0x0], $0xffff  }
0x289: {  	v2 =	vor.u32 v53, v50;
	v4 =	vor.u32 s0, v41;
	v3 =	vld.idx.msk [tilespmem:v3+s14+$0x0], $0xffff  }
0x28a: {  	v5 =	vor.u32 v45, v2  }
0x28b: {  	v2 =	vor.u32 v49, v2;
	_ =	sdelay $0x1  }
0x28c: {  	[tilespmem:v1+s21+$0x0] =	vst.idx.msk $0xffff, v0  }
0x28d: {  	v42 =	vmov v27;
	[tilespmem:v4+s21+$0x0] =	vst.idx.msk $0xffff, v3  }
0x28e: {  	v13 =	vmov v21;
	v43 =	vmov v33;
	v1 =	vor.u32 s0, v42;
	v0 =	vld.idx.msk [tilespmem:v5+s14+$0x0], $0xffff  }
0x28f: {  	v3 =	vor.u32 v13, v50;
	v4 =	vor.u32 s0, v43;
	v2 =	vld.idx.msk [tilespmem:v2+s14+$0x0], $0xffff  }
0x290: {  	v5 =	vor.u32 v45, v3  }
0x291: {  	v3 =	vor.u32 v49, v3;
	_ =	sdelay $0x1  }
0x292: {  	[tilespmem:v1+s21+$0x0] =	vst.idx.msk $0xffff, v0  }
0x293: {  	[tilespmem:v4+s21+$0x0] =	vst.idx.msk $0xffff, v2  }
0x294: {  	v1 =	vor.u32 s0, v44;
	v0 =	vld.idx.msk [tilespmem:v5+s14+$0x0], $0xffff  }
0x295: {  	v2 =	vor.u32 v63, v50;
	v4 =	vor.u32 s0, v46;
	v3 =	vld.idx.msk [tilespmem:v3+s14+$0x0], $0xffff  }
0x296: {  	v5 =	vor.u32 v45, v2  }
0x297: {  	v2 =	vor.u32 v49, v2;
	_ =	sdelay $0x1  }
0x298: {  	[tilespmem:v1+s21+$0x0] =	vst.idx.msk $0xffff, v0  }
0x299: {  	[tilespmem:v4+s21+$0x0] =	vst.idx.msk $0xffff, v3  }
0x29a: {  	v1 =	vor.u32 s0, v47;
	v0 =	vld.idx.msk [tilespmem:v5+s14+$0x0], $0xffff  }
0x29b: {  	v3 =	vor.u32 v48, v50;
	v4 =	vor.u32 s0, v52;
	v2 =	vld.idx.msk [tilespmem:v2+s14+$0x0], $0xffff  }
0x29c: {  	v5 =	vor.u32 v45, v3;
	_ =	sdelay $0x2  }
0x29d: {  	s31 =	simm.s32 $0x10;
	v26 =	vmovc v63;
	v21 =	vmov v16;
	v33 =	vmov v28;
	v11 =	vmov v30;
	[tilespmem:v1+s21+$0x0] =	vst.idx.msk $0xffff, v0  }
0x29e: {  	v27 =	vmovc v53;
	v22 =	vmovc v57;
	v16 =	vmov v19;
	v3 =	vor.u32 v49, v3;
	v0 =	vmov s31;
	[tilespmem:v4+s21+$0x0] =	vst.idx.msk $0xffff, v2  }
0x29f: {  	v19 =	vmovc v61;
	v30 =	vmovc v31;
	v31 =	vmov v24;
	v24 =	vmov v59;
	v53 =	vshll.u32 v0, $0x5;
	v4 =	vld.idx.msk [tilespmem:v5+s14+$0x0], $0xffff  }
0x2a0: {  	v28 =	vmovc v13;
	v5 =	vor.u32 s0, v25;
	v63 =	vor.u32 v21, v53;
	v21 =	vmovc v62;
	v62 =	vor.u32 v16, v53;
	v16 =	vld [tilespmem:$0x1FF00]  }
0x2a1: {  	v13 =	vmovc v52;
	v2 =	vmovc v29;
	v29 =	vmov v23;
	v1 =	vor.u32 v20, v53;
	v0 =	vor.u32 v17, v53  }
0x2a2: {  	v20 =	vmovc v55;
	v61 =	vor.u32 v60, v53;
	v60 =	vor.u32 v58, v53;
	v59 =	vor.u32 v59, v53  }
0x2a3: {  	v23 =	vmovc v2;
	v2 =	vld.idx.msk [tilespmem:v3+s14+$0x0], $0xffff;
	v57 =	vor.u32 v57, v53;
	v17 =	vmov v25;
	v54 =	vor.u32 v54, v53  }
0x2a4: {  	v52 =	vor.u32 v56, v53;
	v25 =	vmovc v51;
	v51 =	vor.u32 v51, v53;
	v50 =	vor.u32 v18, v53  }
0x2a5: {  	s6 =	simm.s32 $0x20;
	s1 =	simm.s32 $0x80;
	v55 =	vor.u32 v45, v1;
	v1 =	vor.u32 v49, v1;
	v3 =	vor.u32 s0, v16;
	[tilespmem:v5+s21+$0x0] =	vst.idx.msk $0xffff, v4  }
.LBB2_5:
0x2a6: {  	_ =	sdelay $0x2  }
0x2a7: {  	s10 =	sand.u32 $0xC00, s1;
	s11 =	sand.u32 $0x70, s31  }
0x2a8: {  	[tilespmem:v3+s21+$0x0] =	vst.idx.msk $0xffff, v2;
	s11 =	sor.u32 s11, s10  }
0x2a9: {  	v2 =	vld.idx.msk [tilespmem:v55+s14+$0x0], $0xffff;
	v3 =	vor.u32 s11, v19  }
0x2aa: {  	v1 =	vld.idx.msk [tilespmem:v1+s14+$0x0], $0xffff;
	v4 =	vor.u32 s11, v20  }
0x2ab: {  	v5 =	vor.u32 v45, v0  }
0x2ac: {  	v0 =	vor.u32 v49, v0;
	_ =	sdelay $0x1  }
0x2ad: {  	[tilespmem:v3+s21+$0x0] =	vst.idx.msk $0xffff, v2  }
0x2ae: {  	[tilespmem:v4+s21+$0x0] =	vst.idx.msk $0xffff, v1  }
0x2af: {  	v2 =	vor.u32 s11, v21;
	v1 =	vld.idx.msk [tilespmem:v5+s14+$0x0], $0xffff  }
0x2b0: {  	v3 =	vor.u32 s11, v12;
	v0 =	vld.idx.msk [tilespmem:v0+s14+$0x0], $0xffff  }
0x2b1: {  	v4 =	vor.u32 v45, v63  }
0x2b2: {  	v5 =	vor.u32 v49, v63;
	_ =	sdelay $0x1  }
0x2b3: {  	[tilespmem:v2+s21+$0x0] =	vst.idx.msk $0xffff, v1  }
0x2b4: {  	[tilespmem:v3+s21+$0x0] =	vst.idx.msk $0xffff, v0  }
0x2b5: {  	v2 =	vor.u32 s11, v8;
	v0 =	vld.idx.msk [tilespmem:v4+s14+$0x0], $0xffff  }
0x2b6: {  	v3 =	vor.u32 s11, v14;
	v1 =	vld.idx.msk [tilespmem:v5+s14+$0x0], $0xffff  }
0x2b7: {  	v4 =	vor.u32 v45, v62  }
0x2b8: {  	v5 =	vor.u32 v49, v62;
	_ =	sdelay $0x1  }
0x2b9: {  	[tilespmem:v2+s21+$0x0] =	vst.idx.msk $0xffff, v0  }
0x2ba: {  	[tilespmem:v3+s21+$0x0] =	vst.idx.msk $0xffff, v1  }
0x2bb: {  	v2 =	vor.u32 s11, v15;
	v0 =	vld.idx.msk [tilespmem:v4+s14+$0x0], $0xffff  }
0x2bc: {  	v3 =	vor.u32 s11, v9;
	v1 =	vld.idx.msk [tilespmem:v5+s14+$0x0], $0xffff  }
0x2bd: {  	v4 =	vor.u32 v45, v61  }
0x2be: {  	v5 =	vor.u32 v49, v61;
	_ =	sdelay $0x1  }
0x2bf: {  	[tilespmem:v2+s21+$0x0] =	vst.idx.msk $0xffff, v0  }
0x2c0: {  	[tilespmem:v3+s21+$0x0] =	vst.idx.msk $0xffff, v1  }
0x2c1: {  	v2 =	vor.u32 s11, v11;
	v0 =	vld.idx.msk [tilespmem:v4+s14+$0x0], $0xffff  }
0x2c2: {  	v3 =	vor.u32 s11, v10;
	v1 =	vld.idx.msk [tilespmem:v5+s14+$0x0], $0xffff  }
0x2c3: {  	v4 =	vor.u32 v45, v60  }
0x2c4: {  	v5 =	vor.u32 v49, v60;
	_ =	sdelay $0x1  }
0x2c5: {  	[tilespmem:v2+s21+$0x0] =	vst.idx.msk $0xffff, v0  }
0x2c6: {  	[tilespmem:v3+s21+$0x0] =	vst.idx.msk $0xffff, v1  }
0x2c7: {  	v2 =	vor.u32 s11, v30;
	v0 =	vld.idx.msk [tilespmem:v4+s14+$0x0], $0xffff  }
0x2c8: {  	v3 =	vor.u32 s11, v29;
	v1 =	vld.idx.msk [tilespmem:v5+s14+$0x0], $0xffff  }
0x2c9: {  	v4 =	vor.u32 v45, v59  }
0x2ca: {  	v5 =	vor.u32 v49, v59;
	_ =	sdelay $0x1  }
0x2cb: {  	[tilespmem:v2+s21+$0x0] =	vst.idx.msk $0xffff, v0  }
0x2cc: {  	[tilespmem:v3+s21+$0x0] =	vst.idx.msk $0xffff, v1  }
0x2cd: {  	v2 =	vor.u32 s11, v31;
	v0 =	vld.idx.msk [tilespmem:v4+s14+$0x0], $0xffff  }
0x2ce: {  	v3 =	vor.u32 s11, v33;
	v1 =	vld.idx.msk [tilespmem:v5+s14+$0x0], $0xffff  }
0x2cf: {  	v4 =	vor.u32 v45, v57  }
0x2d0: {  	v5 =	vor.u32 v49, v57;
	_ =	sdelay $0x1  }
0x2d1: {  	[tilespmem:v2+s21+$0x0] =	vst.idx.msk $0xffff, v0  }
0x2d2: {  	[tilespmem:v3+s21+$0x0] =	vst.idx.msk $0xffff, v1  }
0x2d3: {  	v2 =	vor.u32 s11, v32;
	v0 =	vld.idx.msk [tilespmem:v4+s14+$0x0], $0xffff  }
0x2d4: {  	v3 =	vor.u32 s11, v23;
	v1 =	vld.idx.msk [tilespmem:v5+s14+$0x0], $0xffff  }
0x2d5: {  	v4 =	vor.u32 v45, v54  }
0x2d6: {  	v5 =	vor.u32 v49, v54;
	_ =	sdelay $0x1  }
0x2d7: {  	[tilespmem:v2+s21+$0x0] =	vst.idx.msk $0xffff, v0  }
0x2d8: {  	[tilespmem:v3+s21+$0x0] =	vst.idx.msk $0xffff, v1  }
0x2d9: {  	v2 =	vor.u32 s11, v34;
	v0 =	vld.idx.msk [tilespmem:v4+s14+$0x0], $0xffff  }
0x2da: {  	v3 =	vor.u32 s11, v35;
	v1 =	vld.idx.msk [tilespmem:v5+s14+$0x0], $0xffff  }
0x2db: {  	v4 =	vor.u32 v45, v52  }
0x2dc: {  	v5 =	vor.u32 v49, v52;
	_ =	sdelay $0x1  }
0x2dd: {  	[tilespmem:v2+s21+$0x0] =	vst.idx.msk $0xffff, v0  }
0x2de: {  	[tilespmem:v3+s21+$0x0] =	vst.idx.msk $0xffff, v1  }
0x2df: {  	v2 =	vor.u32 s11, v36;
	v0 =	vld.idx.msk [tilespmem:v4+s14+$0x0], $0xffff  }
0x2e0: {  	v3 =	vor.u32 s11, v37;
	v1 =	vld.idx.msk [tilespmem:v5+s14+$0x0], $0xffff  }
0x2e1: {  	v4 =	vor.u32 v45, v51  }
0x2e2: {  	v5 =	vor.u32 v49, v51;
	_ =	sdelay $0x1  }
0x2e3: {  	[tilespmem:v2+s21+$0x0] =	vst.idx.msk $0xffff, v0  }
0x2e4: {  	[tilespmem:v3+s21+$0x0] =	vst.idx.msk $0xffff, v1  }
0x2e5: {  	v2 =	vor.u32 s11, v38;
	v0 =	vld.idx.msk [tilespmem:v4+s14+$0x0], $0xffff  }
0x2e6: {  	v3 =	vor.u32 s11, v39;
	v1 =	vld.idx.msk [tilespmem:v5+s14+$0x0], $0xffff  }
0x2e7: {  	v4 =	vor.u32 v45, v50  }
0x2e8: {  	v5 =	vor.u32 v49, v50;
	_ =	sdelay $0x1  }
0x2e9: {  	[tilespmem:v2+s21+$0x0] =	vst.idx.msk $0xffff, v0  }
0x2ea: {  	[tilespmem:v3+s21+$0x0] =	vst.idx.msk $0xffff, v1  }
0x2eb: {  	v2 =	vor.u32 s11, v40;
	v0 =	vld.idx.msk [tilespmem:v4+s14+$0x0], $0xffff  }
0x2ec: {  	v58 =	vor.u32 v27, v53;
	v3 =	vor.u32 s11, v41;
	v1 =	vld.idx.msk [tilespmem:v5+s14+$0x0], $0xffff  }
0x2ed: {  	v4 =	vor.u32 v45, v58  }
0x2ee: {  	v5 =	vor.u32 v49, v58;
	_ =	sdelay $0x1  }
0x2ef: {  	[tilespmem:v2+s21+$0x0] =	vst.idx.msk $0xffff, v0  }
0x2f0: {  	[tilespmem:v3+s21+$0x0] =	vst.idx.msk $0xffff, v1  }
0x2f1: {  	v2 =	vor.u32 s11, v42;
	v0 =	vld.idx.msk [tilespmem:v4+s14+$0x0], $0xffff  }
0x2f2: {  	v56 =	vor.u32 v28, v53;
	v3 =	vor.u32 s11, v43;
	v1 =	vld.idx.msk [tilespmem:v5+s14+$0x0], $0xffff  }
0x2f3: {  	v4 =	vor.u32 v45, v56  }
0x2f4: {  	v5 =	vor.u32 v49, v56;
	_ =	sdelay $0x1  }
0x2f5: {  	[tilespmem:v2+s21+$0x0] =	vst.idx.msk $0xffff, v0  }
0x2f6: {  	[tilespmem:v3+s21+$0x0] =	vst.idx.msk $0xffff, v1  }
0x2f7: {  	v2 =	vor.u32 s11, v44;
	v0 =	vld.idx.msk [tilespmem:v4+s14+$0x0], $0xffff  }
0x2f8: {  	v55 =	vor.u32 v26, v53;
	v3 =	vor.u32 s11, v46;
	v1 =	vld.idx.msk [tilespmem:v5+s14+$0x0], $0xffff  }
0x2f9: {  	v4 =	vor.u32 v45, v55;
	_ =	sdelay $0x2  }
0x2fa: {  	v5 =	vor.u32 v49, v55;
	[tilespmem:v2+s21+$0x0] =	vst.idx.msk $0xffff, v0  }
0x2fb: {  	[tilespmem:v3+s21+$0x0] =	vst.idx.msk $0xffff, v1  }
0x2fc: {  	v2 =	vor.u32 s11, v47;
	v0 =	vld.idx.msk [tilespmem:v4+s14+$0x0], $0xffff;
	_ =	sdelay $0x2  }
0x2fd: {  	v53 =	vor.u32 v48, v53;
	v3 =	vor.u32 s11, v13;
	v1 =	vld.idx.msk [tilespmem:v5+s14+$0x0], $0xffff  }
0x2fe: {  	s31 =	smov.u32 s6;
	v57 =	vld [tilespmem:$0x1FF30];
	v4 =	vor.u32 v45, v53  }
0x2ff: {  	v56 =	vld [tilespmem:$0x1FF20];
	v5 =	vor.u32 v49, v53;
	[tilespmem:v2+s21+$0x0] =	vst.idx.msk $0xffff, v0;
	v0 =	vmov s31  }
0x300: {  	v53 =	vshll.u32 v0, $0x5;
	v0 =	vld [tilespmem:$0x1FF10]  }
0x301: {  	v55 =	vld [tilespmem:$0x1FF70]  }
0x302: {  	v58 =	vld [tilespmem:$0x1FF60];
	[tilespmem:v3+s21+$0x0] =	vst.idx.msk $0xffff, v1  }
0x303: {  	v4 =	vld.idx.msk [tilespmem:v4+s14+$0x0], $0xffff  }
0x304: {  	v2 =	vld.idx.msk [tilespmem:v5+s14+$0x0], $0xffff  }
0x305: {  	p0 =	sne.s32 s6, $0x1F0;
	v5 =	vor.u32 s11, v17;
	v1 =	vor.u32 v0, v53;
	v0 =	vld [tilespmem:$0x1FF40]  }
.Ltmp1:
0x306: {  	v63 =	vor.u32 v55, v53;
	v62 =	vor.u32 v56, v53;
	(pc) =	sbr.rel @p0 .LBB2_5-.Ltmp1, $4  }
0x307: {  	v61 =	vor.u32 v57, v53;
	v60 =	vor.u32 v7, v53;
	v59 =	vor.u32 v24, v53  }
0x308: {  	v57 =	vor.u32 v22, v53;
	v54 =	vor.u32 v58, v53;
	v52 =	vor.u32 v6, v53  }
0x309: {  	s0 =	sadd.s32 $0x10, s6;
	v51 =	vor.u32 v25, v53;
	v50 =	vor.u32 v18, v53;
	v55 =	vor.u32 v45, v1  }
0x30a: {  	s1 =	sadd.s32 $0x80, s1;
	s6 =	smov.u32 s0;
	v3 =	vor.u32 s11, v16;
	v1 =	vor.u32 v49, v1;
	[tilespmem:v5+s21+$0x0] =	vst.idx.msk $0xffff, v4;
	v0 =	vor.u32 v0, v53  }
0x30b: {  	_ =	sdelay $0x2  }
0x30c: {  	s0 =	sand.u32 $0xC00, s1;
	s6 =	sand.u32 $0x70, s31  }
0x30d: {  	[tilespmem:v3+s21+$0x0] =	vst.idx.msk $0xffff, v2;
	s0 =	sor.u32 s6, s0  }
0x30e: {  	v2 =	vld.idx.msk [tilespmem:v55+s14+$0x0], $0xffff;
	v3 =	vor.u32 s0, v19  }
0x30f: {  	v1 =	vld.idx.msk [tilespmem:v1+s14+$0x0], $0xffff;
	v4 =	vor.u32 s0, v20  }
0x310: {  	v5 =	vor.u32 v45, v0  }
0x311: {  	v0 =	vor.u32 v49, v0;
	_ =	sdelay $0x1  }
0x312: {  	[tilespmem:v3+s21+$0x0] =	vst.idx.msk $0xffff, v2  }
0x313: {  	[tilespmem:v4+s21+$0x0] =	vst.idx.msk $0xffff, v1  }
0x314: {  	v2 =	vor.u32 s0, v21;
	v1 =	vld.idx.msk [tilespmem:v5+s14+$0x0], $0xffff  }
0x315: {  	v3 =	vor.u32 s0, v12;
	v0 =	vld.idx.msk [tilespmem:v0+s14+$0x0], $0xffff  }
0x316: {  	v4 =	vor.u32 v45, v63  }
0x317: {  	v5 =	vor.u32 v49, v63;
	_ =	sdelay $0x1  }
0x318: {  	[tilespmem:v2+s21+$0x0] =	vst.idx.msk $0xffff, v1  }
0x319: {  	[tilespmem:v3+s21+$0x0] =	vst.idx.msk $0xffff, v0  }
0x31a: {  	v63 =	vor.u32 s0, v8;
	v0 =	vld.idx.msk [tilespmem:v4+s14+$0x0], $0xffff  }
0x31b: {  	v3 =	vor.u32 s0, v14;
	v2 =	vld.idx.msk [tilespmem:v5+s14+$0x0], $0xffff  }
0x31c: {  	v4 =	vor.u32 v45, v62  }
0x31d: {  	v5 =	vor.u32 v49, v62;
	_ =	sdelay $0x1  }
0x31e: {  	[tilespmem:v63+s21+$0x0] =	vst.idx.msk $0xffff, v0  }
0x31f: {  	[tilespmem:v3+s21+$0x0] =	vst.idx.msk $0xffff, v2  }
0x320: {  	v62 =	vor.u32 s0, v15;
	v0 =	vld.idx.msk [tilespmem:v4+s14+$0x0], $0xffff  }
0x321: {  	v3 =	vor.u32 s0, v9;
	v2 =	vld.idx.msk [tilespmem:v5+s14+$0x0], $0xffff  }
0x322: {  	v4 =	vor.u32 v45, v61  }
0x323: {  	v5 =	vor.u32 v49, v61;
	_ =	sdelay $0x1  }
0x324: {  	[tilespmem:v62+s21+$0x0] =	vst.idx.msk $0xffff, v0  }
0x325: {  	[tilespmem:v3+s21+$0x0] =	vst.idx.msk $0xffff, v2  }
0x326: {  	v63 =	vor.u32 s0, v11;
	v0 =	vld.idx.msk [tilespmem:v4+s14+$0x0], $0xffff  }
0x327: {  	v3 =	vor.u32 s0, v10;
	v2 =	vld.idx.msk [tilespmem:v5+s14+$0x0], $0xffff  }
0x328: {  	v4 =	vor.u32 v45, v60  }
0x329: {  	v5 =	vor.u32 v49, v60;
	_ =	sdelay $0x1  }
0x32a: {  	[tilespmem:v63+s21+$0x0] =	vst.idx.msk $0xffff, v0  }
0x32b: {  	[tilespmem:v3+s21+$0x0] =	vst.idx.msk $0xffff, v2  }
0x32c: {  	v1 =	vor.u32 s0, v30;
	v0 =	vld.idx.msk [tilespmem:v4+s14+$0x0], $0xffff  }
0x32d: {  	v3 =	vor.u32 s0, v29;
	v2 =	vld.idx.msk [tilespmem:v5+s14+$0x0], $0xffff  }
0x32e: {  	v4 =	vor.u32 v45, v59  }
0x32f: {  	v5 =	vor.u32 v49, v59;
	_ =	sdelay $0x1  }
0x330: {  	[tilespmem:v1+s21+$0x0] =	vst.idx.msk $0xffff, v0  }
0x331: {  	[tilespmem:v3+s21+$0x0] =	vst.idx.msk $0xffff, v2  }
0x332: {  	v61 =	vor.u32 s0, v31;
	v0 =	vld.idx.msk [tilespmem:v4+s14+$0x0], $0xffff  }
0x333: {  	v3 =	vor.u32 s0, v33;
	v2 =	vld.idx.msk [tilespmem:v5+s14+$0x0], $0xffff  }
0x334: {  	v4 =	vor.u32 v45, v57  }
0x335: {  	v5 =	vor.u32 v49, v57;
	_ =	sdelay $0x1  }
0x336: {  	[tilespmem:v61+s21+$0x0] =	vst.idx.msk $0xffff, v0  }
0x337: {  	[tilespmem:v3+s21+$0x0] =	vst.idx.msk $0xffff, v2  }
0x338: {  	v59 =	vor.u32 s0, v32;
	v0 =	vld.idx.msk [tilespmem:v4+s14+$0x0], $0xffff  }
0x339: {  	v3 =	vor.u32 s0, v23;
	v2 =	vld.idx.msk [tilespmem:v5+s14+$0x0], $0xffff  }
0x33a: {  	v4 =	vor.u32 v45, v54  }
0x33b: {  	v5 =	vor.u32 v49, v54;
	_ =	sdelay $0x1  }
0x33c: {  	[tilespmem:v59+s21+$0x0] =	vst.idx.msk $0xffff, v0  }
0x33d: {  	[tilespmem:v3+s21+$0x0] =	vst.idx.msk $0xffff, v2  }
0x33e: {  	v54 =	vor.u32 s0, v34;
	v0 =	vld.idx.msk [tilespmem:v4+s14+$0x0], $0xffff  }
0x33f: {  	v3 =	vor.u32 s0, v35;
	v2 =	vld.idx.msk [tilespmem:v5+s14+$0x0], $0xffff  }
0x340: {  	v4 =	vor.u32 v45, v52  }
0x341: {  	v5 =	vor.u32 v49, v52;
	_ =	sdelay $0x1  }
0x342: {  	[tilespmem:v54+s21+$0x0] =	vst.idx.msk $0xffff, v0  }
0x343: {  	[tilespmem:v3+s21+$0x0] =	vst.idx.msk $0xffff, v2  }
0x344: {  	v57 =	vor.u32 s0, v36;
	v0 =	vld.idx.msk [tilespmem:v4+s14+$0x0], $0xffff  }
0x345: {  	v3 =	vor.u32 s0, v37;
	v2 =	vld.idx.msk [tilespmem:v5+s14+$0x0], $0xffff  }
0x346: {  	v4 =	vor.u32 v45, v51  }
0x347: {  	v5 =	vor.u32 v49, v51;
	_ =	sdelay $0x1  }
0x348: {  	[tilespmem:v57+s21+$0x0] =	vst.idx.msk $0xffff, v0  }
0x349: {  	[tilespmem:v3+s21+$0x0] =	vst.idx.msk $0xffff, v2  }
0x34a: {  	v59 =	vor.u32 s0, v38;
	v0 =	vld.idx.msk [tilespmem:v4+s14+$0x0], $0xffff  }
0x34b: {  	v3 =	vor.u32 s0, v39;
	v2 =	vld.idx.msk [tilespmem:v5+s14+$0x0], $0xffff  }
0x34c: {  	v4 =	vor.u32 v45, v50  }
0x34d: {  	v5 =	vor.u32 v49, v50;
	_ =	sdelay $0x1  }
0x34e: {  	[tilespmem:v59+s21+$0x0] =	vst.idx.msk $0xffff, v0  }
0x34f: {  	[tilespmem:v3+s21+$0x0] =	vst.idx.msk $0xffff, v2  }
0x350: {  	v61 =	vmov v32;
	v32 =	vor.u32 s0, v40;
	v0 =	vld.idx.msk [tilespmem:v4+s14+$0x0], $0xffff  }
0x351: {  	v50 =	vor.u32 v27, v53;
	v3 =	vld.idx.msk [tilespmem:v5+s14+$0x0], $0xffff;
	v4 =	vor.u32 s0, v41  }
0x352: {  	v5 =	vor.u32 v45, v50  }
0x353: {  	v2 =	vor.u32 v49, v50;
	_ =	sdelay $0x1  }
0x354: {  	[tilespmem:v32+s21+$0x0] =	vst.idx.msk $0xffff, v0  }
0x355: {  	[tilespmem:v4+s21+$0x0] =	vst.idx.msk $0xffff, v3  }
0x356: {  	v51 =	vor.u32 s0, v42;
	v0 =	vld.idx.msk [tilespmem:v5+s14+$0x0], $0xffff  }
0x357: {  	v3 =	vor.u32 v28, v53;
	v4 =	vor.u32 s0, v43;
	v2 =	vld.idx.msk [tilespmem:v2+s14+$0x0], $0xffff  }
0x358: {  	v5 =	vor.u32 v45, v3  }
0x359: {  	v3 =	vor.u32 v49, v3;
	_ =	sdelay $0x1  }
0x35a: {  	[tilespmem:v51+s21+$0x0] =	vst.idx.msk $0xffff, v0  }
0x35b: {  	[tilespmem:v4+s21+$0x0] =	vst.idx.msk $0xffff, v2  }
0x35c: {  	v52 =	vor.u32 s0, v44;
	v0 =	vld.idx.msk [tilespmem:v5+s14+$0x0], $0xffff  }
0x35d: {  	v54 =	vor.u32 v26, v53;
	v4 =	vor.u32 s0, v46;
	v3 =	vld.idx.msk [tilespmem:v3+s14+$0x0], $0xffff  }
0x35e: {  	v5 =	vor.u32 v45, v54  }
0x35f: {  	v2 =	vor.u32 v49, v54;
	_ =	sdelay $0x1  }
0x360: {  	[tilespmem:v52+s21+$0x0] =	vst.idx.msk $0xffff, v0  }
0x361: {  	[tilespmem:v4+s21+$0x0] =	vst.idx.msk $0xffff, v3  }
0x362: {  	v57 =	vor.u32 s0, v47;
	v0 =	vld.idx.msk [tilespmem:v5+s14+$0x0], $0xffff  }
0x363: {  	v3 =	vor.u32 v48, v53;
	v4 =	vor.u32 s0, v13;
	v2 =	vld.idx.msk [tilespmem:v2+s14+$0x0], $0xffff  }
0x364: {  	v5 =	vor.u32 v45, v3  }
0x365: {  	v3 =	vor.u32 v49, v3;
	_ =	sdelay $0x1  }
0x366: {  	[tilespmem:v57+s21+$0x0] =	vst.idx.msk $0xffff, v0  }
0x367: {  	[tilespmem:v4+s21+$0x0] =	vst.idx.msk $0xffff, v2  }
0x368: {  	v59 =	vor.u32 s0, v17;
	v0 =	vld.idx.msk [tilespmem:v5+s14+$0x0], $0xffff  }
0x369: {  	v2 =	vld.idx.msk [tilespmem:v3+s14+$0x0], $0xffff;
	v3 =	vor.u32 s0, v16  }
0x36a: {  	s10 =	sadd.s32 s3, s30  }
0x36b: {  	s11 =	sshll.u32 s10, $0x2  }
0x36c: {  	s1 =	sand.u32 $0xFFF0000, s11;
	s0 =	sand.u32 $0x3E00, s10  }
0x36d: {  	s0 =	sor.u32 s0, s1;
	[tilespmem:v59+s21+$0x0] =	vst.idx.msk $0xffff, v0  }
0x36e: {  	v58 =	vmov v7;
	s29 =	sadd.s32 $0x1, s29;
	s1 =	sadd.s32 s2, s0;
	[tilespmem:v3+s21+$0x0] =	vst.idx.msk $0xffff, v2  }
0x36f: {  	v56 =	vmovc v6;
	v55 =	vmovc v19;
	v19 =	vmov v9;
	v9 =	vmov v8;
	v62 =	vmov v11;
	[hbm4b:s1+s4] =	stream.linear.scatter [tilespmem:s21], [sflag:$0x4], $0x1000, $0x38;
	[tilespmem:$0x16400] =	vst v63  }
0x370: {  	p0 =	sne.s32 s29, $0x19;
	v11 =	vmovc v21;
	v60 =	vmovc v30;
	v30 =	vmov v31;
	v31 =	vmov v33;
	v63 =	vmov v29;
	s30 =	sadd.s32 s0, s7  }
0x371: {  	v7 =	vld [tilespmem:$0x1FF70];
	v29 =	vmovc v18;
	v21 =	vmovc v63;
	v33 =	vmov v23;
	v23 =	vmov v28;
	v32 =	vmov v25;
	[hbm4b:s30+s4] =	stream.linear.scatter [tilespmem:s22], [sflag:$0x4], $0x1000, $0x38  }
.Ltmp2:
0x372: {  	v6 =	vld [tilespmem:$0x1FF40];
	v25 =	vmovc v12;
	v12 =	vmovc v33;
	v28 =	vmov v19;
	v19 =	vmov v42;
	v42 =	vmov v44;
	(pc) =	sbr.rel @p0 .LBB2_2-.Ltmp2, $4  }
0x373: {  	v8 =	vld [tilespmem:$0x1FF60];
	v51 =	vmovc v20;
	v20 =	vmovc v38;
	v53 =	vmov v48;
	v48 =	vmov v15;
	v15 =	vmov v36;
	s31 =	sadd.s32 s0, s8  }
0x374: {  	v18 =	vld [tilespmem:$0x1FF30];
	v57 =	vmovc v60;
	v60 =	vmovc v30;
	v30 =	vmov v35;
	v35 =	vmov v37;
	v37 =	vmov v39;
	[hbm4b:s31+s4] =	stream.linear.scatter [tilespmem:s23], [sflag:$0x4], $0x1000, $0x38  }
0x375: {  	v54 =	vld [tilespmem:$0x1FF10];
	v39 =	vmovc v41;
	v41 =	vmovc v43;
	v43 =	vmov v46;
	v4 =	vmov v16;
	v5 =	vmov v24;
	s0 =	sadd.s32 s0, s9  }
0x376: {  	v24 =	vmovc v14;
	v14 =	vmovc v62;
	v62 =	vmov v31;
	v16 =	vld [tilespmem:$0x1FF20];
	v59 =	vmov v10;
	v10 =	vmov v40;
	[hbm4b:s0+s4] =	stream.linear.scatter [tilespmem:s24], [sflag:$0x4], $0x1000, $0x38  }
0x377: {  	_ =	swait.ge [sflag:s25], $0x4000  }
0x378: {  	[sflag:s25] =	ssyncset.done $0x0  }
0x379: {  	[sflag:s25] =	ssyncadd.s32 $0xFFFFC000  }
0x37a: {  	_ =	swait.ge [sflag:s26], $0x4000  }
0x37b: {  	s28 =	sadd.s32 $0x1, s28;
	s0 =	rddreg [dreg:$0x4]  }
0x37c: {  	p0 =	sne.s32 s28, s0  }
.Ltmp3:
0x37d: {  	_ = 	snop;
	(pc) =	sbr.rel @p0 .LBB2_1-.Ltmp3, $3  }
0x37e: {  	_ =	sdelay $0x1  }
0x37f: {  	[sflag:s26] =	ssyncset.done $0x0  }
0x380: {  	[sflag:s26] =	ssyncadd.s32 $0xFFFFC000  }
0x381: {  	_ =	sfence.sel $0x180000  }
0x382: {  	[bflag:$0x0] =	sbarrier.arrive $0xFFFF  }
0x383: {  	_ =	strace $0x9000004A  }
0x384: {  	s0 =	stileid.u32;
	[bflag:$0x2] =	sbarrier.arrive $0xFFFF  }
0x385: {  	p0 =	sne.s32 s0, $0x0;
	s0 =	rddreg [dreg:$0x2]  }
0x386: {  	s0 =	sadd.s32 @!p0 $0x100000, s0  }
0x387: {  	[sflag:s0] =	ssyncadd.tile.s32 @!p0 $0x1;
	_ =	shalt  }
.Lfunc_end2:
_tile_overlayer_lowered:
.L_overlay_start_2:
0x388: {  	(tag) =	ssettag $0x2  }
0x389: {  	s0 =	rddreg [dreg:$0x0];
	s2 =	stileid.u32  }
0x38a: {  	s1 =	rddreg [dreg:$0x1];
	p0 =	sne.s32 s2, $0x0  }
0x38b: {  	s3 =	rddreg [dreg:$0x2];
	[bflag:$0x3] =	sbarrier.arrive $0xFFFF;
	s2 =	simm.s32 @!p0 $0x1C05  }
0x38c: {  	[timem:s3], [sflag:s2] =	dma.local @!p0 [hbm:s0], s1  }
0x38d: {  	s0 =	simm.s32 @!p0 $0x5  }
0x38e: {  	_ =	swait.ge @!p0 [sflag:s0], s1  }
0x38f: {  	s1 =	ssub.s32 @!p0 $0x0, s1;
	[sflag:s0] =	ssyncset.done @!p0 $0x0  }
0x390: {  	[sflag:s0] =	ssyncadd.s32 @!p0 s1  }
0x391: {  	[bflag:$0x3] =	sbarrier.arrive $0xFFFF  }
0x392: {  	_ =	shalt  }

</sc_bundles>
